<compile_context>
chip_gen: v7x
topology: tpu7x:2x2x1
jax: 0.10.2.dev20260603
libtpu: 0.0.44.dev20260713+nightly
codegen_flags: <defaults>
</compile_context>

<pallas_src>
import functools

import jax
import jax.numpy as jnp
from jax import lax
from jax.experimental import pallas as pl
from jax.experimental.pallas import tpu as pltpu
from jax.experimental.pallas import tpu_sc as plsc

_B, _H, _W, _CIN = 4, 512, 512, 3
_GH, _GW, _GD, _GC = 16, 16, 8, 12
_COUT = _GC // (_CIN + 1)

_ROWS_PER_TEC = 64
_CHUNK = 8
_CPIX = _CHUNK * _W


def _conv_body(img_ref, gridt_ref, w_ref, b_ref, out_ref, outr_ref):
    f32 = jnp.float32
    rowf = jax.lax.broadcasted_iota(jnp.int32, (_H, 1), 0).astype(f32)
    gy = (rowf + 0.5) * (_GH / _H)
    wy1_full = gy - 0.5 - jnp.floor(gy - 0.5)
    for hc in range(_H // 16):
        fy = (hc - 1) // 2
        y0 = min(max(fy, 0), _GH - 1)
        y1 = min(max(fy + 1, 0), _GH - 1)
        wy1 = jax.lax.slice(wy1_full, (16 * hc, 0),
                            (16 * hc + 16, 1))
        g0 = gridt_ref[0, y0]
        g1 = gridt_ref[0, y1]
        outr_ref[0, pl.ds(16 * hc, 16), :] = (
            g0[None, :] * (1.0 - wy1) + g1[None, :] * wy1)

    padded = []
    for ci in range(_CIN):
        ich = img_ref[0, ci]
        hp = jnp.concatenate(
            [jnp.zeros((_H, 128), f32), ich, jnp.zeros((_H, 128), f32)], axis=1)
        vp = jnp.concatenate(
            [jnp.zeros((8, _W + 256), f32), hp, jnp.zeros((8, _W + 256), f32)],
            axis=0)
        padded.append(vp)
    for co in range(_CIN):
        acc = jnp.full((_H, _W), b_ref[co], f32)
        for dy in range(3):
            for dx in range(3):
                for ci in range(_CIN):
                    w = w_ref[dy, dx, ci, co]
                    acc = acc + w * jax.lax.slice(
                        padded[ci], (8 + dy - 1, 128 + dx - 1),
                        (8 + dy - 1 + _H, 128 + dx - 1 + _W))
        out_ref[0, co] = acc


def _run_conv(image_t, grid_t, W_conv, b_conv):
    return pl.pallas_call(
        _conv_body,
        grid=(_B,),
        in_specs=[
            pl.BlockSpec((1, _CIN, _H, _W), lambda b: (b, 0, 0, 0)),
            pl.BlockSpec((1, _GH, _GD * _GC * _GW), lambda b: (b, 0, 0)),
            pl.BlockSpec(memory_space=pltpu.SMEM),
            pl.BlockSpec(memory_space=pltpu.SMEM),
        ],
        out_specs=[
            pl.BlockSpec((1, _CIN, _H, _W), lambda b: (b, 0, 0, 0)),
            pl.BlockSpec((1, _H, _GD * _GC * _GW), lambda b: (b, 0, 0)),
        ],
        out_shape=[
            jax.ShapeDtypeStruct((_B, _CIN, _H, _W), jnp.float32),
            jax.ShapeDtypeStruct((_B, _H, _GD * _GC * _GW), jnp.float32),
        ],
    )(image_t, grid_t, W_conv, b_conv)


def _sc_body(rp_hbm, guide_hbm, img_hbm, out_hbm,
             rp_v, guide_v, img_v, out_v):
    f32 = jnp.float32
    i32 = jnp.int32
    cid = lax.axis_index("c")
    sid = lax.axis_index("s")
    wid = sid * 2 + cid
    batch = wid // 8
    rowbase = (wid % 8) * _ROWS_PER_TEC
    _NPIX = _H * _W
    _RROW = _GD * _GC * _GW

    pltpu.sync_copy(
        rp_hbm.at[pl.ds(batch * (_H * _RROW) + rowbase * _RROW,
                        _ROWS_PER_TEC * _RROW)], rp_v)

    def chunk_body(rc, carry):
        row0 = rowbase + rc * _CHUNK
        off = batch * _NPIX + row0 * _W
        pltpu.sync_copy(guide_hbm.at[pl.ds(off, _CPIX)], guide_v)
        for ci in range(_CIN):
            pltpu.sync_copy(
                img_hbm.at[pl.ds((batch * _CIN + ci - batch) * _NPIX + off,
                                 _CPIX)],
                img_v.at[pl.ds(ci * _CPIX, _CPIX)])

        @plsc.parallel_loop(0, _CPIX // 16, unroll=2)
        def p_body(p):
            i = lax.shift_right_logical(p, 5)
            j = lax.bitwise_and(p, 31)
            rl = rc * _CHUNK + i
            fxs = lax.shift_right_arithmetic(j - 1, 1)
            x0 = jnp.clip(fxs, 0, _GW - 1)
            x1 = jnp.clip(fxs + 1, 0, _GW - 1)
            colv = j * 16 + lax.iota(i32, 16)
            wx1 = (colv.astype(f32) + 0.5) * (1.0 / 32.0) - 0.5 - fxs.astype(f32)
            g = guide_v[pl.ds(p * 16, 16)]
            t = jnp.clip(g, 0.0, 1.0) * float(_GD) - 0.5
            ti = t.astype(i32)
            fzv = jnp.where(t < ti.astype(f32), ti - 1, ti)
            wz1 = t - fzv.astype(f32)
            z0 = jnp.clip(fzv, 0, _GD - 1)
            z1 = jnp.clip(fzv + 1, 0, _GD - 1)

            rbase = rl * _RROW
            wxs = ((1.0 - wx1), wx1)
            xbs = (rbase + x0 * _GD, rbase + x1 * _GD)
            wzs = ((1.0 - wz1), wz1)

            coeff = [None] * _GC
            for b in range(2):
                for d in range(2):
                    w = wxs[b] * wzs[d]
                    base = (z0 if d == 0 else z1) + xbs[b]
                    for c in range(_GC):
                        gv = plsc.load_gather(rp_v, [base + c * (_GW * _GD)])
                        if coeff[c] is None:
                            coeff[c] = w * gv
                        else:
                            coeff[c] = coeff[c] + w * gv

            for co in range(_COUT):
                res = coeff[(_CIN + 1) * co + _CIN]
                for ci in range(_CIN):
                    imgv = img_v[pl.ds(ci * _CPIX + p * 16, 16)]
                    res = res + coeff[(_CIN + 1) * co + ci] * imgv
                out_v[pl.ds(co * _CPIX + p * 16, 16)] = res

        for co in range(_COUT):
            pltpu.sync_copy(
                out_v.at[pl.ds(co * _CPIX, _CPIX)],
                out_hbm.at[pl.ds((batch * _COUT + co - batch) * _NPIX + off,
                                 _CPIX)])
        return carry

    lax.fori_loop(0, _ROWS_PER_TEC // _CHUNK, chunk_body, 0)


def _run_sc(rp_flat, guide_flat, img_flat):
    mesh = plsc.VectorSubcoreMesh(core_axis_name="c", subcore_axis_name="s")
    f = functools.partial(
        pl.kernel,
        mesh=mesh,
        compiler_params=pltpu.CompilerParams(needs_layout_passes=False),
        out_type=jax.ShapeDtypeStruct((_B * _COUT * _H * _W,), jnp.float32),
        scratch_types=[
            pltpu.VMEM((_ROWS_PER_TEC * _GD * _GC * _GW,), jnp.float32),
            pltpu.VMEM((_CPIX,), jnp.float32),
            pltpu.VMEM((_CIN * _CPIX,), jnp.float32),
            pltpu.VMEM((_COUT * _CPIX,), jnp.float32),
        ],
    )(_sc_body)
    return f(rp_flat, guide_flat, img_flat)


def kernel(grid_th, guide_th, image_th, W_conv, b_conv):
    image_t = jnp.transpose(image_th, (0, 3, 1, 2))
    grid_t = jnp.transpose(grid_th, (0, 1, 4, 2, 3)).reshape(
        _B, _GH, _GD * _GC * _GW)
    conv_t, rp = _run_conv(image_t, grid_t, W_conv, b_conv)
    guide_flat = guide_th.reshape(-1)
    img_flat = conv_t.reshape(-1)
    out_flat = _run_sc(rp.reshape(-1), guide_flat, img_flat)
    out_t = out_flat.reshape(_B, _COUT, _H, _W)
    return jnp.transpose(out_t, (0, 2, 3, 1))

# --- scband reference (transcript-rebuilt; emitter-appended) ---
"""Pipeline reference for scband-model-63230508532151 (READ-ONLY COPY).

The authoritative reference and input builder live on the scoring server;
editing this copy changes nothing except your own understanding.
"""

import jax, jax.numpy as jnp
import numpy as np


def _conv2d_same(x, W, b):
    y = jax.lax.conv_general_dilated(
        x, W, window_strides=(1, 1), padding='SAME',
        dimension_numbers=('NHWC', 'HWIO', 'NHWC'))
    return y + b


def _bilateral_slice_apply(grid, guide, image):
    # grid: [B, gh, gw, gd, gc], guide: [B, H, W] in [0,1], image: [B, H, W, Cin]
    B, gh, gw, gd, gc = grid.shape
    _, H, W, Cin = image.shape
    Cout = gc // (Cin + 1)
    gx = (jnp.arange(W, dtype=jnp.float32) + 0.5) * (gw / W)  # [W]
    gy = (jnp.arange(H, dtype=jnp.float32) + 0.5) * (gh / H)  # [H]
    gz = jnp.clip(guide, 0.0, 1.0) * gd                       # [B, H, W]
    fx = jnp.floor(gx - 0.5)
    fy = jnp.floor(gy - 0.5)
    fz = jnp.floor(gz - 0.5)
    wx1 = gx - 0.5 - fx   # [W]
    wy1 = gy - 0.5 - fy   # [H]
    wz1 = gz - 0.5 - fz   # [B, H, W]
    x0 = jnp.clip(fx.astype(jnp.int32), 0, gw - 1)
    x1 = jnp.clip(fx.astype(jnp.int32) + 1, 0, gw - 1)
    y0 = jnp.clip(fy.astype(jnp.int32), 0, gh - 1)
    y1 = jnp.clip(fy.astype(jnp.int32) + 1, 0, gh - 1)
    z0 = jnp.clip(fz.astype(jnp.int32), 0, gd - 1)
    z1 = jnp.clip(fz.astype(jnp.int32) + 1, 0, gd - 1)
    bidx = jnp.arange(B)[:, None, None]
    coeff = jnp.zeros((B, H, W, gc), dtype=grid.dtype)
    for xi, wxc in ((x0, 1.0 - wx1), (x1, wx1)):
        for yi, wyc in ((y0, 1.0 - wy1), (y1, wy1)):
            for zi, wzc in ((z0, 1.0 - wz1), (z1, wz1)):
                w = wzc * wyc[None, :, None] * wxc[None, None, :]  # [B,H,W]
                # trilinear-corner gather from the bilateral grid
                c = grid[bidx, yi[None, :, None], xi[None, None, :], zi]  # [B,H,W,gc]
                coeff = coeff + c * w[..., None]
    # has_offset=True: per-pixel affine transform of the image
    coeff = coeff.reshape(B, H, W, Cout, Cin + 1)
    out = jnp.sum(coeff[..., :Cin] * image[:, :, :, None, :], axis=-1) + coeff[..., Cin]
    return out


def setup_inputs(seed: int = 0):
    key = jax.random.key(seed)
    k1, k2, k3, k4 = jax.random.split(key, 4)
    grid_th = jax.random.normal(k1, (4, 16, 16, 8, 12), dtype=jnp.float32)
    guide_th = jax.random.uniform(k2, (4, 512, 512), dtype=jnp.float32)
    image_th = jax.random.normal(k3, (4, 512, 512, 3), dtype=jnp.float32)
    W_conv = jax.random.normal(k4, (3, 3, 3, 3), dtype=jnp.float32) * 0.1
    b_conv = jnp.zeros((3,), dtype=jnp.float32)
    return {"grid_th": grid_th, "guide_th": guide_th, "image_th": image_th,
            "W_conv": W_conv, "b_conv": b_conv}


def reference(grid_th, guide_th, image_th, W_conv, b_conv):
    img = _conv2d_same(image_th, W_conv, b_conv)
    return _bilateral_slice_apply(grid_th, guide_th, img)

if __name__ == "__main__":
    import jax
    _d = setup_inputs()
    print(jax.jit(kernel)(*tuple(_d.values())))

</pallas_src>

<mosaic_0001>
#map = affine_map<(d0, d1) -> (0)>
module attributes {stable_mosaic.version = 14 : i64} {
  func.func @_sc_body(%arg0: i32, %arg1: i32, %arg2: memref<3145728xf32, #tpu.memory_space<hbm>>, %arg3: memref<1048576xf32, #tpu.memory_space<hbm>>, %arg4: memref<3145728xf32, #tpu.memory_space<hbm>>, %arg5: memref<3145728xf32, #tpu.memory_space<hbm>>, %arg6: memref<98304xf32, #tpu.memory_space<vmem>>, %arg7: memref<4096xf32, #tpu.memory_space<vmem>>, %arg8: memref<12288xf32, #tpu.memory_space<vmem>>, %arg9: memref<12288xf32, #tpu.memory_space<vmem>>) attributes {dimension_semantics = [#tpu.dimension_semantics<core_parallel>, #tpu.dimension_semantics<subcore_parallel>], iteration_bounds = array<i64: 2, 16>, scalar_prefetch = 0 : i64, scratch_operands = 4 : i64, tpu.core_type = #tpu.core_type<sc_vector_subcore>, window_params = [{transform_indices = #map}, {transform_indices = #map}, {transform_indices = #map}, {transform_indices = #map}]} {
    %mul3A = arith.constant 2 : i32
    %mul3A_0 = arith.muli %arg1, %mul3A : i32
    %add3A = arith.addi %mul3A_0, %arg0 : i32
    %jit3A = arith.constant 8 : i32
    %div3A = arith.divsi %add3A, %jit3A : i32
    %sign3A = arith.constant 0 : i32
    %sign3A_1 = arith.cmpi sgt, %add3A, %sign3A : i32
    %sign3A_2 = arith.extui %sign3A_1 : i1 to i32
    %sign3A_3 = arith.constant 0 : i32
    %sign3A_4 = arith.cmpi slt, %add3A, %sign3A_3 : i32
    %sign3A_5 = arith.extui %sign3A_4 : i1 to i32
    %sign3A_6 = arith.subi %sign3A_2, %sign3A_5 : i32
    %sign3A_7 = arith.constant 0 : i32
    %sign3A_8 = arith.cmpi sgt, %jit3A, %sign3A_7 : i32
    %sign3A_9 = arith.extui %sign3A_8 : i1 to i32
    %sign3A_10 = arith.constant 0 : i32
    %sign3A_11 = arith.cmpi slt, %jit3A, %sign3A_10 : i32
    %sign3A_12 = arith.extui %sign3A_11 : i1 to i32
    %sign3A_13 = arith.subi %sign3A_9, %sign3A_12 : i32
    %ne3A = arith.cmpi ne, %sign3A_6, %sign3A_13 : i32
    %rem3A = arith.remsi %add3A, %jit3A : i32
    %ne3A_14 = arith.constant 0 : i32
    %ne3A_15 = arith.cmpi ne, %rem3A, %ne3A_14 : i32
    %and3A = arith.andi %ne3A, %ne3A_15 : i1
    %sub3A = arith.constant 1 : i32
    %sub3A_16 = arith.subi %div3A, %sub3A : i32
    %select_n3A = arith.select %and3A, %sub3A_16, %div3A : i32
    %jit3A_17 = arith.constant 8 : i32
    %eq3A = arith.constant 0 : i32
    %eq3A_18 = arith.cmpi eq, %jit3A_17, %eq3A : i32
    %jit3A_19 = arith.constant 1 : i32
    %select_n3A_20 = arith.select %eq3A_18, %jit3A_19, %jit3A_17 : i32
    %rem3A_21 = arith.remsi %add3A, %select_n3A_20 : i32
    %ne3A_22 = arith.constant 0 : i32
    %ne3A_23 = arith.cmpi ne, %rem3A_21, %ne3A_22 : i32
    %lt3A = arith.constant 0 : i32
    %lt3A_24 = arith.cmpi slt, %rem3A_21, %lt3A : i32
    %lt3A_25 = arith.constant 0 : i32
    %lt3A_26 = arith.cmpi slt, %select_n3A_20, %lt3A_25 : i32
    %ne3A_27 = arith.xori %lt3A_24, %lt3A_26 : i1
    %and3A_28 = arith.andi %ne3A_27, %ne3A_23 : i1
    %add3A_29 = arith.addi %rem3A_21, %select_n3A_20 : i32
    %select_n3A_30 = arith.select %and3A_28, %add3A_29, %rem3A_21 : i32
    %mul3A_31 = arith.constant 64 : i32
    %mul3A_32 = arith.muli %select_n3A_30, %mul3A_31 : i32
    %mul3A_33 = arith.constant 786432 : i32
    %mul3A_34 = arith.muli %select_n3A, %mul3A_33 : i32
    %mul3A_35 = arith.constant 1536 : i32
    %mul3A_36 = arith.muli %mul3A_32, %mul3A_35 : i32
    %add3A_37 = arith.addi %mul3A_34, %mul3A_36 : i32
    "tpu.region"() ({
      %run_scoped3A = tpu.sem_alloc : memref<!tpu.dma_semaphore, #tpu.memory_space<semaphore_mem>>
      %dma_start3A = tpu.memref_slice %arg2[%add3A_37] : memref<3145728xf32, #tpu.memory_space<hbm>> -> memref<98304xf32, #tpu.memory_space<hbm>>
      %dma_start3A_43 = tpu.memref_slice %arg2[%add3A_37] : memref<3145728xf32, #tpu.memory_space<hbm>> -> memref<98304xf32, #tpu.memory_space<hbm>>
      tpu.enqueue_dma source(%dma_start3A_43 : memref<98304xf32, #tpu.memory_space<hbm>>) target(%arg6 : memref<98304xf32, #tpu.memory_space<vmem>>) target_semaphore(%run_scoped3A : memref<!tpu.dma_semaphore, #tpu.memory_space<semaphore_mem>>)
      %dma_wait3A = tpu.memref_slice %arg2[%add3A_37] : memref<3145728xf32, #tpu.memory_space<hbm>> -> memref<98304xf32, #tpu.memory_space<hbm>>
      %dma_wait3A_44 = tpu.memref_slice %arg2[%add3A_37] : memref<3145728xf32, #tpu.memory_space<hbm>> -> memref<98304xf32, #tpu.memory_space<hbm>>
      tpu.wait_dma2 semaphore(%run_scoped3A : memref<!tpu.dma_semaphore, #tpu.memory_space<semaphore_mem>>) src(%dma_wait3A_44 : memref<98304xf32, #tpu.memory_space<hbm>>) dst(%arg6 : memref<98304xf32, #tpu.memory_space<vmem>>)
      tpu.yield
    }) : () -> ()
    %scan3A = arith.constant 0 : i32
    %scan3A_38 = arith.constant 0 : i32
    %scan3A_39 = arith.constant 8 : i32
    %scan3A_40 = arith.addi %scan3A_38, %scan3A_39 : i32
    %scan3A_41 = arith.constant 1 : i32
    scf.for %scan3A_43 = %scan3A_38 to %scan3A_40 step %scan3A_41  : i32 {
      %mul3A_44 = arith.constant 8 : i32
      %mul3A_45 = arith.muli %scan3A_43, %mul3A_44 : i32
      %add3A_46 = arith.addi %mul3A_32, %mul3A_45 : i32
      %mul3A_47 = arith.constant 262144 : i32
      %mul3A_48 = arith.muli %select_n3A, %mul3A_47 : i32
      %mul3A_49 = arith.constant 512 : i32
      %mul3A_50 = arith.muli %add3A_46, %mul3A_49 : i32
      %add3A_51 = arith.addi %mul3A_48, %mul3A_50 : i32
      "tpu.region"() ({
        %run_scoped3A = tpu.sem_alloc : memref<!tpu.dma_semaphore, #tpu.memory_space<semaphore_mem>>
        %dma_start3A = tpu.memref_slice %arg3[%add3A_51] : memref<1048576xf32, #tpu.memory_space<hbm>> -> memref<4096xf32, #tpu.memory_space<hbm>>
        %dma_start3A_102 = tpu.memref_slice %arg3[%add3A_51] : memref<1048576xf32, #tpu.memory_space<hbm>> -> memref<4096xf32, #tpu.memory_space<hbm>>
        tpu.enqueue_dma source(%dma_start3A_102 : memref<4096xf32, #tpu.memory_space<hbm>>) target(%arg7 : memref<4096xf32, #tpu.memory_space<vmem>>) target_semaphore(%run_scoped3A : memref<!tpu.dma_semaphore, #tpu.memory_space<semaphore_mem>>)
        %dma_wait3A = tpu.memref_slice %arg3[%add3A_51] : memref<1048576xf32, #tpu.memory_space<hbm>> -> memref<4096xf32, #tpu.memory_space<hbm>>
        %dma_wait3A_103 = tpu.memref_slice %arg3[%add3A_51] : memref<1048576xf32, #tpu.memory_space<hbm>> -> memref<4096xf32, #tpu.memory_space<hbm>>
        tpu.wait_dma2 semaphore(%run_scoped3A : memref<!tpu.dma_semaphore, #tpu.memory_space<semaphore_mem>>) src(%dma_wait3A_103 : memref<4096xf32, #tpu.memory_space<hbm>>) dst(%arg7 : memref<4096xf32, #tpu.memory_space<vmem>>)
        tpu.yield
      }) : () -> ()
      %mul3A_52 = arith.constant 3 : i32
      %mul3A_53 = arith.muli %select_n3A, %mul3A_52 : i32
      %add3A_54 = arith.constant 0 : i32
      %add3A_55 = arith.addi %mul3A_53, %add3A_54 : i32
      %sub3A_56 = arith.subi %add3A_55, %select_n3A : i32
      %mul3A_57 = arith.constant 262144 : i32
      %mul3A_58 = arith.muli %sub3A_56, %mul3A_57 : i32
      %add3A_59 = arith.addi %mul3A_58, %add3A_51 : i32
      "tpu.region"() ({
        %run_scoped3A = tpu.sem_alloc : memref<!tpu.dma_semaphore, #tpu.memory_space<semaphore_mem>>
        %dma_start3A = arith.constant 0 : i32
        %dma_start3A_102 = tpu.memref_slice %arg8[%dma_start3A] : memref<12288xf32, #tpu.memory_space<vmem>> -> memref<4096xf32, #tpu.memory_space<vmem>>
        %dma_start3A_103 = tpu.memref_slice %arg4[%add3A_59] : memref<3145728xf32, #tpu.memory_space<hbm>> -> memref<4096xf32, #tpu.memory_space<hbm>>
        %dma_start3A_104 = arith.constant 0 : i32
        %dma_start3A_105 = tpu.memref_slice %arg8[%dma_start3A_104] : memref<12288xf32, #tpu.memory_space<vmem>> -> memref<4096xf32, #tpu.memory_space<vmem>>
        %dma_start3A_106 = tpu.memref_slice %arg4[%add3A_59] : memref<3145728xf32, #tpu.memory_space<hbm>> -> memref<4096xf32, #tpu.memory_space<hbm>>
        tpu.enqueue_dma source(%dma_start3A_106 : memref<4096xf32, #tpu.memory_space<hbm>>) target(%dma_start3A_105 : memref<4096xf32, #tpu.memory_space<vmem>>) target_semaphore(%run_scoped3A : memref<!tpu.dma_semaphore, #tpu.memory_space<semaphore_mem>>)
        %dma_wait3A = arith.constant 0 : i32
        %dma_wait3A_107 = tpu.memref_slice %arg8[%dma_wait3A] : memref<12288xf32, #tpu.memory_space<vmem>> -> memref<4096xf32, #tpu.memory_space<vmem>>
        %dma_wait3A_108 = tpu.memref_slice %arg4[%add3A_59] : memref<3145728xf32, #tpu.memory_space<hbm>> -> memref<4096xf32, #tpu.memory_space<hbm>>
        %dma_wait3A_109 = arith.constant 0 : i32
        %dma_wait3A_110 = tpu.memref_slice %arg8[%dma_wait3A_109] : memref<12288xf32, #tpu.memory_space<vmem>> -> memref<4096xf32, #tpu.memory_space<vmem>>
        %dma_wait3A_111 = tpu.memref_slice %arg4[%add3A_59] : memref<3145728xf32, #tpu.memory_space<hbm>> -> memref<4096xf32, #tpu.memory_space<hbm>>
        tpu.wait_dma2 semaphore(%run_scoped3A : memref<!tpu.dma_semaphore, #tpu.memory_space<semaphore_mem>>) src(%dma_wait3A_111 : memref<4096xf32, #tpu.memory_space<hbm>>) dst(%dma_wait3A_110 : memref<4096xf32, #tpu.memory_space<vmem>>)
        tpu.yield
      }) : () -> ()
      %mul3A_60 = arith.constant 3 : i32
      %mul3A_61 = arith.muli %select_n3A, %mul3A_60 : i32
      %add3A_62 = arith.constant 1 : i32
      %add3A_63 = arith.addi %mul3A_61, %add3A_62 : i32
      %sub3A_64 = arith.subi %add3A_63, %select_n3A : i32
      %mul3A_65 = arith.constant 262144 : i32
      %mul3A_66 = arith.muli %sub3A_64, %mul3A_65 : i32
      %add3A_67 = arith.addi %mul3A_66, %add3A_51 : i32
      "tpu.region"() ({
        %run_scoped3A = tpu.sem_alloc : memref<!tpu.dma_semaphore, #tpu.memory_space<semaphore_mem>>
        %dma_start3A = arith.constant 4096 : i32
        %dma_start3A_102 = tpu.memref_slice %arg8[%dma_start3A] : memref<12288xf32, #tpu.memory_space<vmem>> -> memref<4096xf32, #tpu.memory_space<vmem>>
        %dma_start3A_103 = tpu.memref_slice %arg4[%add3A_67] : memref<3145728xf32, #tpu.memory_space<hbm>> -> memref<4096xf32, #tpu.memory_space<hbm>>
        %dma_start3A_104 = arith.constant 4096 : i32
        %dma_start3A_105 = tpu.memref_slice %arg8[%dma_start3A_104] : memref<12288xf32, #tpu.memory_space<vmem>> -> memref<4096xf32, #tpu.memory_space<vmem>>
        %dma_start3A_106 = tpu.memref_slice %arg4[%add3A_67] : memref<3145728xf32, #tpu.memory_space<hbm>> -> memref<4096xf32, #tpu.memory_space<hbm>>
        tpu.enqueue_dma source(%dma_start3A_106 : memref<4096xf32, #tpu.memory_space<hbm>>) target(%dma_start3A_105 : memref<4096xf32, #tpu.memory_space<vmem>>) target_semaphore(%run_scoped3A : memref<!tpu.dma_semaphore, #tpu.memory_space<semaphore_mem>>)
        %dma_wait3A = arith.constant 4096 : i32
        %dma_wait3A_107 = tpu.memref_slice %arg8[%dma_wait3A] : memref<12288xf32, #tpu.memory_space<vmem>> -> memref<4096xf32, #tpu.memory_space<vmem>>
        %dma_wait3A_108 = tpu.memref_slice %arg4[%add3A_67] : memref<3145728xf32, #tpu.memory_space<hbm>> -> memref<4096xf32, #tpu.memory_space<hbm>>
        %dma_wait3A_109 = arith.constant 4096 : i32
        %dma_wait3A_110 = tpu.memref_slice %arg8[%dma_wait3A_109] : memref<12288xf32, #tpu.memory_space<vmem>> -> memref<4096xf32, #tpu.memory_space<vmem>>
        %dma_wait3A_111 = tpu.memref_slice %arg4[%add3A_67] : memref<3145728xf32, #tpu.memory_space<hbm>> -> memref<4096xf32, #tpu.memory_space<hbm>>
        tpu.wait_dma2 semaphore(%run_scoped3A : memref<!tpu.dma_semaphore, #tpu.memory_space<semaphore_mem>>) src(%dma_wait3A_111 : memref<4096xf32, #tpu.memory_space<hbm>>) dst(%dma_wait3A_110 : memref<4096xf32, #tpu.memory_space<vmem>>)
        tpu.yield
      }) : () -> ()
      %mul3A_68 = arith.constant 3 : i32
      %mul3A_69 = arith.muli %select_n3A, %mul3A_68 : i32
      %add3A_70 = arith.constant 2 : i32
      %add3A_71 = arith.addi %mul3A_69, %add3A_70 : i32
      %sub3A_72 = arith.subi %add3A_71, %select_n3A : i32
      %mul3A_73 = arith.constant 262144 : i32
      %mul3A_74 = arith.muli %sub3A_72, %mul3A_73 : i32
      %add3A_75 = arith.addi %mul3A_74, %add3A_51 : i32
      "tpu.region"() ({
        %run_scoped3A = tpu.sem_alloc : memref<!tpu.dma_semaphore, #tpu.memory_space<semaphore_mem>>
        %dma_start3A = arith.constant 8192 : i32
        %dma_start3A_102 = tpu.memref_slice %arg8[%dma_start3A] : memref<12288xf32, #tpu.memory_space<vmem>> -> memref<4096xf32, #tpu.memory_space<vmem>>
        %dma_start3A_103 = tpu.memref_slice %arg4[%add3A_75] : memref<3145728xf32, #tpu.memory_space<hbm>> -> memref<4096xf32, #tpu.memory_space<hbm>>
        %dma_start3A_104 = arith.constant 8192 : i32
        %dma_start3A_105 = tpu.memref_slice %arg8[%dma_start3A_104] : memref<12288xf32, #tpu.memory_space<vmem>> -> memref<4096xf32, #tpu.memory_space<vmem>>
        %dma_start3A_106 = tpu.memref_slice %arg4[%add3A_75] : memref<3145728xf32, #tpu.memory_space<hbm>> -> memref<4096xf32, #tpu.memory_space<hbm>>
        tpu.enqueue_dma source(%dma_start3A_106 : memref<4096xf32, #tpu.memory_space<hbm>>) target(%dma_start3A_105 : memref<4096xf32, #tpu.memory_space<vmem>>) target_semaphore(%run_scoped3A : memref<!tpu.dma_semaphore, #tpu.memory_space<semaphore_mem>>)
        %dma_wait3A = arith.constant 8192 : i32
        %dma_wait3A_107 = tpu.memref_slice %arg8[%dma_wait3A] : memref<12288xf32, #tpu.memory_space<vmem>> -> memref<4096xf32, #tpu.memory_space<vmem>>
        %dma_wait3A_108 = tpu.memref_slice %arg4[%add3A_75] : memref<3145728xf32, #tpu.memory_space<hbm>> -> memref<4096xf32, #tpu.memory_space<hbm>>
        %dma_wait3A_109 = arith.constant 8192 : i32
        %dma_wait3A_110 = tpu.memref_slice %arg8[%dma_wait3A_109] : memref<12288xf32, #tpu.memory_space<vmem>> -> memref<4096xf32, #tpu.memory_space<vmem>>
        %dma_wait3A_111 = tpu.memref_slice %arg4[%add3A_75] : memref<3145728xf32, #tpu.memory_space<hbm>> -> memref<4096xf32, #tpu.memory_space<hbm>>
        tpu.wait_dma2 semaphore(%run_scoped3A : memref<!tpu.dma_semaphore, #tpu.memory_space<semaphore_mem>>) src(%dma_wait3A_111 : memref<4096xf32, #tpu.memory_space<hbm>>) dst(%dma_wait3A_110 : memref<4096xf32, #tpu.memory_space<vmem>>)
        tpu.yield
      }) : () -> ()
      %parallel_loop3A = arith.constant 0 : i32
      %parallel_loop3A_76 = arith.constant 256 : i32
      %parallel_loop3A_77 = arith.constant 1 : i32
      scf.for %parallel_loop3A_102 = %parallel_loop3A to %parallel_loop3A_76 step %parallel_loop3A_77  : i32 {
        %parallel_loop3A_103 = arith.constant 5 : i32
        %parallel_loop3A_104 = arith.shrui %parallel_loop3A_102, %parallel_loop3A_103 : i32
        %parallel_loop3A_105 = arith.constant 31 : i32
        %parallel_loop3A_106 = arith.andi %parallel_loop3A_102, %parallel_loop3A_105 : i32
        %parallel_loop3A_107 = arith.constant 8 : i32
        %parallel_loop3A_108 = arith.muli %scan3A_43, %parallel_loop3A_107 : i32
        %parallel_loop3A_109 = arith.addi %parallel_loop3A_108, %parallel_loop3A_104 : i32
        %parallel_loop3A_110 = arith.constant 1 : i32
        %parallel_loop3A_111 = arith.subi %parallel_loop3A_106, %parallel_loop3A_110 : i32
        %parallel_loop3A_112 = arith.constant 1 : i32
        %parallel_loop3A_113 = arith.shrsi %parallel_loop3A_111, %parallel_loop3A_112 : i32
        %parallel_loop3A_114 = arith.constant 0 : i32
        %parallel_loop3A_115 = arith.constant 15 : i32
        %parallel_loop3A_116 = arith.maxsi %parallel_loop3A_114, %parallel_loop3A_113 : i32
        %parallel_loop3A_117 = arith.minsi %parallel_loop3A_115, %parallel_loop3A_116 : i32
        %parallel_loop3A_118 = arith.constant 1 : i32
        %parallel_loop3A_119 = arith.addi %parallel_loop3A_113, %parallel_loop3A_118 : i32
        %parallel_loop3A_120 = arith.constant 0 : i32
        %parallel_loop3A_121 = arith.constant 15 : i32
        %parallel_loop3A_122 = arith.maxsi %parallel_loop3A_120, %parallel_loop3A_119 : i32
        %parallel_loop3A_123 = arith.minsi %parallel_loop3A_121, %parallel_loop3A_122 : i32
        %parallel_loop3A_124 = arith.constant 16 : i32
        %parallel_loop3A_125 = arith.muli %parallel_loop3A_106, %parallel_loop3A_124 : i32
        %parallel_loop3A_126 = tpu.iota {dimensions = array<i32: 0>} : vector<16xi32>
        %parallel_loop3A_127 = vector.broadcast %parallel_loop3A_125 : i32 to vector<16xi32>
        %parallel_loop3A_128 = arith.addi %parallel_loop3A_127, %parallel_loop3A_126 : vector<16xi32>
        %parallel_loop3A_129 = arith.sitofp %parallel_loop3A_128 : vector<16xi32> to vector<16xf32>
        %parallel_loop3A_130 = arith.constant 5.000000e-01 : f32
        %parallel_loop3A_131 = vector.broadcast %parallel_loop3A_130 : f32 to vector<16xf32>
        %parallel_loop3A_132 = arith.addf %parallel_loop3A_129, %parallel_loop3A_131 : vector<16xf32>
        %parallel_loop3A_133 = arith.constant 3.125000e-02 : f32
        %parallel_loop3A_134 = vector.broadcast %parallel_loop3A_133 : f32 to vector<16xf32>
        %parallel_loop3A_135 = arith.mulf %parallel_loop3A_132, %parallel_loop3A_134 : vector<16xf32>
        %parallel_loop3A_136 = arith.constant 5.000000e-01 : f32
        %parallel_loop3A_137 = vector.broadcast %parallel_loop3A_136 : f32 to vector<16xf32>
        %parallel_loop3A_138 = arith.subf %parallel_loop3A_135, %parallel_loop3A_137 : vector<16xf32>
        %parallel_loop3A_139 = arith.sitofp %parallel_loop3A_113 : i32 to f32
        %parallel_loop3A_140 = vector.broadcast %parallel_loop3A_139 : f32 to vector<16xf32>
        %parallel_loop3A_141 = arith.subf %parallel_loop3A_138, %parallel_loop3A_140 : vector<16xf32>
        %parallel_loop3A_142 = arith.constant 16 : i32
        %parallel_loop3A_143 = arith.muli %parallel_loop3A_102, %parallel_loop3A_142 : i32
        %parallel_loop3A_144 = arith.index_cast %parallel_loop3A_143 : i32 to index
        %parallel_loop3A_145 = tpu.vector_load %arg7[%parallel_loop3A_144] {strides = array<i32>} : memref<4096xf32, #tpu.memory_space<vmem>>, vector<16xf32>,
        %parallel_loop3A_146 = arith.constant 0.000000e+00 : f32
        %parallel_loop3A_147 = arith.constant 1.000000e+00 : f32
        %parallel_loop3A_148 = vector.broadcast %parallel_loop3A_146 : f32 to vector<16xf32>
        %parallel_loop3A_149 = arith.maximumf %parallel_loop3A_148, %parallel_loop3A_145 : vector<16xf32>
        %parallel_loop3A_150 = vector.broadcast %parallel_loop3A_147 : f32 to vector<16xf32>
        %parallel_loop3A_151 = arith.minimumf %parallel_loop3A_150, %parallel_loop3A_149 : vector<16xf32>
        %parallel_loop3A_152 = arith.constant 8.000000e+00 : f32
        %parallel_loop3A_153 = vector.broadcast %parallel_loop3A_152 : f32 to vector<16xf32>
        %parallel_loop3A_154 = arith.mulf %parallel_loop3A_151, %parallel_loop3A_153 : vector<16xf32>
        %parallel_loop3A_155 = arith.constant 5.000000e-01 : f32
        %parallel_loop3A_156 = vector.broadcast %parallel_loop3A_155 : f32 to vector<16xf32>
        %parallel_loop3A_157 = arith.subf %parallel_loop3A_154, %parallel_loop3A_156 : vector<16xf32>
        %parallel_loop3A_158 = arith.fptosi %parallel_loop3A_157 : vector<16xf32> to vector<16xi32>
        %parallel_loop3A_159 = arith.sitofp %parallel_loop3A_158 : vector<16xi32> to vector<16xf32>
        %parallel_loop3A_160 = arith.cmpf olt, %parallel_loop3A_157, %parallel_loop3A_159 : vector<16xf32>
        %parallel_loop3A_161 = arith.constant 1 : i32
        %parallel_loop3A_162 = vector.broadcast %parallel_loop3A_161 : i32 to vector<16xi32>
        %parallel_loop3A_163 = arith.subi %parallel_loop3A_158, %parallel_loop3A_162 : vector<16xi32>
        %parallel_loop3A_164 = arith.select %parallel_loop3A_160, %parallel_loop3A_163, %parallel_loop3A_158 : vector<16xi1>, vector<16xi32>
        %parallel_loop3A_165 = arith.sitofp %parallel_loop3A_164 : vector<16xi32> to vector<16xf32>
        %parallel_loop3A_166 = arith.subf %parallel_loop3A_157, %parallel_loop3A_165 : vector<16xf32>
        %parallel_loop3A_167 = arith.constant 0 : i32
        %parallel_loop3A_168 = arith.constant 7 : i32
        %parallel_loop3A_169 = vector.broadcast %parallel_loop3A_167 : i32 to vector<16xi32>
        %parallel_loop3A_170 = arith.maxsi %parallel_loop3A_169, %parallel_loop3A_164 : vector<16xi32>
        %parallel_loop3A_171 = vector.broadcast %parallel_loop3A_168 : i32 to vector<16xi32>
        %parallel_loop3A_172 = arith.minsi %parallel_loop3A_171, %parallel_loop3A_170 : vector<16xi32>
        %parallel_loop3A_173 = arith.constant 1 : i32
        %parallel_loop3A_174 = vector.broadcast %parallel_loop3A_173 : i32 to vector<16xi32>
        %parallel_loop3A_175 = arith.addi %parallel_loop3A_164, %parallel_loop3A_174 : vector<16xi32>
        %parallel_loop3A_176 = arith.constant 0 : i32
        %parallel_loop3A_177 = arith.constant 7 : i32
        %parallel_loop3A_178 = vector.broadcast %parallel_loop3A_176 : i32 to vector<16xi32>
        %parallel_loop3A_179 = arith.maxsi %parallel_loop3A_178, %parallel_loop3A_175 : vector<16xi32>
        %parallel_loop3A_180 = vector.broadcast %parallel_loop3A_177 : i32 to vector<16xi32>
        %parallel_loop3A_181 = arith.minsi %parallel_loop3A_180, %parallel_loop3A_179 : vector<16xi32>
        %parallel_loop3A_182 = arith.constant 1536 : i32
        %parallel_loop3A_183 = arith.muli %parallel_loop3A_109, %parallel_loop3A_182 : i32
        %parallel_loop3A_184 = arith.constant 1.000000e+00 : f32
        %parallel_loop3A_185 = vector.broadcast %parallel_loop3A_184 : f32 to vector<16xf32>
        %parallel_loop3A_186 = arith.subf %parallel_loop3A_185, %parallel_loop3A_141 : vector<16xf32>
        %parallel_loop3A_187 = arith.constant 8 : i32
        %parallel_loop3A_188 = arith.muli %parallel_loop3A_117, %parallel_loop3A_187 : i32
        %parallel_loop3A_189 = arith.addi %parallel_loop3A_183, %parallel_loop3A_188 : i32
        %parallel_loop3A_190 = arith.constant 8 : i32
        %parallel_loop3A_191 = arith.muli %parallel_loop3A_123, %parallel_loop3A_190 : i32
        %parallel_loop3A_192 = arith.addi %parallel_loop3A_183, %parallel_loop3A_191 : i32
        %parallel_loop3A_193 = arith.constant 1.000000e+00 : f32
        %parallel_loop3A_194 = vector.broadcast %parallel_loop3A_193 : f32 to vector<16xf32>
        %parallel_loop3A_195 = arith.subf %parallel_loop3A_194, %parallel_loop3A_166 : vector<16xf32>
        %parallel_loop3A_196 = arith.mulf %parallel_loop3A_186, %parallel_loop3A_195 : vector<16xf32>
        %parallel_loop3A_197 = vector.broadcast %parallel_loop3A_189 : i32 to vector<16xi32>
        %parallel_loop3A_198 = arith.addi %parallel_loop3A_172, %parallel_loop3A_197 : vector<16xi32>
        %parallel_loop3A_199 = arith.constant 0 : i32
        %parallel_loop3A_200 = vector.broadcast %parallel_loop3A_199 : i32 to vector<16xi32>
        %parallel_loop3A_201 = arith.addi %parallel_loop3A_198, %parallel_loop3A_200 : vector<16xi32>
        %parallel_loop3A_202 = tpu.vector_load_idx %arg6[%parallel_loop3A_201] : memref<98304xf32, #tpu.memory_space<vmem>>[vector<16xi32>], vector<16xf32>,
        %parallel_loop3A_203 = arith.mulf %parallel_loop3A_196, %parallel_loop3A_202 : vector<16xf32>
        %parallel_loop3A_204 = arith.constant 128 : i32
        %parallel_loop3A_205 = vector.broadcast %parallel_loop3A_204 : i32 to vector<16xi32>
        %parallel_loop3A_206 = arith.addi %parallel_loop3A_198, %parallel_loop3A_205 : vector<16xi32>
        %parallel_loop3A_207 = tpu.vector_load_idx %arg6[%parallel_loop3A_206] : memref<98304xf32, #tpu.memory_space<vmem>>[vector<16xi32>], vector<16xf32>,
        %parallel_loop3A_208 = arith.mulf %parallel_loop3A_196, %parallel_loop3A_207 : vector<16xf32>
        %parallel_loop3A_209 = arith.constant 256 : i32
        %parallel_loop3A_210 = vector.broadcast %parallel_loop3A_209 : i32 to vector<16xi32>
        %parallel_loop3A_211 = arith.addi %parallel_loop3A_198, %parallel_loop3A_210 : vector<16xi32>
        %parallel_loop3A_212 = tpu.vector_load_idx %arg6[%parallel_loop3A_211] : memref<98304xf32, #tpu.memory_space<vmem>>[vector<16xi32>], vector<16xf32>,
        %parallel_loop3A_213 = arith.mulf %parallel_loop3A_196, %parallel_loop3A_212 : vector<16xf32>
        %parallel_loop3A_214 = arith.constant 384 : i32
        %parallel_loop3A_215 = vector.broadcast %parallel_loop3A_214 : i32 to vector<16xi32>
        %parallel_loop3A_216 = arith.addi %parallel_loop3A_198, %parallel_loop3A_215 : vector<16xi32>
        %parallel_loop3A_217 = tpu.vector_load_idx %arg6[%parallel_loop3A_216] : memref<98304xf32, #tpu.memory_space<vmem>>[vector<16xi32>], vector<16xf32>,
        %parallel_loop3A_218 = arith.mulf %parallel_loop3A_196, %parallel_loop3A_217 : vector<16xf32>
        %parallel_loop3A_219 = arith.constant 512 : i32
        %parallel_loop3A_220 = vector.broadcast %parallel_loop3A_219 : i32 to vector<16xi32>
        %parallel_loop3A_221 = arith.addi %parallel_loop3A_198, %parallel_loop3A_220 : vector<16xi32>
        %parallel_loop3A_222 = tpu.vector_load_idx %arg6[%parallel_loop3A_221] : memref<98304xf32, #tpu.memory_space<vmem>>[vector<16xi32>], vector<16xf32>,
        %parallel_loop3A_223 = arith.mulf %parallel_loop3A_196, %parallel_loop3A_222 : vector<16xf32>
        %parallel_loop3A_224 = arith.constant 640 : i32
        %parallel_loop3A_225 = vector.broadcast %parallel_loop3A_224 : i32 to vector<16xi32>
        %parallel_loop3A_226 = arith.addi %parallel_loop3A_198, %parallel_loop3A_225 : vector<16xi32>
        %parallel_loop3A_227 = tpu.vector_load_idx %arg6[%parallel_loop3A_226] : memref<98304xf32, #tpu.memory_space<vmem>>[vector<16xi32>], vector<16xf32>,
        %parallel_loop3A_228 = arith.mulf %parallel_loop3A_196, %parallel_loop3A_227 : vector<16xf32>
        %parallel_loop3A_229 = arith.constant 768 : i32
        %parallel_loop3A_230 = vector.broadcast %parallel_loop3A_229 : i32 to vector<16xi32>
        %parallel_loop3A_231 = arith.addi %parallel_loop3A_198, %parallel_loop3A_230 : vector<16xi32>
        %parallel_loop3A_232 = tpu.vector_load_idx %arg6[%parallel_loop3A_231] : memref<98304xf32, #tpu.memory_space<vmem>>[vector<16xi32>], vector<16xf32>,
        %parallel_loop3A_233 = arith.mulf %parallel_loop3A_196, %parallel_loop3A_232 : vector<16xf32>
        %parallel_loop3A_234 = arith.constant 896 : i32
        %parallel_loop3A_235 = vector.broadcast %parallel_loop3A_234 : i32 to vector<16xi32>
        %parallel_loop3A_236 = arith.addi %parallel_loop3A_198, %parallel_loop3A_235 : vector<16xi32>
        %parallel_loop3A_237 = tpu.vector_load_idx %arg6[%parallel_loop3A_236] : memref<98304xf32, #tpu.memory_space<vmem>>[vector<16xi32>], vector<16xf32>,
        %parallel_loop3A_238 = arith.mulf %parallel_loop3A_196, %parallel_loop3A_237 : vector<16xf32>
        %parallel_loop3A_239 = arith.constant 1024 : i32
        %parallel_loop3A_240 = vector.broadcast %parallel_loop3A_239 : i32 to vector<16xi32>
        %parallel_loop3A_241 = arith.addi %parallel_loop3A_198, %parallel_loop3A_240 : vector<16xi32>
        %parallel_loop3A_242 = tpu.vector_load_idx %arg6[%parallel_loop3A_241] : memref<98304xf32, #tpu.memory_space<vmem>>[vector<16xi32>], vector<16xf32>,
        %parallel_loop3A_243 = arith.mulf %parallel_loop3A_196, %parallel_loop3A_242 : vector<16xf32>
        %parallel_loop3A_244 = arith.constant 1152 : i32
        %parallel_loop3A_245 = vector.broadcast %parallel_loop3A_244 : i32 to vector<16xi32>
        %parallel_loop3A_246 = arith.addi %parallel_loop3A_198, %parallel_loop3A_245 : vector<16xi32>
        %parallel_loop3A_247 = tpu.vector_load_idx %arg6[%parallel_loop3A_246] : memref<98304xf32, #tpu.memory_space<vmem>>[vector<16xi32>], vector<16xf32>,
        %parallel_loop3A_248 = arith.mulf %parallel_loop3A_196, %parallel_loop3A_247 : vector<16xf32>
        %parallel_loop3A_249 = arith.constant 1280 : i32
        %parallel_loop3A_250 = vector.broadcast %parallel_loop3A_249 : i32 to vector<16xi32>
        %parallel_loop3A_251 = arith.addi %parallel_loop3A_198, %parallel_loop3A_250 : vector<16xi32>
        %parallel_loop3A_252 = tpu.vector_load_idx %arg6[%parallel_loop3A_251] : memref<98304xf32, #tpu.memory_space<vmem>>[vector<16xi32>], vector<16xf32>,
        %parallel_loop3A_253 = arith.mulf %parallel_loop3A_196, %parallel_loop3A_252 : vector<16xf32>
        %parallel_loop3A_254 = arith.constant 1408 : i32
        %parallel_loop3A_255 = vector.broadcast %parallel_loop3A_254 : i32 to vector<16xi32>
        %parallel_loop3A_256 = arith.addi %parallel_loop3A_198, %parallel_loop3A_255 : vector<16xi32>
        %parallel_loop3A_257 = tpu.vector_load_idx %arg6[%parallel_loop3A_256] : memref<98304xf32, #tpu.memory_space<vmem>>[vector<16xi32>], vector<16xf32>,
        %parallel_loop3A_258 = arith.mulf %parallel_loop3A_196, %parallel_loop3A_257 : vector<16xf32>
        %parallel_loop3A_259 = arith.mulf %parallel_loop3A_186, %parallel_loop3A_166 : vector<16xf32>
        %parallel_loop3A_260 = vector.broadcast %parallel_loop3A_189 : i32 to vector<16xi32>
        %parallel_loop3A_261 = arith.addi %parallel_loop3A_181, %parallel_loop3A_260 : vector<16xi32>
        %parallel_loop3A_262 = arith.constant 0 : i32
        %parallel_loop3A_263 = vector.broadcast %parallel_loop3A_262 : i32 to vector<16xi32>
        %parallel_loop3A_264 = arith.addi %parallel_loop3A_261, %parallel_loop3A_263 : vector<16xi32>
        %parallel_loop3A_265 = tpu.vector_load_idx %arg6[%parallel_loop3A_264] : memref<98304xf32, #tpu.memory_space<vmem>>[vector<16xi32>], vector<16xf32>,
        %parallel_loop3A_266 = arith.mulf %parallel_loop3A_259, %parallel_loop3A_265 : vector<16xf32>
        %parallel_loop3A_267 = arith.addf %parallel_loop3A_203, %parallel_loop3A_266 : vector<16xf32>
        %parallel_loop3A_268 = arith.constant 128 : i32
        %parallel_loop3A_269 = vector.broadcast %parallel_loop3A_268 : i32 to vector<16xi32>
        %parallel_loop3A_270 = arith.addi %parallel_loop3A_261, %parallel_loop3A_269 : vector<16xi32>
        %parallel_loop3A_271 = tpu.vector_load_idx %arg6[%parallel_loop3A_270] : memref<98304xf32, #tpu.memory_space<vmem>>[vector<16xi32>], vector<16xf32>,
        %parallel_loop3A_272 = arith.mulf %parallel_loop3A_259, %parallel_loop3A_271 : vector<16xf32>
        %parallel_loop3A_273 = arith.addf %parallel_loop3A_208, %parallel_loop3A_272 : vector<16xf32>
        %parallel_loop3A_274 = arith.constant 256 : i32
        %parallel_loop3A_275 = vector.broadcast %parallel_loop3A_274 : i32 to vector<16xi32>
        %parallel_loop3A_276 = arith.addi %parallel_loop3A_261, %parallel_loop3A_275 : vector<16xi32>
        %parallel_loop3A_277 = tpu.vector_load_idx %arg6[%parallel_loop3A_276] : memref<98304xf32, #tpu.memory_space<vmem>>[vector<16xi32>], vector<16xf32>,
        %parallel_loop3A_278 = arith.mulf %parallel_loop3A_259, %parallel_loop3A_277 : vector<16xf32>
        %parallel_loop3A_279 = arith.addf %parallel_loop3A_213, %parallel_loop3A_278 : vector<16xf32>
        %parallel_loop3A_280 = arith.constant 384 : i32
        %parallel_loop3A_281 = vector.broadcast %parallel_loop3A_280 : i32 to vector<16xi32>
        %parallel_loop3A_282 = arith.addi %parallel_loop3A_261, %parallel_loop3A_281 : vector<16xi32>
        %parallel_loop3A_283 = tpu.vector_load_idx %arg6[%parallel_loop3A_282] : memref<98304xf32, #tpu.memory_space<vmem>>[vector<16xi32>], vector<16xf32>,
        %parallel_loop3A_284 = arith.mulf %parallel_loop3A_259, %parallel_loop3A_283 : vector<16xf32>
        %parallel_loop3A_285 = arith.addf %parallel_loop3A_218, %parallel_loop3A_284 : vector<16xf32>
        %parallel_loop3A_286 = arith.constant 512 : i32
        %parallel_loop3A_287 = vector.broadcast %parallel_loop3A_286 : i32 to vector<16xi32>
        %parallel_loop3A_288 = arith.addi %parallel_loop3A_261, %parallel_loop3A_287 : vector<16xi32>
        %parallel_loop3A_289 = tpu.vector_load_idx %arg6[%parallel_loop3A_288] : memref<98304xf32, #tpu.memory_space<vmem>>[vector<16xi32>], vector<16xf32>,
        %parallel_loop3A_290 = arith.mulf %parallel_loop3A_259, %parallel_loop3A_289 : vector<16xf32>
        %parallel_loop3A_291 = arith.addf %parallel_loop3A_223, %parallel_loop3A_290 : vector<16xf32>
        %parallel_loop3A_292 = arith.constant 640 : i32
        %parallel_loop3A_293 = vector.broadcast %parallel_loop3A_292 : i32 to vector<16xi32>
        %parallel_loop3A_294 = arith.addi %parallel_loop3A_261, %parallel_loop3A_293 : vector<16xi32>
        %parallel_loop3A_295 = tpu.vector_load_idx %arg6[%parallel_loop3A_294] : memref<98304xf32, #tpu.memory_space<vmem>>[vector<16xi32>], vector<16xf32>,
        %parallel_loop3A_296 = arith.mulf %parallel_loop3A_259, %parallel_loop3A_295 : vector<16xf32>
        %parallel_loop3A_297 = arith.addf %parallel_loop3A_228, %parallel_loop3A_296 : vector<16xf32>
        %parallel_loop3A_298 = arith.constant 768 : i32
        %parallel_loop3A_299 = vector.broadcast %parallel_loop3A_298 : i32 to vector<16xi32>
        %parallel_loop3A_300 = arith.addi %parallel_loop3A_261, %parallel_loop3A_299 : vector<16xi32>
        %parallel_loop3A_301 = tpu.vector_load_idx %arg6[%parallel_loop3A_300] : memref<98304xf32, #tpu.memory_space<vmem>>[vector<16xi32>], vector<16xf32>,
        %parallel_loop3A_302 = arith.mulf %parallel_loop3A_259, %parallel_loop3A_301 : vector<16xf32>
        %parallel_loop3A_303 = arith.addf %parallel_loop3A_233, %parallel_loop3A_302 : vector<16xf32>
        %parallel_loop3A_304 = arith.constant 896 : i32
        %parallel_loop3A_305 = vector.broadcast %parallel_loop3A_304 : i32 to vector<16xi32>
        %parallel_loop3A_306 = arith.addi %parallel_loop3A_261, %parallel_loop3A_305 : vector<16xi32>
        %parallel_loop3A_307 = tpu.vector_load_idx %arg6[%parallel_loop3A_306] : memref<98304xf32, #tpu.memory_space<vmem>>[vector<16xi32>], vector<16xf32>,
        %parallel_loop3A_308 = arith.mulf %parallel_loop3A_259, %parallel_loop3A_307 : vector<16xf32>
        %parallel_loop3A_309 = arith.addf %parallel_loop3A_238, %parallel_loop3A_308 : vector<16xf32>
        %parallel_loop3A_310 = arith.constant 1024 : i32
        %parallel_loop3A_311 = vector.broadcast %parallel_loop3A_310 : i32 to vector<16xi32>
        %parallel_loop3A_312 = arith.addi %parallel_loop3A_261, %parallel_loop3A_311 : vector<16xi32>
        %parallel_loop3A_313 = tpu.vector_load_idx %arg6[%parallel_loop3A_312] : memref<98304xf32, #tpu.memory_space<vmem>>[vector<16xi32>], vector<16xf32>,
        %parallel_loop3A_314 = arith.mulf %parallel_loop3A_259, %parallel_loop3A_313 : vector<16xf32>
        %parallel_loop3A_315 = arith.addf %parallel_loop3A_243, %parallel_loop3A_314 : vector<16xf32>
        %parallel_loop3A_316 = arith.constant 1152 : i32
        %parallel_loop3A_317 = vector.broadcast %parallel_loop3A_316 : i32 to vector<16xi32>
        %parallel_loop3A_318 = arith.addi %parallel_loop3A_261, %parallel_loop3A_317 : vector<16xi32>
        %parallel_loop3A_319 = tpu.vector_load_idx %arg6[%parallel_loop3A_318] : memref<98304xf32, #tpu.memory_space<vmem>>[vector<16xi32>], vector<16xf32>,
        %parallel_loop3A_320 = arith.mulf %parallel_loop3A_259, %parallel_loop3A_319 : vector<16xf32>
        %parallel_loop3A_321 = arith.addf %parallel_loop3A_248, %parallel_loop3A_320 : vector<16xf32>
        %parallel_loop3A_322 = arith.constant 1280 : i32
        %parallel_loop3A_323 = vector.broadcast %parallel_loop3A_322 : i32 to vector<16xi32>
        %parallel_loop3A_324 = arith.addi %parallel_loop3A_261, %parallel_loop3A_323 : vector<16xi32>
        %parallel_loop3A_325 = tpu.vector_load_idx %arg6[%parallel_loop3A_324] : memref<98304xf32, #tpu.memory_space<vmem>>[vector<16xi32>], vector<16xf32>,
        %parallel_loop3A_326 = arith.mulf %parallel_loop3A_259, %parallel_loop3A_325 : vector<16xf32>
        %parallel_loop3A_327 = arith.addf %parallel_loop3A_253, %parallel_loop3A_326 : vector<16xf32>
        %parallel_loop3A_328 = arith.constant 1408 : i32
        %parallel_loop3A_329 = vector.broadcast %parallel_loop3A_328 : i32 to vector<16xi32>
        %parallel_loop3A_330 = arith.addi %parallel_loop3A_261, %parallel_loop3A_329 : vector<16xi32>
        %parallel_loop3A_331 = tpu.vector_load_idx %arg6[%parallel_loop3A_330] : memref<98304xf32, #tpu.memory_space<vmem>>[vector<16xi32>], vector<16xf32>,
        %parallel_loop3A_332 = arith.mulf %parallel_loop3A_259, %parallel_loop3A_331 : vector<16xf32>
        %parallel_loop3A_333 = arith.addf %parallel_loop3A_258, %parallel_loop3A_332 : vector<16xf32>
        %parallel_loop3A_334 = arith.mulf %parallel_loop3A_141, %parallel_loop3A_195 : vector<16xf32>
        %parallel_loop3A_335 = vector.broadcast %parallel_loop3A_192 : i32 to vector<16xi32>
        %parallel_loop3A_336 = arith.addi %parallel_loop3A_172, %parallel_loop3A_335 : vector<16xi32>
        %parallel_loop3A_337 = arith.constant 0 : i32
        %parallel_loop3A_338 = vector.broadcast %parallel_loop3A_337 : i32 to vector<16xi32>
        %parallel_loop3A_339 = arith.addi %parallel_loop3A_336, %parallel_loop3A_338 : vector<16xi32>
        %parallel_loop3A_340 = tpu.vector_load_idx %arg6[%parallel_loop3A_339] : memref<98304xf32, #tpu.memory_space<vmem>>[vector<16xi32>], vector<16xf32>,
        %parallel_loop3A_341 = arith.mulf %parallel_loop3A_334, %parallel_loop3A_340 : vector<16xf32>
        %parallel_loop3A_342 = arith.addf %parallel_loop3A_267, %parallel_loop3A_341 : vector<16xf32>
        %parallel_loop3A_343 = arith.constant 128 : i32
        %parallel_loop3A_344 = vector.broadcast %parallel_loop3A_343 : i32 to vector<16xi32>
        %parallel_loop3A_345 = arith.addi %parallel_loop3A_336, %parallel_loop3A_344 : vector<16xi32>
        %parallel_loop3A_346 = tpu.vector_load_idx %arg6[%parallel_loop3A_345] : memref<98304xf32, #tpu.memory_space<vmem>>[vector<16xi32>], vector<16xf32>,
        %parallel_loop3A_347 = arith.mulf %parallel_loop3A_334, %parallel_loop3A_346 : vector<16xf32>
        %parallel_loop3A_348 = arith.addf %parallel_loop3A_273, %parallel_loop3A_347 : vector<16xf32>
        %parallel_loop3A_349 = arith.constant 256 : i32
        %parallel_loop3A_350 = vector.broadcast %parallel_loop3A_349 : i32 to vector<16xi32>
        %parallel_loop3A_351 = arith.addi %parallel_loop3A_336, %parallel_loop3A_350 : vector<16xi32>
        %parallel_loop3A_352 = tpu.vector_load_idx %arg6[%parallel_loop3A_351] : memref<98304xf32, #tpu.memory_space<vmem>>[vector<16xi32>], vector<16xf32>,
        %parallel_loop3A_353 = arith.mulf %parallel_loop3A_334, %parallel_loop3A_352 : vector<16xf32>
        %parallel_loop3A_354 = arith.addf %parallel_loop3A_279, %parallel_loop3A_353 : vector<16xf32>
        %parallel_loop3A_355 = arith.constant 384 : i32
        %parallel_loop3A_356 = vector.broadcast %parallel_loop3A_355 : i32 to vector<16xi32>
        %parallel_loop3A_357 = arith.addi %parallel_loop3A_336, %parallel_loop3A_356 : vector<16xi32>
        %parallel_loop3A_358 = tpu.vector_load_idx %arg6[%parallel_loop3A_357] : memref<98304xf32, #tpu.memory_space<vmem>>[vector<16xi32>], vector<16xf32>,
        %parallel_loop3A_359 = arith.mulf %parallel_loop3A_334, %parallel_loop3A_358 : vector<16xf32>
        %parallel_loop3A_360 = arith.addf %parallel_loop3A_285, %parallel_loop3A_359 : vector<16xf32>
        %parallel_loop3A_361 = arith.constant 512 : i32
        %parallel_loop3A_362 = vector.broadcast %parallel_loop3A_361 : i32 to vector<16xi32>
        %parallel_loop3A_363 = arith.addi %parallel_loop3A_336, %parallel_loop3A_362 : vector<16xi32>
        %parallel_loop3A_364 = tpu.vector_load_idx %arg6[%parallel_loop3A_363] : memref<98304xf32, #tpu.memory_space<vmem>>[vector<16xi32>], vector<16xf32>,
        %parallel_loop3A_365 = arith.mulf %parallel_loop3A_334, %parallel_loop3A_364 : vector<16xf32>
        %parallel_loop3A_366 = arith.addf %parallel_loop3A_291, %parallel_loop3A_365 : vector<16xf32>
        %parallel_loop3A_367 = arith.constant 640 : i32
        %parallel_loop3A_368 = vector.broadcast %parallel_loop3A_367 : i32 to vector<16xi32>
        %parallel_loop3A_369 = arith.addi %parallel_loop3A_336, %parallel_loop3A_368 : vector<16xi32>
        %parallel_loop3A_370 = tpu.vector_load_idx %arg6[%parallel_loop3A_369] : memref<98304xf32, #tpu.memory_space<vmem>>[vector<16xi32>], vector<16xf32>,
        %parallel_loop3A_371 = arith.mulf %parallel_loop3A_334, %parallel_loop3A_370 : vector<16xf32>
        %parallel_loop3A_372 = arith.addf %parallel_loop3A_297, %parallel_loop3A_371 : vector<16xf32>
        %parallel_loop3A_373 = arith.constant 768 : i32
        %parallel_loop3A_374 = vector.broadcast %parallel_loop3A_373 : i32 to vector<16xi32>
        %parallel_loop3A_375 = arith.addi %parallel_loop3A_336, %parallel_loop3A_374 : vector<16xi32>
        %parallel_loop3A_376 = tpu.vector_load_idx %arg6[%parallel_loop3A_375] : memref<98304xf32, #tpu.memory_space<vmem>>[vector<16xi32>], vector<16xf32>,
        %parallel_loop3A_377 = arith.mulf %parallel_loop3A_334, %parallel_loop3A_376 : vector<16xf32>
        %parallel_loop3A_378 = arith.addf %parallel_loop3A_303, %parallel_loop3A_377 : vector<16xf32>
        %parallel_loop3A_379 = arith.constant 896 : i32
        %parallel_loop3A_380 = vector.broadcast %parallel_loop3A_379 : i32 to vector<16xi32>
        %parallel_loop3A_381 = arith.addi %parallel_loop3A_336, %parallel_loop3A_380 : vector<16xi32>
        %parallel_loop3A_382 = tpu.vector_load_idx %arg6[%parallel_loop3A_381] : memref<98304xf32, #tpu.memory_space<vmem>>[vector<16xi32>], vector<16xf32>,
        %parallel_loop3A_383 = arith.mulf %parallel_loop3A_334, %parallel_loop3A_382 : vector<16xf32>
        %parallel_loop3A_384 = arith.addf %parallel_loop3A_309, %parallel_loop3A_383 : vector<16xf32>
        %parallel_loop3A_385 = arith.constant 1024 : i32
        %parallel_loop3A_386 = vector.broadcast %parallel_loop3A_385 : i32 to vector<16xi32>
        %parallel_loop3A_387 = arith.addi %parallel_loop3A_336, %parallel_loop3A_386 : vector<16xi32>
        %parallel_loop3A_388 = tpu.vector_load_idx %arg6[%parallel_loop3A_387] : memref<98304xf32, #tpu.memory_space<vmem>>[vector<16xi32>], vector<16xf32>,
        %parallel_loop3A_389 = arith.mulf %parallel_loop3A_334, %parallel_loop3A_388 : vector<16xf32>
        %parallel_loop3A_390 = arith.addf %parallel_loop3A_315, %parallel_loop3A_389 : vector<16xf32>
        %parallel_loop3A_391 = arith.constant 1152 : i32
        %parallel_loop3A_392 = vector.broadcast %parallel_loop3A_391 : i32 to vector<16xi32>
        %parallel_loop3A_393 = arith.addi %parallel_loop3A_336, %parallel_loop3A_392 : vector<16xi32>
        %parallel_loop3A_394 = tpu.vector_load_idx %arg6[%parallel_loop3A_393] : memref<98304xf32, #tpu.memory_space<vmem>>[vector<16xi32>], vector<16xf32>,
        %parallel_loop3A_395 = arith.mulf %parallel_loop3A_334, %parallel_loop3A_394 : vector<16xf32>
        %parallel_loop3A_396 = arith.addf %parallel_loop3A_321, %parallel_loop3A_395 : vector<16xf32>
        %parallel_loop3A_397 = arith.constant 1280 : i32
        %parallel_loop3A_398 = vector.broadcast %parallel_loop3A_397 : i32 to vector<16xi32>
        %parallel_loop3A_399 = arith.addi %parallel_loop3A_336, %parallel_loop3A_398 : vector<16xi32>
        %parallel_loop3A_400 = tpu.vector_load_idx %arg6[%parallel_loop3A_399] : memref<98304xf32, #tpu.memory_space<vmem>>[vector<16xi32>], vector<16xf32>,
        %parallel_loop3A_401 = arith.mulf %parallel_loop3A_334, %parallel_loop3A_400 : vector<16xf32>
        %parallel_loop3A_402 = arith.addf %parallel_loop3A_327, %parallel_loop3A_401 : vector<16xf32>
        %parallel_loop3A_403 = arith.constant 1408 : i32
        %parallel_loop3A_404 = vector.broadcast %parallel_loop3A_403 : i32 to vector<16xi32>
        %parallel_loop3A_405 = arith.addi %parallel_loop3A_336, %parallel_loop3A_404 : vector<16xi32>
        %parallel_loop3A_406 = tpu.vector_load_idx %arg6[%parallel_loop3A_405] : memref<98304xf32, #tpu.memory_space<vmem>>[vector<16xi32>], vector<16xf32>,
        %parallel_loop3A_407 = arith.mulf %parallel_loop3A_334, %parallel_loop3A_406 : vector<16xf32>
        %parallel_loop3A_408 = arith.addf %parallel_loop3A_333, %parallel_loop3A_407 : vector<16xf32>
        %parallel_loop3A_409 = arith.mulf %parallel_loop3A_141, %parallel_loop3A_166 : vector<16xf32>
        %parallel_loop3A_410 = vector.broadcast %parallel_loop3A_192 : i32 to vector<16xi32>
        %parallel_loop3A_411 = arith.addi %parallel_loop3A_181, %parallel_loop3A_410 : vector<16xi32>
        %parallel_loop3A_412 = arith.constant 0 : i32
        %parallel_loop3A_413 = vector.broadcast %parallel_loop3A_412 : i32 to vector<16xi32>
        %parallel_loop3A_414 = arith.addi %parallel_loop3A_411, %parallel_loop3A_413 : vector<16xi32>
        %parallel_loop3A_415 = tpu.vector_load_idx %arg6[%parallel_loop3A_414] : memref<98304xf32, #tpu.memory_space<vmem>>[vector<16xi32>], vector<16xf32>,
        %parallel_loop3A_416 = arith.mulf %parallel_loop3A_409, %parallel_loop3A_415 : vector<16xf32>
        %parallel_loop3A_417 = arith.addf %parallel_loop3A_342, %parallel_loop3A_416 : vector<16xf32>
        %parallel_loop3A_418 = arith.constant 128 : i32
        %parallel_loop3A_419 = vector.broadcast %parallel_loop3A_418 : i32 to vector<16xi32>
        %parallel_loop3A_420 = arith.addi %parallel_loop3A_411, %parallel_loop3A_419 : vector<16xi32>
        %parallel_loop3A_421 = tpu.vector_load_idx %arg6[%parallel_loop3A_420] : memref<98304xf32, #tpu.memory_space<vmem>>[vector<16xi32>], vector<16xf32>,
        %parallel_loop3A_422 = arith.mulf %parallel_loop3A_409, %parallel_loop3A_421 : vector<16xf32>
        %parallel_loop3A_423 = arith.addf %parallel_loop3A_348, %parallel_loop3A_422 : vector<16xf32>
        %parallel_loop3A_424 = arith.constant 256 : i32
        %parallel_loop3A_425 = vector.broadcast %parallel_loop3A_424 : i32 to vector<16xi32>
        %parallel_loop3A_426 = arith.addi %parallel_loop3A_411, %parallel_loop3A_425 : vector<16xi32>
        %parallel_loop3A_427 = tpu.vector_load_idx %arg6[%parallel_loop3A_426] : memref<98304xf32, #tpu.memory_space<vmem>>[vector<16xi32>], vector<16xf32>,
        %parallel_loop3A_428 = arith.mulf %parallel_loop3A_409, %parallel_loop3A_427 : vector<16xf32>
        %parallel_loop3A_429 = arith.addf %parallel_loop3A_354, %parallel_loop3A_428 : vector<16xf32>
        %parallel_loop3A_430 = arith.constant 384 : i32
        %parallel_loop3A_431 = vector.broadcast %parallel_loop3A_430 : i32 to vector<16xi32>
        %parallel_loop3A_432 = arith.addi %parallel_loop3A_411, %parallel_loop3A_431 : vector<16xi32>
        %parallel_loop3A_433 = tpu.vector_load_idx %arg6[%parallel_loop3A_432] : memref<98304xf32, #tpu.memory_space<vmem>>[vector<16xi32>], vector<16xf32>,
        %parallel_loop3A_434 = arith.mulf %parallel_loop3A_409, %parallel_loop3A_433 : vector<16xf32>
        %parallel_loop3A_435 = arith.addf %parallel_loop3A_360, %parallel_loop3A_434 : vector<16xf32>
        %parallel_loop3A_436 = arith.constant 512 : i32
        %parallel_loop3A_437 = vector.broadcast %parallel_loop3A_436 : i32 to vector<16xi32>
        %parallel_loop3A_438 = arith.addi %parallel_loop3A_411, %parallel_loop3A_437 : vector<16xi32>
        %parallel_loop3A_439 = tpu.vector_load_idx %arg6[%parallel_loop3A_438] : memref<98304xf32, #tpu.memory_space<vmem>>[vector<16xi32>], vector<16xf32>,
        %parallel_loop3A_440 = arith.mulf %parallel_loop3A_409, %parallel_loop3A_439 : vector<16xf32>
        %parallel_loop3A_441 = arith.addf %parallel_loop3A_366, %parallel_loop3A_440 : vector<16xf32>
        %parallel_loop3A_442 = arith.constant 640 : i32
        %parallel_loop3A_443 = vector.broadcast %parallel_loop3A_442 : i32 to vector<16xi32>
        %parallel_loop3A_444 = arith.addi %parallel_loop3A_411, %parallel_loop3A_443 : vector<16xi32>
        %parallel_loop3A_445 = tpu.vector_load_idx %arg6[%parallel_loop3A_444] : memref<98304xf32, #tpu.memory_space<vmem>>[vector<16xi32>], vector<16xf32>,
        %parallel_loop3A_446 = arith.mulf %parallel_loop3A_409, %parallel_loop3A_445 : vector<16xf32>
        %parallel_loop3A_447 = arith.addf %parallel_loop3A_372, %parallel_loop3A_446 : vector<16xf32>
        %parallel_loop3A_448 = arith.constant 768 : i32
        %parallel_loop3A_449 = vector.broadcast %parallel_loop3A_448 : i32 to vector<16xi32>
        %parallel_loop3A_450 = arith.addi %parallel_loop3A_411, %parallel_loop3A_449 : vector<16xi32>
        %parallel_loop3A_451 = tpu.vector_load_idx %arg6[%parallel_loop3A_450] : memref<98304xf32, #tpu.memory_space<vmem>>[vector<16xi32>], vector<16xf32>,
        %parallel_loop3A_452 = arith.mulf %parallel_loop3A_409, %parallel_loop3A_451 : vector<16xf32>
        %parallel_loop3A_453 = arith.addf %parallel_loop3A_378, %parallel_loop3A_452 : vector<16xf32>
        %parallel_loop3A_454 = arith.constant 896 : i32
        %parallel_loop3A_455 = vector.broadcast %parallel_loop3A_454 : i32 to vector<16xi32>
        %parallel_loop3A_456 = arith.addi %parallel_loop3A_411, %parallel_loop3A_455 : vector<16xi32>
        %parallel_loop3A_457 = tpu.vector_load_idx %arg6[%parallel_loop3A_456] : memref<98304xf32, #tpu.memory_space<vmem>>[vector<16xi32>], vector<16xf32>,
        %parallel_loop3A_458 = arith.mulf %parallel_loop3A_409, %parallel_loop3A_457 : vector<16xf32>
        %parallel_loop3A_459 = arith.addf %parallel_loop3A_384, %parallel_loop3A_458 : vector<16xf32>
        %parallel_loop3A_460 = arith.constant 1024 : i32
        %parallel_loop3A_461 = vector.broadcast %parallel_loop3A_460 : i32 to vector<16xi32>
        %parallel_loop3A_462 = arith.addi %parallel_loop3A_411, %parallel_loop3A_461 : vector<16xi32>
        %parallel_loop3A_463 = tpu.vector_load_idx %arg6[%parallel_loop3A_462] : memref<98304xf32, #tpu.memory_space<vmem>>[vector<16xi32>], vector<16xf32>,
        %parallel_loop3A_464 = arith.mulf %parallel_loop3A_409, %parallel_loop3A_463 : vector<16xf32>
        %parallel_loop3A_465 = arith.addf %parallel_loop3A_390, %parallel_loop3A_464 : vector<16xf32>
        %parallel_loop3A_466 = arith.constant 1152 : i32
        %parallel_loop3A_467 = vector.broadcast %parallel_loop3A_466 : i32 to vector<16xi32>
        %parallel_loop3A_468 = arith.addi %parallel_loop3A_411, %parallel_loop3A_467 : vector<16xi32>
        %parallel_loop3A_469 = tpu.vector_load_idx %arg6[%parallel_loop3A_468] : memref<98304xf32, #tpu.memory_space<vmem>>[vector<16xi32>], vector<16xf32>,
        %parallel_loop3A_470 = arith.mulf %parallel_loop3A_409, %parallel_loop3A_469 : vector<16xf32>
        %parallel_loop3A_471 = arith.addf %parallel_loop3A_396, %parallel_loop3A_470 : vector<16xf32>
        %parallel_loop3A_472 = arith.constant 1280 : i32
        %parallel_loop3A_473 = vector.broadcast %parallel_loop3A_472 : i32 to vector<16xi32>
        %parallel_loop3A_474 = arith.addi %parallel_loop3A_411, %parallel_loop3A_473 : vector<16xi32>
        %parallel_loop3A_475 = tpu.vector_load_idx %arg6[%parallel_loop3A_474] : memref<98304xf32, #tpu.memory_space<vmem>>[vector<16xi32>], vector<16xf32>,
        %parallel_loop3A_476 = arith.mulf %parallel_loop3A_409, %parallel_loop3A_475 : vector<16xf32>
        %parallel_loop3A_477 = arith.addf %parallel_loop3A_402, %parallel_loop3A_476 : vector<16xf32>
        %parallel_loop3A_478 = arith.constant 1408 : i32
        %parallel_loop3A_479 = vector.broadcast %parallel_loop3A_478 : i32 to vector<16xi32>
        %parallel_loop3A_480 = arith.addi %parallel_loop3A_411, %parallel_loop3A_479 : vector<16xi32>
        %parallel_loop3A_481 = tpu.vector_load_idx %arg6[%parallel_loop3A_480] : memref<98304xf32, #tpu.memory_space<vmem>>[vector<16xi32>], vector<16xf32>,
        %parallel_loop3A_482 = arith.mulf %parallel_loop3A_409, %parallel_loop3A_481 : vector<16xf32>
        %parallel_loop3A_483 = arith.addf %parallel_loop3A_408, %parallel_loop3A_482 : vector<16xf32>
        %parallel_loop3A_484 = arith.constant 16 : i32
        %parallel_loop3A_485 = arith.muli %parallel_loop3A_102, %parallel_loop3A_484 : i32
        %parallel_loop3A_486 = arith.constant 0 : i32
        %parallel_loop3A_487 = arith.addi %parallel_loop3A_486, %parallel_loop3A_485 : i32
        %parallel_loop3A_488 = arith.index_cast %parallel_loop3A_487 : i32 to index
        %parallel_loop3A_489 = tpu.vector_load %arg8[%parallel_loop3A_488] {strides = array<i32>} : memref<12288xf32, #tpu.memory_space<vmem>>, vector<16xf32>,
        %parallel_loop3A_490 = arith.mulf %parallel_loop3A_417, %parallel_loop3A_489 : vector<16xf32>
        %parallel_loop3A_491 = arith.addf %parallel_loop3A_435, %parallel_loop3A_490 : vector<16xf32>
        %parallel_loop3A_492 = arith.constant 16 : i32
        %parallel_loop3A_493 = arith.muli %parallel_loop3A_102, %parallel_loop3A_492 : i32
        %parallel_loop3A_494 = arith.constant 4096 : i32
        %parallel_loop3A_495 = arith.addi %parallel_loop3A_494, %parallel_loop3A_493 : i32
        %parallel_loop3A_496 = arith.index_cast %parallel_loop3A_495 : i32 to index
        %parallel_loop3A_497 = tpu.vector_load %arg8[%parallel_loop3A_496] {strides = array<i32>} : memref<12288xf32, #tpu.memory_space<vmem>>, vector<16xf32>,
        %parallel_loop3A_498 = arith.mulf %parallel_loop3A_423, %parallel_loop3A_497 : vector<16xf32>
        %parallel_loop3A_499 = arith.addf %parallel_loop3A_491, %parallel_loop3A_498 : vector<16xf32>
        %parallel_loop3A_500 = arith.constant 16 : i32
        %parallel_loop3A_501 = arith.muli %parallel_loop3A_102, %parallel_loop3A_500 : i32
        %parallel_loop3A_502 = arith.constant 8192 : i32
        %parallel_loop3A_503 = arith.addi %parallel_loop3A_502, %parallel_loop3A_501 : i32
        %parallel_loop3A_504 = arith.index_cast %parallel_loop3A_503 : i32 to index
        %parallel_loop3A_505 = tpu.vector_load %arg8[%parallel_loop3A_504] {strides = array<i32>} : memref<12288xf32, #tpu.memory_space<vmem>>, vector<16xf32>,
        %parallel_loop3A_506 = arith.mulf %parallel_loop3A_429, %parallel_loop3A_505 : vector<16xf32>
        %parallel_loop3A_507 = arith.addf %parallel_loop3A_499, %parallel_loop3A_506 : vector<16xf32>
        %parallel_loop3A_508 = arith.constant 16 : i32
        %parallel_loop3A_509 = arith.muli %parallel_loop3A_102, %parallel_loop3A_508 : i32
        %parallel_loop3A_510 = arith.constant 0 : i32
        %parallel_loop3A_511 = arith.addi %parallel_loop3A_510, %parallel_loop3A_509 : i32
        %parallel_loop3A_512 = arith.index_cast %parallel_loop3A_511 : i32 to index
        %parallel_loop3A_513 = tpu.vector_load %arg9[%parallel_loop3A_512] {strides = array<i32>} : memref<12288xf32, #tpu.memory_space<vmem>>, vector<16xf32>,
        tpu.vector_store %arg9[%parallel_loop3A_512], %parallel_loop3A_507 {strides = array<i32>} : memref<12288xf32, #tpu.memory_space<vmem>>, vector<16xf32>,
        %parallel_loop3A_514 = arith.constant 16 : i32
        %parallel_loop3A_515 = arith.muli %parallel_loop3A_102, %parallel_loop3A_514 : i32
        %parallel_loop3A_516 = arith.constant 0 : i32
        %parallel_loop3A_517 = arith.addi %parallel_loop3A_516, %parallel_loop3A_515 : i32
        %parallel_loop3A_518 = arith.index_cast %parallel_loop3A_517 : i32 to index
        %parallel_loop3A_519 = tpu.vector_load %arg8[%parallel_loop3A_518] {strides = array<i32>} : memref<12288xf32, #tpu.memory_space<vmem>>, vector<16xf32>,
        %parallel_loop3A_520 = arith.mulf %parallel_loop3A_441, %parallel_loop3A_519 : vector<16xf32>
        %parallel_loop3A_521 = arith.addf %parallel_loop3A_459, %parallel_loop3A_520 : vector<16xf32>
        %parallel_loop3A_522 = arith.constant 16 : i32
        %parallel_loop3A_523 = arith.muli %parallel_loop3A_102, %parallel_loop3A_522 : i32
        %parallel_loop3A_524 = arith.constant 4096 : i32
        %parallel_loop3A_525 = arith.addi %parallel_loop3A_524, %parallel_loop3A_523 : i32
        %parallel_loop3A_526 = arith.index_cast %parallel_loop3A_525 : i32 to index
        %parallel_loop3A_527 = tpu.vector_load %arg8[%parallel_loop3A_526] {strides = array<i32>} : memref<12288xf32, #tpu.memory_space<vmem>>, vector<16xf32>,
        %parallel_loop3A_528 = arith.mulf %parallel_loop3A_447, %parallel_loop3A_527 : vector<16xf32>
        %parallel_loop3A_529 = arith.addf %parallel_loop3A_521, %parallel_loop3A_528 : vector<16xf32>
        %parallel_loop3A_530 = arith.constant 16 : i32
        %parallel_loop3A_531 = arith.muli %parallel_loop3A_102, %parallel_loop3A_530 : i32
        %parallel_loop3A_532 = arith.constant 8192 : i32
        %parallel_loop3A_533 = arith.addi %parallel_loop3A_532, %parallel_loop3A_531 : i32
        %parallel_loop3A_534 = arith.index_cast %parallel_loop3A_533 : i32 to index
        %parallel_loop3A_535 = tpu.vector_load %arg8[%parallel_loop3A_534] {strides = array<i32>} : memref<12288xf32, #tpu.memory_space<vmem>>, vector<16xf32>,
        %parallel_loop3A_536 = arith.mulf %parallel_loop3A_453, %parallel_loop3A_535 : vector<16xf32>
        %parallel_loop3A_537 = arith.addf %parallel_loop3A_529, %parallel_loop3A_536 : vector<16xf32>
        %parallel_loop3A_538 = arith.constant 16 : i32
        %parallel_loop3A_539 = arith.muli %parallel_loop3A_102, %parallel_loop3A_538 : i32
        %parallel_loop3A_540 = arith.constant 4096 : i32
        %parallel_loop3A_541 = arith.addi %parallel_loop3A_540, %parallel_loop3A_539 : i32
        %parallel_loop3A_542 = arith.index_cast %parallel_loop3A_541 : i32 to index
        %parallel_loop3A_543 = tpu.vector_load %arg9[%parallel_loop3A_542] {strides = array<i32>} : memref<12288xf32, #tpu.memory_space<vmem>>, vector<16xf32>,
        tpu.vector_store %arg9[%parallel_loop3A_542], %parallel_loop3A_537 {strides = array<i32>} : memref<12288xf32, #tpu.memory_space<vmem>>, vector<16xf32>,
        %parallel_loop3A_544 = arith.constant 16 : i32
        %parallel_loop3A_545 = arith.muli %parallel_loop3A_102, %parallel_loop3A_544 : i32
        %parallel_loop3A_546 = arith.constant 0 : i32
        %parallel_loop3A_547 = arith.addi %parallel_loop3A_546, %parallel_loop3A_545 : i32
        %parallel_loop3A_548 = arith.index_cast %parallel_loop3A_547 : i32 to index
        %parallel_loop3A_549 = tpu.vector_load %arg8[%parallel_loop3A_548] {strides = array<i32>} : memref<12288xf32, #tpu.memory_space<vmem>>, vector<16xf32>,
        %parallel_loop3A_550 = arith.mulf %parallel_loop3A_465, %parallel_loop3A_549 : vector<16xf32>
        %parallel_loop3A_551 = arith.addf %parallel_loop3A_483, %parallel_loop3A_550 : vector<16xf32>
        %parallel_loop3A_552 = arith.constant 16 : i32
        %parallel_loop3A_553 = arith.muli %parallel_loop3A_102, %parallel_loop3A_552 : i32
        %parallel_loop3A_554 = arith.constant 4096 : i32
        %parallel_loop3A_555 = arith.addi %parallel_loop3A_554, %parallel_loop3A_553 : i32
        %parallel_loop3A_556 = arith.index_cast %parallel_loop3A_555 : i32 to index
        %parallel_loop3A_557 = tpu.vector_load %arg8[%parallel_loop3A_556] {strides = array<i32>} : memref<12288xf32, #tpu.memory_space<vmem>>, vector<16xf32>,
        %parallel_loop3A_558 = arith.mulf %parallel_loop3A_471, %parallel_loop3A_557 : vector<16xf32>
        %parallel_loop3A_559 = arith.addf %parallel_loop3A_551, %parallel_loop3A_558 : vector<16xf32>
        %parallel_loop3A_560 = arith.constant 16 : i32
        %parallel_loop3A_561 = arith.muli %parallel_loop3A_102, %parallel_loop3A_560 : i32
        %parallel_loop3A_562 = arith.constant 8192 : i32
        %parallel_loop3A_563 = arith.addi %parallel_loop3A_562, %parallel_loop3A_561 : i32
        %parallel_loop3A_564 = arith.index_cast %parallel_loop3A_563 : i32 to index
        %parallel_loop3A_565 = tpu.vector_load %arg8[%parallel_loop3A_564] {strides = array<i32>} : memref<12288xf32, #tpu.memory_space<vmem>>, vector<16xf32>,
        %parallel_loop3A_566 = arith.mulf %parallel_loop3A_477, %parallel_loop3A_565 : vector<16xf32>
        %parallel_loop3A_567 = arith.addf %parallel_loop3A_559, %parallel_loop3A_566 : vector<16xf32>
        %parallel_loop3A_568 = arith.constant 16 : i32
        %parallel_loop3A_569 = arith.muli %parallel_loop3A_102, %parallel_loop3A_568 : i32
        %parallel_loop3A_570 = arith.constant 8192 : i32
        %parallel_loop3A_571 = arith.addi %parallel_loop3A_570, %parallel_loop3A_569 : i32
        %parallel_loop3A_572 = arith.index_cast %parallel_loop3A_571 : i32 to index
        %parallel_loop3A_573 = tpu.vector_load %arg9[%parallel_loop3A_572] {strides = array<i32>} : memref<12288xf32, #tpu.memory_space<vmem>>, vector<16xf32>,
        tpu.vector_store %arg9[%parallel_loop3A_572], %parallel_loop3A_567 {strides = array<i32>} : memref<12288xf32, #tpu.memory_space<vmem>>, vector<16xf32>,
      } {sc.loop_unroll_factor = 2 : i64, sc.parallel_access}
      %mul3A_78 = arith.constant 3 : i32
      %mul3A_79 = arith.muli %select_n3A, %mul3A_78 : i32
      %add3A_80 = arith.constant 0 : i32
      %add3A_81 = arith.addi %mul3A_79, %add3A_80 : i32
      %sub3A_82 = arith.subi %add3A_81, %select_n3A : i32
      %mul3A_83 = arith.constant 262144 : i32
      %mul3A_84 = arith.muli %sub3A_82, %mul3A_83 : i32
      %add3A_85 = arith.addi %mul3A_84, %add3A_51 : i32
      "tpu.region"() ({
        %run_scoped3A = tpu.sem_alloc : memref<!tpu.dma_semaphore, #tpu.memory_space<semaphore_mem>>
        %dma_start3A = arith.constant 0 : i32
        %dma_start3A_102 = tpu.memref_slice %arg9[%dma_start3A] : memref<12288xf32, #tpu.memory_space<vmem>> -> memref<4096xf32, #tpu.memory_space<vmem>>
        %dma_start3A_103 = tpu.memref_slice %arg5[%add3A_85] : memref<3145728xf32, #tpu.memory_space<hbm>> -> memref<4096xf32, #tpu.memory_space<hbm>>
        %dma_start3A_104 = tpu.memref_slice %arg5[%add3A_85] : memref<3145728xf32, #tpu.memory_space<hbm>> -> memref<4096xf32, #tpu.memory_space<hbm>>
        %dma_start3A_105 = arith.constant 0 : i32
        %dma_start3A_106 = tpu.memref_slice %arg9[%dma_start3A_105] : memref<12288xf32, #tpu.memory_space<vmem>> -> memref<4096xf32, #tpu.memory_space<vmem>>
        tpu.enqueue_dma source(%dma_start3A_106 : memref<4096xf32, #tpu.memory_space<vmem>>) target(%dma_start3A_104 : memref<4096xf32, #tpu.memory_space<hbm>>) target_semaphore(%run_scoped3A : memref<!tpu.dma_semaphore, #tpu.memory_space<semaphore_mem>>)
        %dma_wait3A = arith.constant 0 : i32
        %dma_wait3A_107 = tpu.memref_slice %arg9[%dma_wait3A] : memref<12288xf32, #tpu.memory_space<vmem>> -> memref<4096xf32, #tpu.memory_space<vmem>>
        %dma_wait3A_108 = tpu.memref_slice %arg5[%add3A_85] : memref<3145728xf32, #tpu.memory_space<hbm>> -> memref<4096xf32, #tpu.memory_space<hbm>>
        %dma_wait3A_109 = tpu.memref_slice %arg5[%add3A_85] : memref<3145728xf32, #tpu.memory_space<hbm>> -> memref<4096xf32, #tpu.memory_space<hbm>>
        %dma_wait3A_110 = arith.constant 0 : i32
        %dma_wait3A_111 = tpu.memref_slice %arg9[%dma_wait3A_110] : memref<12288xf32, #tpu.memory_space<vmem>> -> memref<4096xf32, #tpu.memory_space<vmem>>
        tpu.wait_dma2 semaphore(%run_scoped3A : memref<!tpu.dma_semaphore, #tpu.memory_space<semaphore_mem>>) src(%dma_wait3A_111 : memref<4096xf32, #tpu.memory_space<vmem>>) dst(%dma_wait3A_109 : memref<4096xf32, #tpu.memory_space<hbm>>)
        tpu.yield
      }) : () -> ()
      %mul3A_86 = arith.constant 3 : i32
      %mul3A_87 = arith.muli %select_n3A, %mul3A_86 : i32
      %add3A_88 = arith.constant 1 : i32
      %add3A_89 = arith.addi %mul3A_87, %add3A_88 : i32
      %sub3A_90 = arith.subi %add3A_89, %select_n3A : i32
      %mul3A_91 = arith.constant 262144 : i32
      %mul3A_92 = arith.muli %sub3A_90, %mul3A_91 : i32
      %add3A_93 = arith.addi %mul3A_92, %add3A_51 : i32
      "tpu.region"() ({
        %run_scoped3A = tpu.sem_alloc : memref<!tpu.dma_semaphore, #tpu.memory_space<semaphore_mem>>
        %dma_start3A = arith.constant 4096 : i32
        %dma_start3A_102 = tpu.memref_slice %arg9[%dma_start3A] : memref<12288xf32, #tpu.memory_space<vmem>> -> memref<4096xf32, #tpu.memory_space<vmem>>
        %dma_start3A_103 = tpu.memref_slice %arg5[%add3A_93] : memref<3145728xf32, #tpu.memory_space<hbm>> -> memref<4096xf32, #tpu.memory_space<hbm>>
        %dma_start3A_104 = tpu.memref_slice %arg5[%add3A_93] : memref<3145728xf32, #tpu.memory_space<hbm>> -> memref<4096xf32, #tpu.memory_space<hbm>>
        %dma_start3A_105 = arith.constant 4096 : i32
        %dma_start3A_106 = tpu.memref_slice %arg9[%dma_start3A_105] : memref<12288xf32, #tpu.memory_space<vmem>> -> memref<4096xf32, #tpu.memory_space<vmem>>
        tpu.enqueue_dma source(%dma_start3A_106 : memref<4096xf32, #tpu.memory_space<vmem>>) target(%dma_start3A_104 : memref<4096xf32, #tpu.memory_space<hbm>>) target_semaphore(%run_scoped3A : memref<!tpu.dma_semaphore, #tpu.memory_space<semaphore_mem>>)
        %dma_wait3A = arith.constant 4096 : i32
        %dma_wait3A_107 = tpu.memref_slice %arg9[%dma_wait3A] : memref<12288xf32, #tpu.memory_space<vmem>> -> memref<4096xf32, #tpu.memory_space<vmem>>
        %dma_wait3A_108 = tpu.memref_slice %arg5[%add3A_93] : memref<3145728xf32, #tpu.memory_space<hbm>> -> memref<4096xf32, #tpu.memory_space<hbm>>
        %dma_wait3A_109 = tpu.memref_slice %arg5[%add3A_93] : memref<3145728xf32, #tpu.memory_space<hbm>> -> memref<4096xf32, #tpu.memory_space<hbm>>
        %dma_wait3A_110 = arith.constant 4096 : i32
        %dma_wait3A_111 = tpu.memref_slice %arg9[%dma_wait3A_110] : memref<12288xf32, #tpu.memory_space<vmem>> -> memref<4096xf32, #tpu.memory_space<vmem>>
        tpu.wait_dma2 semaphore(%run_scoped3A : memref<!tpu.dma_semaphore, #tpu.memory_space<semaphore_mem>>) src(%dma_wait3A_111 : memref<4096xf32, #tpu.memory_space<vmem>>) dst(%dma_wait3A_109 : memref<4096xf32, #tpu.memory_space<hbm>>)
        tpu.yield
      }) : () -> ()
      %mul3A_94 = arith.constant 3 : i32
      %mul3A_95 = arith.muli %select_n3A, %mul3A_94 : i32
      %add3A_96 = arith.constant 2 : i32
      %add3A_97 = arith.addi %mul3A_95, %add3A_96 : i32
      %sub3A_98 = arith.subi %add3A_97, %select_n3A : i32
      %mul3A_99 = arith.constant 262144 : i32
      %mul3A_100 = arith.muli %sub3A_98, %mul3A_99 : i32
      %add3A_101 = arith.addi %mul3A_100, %add3A_51 : i32
      "tpu.region"() ({
        %run_scoped3A = tpu.sem_alloc : memref<!tpu.dma_semaphore, #tpu.memory_space<semaphore_mem>>
        %dma_start3A = arith.constant 8192 : i32
        %dma_start3A_102 = tpu.memref_slice %arg9[%dma_start3A] : memref<12288xf32, #tpu.memory_space<vmem>> -> memref<4096xf32, #tpu.memory_space<vmem>>
        %dma_start3A_103 = tpu.memref_slice %arg5[%add3A_101] : memref<3145728xf32, #tpu.memory_space<hbm>> -> memref<4096xf32, #tpu.memory_space<hbm>>
        %dma_start3A_104 = tpu.memref_slice %arg5[%add3A_101] : memref<3145728xf32, #tpu.memory_space<hbm>> -> memref<4096xf32, #tpu.memory_space<hbm>>
        %dma_start3A_105 = arith.constant 8192 : i32
        %dma_start3A_106 = tpu.memref_slice %arg9[%dma_start3A_105] : memref<12288xf32, #tpu.memory_space<vmem>> -> memref<4096xf32, #tpu.memory_space<vmem>>
        tpu.enqueue_dma source(%dma_start3A_106 : memref<4096xf32, #tpu.memory_space<vmem>>) target(%dma_start3A_104 : memref<4096xf32, #tpu.memory_space<hbm>>) target_semaphore(%run_scoped3A : memref<!tpu.dma_semaphore, #tpu.memory_space<semaphore_mem>>)
        %dma_wait3A = arith.constant 8192 : i32
        %dma_wait3A_107 = tpu.memref_slice %arg9[%dma_wait3A] : memref<12288xf32, #tpu.memory_space<vmem>> -> memref<4096xf32, #tpu.memory_space<vmem>>
        %dma_wait3A_108 = tpu.memref_slice %arg5[%add3A_101] : memref<3145728xf32, #tpu.memory_space<hbm>> -> memref<4096xf32, #tpu.memory_space<hbm>>
        %dma_wait3A_109 = tpu.memref_slice %arg5[%add3A_101] : memref<3145728xf32, #tpu.memory_space<hbm>> -> memref<4096xf32, #tpu.memory_space<hbm>>
        %dma_wait3A_110 = arith.constant 8192 : i32
        %dma_wait3A_111 = tpu.memref_slice %arg9[%dma_wait3A_110] : memref<12288xf32, #tpu.memory_space<vmem>> -> memref<4096xf32, #tpu.memory_space<vmem>>
        tpu.wait_dma2 semaphore(%run_scoped3A : memref<!tpu.dma_semaphore, #tpu.memory_space<semaphore_mem>>) src(%dma_wait3A_111 : memref<4096xf32, #tpu.memory_space<vmem>>) dst(%dma_wait3A_109 : memref<4096xf32, #tpu.memory_space<hbm>>)
        tpu.yield
      }) : () -> ()
    }
    %scan3A_42 = arith.constant 8 : i32
    return
  }
}

module attributes {stable_mosaic.version = 14 : i64} {
  func.func @_conv_body(%arg0: i32, %arg1: memref<1x3x512x512xf32, #tpu.memory_space<vmem>>, %arg2: memref<1x16x1536xf32, #tpu.memory_space<vmem>>, %arg3: memref<3x3x3x3xf32, #tpu.memory_space<smem>>, %arg4: memref<3xf32, #tpu.memory_space<smem>>, %arg5: memref<1x3x512x512xf32, #tpu.memory_space<vmem>>, %arg6: memref<1x512x1536xf32, #tpu.memory_space<vmem>>) attributes {dimension_semantics = [#tpu.dimension_semantics<arbitrary>], iteration_bounds = array<i64: 4>, scalar_prefetch = 0 : i64, scratch_operands = 0 : i64, tpu.core_type = #tpu.core_type<tc>, window_params = [{transform_indices = @transform_0, window_bounds = array<i64: 1, 3, 512, 512>}, {transform_indices = @transform_1, window_bounds = array<i64: 1, 16, 1536>}, {transform_indices = @transform_2, window_bounds = array<i64: 3, 3, 3, 3>}, {transform_indices = @transform_3, window_bounds = array<i64: 3>}, {transform_indices = @transform_4, window_bounds = array<i64: 1, 3, 512, 512>}, {transform_indices = @transform_5, window_bounds = array<i64: 1, 512, 1536>}]} {
    %iota3A = tpu.iota {dimensions = array<i32: 0>} : vector<512x1xi32>
    %convert_element_type3A = arith.sitofp %iota3A : vector<512x1xi32> to vector<512x1xf32>
    %add3A = arith.constant 5.000000e-01 : f32
    %add3A_0 = vector.broadcast %add3A : f32 to vector<512x1xf32>
    %add3A_1 = arith.addf %convert_element_type3A, %add3A_0 : vector<512x1xf32>
    %mul3A = arith.constant 3.125000e-02 : f32
    %mul3A_2 = vector.broadcast %mul3A : f32 to vector<512x1xf32>
    %mul3A_3 = arith.mulf %add3A_1, %mul3A_2 : vector<512x1xf32>
    %sub3A = arith.constant 5.000000e-01 : f32
    %sub3A_4 = vector.broadcast %sub3A : f32 to vector<512x1xf32>
    %sub3A_5 = arith.subf %mul3A_3, %sub3A_4 : vector<512x1xf32>
    %sub3A_6 = arith.constant 5.000000e-01 : f32
    %sub3A_7 = vector.broadcast %sub3A_6 : f32 to vector<512x1xf32>
    %sub3A_8 = arith.subf %mul3A_3, %sub3A_7 : vector<512x1xf32>
    %floor3A = math.floor %sub3A_8 : vector<512x1xf32>
    %sub3A_9 = arith.subf %sub3A_5, %floor3A : vector<512x1xf32>
    %slice3A = vector.extract_strided_slice %sub3A_9 {offsets = [0, 0], sizes = [16, 1], strides = [1, 1]} : vector<512x1xf32> to vector<16x1xf32>
    %get3A = arith.constant 0 : index
    %get3A_10 = arith.constant 0 : index
    %get3A_11 = arith.constant 0 : index
    %get3A_12 = vector.load %arg2[%get3A, %get3A_10, %get3A_11] : memref<1x16x1536xf32, #tpu.memory_space<vmem>>, vector<1x1x1536xf32>
    %get3A_13 = vector.shape_cast %get3A_12 : vector<1x1x1536xf32> to vector<1536xf32>
    %get3A_14 = arith.constant 0 : index
    %get3A_15 = arith.constant 0 : index
    %get3A_16 = arith.constant 0 : index
    %get3A_17 = vector.load %arg2[%get3A_14, %get3A_15, %get3A_16] : memref<1x16x1536xf32, #tpu.memory_space<vmem>>, vector<1x1x1536xf32>
    %get3A_18 = vector.shape_cast %get3A_17 : vector<1x1x1536xf32> to vector<1536xf32>
    %broadcast_in_dim3A = vector.shape_cast %get3A_13 : vector<1536xf32> to vector<1x1536xf32>
    %sub3A_19 = arith.constant 1.000000e+00 : f32
    %sub3A_20 = vector.broadcast %sub3A_19 : f32 to vector<16x1xf32>
    %sub3A_21 = arith.subf %sub3A_20, %slice3A : vector<16x1xf32>
    %mul3A_22 = vector.broadcast %broadcast_in_dim3A : vector<1x1536xf32> to vector<16x1536xf32>
    %mul3A_23 = vector.broadcast %sub3A_21 : vector<16x1xf32> to vector<16x1536xf32>
    %mul3A_24 = arith.mulf %mul3A_22, %mul3A_23 : vector<16x1536xf32>
    %broadcast_in_dim3A_25 = vector.shape_cast %get3A_18 : vector<1536xf32> to vector<1x1536xf32>
    %mul3A_26 = vector.broadcast %broadcast_in_dim3A_25 : vector<1x1536xf32> to vector<16x1536xf32>
    %mul3A_27 = vector.broadcast %slice3A : vector<16x1xf32> to vector<16x1536xf32>
    %mul3A_28 = arith.mulf %mul3A_26, %mul3A_27 : vector<16x1536xf32>
    %add3A_29 = arith.addf %mul3A_24, %mul3A_28 : vector<16x1536xf32>
    %swap3A = arith.constant 0 : index
    %swap3A_30 = arith.constant 0 : index
    %swap3A_31 = arith.constant 0 : index
    %swap3A_32 = vector.load %arg6[%swap3A, %swap3A_30, %swap3A_31] : memref<1x512x1536xf32, #tpu.memory_space<vmem>>, vector<1x16x1536xf32>
    %swap3A_33 = vector.shape_cast %swap3A_32 : vector<1x16x1536xf32> to vector<16x1536xf32>
    %swap3A_34 = vector.shape_cast %add3A_29 : vector<16x1536xf32> to vector<1x16x1536xf32>
    tpu.vector_store %arg6[%swap3A, %swap3A_30, %swap3A_31], %swap3A_34 {strides = array<i32>} : memref<1x512x1536xf32, #tpu.memory_space<vmem>>, vector<1x16x1536xf32>,
    %slice3A_35 = vector.extract_strided_slice %sub3A_9 {offsets = [16, 0], sizes = [16, 1], strides = [1, 1]} : vector<512x1xf32> to vector<16x1xf32>
    %get3A_36 = arith.constant 0 : index
    %get3A_37 = arith.constant 0 : index
    %get3A_38 = arith.constant 0 : index
    %get3A_39 = vector.load %arg2[%get3A_36, %get3A_37, %get3A_38] : memref<1x16x1536xf32, #tpu.memory_space<vmem>>, vector<1x1x1536xf32>
    %get3A_40 = vector.shape_cast %get3A_39 : vector<1x1x1536xf32> to vector<1536xf32>
    %get3A_41 = arith.constant 0 : index
    %get3A_42 = arith.constant 1 : index
    %get3A_43 = arith.constant 0 : index
    %get3A_44 = vector.load %arg2[%get3A_41, %get3A_42, %get3A_43] : memref<1x16x1536xf32, #tpu.memory_space<vmem>>, vector<1x1x1536xf32>
    %get3A_45 = vector.shape_cast %get3A_44 : vector<1x1x1536xf32> to vector<1536xf32>
    %broadcast_in_dim3A_46 = vector.shape_cast %get3A_40 : vector<1536xf32> to vector<1x1536xf32>
    %sub3A_47 = arith.constant 1.000000e+00 : f32
    %sub3A_48 = vector.broadcast %sub3A_47 : f32 to vector<16x1xf32>
    %sub3A_49 = arith.subf %sub3A_48, %slice3A_35 : vector<16x1xf32>
    %mul3A_50 = vector.broadcast %broadcast_in_dim3A_46 : vector<1x1536xf32> to vector<16x1536xf32>
    %mul3A_51 = vector.broadcast %sub3A_49 : vector<16x1xf32> to vector<16x1536xf32>
    %mul3A_52 = arith.mulf %mul3A_50, %mul3A_51 : vector<16x1536xf32>
    %broadcast_in_dim3A_53 = vector.shape_cast %get3A_45 : vector<1536xf32> to vector<1x1536xf32>
    %mul3A_54 = vector.broadcast %broadcast_in_dim3A_53 : vector<1x1536xf32> to vector<16x1536xf32>
    %mul3A_55 = vector.broadcast %slice3A_35 : vector<16x1xf32> to vector<16x1536xf32>
    %mul3A_56 = arith.mulf %mul3A_54, %mul3A_55 : vector<16x1536xf32>
    %add3A_57 = arith.addf %mul3A_52, %mul3A_56 : vector<16x1536xf32>
    %swap3A_58 = arith.constant 0 : index
    %swap3A_59 = arith.constant 16 : index
    %swap3A_60 = arith.constant 0 : index
    %swap3A_61 = vector.load %arg6[%swap3A_58, %swap3A_59, %swap3A_60] : memref<1x512x1536xf32, #tpu.memory_space<vmem>>, vector<1x16x1536xf32>
    %swap3A_62 = vector.shape_cast %swap3A_61 : vector<1x16x1536xf32> to vector<16x1536xf32>
    %swap3A_63 = vector.shape_cast %add3A_57 : vector<16x1536xf32> to vector<1x16x1536xf32>
    tpu.vector_store %arg6[%swap3A_58, %swap3A_59, %swap3A_60], %swap3A_63 {strides = array<i32>} : memref<1x512x1536xf32, #tpu.memory_space<vmem>>, vector<1x16x1536xf32>,
    %slice3A_64 = vector.extract_strided_slice %sub3A_9 {offsets = [32, 0], sizes = [16, 1], strides = [1, 1]} : vector<512x1xf32> to vector<16x1xf32>
    %get3A_65 = arith.constant 0 : index
    %get3A_66 = arith.constant 0 : index
    %get3A_67 = arith.constant 0 : index
    %get3A_68 = vector.load %arg2[%get3A_65, %get3A_66, %get3A_67] : memref<1x16x1536xf32, #tpu.memory_space<vmem>>, vector<1x1x1536xf32>
    %get3A_69 = vector.shape_cast %get3A_68 : vector<1x1x1536xf32> to vector<1536xf32>
    %get3A_70 = arith.constant 0 : index
    %get3A_71 = arith.constant 1 : index
    %get3A_72 = arith.constant 0 : index
    %get3A_73 = vector.load %arg2[%get3A_70, %get3A_71, %get3A_72] : memref<1x16x1536xf32, #tpu.memory_space<vmem>>, vector<1x1x1536xf32>
    %get3A_74 = vector.shape_cast %get3A_73 : vector<1x1x1536xf32> to vector<1536xf32>
    %broadcast_in_dim3A_75 = vector.shape_cast %get3A_69 : vector<1536xf32> to vector<1x1536xf32>
    %sub3A_76 = arith.constant 1.000000e+00 : f32
    %sub3A_77 = vector.broadcast %sub3A_76 : f32 to vector<16x1xf32>
    %sub3A_78 = arith.subf %sub3A_77, %slice3A_64 : vector<16x1xf32>
    %mul3A_79 = vector.broadcast %broadcast_in_dim3A_75 : vector<1x1536xf32> to vector<16x1536xf32>
    %mul3A_80 = vector.broadcast %sub3A_78 : vector<16x1xf32> to vector<16x1536xf32>
    %mul3A_81 = arith.mulf %mul3A_79, %mul3A_80 : vector<16x1536xf32>
    %broadcast_in_dim3A_82 = vector.shape_cast %get3A_74 : vector<1536xf32> to vector<1x1536xf32>
    %mul3A_83 = vector.broadcast %broadcast_in_dim3A_82 : vector<1x1536xf32> to vector<16x1536xf32>
    %mul3A_84 = vector.broadcast %slice3A_64 : vector<16x1xf32> to vector<16x1536xf32>
    %mul3A_85 = arith.mulf %mul3A_83, %mul3A_84 : vector<16x1536xf32>
    %add3A_86 = arith.addf %mul3A_81, %mul3A_85 : vector<16x1536xf32>
    %swap3A_87 = arith.constant 0 : index
    %swap3A_88 = arith.constant 32 : index
    %swap3A_89 = arith.constant 0 : index
    %swap3A_90 = vector.load %arg6[%swap3A_87, %swap3A_88, %swap3A_89] : memref<1x512x1536xf32, #tpu.memory_space<vmem>>, vector<1x16x1536xf32>
    %swap3A_91 = vector.shape_cast %swap3A_90 : vector<1x16x1536xf32> to vector<16x1536xf32>
    %swap3A_92 = vector.shape_cast %add3A_86 : vector<16x1536xf32> to vector<1x16x1536xf32>
    tpu.vector_store %arg6[%swap3A_87, %swap3A_88, %swap3A_89], %swap3A_92 {strides = array<i32>} : memref<1x512x1536xf32, #tpu.memory_space<vmem>>, vector<1x16x1536xf32>,
    %slice3A_93 = vector.extract_strided_slice %sub3A_9 {offsets = [48, 0], sizes = [16, 1], strides = [1, 1]} : vector<512x1xf32> to vector<16x1xf32>
    %get3A_94 = arith.constant 0 : index
    %get3A_95 = arith.constant 1 : index
    %get3A_96 = arith.constant 0 : index
    %get3A_97 = vector.load %arg2[%get3A_94, %get3A_95, %get3A_96] : memref<1x16x1536xf32, #tpu.memory_space<vmem>>, vector<1x1x1536xf32>
    %get3A_98 = vector.shape_cast %get3A_97 : vector<1x1x1536xf32> to vector<1536xf32>
    %get3A_99 = arith.constant 0 : index
    %get3A_100 = arith.constant 2 : index
    %get3A_101 = arith.constant 0 : index
    %get3A_102 = vector.load %arg2[%get3A_99, %get3A_100, %get3A_101] : memref<1x16x1536xf32, #tpu.memory_space<vmem>>, vector<1x1x1536xf32>
    %get3A_103 = vector.shape_cast %get3A_102 : vector<1x1x1536xf32> to vector<1536xf32>
    %broadcast_in_dim3A_104 = vector.shape_cast %get3A_98 : vector<1536xf32> to vector<1x1536xf32>
    %sub3A_105 = arith.constant 1.000000e+00 : f32
    %sub3A_106 = vector.broadcast %sub3A_105 : f32 to vector<16x1xf32>
    %sub3A_107 = arith.subf %sub3A_106, %slice3A_93 : vector<16x1xf32>
    %mul3A_108 = vector.broadcast %broadcast_in_dim3A_104 : vector<1x1536xf32> to vector<16x1536xf32>
    %mul3A_109 = vector.broadcast %sub3A_107 : vector<16x1xf32> to vector<16x1536xf32>
    %mul3A_110 = arith.mulf %mul3A_108, %mul3A_109 : vector<16x1536xf32>
    %broadcast_in_dim3A_111 = vector.shape_cast %get3A_103 : vector<1536xf32> to vector<1x1536xf32>
    %mul3A_112 = vector.broadcast %broadcast_in_dim3A_111 : vector<1x1536xf32> to vector<16x1536xf32>
    %mul3A_113 = vector.broadcast %slice3A_93 : vector<16x1xf32> to vector<16x1536xf32>
    %mul3A_114 = arith.mulf %mul3A_112, %mul3A_113 : vector<16x1536xf32>
    %add3A_115 = arith.addf %mul3A_110, %mul3A_114 : vector<16x1536xf32>
    %swap3A_116 = arith.constant 0 : index
    %swap3A_117 = arith.constant 48 : index
    %swap3A_118 = arith.constant 0 : index
    %swap3A_119 = vector.load %arg6[%swap3A_116, %swap3A_117, %swap3A_118] : memref<1x512x1536xf32, #tpu.memory_space<vmem>>, vector<1x16x1536xf32>
    %swap3A_120 = vector.shape_cast %swap3A_119 : vector<1x16x1536xf32> to vector<16x1536xf32>
    %swap3A_121 = vector.shape_cast %add3A_115 : vector<16x1536xf32> to vector<1x16x1536xf32>
    tpu.vector_store %arg6[%swap3A_116, %swap3A_117, %swap3A_118], %swap3A_121 {strides = array<i32>} : memref<1x512x1536xf32, #tpu.memory_space<vmem>>, vector<1x16x1536xf32>,
    %slice3A_122 = vector.extract_strided_slice %sub3A_9 {offsets = [64, 0], sizes = [16, 1], strides = [1, 1]} : vector<512x1xf32> to vector<16x1xf32>
    %get3A_123 = arith.constant 0 : index
    %get3A_124 = arith.constant 1 : index
    %get3A_125 = arith.constant 0 : index
    %get3A_126 = vector.load %arg2[%get3A_123, %get3A_124, %get3A_125] : memref<1x16x1536xf32, #tpu.memory_space<vmem>>, vector<1x1x1536xf32>
    %get3A_127 = vector.shape_cast %get3A_126 : vector<1x1x1536xf32> to vector<1536xf32>
    %get3A_128 = arith.constant 0 : index
    %get3A_129 = arith.constant 2 : index
    %get3A_130 = arith.constant 0 : index
    %get3A_131 = vector.load %arg2[%get3A_128, %get3A_129, %get3A_130] : memref<1x16x1536xf32, #tpu.memory_space<vmem>>, vector<1x1x1536xf32>
    %get3A_132 = vector.shape_cast %get3A_131 : vector<1x1x1536xf32> to vector<1536xf32>
    %broadcast_in_dim3A_133 = vector.shape_cast %get3A_127 : vector<1536xf32> to vector<1x1536xf32>
    %sub3A_134 = arith.constant 1.000000e+00 : f32
    %sub3A_135 = vector.broadcast %sub3A_134 : f32 to vector<16x1xf32>
    %sub3A_136 = arith.subf %sub3A_135, %slice3A_122 : vector<16x1xf32>
    %mul3A_137 = vector.broadcast %broadcast_in_dim3A_133 : vector<1x1536xf32> to vector<16x1536xf32>
    %mul3A_138 = vector.broadcast %sub3A_136 : vector<16x1xf32> to vector<16x1536xf32>
    %mul3A_139 = arith.mulf %mul3A_137, %mul3A_138 : vector<16x1536xf32>
    %broadcast_in_dim3A_140 = vector.shape_cast %get3A_132 : vector<1536xf32> to vector<1x1536xf32>
    %mul3A_141 = vector.broadcast %broadcast_in_dim3A_140 : vector<1x1536xf32> to vector<16x1536xf32>
    %mul3A_142 = vector.broadcast %slice3A_122 : vector<16x1xf32> to vector<16x1536xf32>
    %mul3A_143 = arith.mulf %mul3A_141, %mul3A_142 : vector<16x1536xf32>
    %add3A_144 = arith.addf %mul3A_139, %mul3A_143 : vector<16x1536xf32>
    %swap3A_145 = arith.constant 0 : index
    %swap3A_146 = arith.constant 64 : index
    %swap3A_147 = arith.constant 0 : index
    %swap3A_148 = vector.load %arg6[%swap3A_145, %swap3A_146, %swap3A_147] : memref<1x512x1536xf32, #tpu.memory_space<vmem>>, vector<1x16x1536xf32>
    %swap3A_149 = vector.shape_cast %swap3A_148 : vector<1x16x1536xf32> to vector<16x1536xf32>
    %swap3A_150 = vector.shape_cast %add3A_144 : vector<16x1536xf32> to vector<1x16x1536xf32>
    tpu.vector_store %arg6[%swap3A_145, %swap3A_146, %swap3A_147], %swap3A_150 {strides = array<i32>} : memref<1x512x1536xf32, #tpu.memory_space<vmem>>, vector<1x16x1536xf32>,
    %slice3A_151 = vector.extract_strided_slice %sub3A_9 {offsets = [80, 0], sizes = [16, 1], strides = [1, 1]} : vector<512x1xf32> to vector<16x1xf32>
    %get3A_152 = arith.constant 0 : index
    %get3A_153 = arith.constant 2 : index
    %get3A_154 = arith.constant 0 : index
    %get3A_155 = vector.load %arg2[%get3A_152, %get3A_153, %get3A_154] : memref<1x16x1536xf32, #tpu.memory_space<vmem>>, vector<1x1x1536xf32>
    %get3A_156 = vector.shape_cast %get3A_155 : vector<1x1x1536xf32> to vector<1536xf32>
    %get3A_157 = arith.constant 0 : index
    %get3A_158 = arith.constant 3 : index
    %get3A_159 = arith.constant 0 : index
    %get3A_160 = vector.load %arg2[%get3A_157, %get3A_158, %get3A_159] : memref<1x16x1536xf32, #tpu.memory_space<vmem>>, vector<1x1x1536xf32>
    %get3A_161 = vector.shape_cast %get3A_160 : vector<1x1x1536xf32> to vector<1536xf32>
    %broadcast_in_dim3A_162 = vector.shape_cast %get3A_156 : vector<1536xf32> to vector<1x1536xf32>
    %sub3A_163 = arith.constant 1.000000e+00 : f32
    %sub3A_164 = vector.broadcast %sub3A_163 : f32 to vector<16x1xf32>
    %sub3A_165 = arith.subf %sub3A_164, %slice3A_151 : vector<16x1xf32>
    %mul3A_166 = vector.broadcast %broadcast_in_dim3A_162 : vector<1x1536xf32> to vector<16x1536xf32>
    %mul3A_167 = vector.broadcast %sub3A_165 : vector<16x1xf32> to vector<16x1536xf32>
    %mul3A_168 = arith.mulf %mul3A_166, %mul3A_167 : vector<16x1536xf32>
    %broadcast_in_dim3A_169 = vector.shape_cast %get3A_161 : vector<1536xf32> to vector<1x1536xf32>
    %mul3A_170 = vector.broadcast %broadcast_in_dim3A_169 : vector<1x1536xf32> to vector<16x1536xf32>
    %mul3A_171 = vector.broadcast %slice3A_151 : vector<16x1xf32> to vector<16x1536xf32>
    %mul3A_172 = arith.mulf %mul3A_170, %mul3A_171 : vector<16x1536xf32>
    %add3A_173 = arith.addf %mul3A_168, %mul3A_172 : vector<16x1536xf32>
    %swap3A_174 = arith.constant 0 : index
    %swap3A_175 = arith.constant 80 : index
    %swap3A_176 = arith.constant 0 : index
    %swap3A_177 = vector.load %arg6[%swap3A_174, %swap3A_175, %swap3A_176] : memref<1x512x1536xf32, #tpu.memory_space<vmem>>, vector<1x16x1536xf32>
    %swap3A_178 = vector.shape_cast %swap3A_177 : vector<1x16x1536xf32> to vector<16x1536xf32>
    %swap3A_179 = vector.shape_cast %add3A_173 : vector<16x1536xf32> to vector<1x16x1536xf32>
    tpu.vector_store %arg6[%swap3A_174, %swap3A_175, %swap3A_176], %swap3A_179 {strides = array<i32>} : memref<1x512x1536xf32, #tpu.memory_space<vmem>>, vector<1x16x1536xf32>,
    %slice3A_180 = vector.extract_strided_slice %sub3A_9 {offsets = [96, 0], sizes = [16, 1], strides = [1, 1]} : vector<512x1xf32> to vector<16x1xf32>
    %get3A_181 = arith.constant 0 : index
    %get3A_182 = arith.constant 2 : index
    %get3A_183 = arith.constant 0 : index
    %get3A_184 = vector.load %arg2[%get3A_181, %get3A_182, %get3A_183] : memref<1x16x1536xf32, #tpu.memory_space<vmem>>, vector<1x1x1536xf32>
    %get3A_185 = vector.shape_cast %get3A_184 : vector<1x1x1536xf32> to vector<1536xf32>
    %get3A_186 = arith.constant 0 : index
    %get3A_187 = arith.constant 3 : index
    %get3A_188 = arith.constant 0 : index
    %get3A_189 = vector.load %arg2[%get3A_186, %get3A_187, %get3A_188] : memref<1x16x1536xf32, #tpu.memory_space<vmem>>, vector<1x1x1536xf32>
    %get3A_190 = vector.shape_cast %get3A_189 : vector<1x1x1536xf32> to vector<1536xf32>
    %broadcast_in_dim3A_191 = vector.shape_cast %get3A_185 : vector<1536xf32> to vector<1x1536xf32>
    %sub3A_192 = arith.constant 1.000000e+00 : f32
    %sub3A_193 = vector.broadcast %sub3A_192 : f32 to vector<16x1xf32>
    %sub3A_194 = arith.subf %sub3A_193, %slice3A_180 : vector<16x1xf32>
    %mul3A_195 = vector.broadcast %broadcast_in_dim3A_191 : vector<1x1536xf32> to vector<16x1536xf32>
    %mul3A_196 = vector.broadcast %sub3A_194 : vector<16x1xf32> to vector<16x1536xf32>
    %mul3A_197 = arith.mulf %mul3A_195, %mul3A_196 : vector<16x1536xf32>
    %broadcast_in_dim3A_198 = vector.shape_cast %get3A_190 : vector<1536xf32> to vector<1x1536xf32>
    %mul3A_199 = vector.broadcast %broadcast_in_dim3A_198 : vector<1x1536xf32> to vector<16x1536xf32>
    %mul3A_200 = vector.broadcast %slice3A_180 : vector<16x1xf32> to vector<16x1536xf32>
    %mul3A_201 = arith.mulf %mul3A_199, %mul3A_200 : vector<16x1536xf32>
    %add3A_202 = arith.addf %mul3A_197, %mul3A_201 : vector<16x1536xf32>
    %swap3A_203 = arith.constant 0 : index
    %swap3A_204 = arith.constant 96 : index
    %swap3A_205 = arith.constant 0 : index
    %swap3A_206 = vector.load %arg6[%swap3A_203, %swap3A_204, %swap3A_205] : memref<1x512x1536xf32, #tpu.memory_space<vmem>>, vector<1x16x1536xf32>
    %swap3A_207 = vector.shape_cast %swap3A_206 : vector<1x16x1536xf32> to vector<16x1536xf32>
    %swap3A_208 = vector.shape_cast %add3A_202 : vector<16x1536xf32> to vector<1x16x1536xf32>
    tpu.vector_store %arg6[%swap3A_203, %swap3A_204, %swap3A_205], %swap3A_208 {strides = array<i32>} : memref<1x512x1536xf32, #tpu.memory_space<vmem>>, vector<1x16x1536xf32>,
    %slice3A_209 = vector.extract_strided_slice %sub3A_9 {offsets = [112, 0], sizes = [16, 1], strides = [1, 1]} : vector<512x1xf32> to vector<16x1xf32>
    %get3A_210 = arith.constant 0 : index
    %get3A_211 = arith.constant 3 : index
    %get3A_212 = arith.constant 0 : index
    %get3A_213 = vector.load %arg2[%get3A_210, %get3A_211, %get3A_212] : memref<1x16x1536xf32, #tpu.memory_space<vmem>>, vector<1x1x1536xf32>
    %get3A_214 = vector.shape_cast %get3A_213 : vector<1x1x1536xf32> to vector<1536xf32>
    %get3A_215 = arith.constant 0 : index
    %get3A_216 = arith.constant 4 : index
    %get3A_217 = arith.constant 0 : index
    %get3A_218 = vector.load %arg2[%get3A_215, %get3A_216, %get3A_217] : memref<1x16x1536xf32, #tpu.memory_space<vmem>>, vector<1x1x1536xf32>
    %get3A_219 = vector.shape_cast %get3A_218 : vector<1x1x1536xf32> to vector<1536xf32>
    %broadcast_in_dim3A_220 = vector.shape_cast %get3A_214 : vector<1536xf32> to vector<1x1536xf32>
    %sub3A_221 = arith.constant 1.000000e+00 : f32
    %sub3A_222 = vector.broadcast %sub3A_221 : f32 to vector<16x1xf32>
    %sub3A_223 = arith.subf %sub3A_222, %slice3A_209 : vector<16x1xf32>
    %mul3A_224 = vector.broadcast %broadcast_in_dim3A_220 : vector<1x1536xf32> to vector<16x1536xf32>
    %mul3A_225 = vector.broadcast %sub3A_223 : vector<16x1xf32> to vector<16x1536xf32>
    %mul3A_226 = arith.mulf %mul3A_224, %mul3A_225 : vector<16x1536xf32>
    %broadcast_in_dim3A_227 = vector.shape_cast %get3A_219 : vector<1536xf32> to vector<1x1536xf32>
    %mul3A_228 = vector.broadcast %broadcast_in_dim3A_227 : vector<1x1536xf32> to vector<16x1536xf32>
    %mul3A_229 = vector.broadcast %slice3A_209 : vector<16x1xf32> to vector<16x1536xf32>
    %mul3A_230 = arith.mulf %mul3A_228, %mul3A_229 : vector<16x1536xf32>
    %add3A_231 = arith.addf %mul3A_226, %mul3A_230 : vector<16x1536xf32>
    %swap3A_232 = arith.constant 0 : index
    %swap3A_233 = arith.constant 112 : index
    %swap3A_234 = arith.constant 0 : index
    %swap3A_235 = vector.load %arg6[%swap3A_232, %swap3A_233, %swap3A_234] : memref<1x512x1536xf32, #tpu.memory_space<vmem>>, vector<1x16x1536xf32>
    %swap3A_236 = vector.shape_cast %swap3A_235 : vector<1x16x1536xf32> to vector<16x1536xf32>
    %swap3A_237 = vector.shape_cast %add3A_231 : vector<16x1536xf32> to vector<1x16x1536xf32>
    tpu.vector_store %arg6[%swap3A_232, %swap3A_233, %swap3A_234], %swap3A_237 {strides = array<i32>} : memref<1x512x1536xf32, #tpu.memory_space<vmem>>, vector<1x16x1536xf32>,
    %slice3A_238 = vector.extract_strided_slice %sub3A_9 {offsets = [128, 0], sizes = [16, 1], strides = [1, 1]} : vector<512x1xf32> to vector<16x1xf32>
    %get3A_239 = arith.constant 0 : index
    %get3A_240 = arith.constant 3 : index
    %get3A_241 = arith.constant 0 : index
    %get3A_242 = vector.load %arg2[%get3A_239, %get3A_240, %get3A_241] : memref<1x16x1536xf32, #tpu.memory_space<vmem>>, vector<1x1x1536xf32>
    %get3A_243 = vector.shape_cast %get3A_242 : vector<1x1x1536xf32> to vector<1536xf32>
    %get3A_244 = arith.constant 0 : index
    %get3A_245 = arith.constant 4 : index
    %get3A_246 = arith.constant 0 : index
    %get3A_247 = vector.load %arg2[%get3A_244, %get3A_245, %get3A_246] : memref<1x16x1536xf32, #tpu.memory_space<vmem>>, vector<1x1x1536xf32>
    %get3A_248 = vector.shape_cast %get3A_247 : vector<1x1x1536xf32> to vector<1536xf32>
    %broadcast_in_dim3A_249 = vector.shape_cast %get3A_243 : vector<1536xf32> to vector<1x1536xf32>
    %sub3A_250 = arith.constant 1.000000e+00 : f32
    %sub3A_251 = vector.broadcast %sub3A_250 : f32 to vector<16x1xf32>
    %sub3A_252 = arith.subf %sub3A_251, %slice3A_238 : vector<16x1xf32>
    %mul3A_253 = vector.broadcast %broadcast_in_dim3A_249 : vector<1x1536xf32> to vector<16x1536xf32>
    %mul3A_254 = vector.broadcast %sub3A_252 : vector<16x1xf32> to vector<16x1536xf32>
    %mul3A_255 = arith.mulf %mul3A_253, %mul3A_254 : vector<16x1536xf32>
    %broadcast_in_dim3A_256 = vector.shape_cast %get3A_248 : vector<1536xf32> to vector<1x1536xf32>
    %mul3A_257 = vector.broadcast %broadcast_in_dim3A_256 : vector<1x1536xf32> to vector<16x1536xf32>
    %mul3A_258 = vector.broadcast %slice3A_238 : vector<16x1xf32> to vector<16x1536xf32>
    %mul3A_259 = arith.mulf %mul3A_257, %mul3A_258 : vector<16x1536xf32>
    %add3A_260 = arith.addf %mul3A_255, %mul3A_259 : vector<16x1536xf32>
    %swap3A_261 = arith.constant 0 : index
    %swap3A_262 = arith.constant 128 : index
    %swap3A_263 = arith.constant 0 : index
    %swap3A_264 = vector.load %arg6[%swap3A_261, %swap3A_262, %swap3A_263] : memref<1x512x1536xf32, #tpu.memory_space<vmem>>, vector<1x16x1536xf32>
    %swap3A_265 = vector.shape_cast %swap3A_264 : vector<1x16x1536xf32> to vector<16x1536xf32>
    %swap3A_266 = vector.shape_cast %add3A_260 : vector<16x1536xf32> to vector<1x16x1536xf32>
    tpu.vector_store %arg6[%swap3A_261, %swap3A_262, %swap3A_263], %swap3A_266 {strides = array<i32>} : memref<1x512x1536xf32, #tpu.memory_space<vmem>>, vector<1x16x1536xf32>,
    %slice3A_267 = vector.extract_strided_slice %sub3A_9 {offsets = [144, 0], sizes = [16, 1], strides = [1, 1]} : vector<512x1xf32> to vector<16x1xf32>
    %get3A_268 = arith.constant 0 : index
    %get3A_269 = arith.constant 4 : index
    %get3A_270 = arith.constant 0 : index
    %get3A_271 = vector.load %arg2[%get3A_268, %get3A_269, %get3A_270] : memref<1x16x1536xf32, #tpu.memory_space<vmem>>, vector<1x1x1536xf32>
    %get3A_272 = vector.shape_cast %get3A_271 : vector<1x1x1536xf32> to vector<1536xf32>
    %get3A_273 = arith.constant 0 : index
    %get3A_274 = arith.constant 5 : index
    %get3A_275 = arith.constant 0 : index
    %get3A_276 = vector.load %arg2[%get3A_273, %get3A_274, %get3A_275] : memref<1x16x1536xf32, #tpu.memory_space<vmem>>, vector<1x1x1536xf32>
    %get3A_277 = vector.shape_cast %get3A_276 : vector<1x1x1536xf32> to vector<1536xf32>
    %broadcast_in_dim3A_278 = vector.shape_cast %get3A_272 : vector<1536xf32> to vector<1x1536xf32>
    %sub3A_279 = arith.constant 1.000000e+00 : f32
    %sub3A_280 = vector.broadcast %sub3A_279 : f32 to vector<16x1xf32>
    %sub3A_281 = arith.subf %sub3A_280, %slice3A_267 : vector<16x1xf32>
    %mul3A_282 = vector.broadcast %broadcast_in_dim3A_278 : vector<1x1536xf32> to vector<16x1536xf32>
    %mul3A_283 = vector.broadcast %sub3A_281 : vector<16x1xf32> to vector<16x1536xf32>
    %mul3A_284 = arith.mulf %mul3A_282, %mul3A_283 : vector<16x1536xf32>
    %broadcast_in_dim3A_285 = vector.shape_cast %get3A_277 : vector<1536xf32> to vector<1x1536xf32>
    %mul3A_286 = vector.broadcast %broadcast_in_dim3A_285 : vector<1x1536xf32> to vector<16x1536xf32>
    %mul3A_287 = vector.broadcast %slice3A_267 : vector<16x1xf32> to vector<16x1536xf32>
    %mul3A_288 = arith.mulf %mul3A_286, %mul3A_287 : vector<16x1536xf32>
    %add3A_289 = arith.addf %mul3A_284, %mul3A_288 : vector<16x1536xf32>
    %swap3A_290 = arith.constant 0 : index
    %swap3A_291 = arith.constant 144 : index
    %swap3A_292 = arith.constant 0 : index
    %swap3A_293 = vector.load %arg6[%swap3A_290, %swap3A_291, %swap3A_292] : memref<1x512x1536xf32, #tpu.memory_space<vmem>>, vector<1x16x1536xf32>
    %swap3A_294 = vector.shape_cast %swap3A_293 : vector<1x16x1536xf32> to vector<16x1536xf32>
    %swap3A_295 = vector.shape_cast %add3A_289 : vector<16x1536xf32> to vector<1x16x1536xf32>
    tpu.vector_store %arg6[%swap3A_290, %swap3A_291, %swap3A_292], %swap3A_295 {strides = array<i32>} : memref<1x512x1536xf32, #tpu.memory_space<vmem>>, vector<1x16x1536xf32>,
    %slice3A_296 = vector.extract_strided_slice %sub3A_9 {offsets = [160, 0], sizes = [16, 1], strides = [1, 1]} : vector<512x1xf32> to vector<16x1xf32>
    %get3A_297 = arith.constant 0 : index
    %get3A_298 = arith.constant 4 : index
    %get3A_299 = arith.constant 0 : index
    %get3A_300 = vector.load %arg2[%get3A_297, %get3A_298, %get3A_299] : memref<1x16x1536xf32, #tpu.memory_space<vmem>>, vector<1x1x1536xf32>
    %get3A_301 = vector.shape_cast %get3A_300 : vector<1x1x1536xf32> to vector<1536xf32>
    %get3A_302 = arith.constant 0 : index
    %get3A_303 = arith.constant 5 : index
    %get3A_304 = arith.constant 0 : index
    %get3A_305 = vector.load %arg2[%get3A_302, %get3A_303, %get3A_304] : memref<1x16x1536xf32, #tpu.memory_space<vmem>>, vector<1x1x1536xf32>
    %get3A_306 = vector.shape_cast %get3A_305 : vector<1x1x1536xf32> to vector<1536xf32>
    %broadcast_in_dim3A_307 = vector.shape_cast %get3A_301 : vector<1536xf32> to vector<1x1536xf32>
    %sub3A_308 = arith.constant 1.000000e+00 : f32
    %sub3A_309 = vector.broadcast %sub3A_308 : f32 to vector<16x1xf32>
    %sub3A_310 = arith.subf %sub3A_309, %slice3A_296 : vector<16x1xf32>
    %mul3A_311 = vector.broadcast %broadcast_in_dim3A_307 : vector<1x1536xf32> to vector<16x1536xf32>
    %mul3A_312 = vector.broadcast %sub3A_310 : vector<16x1xf32> to vector<16x1536xf32>
    %mul3A_313 = arith.mulf %mul3A_311, %mul3A_312 : vector<16x1536xf32>
    %broadcast_in_dim3A_314 = vector.shape_cast %get3A_306 : vector<1536xf32> to vector<1x1536xf32>
    %mul3A_315 = vector.broadcast %broadcast_in_dim3A_314 : vector<1x1536xf32> to vector<16x1536xf32>
    %mul3A_316 = vector.broadcast %slice3A_296 : vector<16x1xf32> to vector<16x1536xf32>
    %mul3A_317 = arith.mulf %mul3A_315, %mul3A_316 : vector<16x1536xf32>
    %add3A_318 = arith.addf %mul3A_313, %mul3A_317 : vector<16x1536xf32>
    %swap3A_319 = arith.constant 0 : index
    %swap3A_320 = arith.constant 160 : index
    %swap3A_321 = arith.constant 0 : index
    %swap3A_322 = vector.load %arg6[%swap3A_319, %swap3A_320, %swap3A_321] : memref<1x512x1536xf32, #tpu.memory_space<vmem>>, vector<1x16x1536xf32>
    %swap3A_323 = vector.shape_cast %swap3A_322 : vector<1x16x1536xf32> to vector<16x1536xf32>
    %swap3A_324 = vector.shape_cast %add3A_318 : vector<16x1536xf32> to vector<1x16x1536xf32>
    tpu.vector_store %arg6[%swap3A_319, %swap3A_320, %swap3A_321], %swap3A_324 {strides = array<i32>} : memref<1x512x1536xf32, #tpu.memory_space<vmem>>, vector<1x16x1536xf32>,
    %slice3A_325 = vector.extract_strided_slice %sub3A_9 {offsets = [176, 0], sizes = [16, 1], strides = [1, 1]} : vector<512x1xf32> to vector<16x1xf32>
    %get3A_326 = arith.constant 0 : index
    %get3A_327 = arith.constant 5 : index
    %get3A_328 = arith.constant 0 : index
    %get3A_329 = vector.load %arg2[%get3A_326, %get3A_327, %get3A_328] : memref<1x16x1536xf32, #tpu.memory_space<vmem>>, vector<1x1x1536xf32>
    %get3A_330 = vector.shape_cast %get3A_329 : vector<1x1x1536xf32> to vector<1536xf32>
    %get3A_331 = arith.constant 0 : index
    %get3A_332 = arith.constant 6 : index
    %get3A_333 = arith.constant 0 : index
    %get3A_334 = vector.load %arg2[%get3A_331, %get3A_332, %get3A_333] : memref<1x16x1536xf32, #tpu.memory_space<vmem>>, vector<1x1x1536xf32>
    %get3A_335 = vector.shape_cast %get3A_334 : vector<1x1x1536xf32> to vector<1536xf32>
    %broadcast_in_dim3A_336 = vector.shape_cast %get3A_330 : vector<1536xf32> to vector<1x1536xf32>
    %sub3A_337 = arith.constant 1.000000e+00 : f32
    %sub3A_338 = vector.broadcast %sub3A_337 : f32 to vector<16x1xf32>
    %sub3A_339 = arith.subf %sub3A_338, %slice3A_325 : vector<16x1xf32>
    %mul3A_340 = vector.broadcast %broadcast_in_dim3A_336 : vector<1x1536xf32> to vector<16x1536xf32>
    %mul3A_341 = vector.broadcast %sub3A_339 : vector<16x1xf32> to vector<16x1536xf32>
    %mul3A_342 = arith.mulf %mul3A_340, %mul3A_341 : vector<16x1536xf32>
    %broadcast_in_dim3A_343 = vector.shape_cast %get3A_335 : vector<1536xf32> to vector<1x1536xf32>
    %mul3A_344 = vector.broadcast %broadcast_in_dim3A_343 : vector<1x1536xf32> to vector<16x1536xf32>
    %mul3A_345 = vector.broadcast %slice3A_325 : vector<16x1xf32> to vector<16x1536xf32>
    %mul3A_346 = arith.mulf %mul3A_344, %mul3A_345 : vector<16x1536xf32>
    %add3A_347 = arith.addf %mul3A_342, %mul3A_346 : vector<16x1536xf32>
    %swap3A_348 = arith.constant 0 : index
    %swap3A_349 = arith.constant 176 : index
    %swap3A_350 = arith.constant 0 : index
    %swap3A_351 = vector.load %arg6[%swap3A_348, %swap3A_349, %swap3A_350] : memref<1x512x1536xf32, #tpu.memory_space<vmem>>, vector<1x16x1536xf32>
    %swap3A_352 = vector.shape_cast %swap3A_351 : vector<1x16x1536xf32> to vector<16x1536xf32>
    %swap3A_353 = vector.shape_cast %add3A_347 : vector<16x1536xf32> to vector<1x16x1536xf32>
    tpu.vector_store %arg6[%swap3A_348, %swap3A_349, %swap3A_350], %swap3A_353 {strides = array<i32>} : memref<1x512x1536xf32, #tpu.memory_space<vmem>>, vector<1x16x1536xf32>,
    %slice3A_354 = vector.extract_strided_slice %sub3A_9 {offsets = [192, 0], sizes = [16, 1], strides = [1, 1]} : vector<512x1xf32> to vector<16x1xf32>
    %get3A_355 = arith.constant 0 : index
    %get3A_356 = arith.constant 5 : index
    %get3A_357 = arith.constant 0 : index
    %get3A_358 = vector.load %arg2[%get3A_355, %get3A_356, %get3A_357] : memref<1x16x1536xf32, #tpu.memory_space<vmem>>, vector<1x1x1536xf32>
    %get3A_359 = vector.shape_cast %get3A_358 : vector<1x1x1536xf32> to vector<1536xf32>
    %get3A_360 = arith.constant 0 : index
    %get3A_361 = arith.constant 6 : index
    %get3A_362 = arith.constant 0 : index
    %get3A_363 = vector.load %arg2[%get3A_360, %get3A_361, %get3A_362] : memref<1x16x1536xf32, #tpu.memory_space<vmem>>, vector<1x1x1536xf32>
    %get3A_364 = vector.shape_cast %get3A_363 : vector<1x1x1536xf32> to vector<1536xf32>
    %broadcast_in_dim3A_365 = vector.shape_cast %get3A_359 : vector<1536xf32> to vector<1x1536xf32>
    %sub3A_366 = arith.constant 1.000000e+00 : f32
    %sub3A_367 = vector.broadcast %sub3A_366 : f32 to vector<16x1xf32>
    %sub3A_368 = arith.subf %sub3A_367, %slice3A_354 : vector<16x1xf32>
    %mul3A_369 = vector.broadcast %broadcast_in_dim3A_365 : vector<1x1536xf32> to vector<16x1536xf32>
    %mul3A_370 = vector.broadcast %sub3A_368 : vector<16x1xf32> to vector<16x1536xf32>
    %mul3A_371 = arith.mulf %mul3A_369, %mul3A_370 : vector<16x1536xf32>
    %broadcast_in_dim3A_372 = vector.shape_cast %get3A_364 : vector<1536xf32> to vector<1x1536xf32>
    %mul3A_373 = vector.broadcast %broadcast_in_dim3A_372 : vector<1x1536xf32> to vector<16x1536xf32>
    %mul3A_374 = vector.broadcast %slice3A_354 : vector<16x1xf32> to vector<16x1536xf32>
    %mul3A_375 = arith.mulf %mul3A_373, %mul3A_374 : vector<16x1536xf32>
    %add3A_376 = arith.addf %mul3A_371, %mul3A_375 : vector<16x1536xf32>
    %swap3A_377 = arith.constant 0 : index
    %swap3A_378 = arith.constant 192 : index
    %swap3A_379 = arith.constant 0 : index
    %swap3A_380 = vector.load %arg6[%swap3A_377, %swap3A_378, %swap3A_379] : memref<1x512x1536xf32, #tpu.memory_space<vmem>>, vector<1x16x1536xf32>
    %swap3A_381 = vector.shape_cast %swap3A_380 : vector<1x16x1536xf32> to vector<16x1536xf32>
    %swap3A_382 = vector.shape_cast %add3A_376 : vector<16x1536xf32> to vector<1x16x1536xf32>
    tpu.vector_store %arg6[%swap3A_377, %swap3A_378, %swap3A_379], %swap3A_382 {strides = array<i32>} : memref<1x512x1536xf32, #tpu.memory_space<vmem>>, vector<1x16x1536xf32>,
    %slice3A_383 = vector.extract_strided_slice %sub3A_9 {offsets = [208, 0], sizes = [16, 1], strides = [1, 1]} : vector<512x1xf32> to vector<16x1xf32>
    %get3A_384 = arith.constant 0 : index
    %get3A_385 = arith.constant 6 : index
    %get3A_386 = arith.constant 0 : index
    %get3A_387 = vector.load %arg2[%get3A_384, %get3A_385, %get3A_386] : memref<1x16x1536xf32, #tpu.memory_space<vmem>>, vector<1x1x1536xf32>
    %get3A_388 = vector.shape_cast %get3A_387 : vector<1x1x1536xf32> to vector<1536xf32>
    %get3A_389 = arith.constant 0 : index
    %get3A_390 = arith.constant 7 : index
    %get3A_391 = arith.constant 0 : index
    %get3A_392 = vector.load %arg2[%get3A_389, %get3A_390, %get3A_391] : memref<1x16x1536xf32, #tpu.memory_space<vmem>>, vector<1x1x1536xf32>
    %get3A_393 = vector.shape_cast %get3A_392 : vector<1x1x1536xf32> to vector<1536xf32>
    %broadcast_in_dim3A_394 = vector.shape_cast %get3A_388 : vector<1536xf32> to vector<1x1536xf32>
    %sub3A_395 = arith.constant 1.000000e+00 : f32
    %sub3A_396 = vector.broadcast %sub3A_395 : f32 to vector<16x1xf32>
    %sub3A_397 = arith.subf %sub3A_396, %slice3A_383 : vector<16x1xf32>
    %mul3A_398 = vector.broadcast %broadcast_in_dim3A_394 : vector<1x1536xf32> to vector<16x1536xf32>
    %mul3A_399 = vector.broadcast %sub3A_397 : vector<16x1xf32> to vector<16x1536xf32>
    %mul3A_400 = arith.mulf %mul3A_398, %mul3A_399 : vector<16x1536xf32>
    %broadcast_in_dim3A_401 = vector.shape_cast %get3A_393 : vector<1536xf32> to vector<1x1536xf32>
    %mul3A_402 = vector.broadcast %broadcast_in_dim3A_401 : vector<1x1536xf32> to vector<16x1536xf32>
    %mul3A_403 = vector.broadcast %slice3A_383 : vector<16x1xf32> to vector<16x1536xf32>
    %mul3A_404 = arith.mulf %mul3A_402, %mul3A_403 : vector<16x1536xf32>
    %add3A_405 = arith.addf %mul3A_400, %mul3A_404 : vector<16x1536xf32>
    %swap3A_406 = arith.constant 0 : index
    %swap3A_407 = arith.constant 208 : index
    %swap3A_408 = arith.constant 0 : index
    %swap3A_409 = vector.load %arg6[%swap3A_406, %swap3A_407, %swap3A_408] : memref<1x512x1536xf32, #tpu.memory_space<vmem>>, vector<1x16x1536xf32>
    %swap3A_410 = vector.shape_cast %swap3A_409 : vector<1x16x1536xf32> to vector<16x1536xf32>
    %swap3A_411 = vector.shape_cast %add3A_405 : vector<16x1536xf32> to vector<1x16x1536xf32>
    tpu.vector_store %arg6[%swap3A_406, %swap3A_407, %swap3A_408], %swap3A_411 {strides = array<i32>} : memref<1x512x1536xf32, #tpu.memory_space<vmem>>, vector<1x16x1536xf32>,
    %slice3A_412 = vector.extract_strided_slice %sub3A_9 {offsets = [224, 0], sizes = [16, 1], strides = [1, 1]} : vector<512x1xf32> to vector<16x1xf32>
    %get3A_413 = arith.constant 0 : index
    %get3A_414 = arith.constant 6 : index
    %get3A_415 = arith.constant 0 : index
    %get3A_416 = vector.load %arg2[%get3A_413, %get3A_414, %get3A_415] : memref<1x16x1536xf32, #tpu.memory_space<vmem>>, vector<1x1x1536xf32>
    %get3A_417 = vector.shape_cast %get3A_416 : vector<1x1x1536xf32> to vector<1536xf32>
    %get3A_418 = arith.constant 0 : index
    %get3A_419 = arith.constant 7 : index
    %get3A_420 = arith.constant 0 : index
    %get3A_421 = vector.load %arg2[%get3A_418, %get3A_419, %get3A_420] : memref<1x16x1536xf32, #tpu.memory_space<vmem>>, vector<1x1x1536xf32>
    %get3A_422 = vector.shape_cast %get3A_421 : vector<1x1x1536xf32> to vector<1536xf32>
    %broadcast_in_dim3A_423 = vector.shape_cast %get3A_417 : vector<1536xf32> to vector<1x1536xf32>
    %sub3A_424 = arith.constant 1.000000e+00 : f32
    %sub3A_425 = vector.broadcast %sub3A_424 : f32 to vector<16x1xf32>
    %sub3A_426 = arith.subf %sub3A_425, %slice3A_412 : vector<16x1xf32>
    %mul3A_427 = vector.broadcast %broadcast_in_dim3A_423 : vector<1x1536xf32> to vector<16x1536xf32>
    %mul3A_428 = vector.broadcast %sub3A_426 : vector<16x1xf32> to vector<16x1536xf32>
    %mul3A_429 = arith.mulf %mul3A_427, %mul3A_428 : vector<16x1536xf32>
    %broadcast_in_dim3A_430 = vector.shape_cast %get3A_422 : vector<1536xf32> to vector<1x1536xf32>
    %mul3A_431 = vector.broadcast %broadcast_in_dim3A_430 : vector<1x1536xf32> to vector<16x1536xf32>
    %mul3A_432 = vector.broadcast %slice3A_412 : vector<16x1xf32> to vector<16x1536xf32>
    %mul3A_433 = arith.mulf %mul3A_431, %mul3A_432 : vector<16x1536xf32>
    %add3A_434 = arith.addf %mul3A_429, %mul3A_433 : vector<16x1536xf32>
    %swap3A_435 = arith.constant 0 : index
    %swap3A_436 = arith.constant 224 : index
    %swap3A_437 = arith.constant 0 : index
    %swap3A_438 = vector.load %arg6[%swap3A_435, %swap3A_436, %swap3A_437] : memref<1x512x1536xf32, #tpu.memory_space<vmem>>, vector<1x16x1536xf32>
    %swap3A_439 = vector.shape_cast %swap3A_438 : vector<1x16x1536xf32> to vector<16x1536xf32>
    %swap3A_440 = vector.shape_cast %add3A_434 : vector<16x1536xf32> to vector<1x16x1536xf32>
    tpu.vector_store %arg6[%swap3A_435, %swap3A_436, %swap3A_437], %swap3A_440 {strides = array<i32>} : memref<1x512x1536xf32, #tpu.memory_space<vmem>>, vector<1x16x1536xf32>,
    %slice3A_441 = vector.extract_strided_slice %sub3A_9 {offsets = [240, 0], sizes = [16, 1], strides = [1, 1]} : vector<512x1xf32> to vector<16x1xf32>
    %get3A_442 = arith.constant 0 : index
    %get3A_443 = arith.constant 7 : index
    %get3A_444 = arith.constant 0 : index
    %get3A_445 = vector.load %arg2[%get3A_442, %get3A_443, %get3A_444] : memref<1x16x1536xf32, #tpu.memory_space<vmem>>, vector<1x1x1536xf32>
    %get3A_446 = vector.shape_cast %get3A_445 : vector<1x1x1536xf32> to vector<1536xf32>
    %get3A_447 = arith.constant 0 : index
    %get3A_448 = arith.constant 8 : index
    %get3A_449 = arith.constant 0 : index
    %get3A_450 = vector.load %arg2[%get3A_447, %get3A_448, %get3A_449] : memref<1x16x1536xf32, #tpu.memory_space<vmem>>, vector<1x1x1536xf32>
    %get3A_451 = vector.shape_cast %get3A_450 : vector<1x1x1536xf32> to vector<1536xf32>
    %broadcast_in_dim3A_452 = vector.shape_cast %get3A_446 : vector<1536xf32> to vector<1x1536xf32>
    %sub3A_453 = arith.constant 1.000000e+00 : f32
    %sub3A_454 = vector.broadcast %sub3A_453 : f32 to vector<16x1xf32>
    %sub3A_455 = arith.subf %sub3A_454, %slice3A_441 : vector<16x1xf32>
    %mul3A_456 = vector.broadcast %broadcast_in_dim3A_452 : vector<1x1536xf32> to vector<16x1536xf32>
    %mul3A_457 = vector.broadcast %sub3A_455 : vector<16x1xf32> to vector<16x1536xf32>
    %mul3A_458 = arith.mulf %mul3A_456, %mul3A_457 : vector<16x1536xf32>
    %broadcast_in_dim3A_459 = vector.shape_cast %get3A_451 : vector<1536xf32> to vector<1x1536xf32>
    %mul3A_460 = vector.broadcast %broadcast_in_dim3A_459 : vector<1x1536xf32> to vector<16x1536xf32>
    %mul3A_461 = vector.broadcast %slice3A_441 : vector<16x1xf32> to vector<16x1536xf32>
    %mul3A_462 = arith.mulf %mul3A_460, %mul3A_461 : vector<16x1536xf32>
    %add3A_463 = arith.addf %mul3A_458, %mul3A_462 : vector<16x1536xf32>
    %swap3A_464 = arith.constant 0 : index
    %swap3A_465 = arith.constant 240 : index
    %swap3A_466 = arith.constant 0 : index
    %swap3A_467 = vector.load %arg6[%swap3A_464, %swap3A_465, %swap3A_466] : memref<1x512x1536xf32, #tpu.memory_space<vmem>>, vector<1x16x1536xf32>
    %swap3A_468 = vector.shape_cast %swap3A_467 : vector<1x16x1536xf32> to vector<16x1536xf32>
    %swap3A_469 = vector.shape_cast %add3A_463 : vector<16x1536xf32> to vector<1x16x1536xf32>
    tpu.vector_store %arg6[%swap3A_464, %swap3A_465, %swap3A_466], %swap3A_469 {strides = array<i32>} : memref<1x512x1536xf32, #tpu.memory_space<vmem>>, vector<1x16x1536xf32>,
    %slice3A_470 = vector.extract_strided_slice %sub3A_9 {offsets = [256, 0], sizes = [16, 1], strides = [1, 1]} : vector<512x1xf32> to vector<16x1xf32>
    %get3A_471 = arith.constant 0 : index
    %get3A_472 = arith.constant 7 : index
    %get3A_473 = arith.constant 0 : index
    %get3A_474 = vector.load %arg2[%get3A_471, %get3A_472, %get3A_473] : memref<1x16x1536xf32, #tpu.memory_space<vmem>>, vector<1x1x1536xf32>
    %get3A_475 = vector.shape_cast %get3A_474 : vector<1x1x1536xf32> to vector<1536xf32>
    %get3A_476 = arith.constant 0 : index
    %get3A_477 = arith.constant 8 : index
    %get3A_478 = arith.constant 0 : index
    %get3A_479 = vector.load %arg2[%get3A_476, %get3A_477, %get3A_478] : memref<1x16x1536xf32, #tpu.memory_space<vmem>>, vector<1x1x1536xf32>
    %get3A_480 = vector.shape_cast %get3A_479 : vector<1x1x1536xf32> to vector<1536xf32>
    %broadcast_in_dim3A_481 = vector.shape_cast %get3A_475 : vector<1536xf32> to vector<1x1536xf32>
    %sub3A_482 = arith.constant 1.000000e+00 : f32
    %sub3A_483 = vector.broadcast %sub3A_482 : f32 to vector<16x1xf32>
    %sub3A_484 = arith.subf %sub3A_483, %slice3A_470 : vector<16x1xf32>
    %mul3A_485 = vector.broadcast %broadcast_in_dim3A_481 : vector<1x1536xf32> to vector<16x1536xf32>
    %mul3A_486 = vector.broadcast %sub3A_484 : vector<16x1xf32> to vector<16x1536xf32>
    %mul3A_487 = arith.mulf %mul3A_485, %mul3A_486 : vector<16x1536xf32>
    %broadcast_in_dim3A_488 = vector.shape_cast %get3A_480 : vector<1536xf32> to vector<1x1536xf32>
    %mul3A_489 = vector.broadcast %broadcast_in_dim3A_488 : vector<1x1536xf32> to vector<16x1536xf32>
    %mul3A_490 = vector.broadcast %slice3A_470 : vector<16x1xf32> to vector<16x1536xf32>
    %mul3A_491 = arith.mulf %mul3A_489, %mul3A_490 : vector<16x1536xf32>
    %add3A_492 = arith.addf %mul3A_487, %mul3A_491 : vector<16x1536xf32>
    %swap3A_493 = arith.constant 0 : index
    %swap3A_494 = arith.constant 256 : index
    %swap3A_495 = arith.constant 0 : index
    %swap3A_496 = vector.load %arg6[%swap3A_493, %swap3A_494, %swap3A_495] : memref<1x512x1536xf32, #tpu.memory_space<vmem>>, vector<1x16x1536xf32>
    %swap3A_497 = vector.shape_cast %swap3A_496 : vector<1x16x1536xf32> to vector<16x1536xf32>
    %swap3A_498 = vector.shape_cast %add3A_492 : vector<16x1536xf32> to vector<1x16x1536xf32>
    tpu.vector_store %arg6[%swap3A_493, %swap3A_494, %swap3A_495], %swap3A_498 {strides = array<i32>} : memref<1x512x1536xf32, #tpu.memory_space<vmem>>, vector<1x16x1536xf32>,
    %slice3A_499 = vector.extract_strided_slice %sub3A_9 {offsets = [272, 0], sizes = [16, 1], strides = [1, 1]} : vector<512x1xf32> to vector<16x1xf32>
    %get3A_500 = arith.constant 0 : index
    %get3A_501 = arith.constant 8 : index
    %get3A_502 = arith.constant 0 : index
    %get3A_503 = vector.load %arg2[%get3A_500, %get3A_501, %get3A_502] : memref<1x16x1536xf32, #tpu.memory_space<vmem>>, vector<1x1x1536xf32>
    %get3A_504 = vector.shape_cast %get3A_503 : vector<1x1x1536xf32> to vector<1536xf32>
    %get3A_505 = arith.constant 0 : index
    %get3A_506 = arith.constant 9 : index
    %get3A_507 = arith.constant 0 : index
    %get3A_508 = vector.load %arg2[%get3A_505, %get3A_506, %get3A_507] : memref<1x16x1536xf32, #tpu.memory_space<vmem>>, vector<1x1x1536xf32>
    %get3A_509 = vector.shape_cast %get3A_508 : vector<1x1x1536xf32> to vector<1536xf32>
    %broadcast_in_dim3A_510 = vector.shape_cast %get3A_504 : vector<1536xf32> to vector<1x1536xf32>
    %sub3A_511 = arith.constant 1.000000e+00 : f32
    %sub3A_512 = vector.broadcast %sub3A_511 : f32 to vector<16x1xf32>
    %sub3A_513 = arith.subf %sub3A_512, %slice3A_499 : vector<16x1xf32>
    %mul3A_514 = vector.broadcast %broadcast_in_dim3A_510 : vector<1x1536xf32> to vector<16x1536xf32>
    %mul3A_515 = vector.broadcast %sub3A_513 : vector<16x1xf32> to vector<16x1536xf32>
    %mul3A_516 = arith.mulf %mul3A_514, %mul3A_515 : vector<16x1536xf32>
    %broadcast_in_dim3A_517 = vector.shape_cast %get3A_509 : vector<1536xf32> to vector<1x1536xf32>
    %mul3A_518 = vector.broadcast %broadcast_in_dim3A_517 : vector<1x1536xf32> to vector<16x1536xf32>
    %mul3A_519 = vector.broadcast %slice3A_499 : vector<16x1xf32> to vector<16x1536xf32>
    %mul3A_520 = arith.mulf %mul3A_518, %mul3A_519 : vector<16x1536xf32>
    %add3A_521 = arith.addf %mul3A_516, %mul3A_520 : vector<16x1536xf32>
    %swap3A_522 = arith.constant 0 : index
    %swap3A_523 = arith.constant 272 : index
    %swap3A_524 = arith.constant 0 : index
    %swap3A_525 = vector.load %arg6[%swap3A_522, %swap3A_523, %swap3A_524] : memref<1x512x1536xf32, #tpu.memory_space<vmem>>, vector<1x16x1536xf32>
    %swap3A_526 = vector.shape_cast %swap3A_525 : vector<1x16x1536xf32> to vector<16x1536xf32>
    %swap3A_527 = vector.shape_cast %add3A_521 : vector<16x1536xf32> to vector<1x16x1536xf32>
    tpu.vector_store %arg6[%swap3A_522, %swap3A_523, %swap3A_524], %swap3A_527 {strides = array<i32>} : memref<1x512x1536xf32, #tpu.memory_space<vmem>>, vector<1x16x1536xf32>,
    %slice3A_528 = vector.extract_strided_slice %sub3A_9 {offsets = [288, 0], sizes = [16, 1], strides = [1, 1]} : vector<512x1xf32> to vector<16x1xf32>
    %get3A_529 = arith.constant 0 : index
    %get3A_530 = arith.constant 8 : index
    %get3A_531 = arith.constant 0 : index
    %get3A_532 = vector.load %arg2[%get3A_529, %get3A_530, %get3A_531] : memref<1x16x1536xf32, #tpu.memory_space<vmem>>, vector<1x1x1536xf32>
    %get3A_533 = vector.shape_cast %get3A_532 : vector<1x1x1536xf32> to vector<1536xf32>
    %get3A_534 = arith.constant 0 : index
    %get3A_535 = arith.constant 9 : index
    %get3A_536 = arith.constant 0 : index
    %get3A_537 = vector.load %arg2[%get3A_534, %get3A_535, %get3A_536] : memref<1x16x1536xf32, #tpu.memory_space<vmem>>, vector<1x1x1536xf32>
    %get3A_538 = vector.shape_cast %get3A_537 : vector<1x1x1536xf32> to vector<1536xf32>
    %broadcast_in_dim3A_539 = vector.shape_cast %get3A_533 : vector<1536xf32> to vector<1x1536xf32>
    %sub3A_540 = arith.constant 1.000000e+00 : f32
    %sub3A_541 = vector.broadcast %sub3A_540 : f32 to vector<16x1xf32>
    %sub3A_542 = arith.subf %sub3A_541, %slice3A_528 : vector<16x1xf32>
    %mul3A_543 = vector.broadcast %broadcast_in_dim3A_539 : vector<1x1536xf32> to vector<16x1536xf32>
    %mul3A_544 = vector.broadcast %sub3A_542 : vector<16x1xf32> to vector<16x1536xf32>
    %mul3A_545 = arith.mulf %mul3A_543, %mul3A_544 : vector<16x1536xf32>
    %broadcast_in_dim3A_546 = vector.shape_cast %get3A_538 : vector<1536xf32> to vector<1x1536xf32>
    %mul3A_547 = vector.broadcast %broadcast_in_dim3A_546 : vector<1x1536xf32> to vector<16x1536xf32>
    %mul3A_548 = vector.broadcast %slice3A_528 : vector<16x1xf32> to vector<16x1536xf32>
    %mul3A_549 = arith.mulf %mul3A_547, %mul3A_548 : vector<16x1536xf32>
    %add3A_550 = arith.addf %mul3A_545, %mul3A_549 : vector<16x1536xf32>
    %swap3A_551 = arith.constant 0 : index
    %swap3A_552 = arith.constant 288 : index
    %swap3A_553 = arith.constant 0 : index
    %swap3A_554 = vector.load %arg6[%swap3A_551, %swap3A_552, %swap3A_553] : memref<1x512x1536xf32, #tpu.memory_space<vmem>>, vector<1x16x1536xf32>
    %swap3A_555 = vector.shape_cast %swap3A_554 : vector<1x16x1536xf32> to vector<16x1536xf32>
    %swap3A_556 = vector.shape_cast %add3A_550 : vector<16x1536xf32> to vector<1x16x1536xf32>
    tpu.vector_store %arg6[%swap3A_551, %swap3A_552, %swap3A_553], %swap3A_556 {strides = array<i32>} : memref<1x512x1536xf32, #tpu.memory_space<vmem>>, vector<1x16x1536xf32>,
    %slice3A_557 = vector.extract_strided_slice %sub3A_9 {offsets = [304, 0], sizes = [16, 1], strides = [1, 1]} : vector<512x1xf32> to vector<16x1xf32>
    %get3A_558 = arith.constant 0 : index
    %get3A_559 = arith.constant 9 : index
    %get3A_560 = arith.constant 0 : index
    %get3A_561 = vector.load %arg2[%get3A_558, %get3A_559, %get3A_560] : memref<1x16x1536xf32, #tpu.memory_space<vmem>>, vector<1x1x1536xf32>
    %get3A_562 = vector.shape_cast %get3A_561 : vector<1x1x1536xf32> to vector<1536xf32>
    %get3A_563 = arith.constant 0 : index
    %get3A_564 = arith.constant 10 : index
    %get3A_565 = arith.constant 0 : index
    %get3A_566 = vector.load %arg2[%get3A_563, %get3A_564, %get3A_565] : memref<1x16x1536xf32, #tpu.memory_space<vmem>>, vector<1x1x1536xf32>
    %get3A_567 = vector.shape_cast %get3A_566 : vector<1x1x1536xf32> to vector<1536xf32>
    %broadcast_in_dim3A_568 = vector.shape_cast %get3A_562 : vector<1536xf32> to vector<1x1536xf32>
    %sub3A_569 = arith.constant 1.000000e+00 : f32
    %sub3A_570 = vector.broadcast %sub3A_569 : f32 to vector<16x1xf32>
    %sub3A_571 = arith.subf %sub3A_570, %slice3A_557 : vector<16x1xf32>
    %mul3A_572 = vector.broadcast %broadcast_in_dim3A_568 : vector<1x1536xf32> to vector<16x1536xf32>
    %mul3A_573 = vector.broadcast %sub3A_571 : vector<16x1xf32> to vector<16x1536xf32>
    %mul3A_574 = arith.mulf %mul3A_572, %mul3A_573 : vector<16x1536xf32>
    %broadcast_in_dim3A_575 = vector.shape_cast %get3A_567 : vector<1536xf32> to vector<1x1536xf32>
    %mul3A_576 = vector.broadcast %broadcast_in_dim3A_575 : vector<1x1536xf32> to vector<16x1536xf32>
    %mul3A_577 = vector.broadcast %slice3A_557 : vector<16x1xf32> to vector<16x1536xf32>
    %mul3A_578 = arith.mulf %mul3A_576, %mul3A_577 : vector<16x1536xf32>
    %add3A_579 = arith.addf %mul3A_574, %mul3A_578 : vector<16x1536xf32>
    %swap3A_580 = arith.constant 0 : index
    %swap3A_581 = arith.constant 304 : index
    %swap3A_582 = arith.constant 0 : index
    %swap3A_583 = vector.load %arg6[%swap3A_580, %swap3A_581, %swap3A_582] : memref<1x512x1536xf32, #tpu.memory_space<vmem>>, vector<1x16x1536xf32>
    %swap3A_584 = vector.shape_cast %swap3A_583 : vector<1x16x1536xf32> to vector<16x1536xf32>
    %swap3A_585 = vector.shape_cast %add3A_579 : vector<16x1536xf32> to vector<1x16x1536xf32>
    tpu.vector_store %arg6[%swap3A_580, %swap3A_581, %swap3A_582], %swap3A_585 {strides = array<i32>} : memref<1x512x1536xf32, #tpu.memory_space<vmem>>, vector<1x16x1536xf32>,
    %slice3A_586 = vector.extract_strided_slice %sub3A_9 {offsets = [320, 0], sizes = [16, 1], strides = [1, 1]} : vector<512x1xf32> to vector<16x1xf32>
    %get3A_587 = arith.constant 0 : index
    %get3A_588 = arith.constant 9 : index
    %get3A_589 = arith.constant 0 : index
    %get3A_590 = vector.load %arg2[%get3A_587, %get3A_588, %get3A_589] : memref<1x16x1536xf32, #tpu.memory_space<vmem>>, vector<1x1x1536xf32>
    %get3A_591 = vector.shape_cast %get3A_590 : vector<1x1x1536xf32> to vector<1536xf32>
    %get3A_592 = arith.constant 0 : index
    %get3A_593 = arith.constant 10 : index
    %get3A_594 = arith.constant 0 : index
    %get3A_595 = vector.load %arg2[%get3A_592, %get3A_593, %get3A_594] : memref<1x16x1536xf32, #tpu.memory_space<vmem>>, vector<1x1x1536xf32>
    %get3A_596 = vector.shape_cast %get3A_595 : vector<1x1x1536xf32> to vector<1536xf32>
    %broadcast_in_dim3A_597 = vector.shape_cast %get3A_591 : vector<1536xf32> to vector<1x1536xf32>
    %sub3A_598 = arith.constant 1.000000e+00 : f32
    %sub3A_599 = vector.broadcast %sub3A_598 : f32 to vector<16x1xf32>
    %sub3A_600 = arith.subf %sub3A_599, %slice3A_586 : vector<16x1xf32>
    %mul3A_601 = vector.broadcast %broadcast_in_dim3A_597 : vector<1x1536xf32> to vector<16x1536xf32>
    %mul3A_602 = vector.broadcast %sub3A_600 : vector<16x1xf32> to vector<16x1536xf32>
    %mul3A_603 = arith.mulf %mul3A_601, %mul3A_602 : vector<16x1536xf32>
    %broadcast_in_dim3A_604 = vector.shape_cast %get3A_596 : vector<1536xf32> to vector<1x1536xf32>
    %mul3A_605 = vector.broadcast %broadcast_in_dim3A_604 : vector<1x1536xf32> to vector<16x1536xf32>
    %mul3A_606 = vector.broadcast %slice3A_586 : vector<16x1xf32> to vector<16x1536xf32>
    %mul3A_607 = arith.mulf %mul3A_605, %mul3A_606 : vector<16x1536xf32>
    %add3A_608 = arith.addf %mul3A_603, %mul3A_607 : vector<16x1536xf32>
    %swap3A_609 = arith.constant 0 : index
    %swap3A_610 = arith.constant 320 : index
    %swap3A_611 = arith.constant 0 : index
    %swap3A_612 = vector.load %arg6[%swap3A_609, %swap3A_610, %swap3A_611] : memref<1x512x1536xf32, #tpu.memory_space<vmem>>, vector<1x16x1536xf32>
    %swap3A_613 = vector.shape_cast %swap3A_612 : vector<1x16x1536xf32> to vector<16x1536xf32>
    %swap3A_614 = vector.shape_cast %add3A_608 : vector<16x1536xf32> to vector<1x16x1536xf32>
    tpu.vector_store %arg6[%swap3A_609, %swap3A_610, %swap3A_611], %swap3A_614 {strides = array<i32>} : memref<1x512x1536xf32, #tpu.memory_space<vmem>>, vector<1x16x1536xf32>,
    %slice3A_615 = vector.extract_strided_slice %sub3A_9 {offsets = [336, 0], sizes = [16, 1], strides = [1, 1]} : vector<512x1xf32> to vector<16x1xf32>
    %get3A_616 = arith.constant 0 : index
    %get3A_617 = arith.constant 10 : index
    %get3A_618 = arith.constant 0 : index
    %get3A_619 = vector.load %arg2[%get3A_616, %get3A_617, %get3A_618] : memref<1x16x1536xf32, #tpu.memory_space<vmem>>, vector<1x1x1536xf32>
    %get3A_620 = vector.shape_cast %get3A_619 : vector<1x1x1536xf32> to vector<1536xf32>
    %get3A_621 = arith.constant 0 : index
    %get3A_622 = arith.constant 11 : index
    %get3A_623 = arith.constant 0 : index
    %get3A_624 = vector.load %arg2[%get3A_621, %get3A_622, %get3A_623] : memref<1x16x1536xf32, #tpu.memory_space<vmem>>, vector<1x1x1536xf32>
    %get3A_625 = vector.shape_cast %get3A_624 : vector<1x1x1536xf32> to vector<1536xf32>
    %broadcast_in_dim3A_626 = vector.shape_cast %get3A_620 : vector<1536xf32> to vector<1x1536xf32>
    %sub3A_627 = arith.constant 1.000000e+00 : f32
    %sub3A_628 = vector.broadcast %sub3A_627 : f32 to vector<16x1xf32>
    %sub3A_629 = arith.subf %sub3A_628, %slice3A_615 : vector<16x1xf32>
    %mul3A_630 = vector.broadcast %broadcast_in_dim3A_626 : vector<1x1536xf32> to vector<16x1536xf32>
    %mul3A_631 = vector.broadcast %sub3A_629 : vector<16x1xf32> to vector<16x1536xf32>
    %mul3A_632 = arith.mulf %mul3A_630, %mul3A_631 : vector<16x1536xf32>
    %broadcast_in_dim3A_633 = vector.shape_cast %get3A_625 : vector<1536xf32> to vector<1x1536xf32>
    %mul3A_634 = vector.broadcast %broadcast_in_dim3A_633 : vector<1x1536xf32> to vector<16x1536xf32>
    %mul3A_635 = vector.broadcast %slice3A_615 : vector<16x1xf32> to vector<16x1536xf32>
    %mul3A_636 = arith.mulf %mul3A_634, %mul3A_635 : vector<16x1536xf32>
    %add3A_637 = arith.addf %mul3A_632, %mul3A_636 : vector<16x1536xf32>
    %swap3A_638 = arith.constant 0 : index
    %swap3A_639 = arith.constant 336 : index
    %swap3A_640 = arith.constant 0 : index
    %swap3A_641 = vector.load %arg6[%swap3A_638, %swap3A_639, %swap3A_640] : memref<1x512x1536xf32, #tpu.memory_space<vmem>>, vector<1x16x1536xf32>
    %swap3A_642 = vector.shape_cast %swap3A_641 : vector<1x16x1536xf32> to vector<16x1536xf32>
    %swap3A_643 = vector.shape_cast %add3A_637 : vector<16x1536xf32> to vector<1x16x1536xf32>
    tpu.vector_store %arg6[%swap3A_638, %swap3A_639, %swap3A_640], %swap3A_643 {strides = array<i32>} : memref<1x512x1536xf32, #tpu.memory_space<vmem>>, vector<1x16x1536xf32>,
    %slice3A_644 = vector.extract_strided_slice %sub3A_9 {offsets = [352, 0], sizes = [16, 1], strides = [1, 1]} : vector<512x1xf32> to vector<16x1xf32>
    %get3A_645 = arith.constant 0 : index
    %get3A_646 = arith.constant 10 : index
    %get3A_647 = arith.constant 0 : index
    %get3A_648 = vector.load %arg2[%get3A_645, %get3A_646, %get3A_647] : memref<1x16x1536xf32, #tpu.memory_space<vmem>>, vector<1x1x1536xf32>
    %get3A_649 = vector.shape_cast %get3A_648 : vector<1x1x1536xf32> to vector<1536xf32>
    %get3A_650 = arith.constant 0 : index
    %get3A_651 = arith.constant 11 : index
    %get3A_652 = arith.constant 0 : index
    %get3A_653 = vector.load %arg2[%get3A_650, %get3A_651, %get3A_652] : memref<1x16x1536xf32, #tpu.memory_space<vmem>>, vector<1x1x1536xf32>
    %get3A_654 = vector.shape_cast %get3A_653 : vector<1x1x1536xf32> to vector<1536xf32>
    %broadcast_in_dim3A_655 = vector.shape_cast %get3A_649 : vector<1536xf32> to vector<1x1536xf32>
    %sub3A_656 = arith.constant 1.000000e+00 : f32
    %sub3A_657 = vector.broadcast %sub3A_656 : f32 to vector<16x1xf32>
    %sub3A_658 = arith.subf %sub3A_657, %slice3A_644 : vector<16x1xf32>
    %mul3A_659 = vector.broadcast %broadcast_in_dim3A_655 : vector<1x1536xf32> to vector<16x1536xf32>
    %mul3A_660 = vector.broadcast %sub3A_658 : vector<16x1xf32> to vector<16x1536xf32>
    %mul3A_661 = arith.mulf %mul3A_659, %mul3A_660 : vector<16x1536xf32>
    %broadcast_in_dim3A_662 = vector.shape_cast %get3A_654 : vector<1536xf32> to vector<1x1536xf32>
    %mul3A_663 = vector.broadcast %broadcast_in_dim3A_662 : vector<1x1536xf32> to vector<16x1536xf32>
    %mul3A_664 = vector.broadcast %slice3A_644 : vector<16x1xf32> to vector<16x1536xf32>
    %mul3A_665 = arith.mulf %mul3A_663, %mul3A_664 : vector<16x1536xf32>
    %add3A_666 = arith.addf %mul3A_661, %mul3A_665 : vector<16x1536xf32>
    %swap3A_667 = arith.constant 0 : index
    %swap3A_668 = arith.constant 352 : index
    %swap3A_669 = arith.constant 0 : index
    %swap3A_670 = vector.load %arg6[%swap3A_667, %swap3A_668, %swap3A_669] : memref<1x512x1536xf32, #tpu.memory_space<vmem>>, vector<1x16x1536xf32>
    %swap3A_671 = vector.shape_cast %swap3A_670 : vector<1x16x1536xf32> to vector<16x1536xf32>
    %swap3A_672 = vector.shape_cast %add3A_666 : vector<16x1536xf32> to vector<1x16x1536xf32>
    tpu.vector_store %arg6[%swap3A_667, %swap3A_668, %swap3A_669], %swap3A_672 {strides = array<i32>} : memref<1x512x1536xf32, #tpu.memory_space<vmem>>, vector<1x16x1536xf32>,
    %slice3A_673 = vector.extract_strided_slice %sub3A_9 {offsets = [368, 0], sizes = [16, 1], strides = [1, 1]} : vector<512x1xf32> to vector<16x1xf32>
    %get3A_674 = arith.constant 0 : index
    %get3A_675 = arith.constant 11 : index
    %get3A_676 = arith.constant 0 : index
    %get3A_677 = vector.load %arg2[%get3A_674, %get3A_675, %get3A_676] : memref<1x16x1536xf32, #tpu.memory_space<vmem>>, vector<1x1x1536xf32>
    %get3A_678 = vector.shape_cast %get3A_677 : vector<1x1x1536xf32> to vector<1536xf32>
    %get3A_679 = arith.constant 0 : index
    %get3A_680 = arith.constant 12 : index
    %get3A_681 = arith.constant 0 : index
    %get3A_682 = vector.load %arg2[%get3A_679, %get3A_680, %get3A_681] : memref<1x16x1536xf32, #tpu.memory_space<vmem>>, vector<1x1x1536xf32>
    %get3A_683 = vector.shape_cast %get3A_682 : vector<1x1x1536xf32> to vector<1536xf32>
    %broadcast_in_dim3A_684 = vector.shape_cast %get3A_678 : vector<1536xf32> to vector<1x1536xf32>
    %sub3A_685 = arith.constant 1.000000e+00 : f32
    %sub3A_686 = vector.broadcast %sub3A_685 : f32 to vector<16x1xf32>
    %sub3A_687 = arith.subf %sub3A_686, %slice3A_673 : vector<16x1xf32>
    %mul3A_688 = vector.broadcast %broadcast_in_dim3A_684 : vector<1x1536xf32> to vector<16x1536xf32>
    %mul3A_689 = vector.broadcast %sub3A_687 : vector<16x1xf32> to vector<16x1536xf32>
    %mul3A_690 = arith.mulf %mul3A_688, %mul3A_689 : vector<16x1536xf32>
    %broadcast_in_dim3A_691 = vector.shape_cast %get3A_683 : vector<1536xf32> to vector<1x1536xf32>
    %mul3A_692 = vector.broadcast %broadcast_in_dim3A_691 : vector<1x1536xf32> to vector<16x1536xf32>
    %mul3A_693 = vector.broadcast %slice3A_673 : vector<16x1xf32> to vector<16x1536xf32>
    %mul3A_694 = arith.mulf %mul3A_692, %mul3A_693 : vector<16x1536xf32>
    %add3A_695 = arith.addf %mul3A_690, %mul3A_694 : vector<16x1536xf32>
    %swap3A_696 = arith.constant 0 : index
    %swap3A_697 = arith.constant 368 : index
    %swap3A_698 = arith.constant 0 : index
    %swap3A_699 = vector.load %arg6[%swap3A_696, %swap3A_697, %swap3A_698] : memref<1x512x1536xf32, #tpu.memory_space<vmem>>, vector<1x16x1536xf32>
    %swap3A_700 = vector.shape_cast %swap3A_699 : vector<1x16x1536xf32> to vector<16x1536xf32>
    %swap3A_701 = vector.shape_cast %add3A_695 : vector<16x1536xf32> to vector<1x16x1536xf32>
    tpu.vector_store %arg6[%swap3A_696, %swap3A_697, %swap3A_698], %swap3A_701 {strides = array<i32>} : memref<1x512x1536xf32, #tpu.memory_space<vmem>>, vector<1x16x1536xf32>,
    %slice3A_702 = vector.extract_strided_slice %sub3A_9 {offsets = [384, 0], sizes = [16, 1], strides = [1, 1]} : vector<512x1xf32> to vector<16x1xf32>
    %get3A_703 = arith.constant 0 : index
    %get3A_704 = arith.constant 11 : index
    %get3A_705 = arith.constant 0 : index
    %get3A_706 = vector.load %arg2[%get3A_703, %get3A_704, %get3A_705] : memref<1x16x1536xf32, #tpu.memory_space<vmem>>, vector<1x1x1536xf32>
    %get3A_707 = vector.shape_cast %get3A_706 : vector<1x1x1536xf32> to vector<1536xf32>
    %get3A_708 = arith.constant 0 : index
    %get3A_709 = arith.constant 12 : index
    %get3A_710 = arith.constant 0 : index
    %get3A_711 = vector.load %arg2[%get3A_708, %get3A_709, %get3A_710] : memref<1x16x1536xf32, #tpu.memory_space<vmem>>, vector<1x1x1536xf32>
    %get3A_712 = vector.shape_cast %get3A_711 : vector<1x1x1536xf32> to vector<1536xf32>
    %broadcast_in_dim3A_713 = vector.shape_cast %get3A_707 : vector<1536xf32> to vector<1x1536xf32>
    %sub3A_714 = arith.constant 1.000000e+00 : f32
    %sub3A_715 = vector.broadcast %sub3A_714 : f32 to vector<16x1xf32>
    %sub3A_716 = arith.subf %sub3A_715, %slice3A_702 : vector<16x1xf32>
    %mul3A_717 = vector.broadcast %broadcast_in_dim3A_713 : vector<1x1536xf32> to vector<16x1536xf32>
    %mul3A_718 = vector.broadcast %sub3A_716 : vector<16x1xf32> to vector<16x1536xf32>
    %mul3A_719 = arith.mulf %mul3A_717, %mul3A_718 : vector<16x1536xf32>
    %broadcast_in_dim3A_720 = vector.shape_cast %get3A_712 : vector<1536xf32> to vector<1x1536xf32>
    %mul3A_721 = vector.broadcast %broadcast_in_dim3A_720 : vector<1x1536xf32> to vector<16x1536xf32>
    %mul3A_722 = vector.broadcast %slice3A_702 : vector<16x1xf32> to vector<16x1536xf32>
    %mul3A_723 = arith.mulf %mul3A_721, %mul3A_722 : vector<16x1536xf32>
    %add3A_724 = arith.addf %mul3A_719, %mul3A_723 : vector<16x1536xf32>
    %swap3A_725 = arith.constant 0 : index
    %swap3A_726 = arith.constant 384 : index
    %swap3A_727 = arith.constant 0 : index
    %swap3A_728 = vector.load %arg6[%swap3A_725, %swap3A_726, %swap3A_727] : memref<1x512x1536xf32, #tpu.memory_space<vmem>>, vector<1x16x1536xf32>
    %swap3A_729 = vector.shape_cast %swap3A_728 : vector<1x16x1536xf32> to vector<16x1536xf32>
    %swap3A_730 = vector.shape_cast %add3A_724 : vector<16x1536xf32> to vector<1x16x1536xf32>
    tpu.vector_store %arg6[%swap3A_725, %swap3A_726, %swap3A_727], %swap3A_730 {strides = array<i32>} : memref<1x512x1536xf32, #tpu.memory_space<vmem>>, vector<1x16x1536xf32>,
    %slice3A_731 = vector.extract_strided_slice %sub3A_9 {offsets = [400, 0], sizes = [16, 1], strides = [1, 1]} : vector<512x1xf32> to vector<16x1xf32>
    %get3A_732 = arith.constant 0 : index
    %get3A_733 = arith.constant 12 : index
    %get3A_734 = arith.constant 0 : index
    %get3A_735 = vector.load %arg2[%get3A_732, %get3A_733, %get3A_734] : memref<1x16x1536xf32, #tpu.memory_space<vmem>>, vector<1x1x1536xf32>
    %get3A_736 = vector.shape_cast %get3A_735 : vector<1x1x1536xf32> to vector<1536xf32>
    %get3A_737 = arith.constant 0 : index
    %get3A_738 = arith.constant 13 : index
    %get3A_739 = arith.constant 0 : index
    %get3A_740 = vector.load %arg2[%get3A_737, %get3A_738, %get3A_739] : memref<1x16x1536xf32, #tpu.memory_space<vmem>>, vector<1x1x1536xf32>
    %get3A_741 = vector.shape_cast %get3A_740 : vector<1x1x1536xf32> to vector<1536xf32>
    %broadcast_in_dim3A_742 = vector.shape_cast %get3A_736 : vector<1536xf32> to vector<1x1536xf32>
    %sub3A_743 = arith.constant 1.000000e+00 : f32
    %sub3A_744 = vector.broadcast %sub3A_743 : f32 to vector<16x1xf32>
    %sub3A_745 = arith.subf %sub3A_744, %slice3A_731 : vector<16x1xf32>
    %mul3A_746 = vector.broadcast %broadcast_in_dim3A_742 : vector<1x1536xf32> to vector<16x1536xf32>
    %mul3A_747 = vector.broadcast %sub3A_745 : vector<16x1xf32> to vector<16x1536xf32>
    %mul3A_748 = arith.mulf %mul3A_746, %mul3A_747 : vector<16x1536xf32>
    %broadcast_in_dim3A_749 = vector.shape_cast %get3A_741 : vector<1536xf32> to vector<1x1536xf32>
    %mul3A_750 = vector.broadcast %broadcast_in_dim3A_749 : vector<1x1536xf32> to vector<16x1536xf32>
    %mul3A_751 = vector.broadcast %slice3A_731 : vector<16x1xf32> to vector<16x1536xf32>
    %mul3A_752 = arith.mulf %mul3A_750, %mul3A_751 : vector<16x1536xf32>
    %add3A_753 = arith.addf %mul3A_748, %mul3A_752 : vector<16x1536xf32>
    %swap3A_754 = arith.constant 0 : index
    %swap3A_755 = arith.constant 400 : index
    %swap3A_756 = arith.constant 0 : index
    %swap3A_757 = vector.load %arg6[%swap3A_754, %swap3A_755, %swap3A_756] : memref<1x512x1536xf32, #tpu.memory_space<vmem>>, vector<1x16x1536xf32>
    %swap3A_758 = vector.shape_cast %swap3A_757 : vector<1x16x1536xf32> to vector<16x1536xf32>
    %swap3A_759 = vector.shape_cast %add3A_753 : vector<16x1536xf32> to vector<1x16x1536xf32>
    tpu.vector_store %arg6[%swap3A_754, %swap3A_755, %swap3A_756], %swap3A_759 {strides = array<i32>} : memref<1x512x1536xf32, #tpu.memory_space<vmem>>, vector<1x16x1536xf32>,
    %slice3A_760 = vector.extract_strided_slice %sub3A_9 {offsets = [416, 0], sizes = [16, 1], strides = [1, 1]} : vector<512x1xf32> to vector<16x1xf32>
    %get3A_761 = arith.constant 0 : index
    %get3A_762 = arith.constant 12 : index
    %get3A_763 = arith.constant 0 : index
    %get3A_764 = vector.load %arg2[%get3A_761, %get3A_762, %get3A_763] : memref<1x16x1536xf32, #tpu.memory_space<vmem>>, vector<1x1x1536xf32>
    %get3A_765 = vector.shape_cast %get3A_764 : vector<1x1x1536xf32> to vector<1536xf32>
    %get3A_766 = arith.constant 0 : index
    %get3A_767 = arith.constant 13 : index
    %get3A_768 = arith.constant 0 : index
    %get3A_769 = vector.load %arg2[%get3A_766, %get3A_767, %get3A_768] : memref<1x16x1536xf32, #tpu.memory_space<vmem>>, vector<1x1x1536xf32>
    %get3A_770 = vector.shape_cast %get3A_769 : vector<1x1x1536xf32> to vector<1536xf32>
    %broadcast_in_dim3A_771 = vector.shape_cast %get3A_765 : vector<1536xf32> to vector<1x1536xf32>
    %sub3A_772 = arith.constant 1.000000e+00 : f32
    %sub3A_773 = vector.broadcast %sub3A_772 : f32 to vector<16x1xf32>
    %sub3A_774 = arith.subf %sub3A_773, %slice3A_760 : vector<16x1xf32>
    %mul3A_775 = vector.broadcast %broadcast_in_dim3A_771 : vector<1x1536xf32> to vector<16x1536xf32>
    %mul3A_776 = vector.broadcast %sub3A_774 : vector<16x1xf32> to vector<16x1536xf32>
    %mul3A_777 = arith.mulf %mul3A_775, %mul3A_776 : vector<16x1536xf32>
    %broadcast_in_dim3A_778 = vector.shape_cast %get3A_770 : vector<1536xf32> to vector<1x1536xf32>
    %mul3A_779 = vector.broadcast %broadcast_in_dim3A_778 : vector<1x1536xf32> to vector<16x1536xf32>
    %mul3A_780 = vector.broadcast %slice3A_760 : vector<16x1xf32> to vector<16x1536xf32>
    %mul3A_781 = arith.mulf %mul3A_779, %mul3A_780 : vector<16x1536xf32>
    %add3A_782 = arith.addf %mul3A_777, %mul3A_781 : vector<16x1536xf32>
    %swap3A_783 = arith.constant 0 : index
    %swap3A_784 = arith.constant 416 : index
    %swap3A_785 = arith.constant 0 : index
    %swap3A_786 = vector.load %arg6[%swap3A_783, %swap3A_784, %swap3A_785] : memref<1x512x1536xf32, #tpu.memory_space<vmem>>, vector<1x16x1536xf32>
    %swap3A_787 = vector.shape_cast %swap3A_786 : vector<1x16x1536xf32> to vector<16x1536xf32>
    %swap3A_788 = vector.shape_cast %add3A_782 : vector<16x1536xf32> to vector<1x16x1536xf32>
    tpu.vector_store %arg6[%swap3A_783, %swap3A_784, %swap3A_785], %swap3A_788 {strides = array<i32>} : memref<1x512x1536xf32, #tpu.memory_space<vmem>>, vector<1x16x1536xf32>,
    %slice3A_789 = vector.extract_strided_slice %sub3A_9 {offsets = [432, 0], sizes = [16, 1], strides = [1, 1]} : vector<512x1xf32> to vector<16x1xf32>
    %get3A_790 = arith.constant 0 : index
    %get3A_791 = arith.constant 13 : index
    %get3A_792 = arith.constant 0 : index
    %get3A_793 = vector.load %arg2[%get3A_790, %get3A_791, %get3A_792] : memref<1x16x1536xf32, #tpu.memory_space<vmem>>, vector<1x1x1536xf32>
    %get3A_794 = vector.shape_cast %get3A_793 : vector<1x1x1536xf32> to vector<1536xf32>
    %get3A_795 = arith.constant 0 : index
    %get3A_796 = arith.constant 14 : index
    %get3A_797 = arith.constant 0 : index
    %get3A_798 = vector.load %arg2[%get3A_795, %get3A_796, %get3A_797] : memref<1x16x1536xf32, #tpu.memory_space<vmem>>, vector<1x1x1536xf32>
    %get3A_799 = vector.shape_cast %get3A_798 : vector<1x1x1536xf32> to vector<1536xf32>
    %broadcast_in_dim3A_800 = vector.shape_cast %get3A_794 : vector<1536xf32> to vector<1x1536xf32>
    %sub3A_801 = arith.constant 1.000000e+00 : f32
    %sub3A_802 = vector.broadcast %sub3A_801 : f32 to vector<16x1xf32>
    %sub3A_803 = arith.subf %sub3A_802, %slice3A_789 : vector<16x1xf32>
    %mul3A_804 = vector.broadcast %broadcast_in_dim3A_800 : vector<1x1536xf32> to vector<16x1536xf32>
    %mul3A_805 = vector.broadcast %sub3A_803 : vector<16x1xf32> to vector<16x1536xf32>
    %mul3A_806 = arith.mulf %mul3A_804, %mul3A_805 : vector<16x1536xf32>
    %broadcast_in_dim3A_807 = vector.shape_cast %get3A_799 : vector<1536xf32> to vector<1x1536xf32>
    %mul3A_808 = vector.broadcast %broadcast_in_dim3A_807 : vector<1x1536xf32> to vector<16x1536xf32>
    %mul3A_809 = vector.broadcast %slice3A_789 : vector<16x1xf32> to vector<16x1536xf32>
    %mul3A_810 = arith.mulf %mul3A_808, %mul3A_809 : vector<16x1536xf32>
    %add3A_811 = arith.addf %mul3A_806, %mul3A_810 : vector<16x1536xf32>
    %swap3A_812 = arith.constant 0 : index
    %swap3A_813 = arith.constant 432 : index
    %swap3A_814 = arith.constant 0 : index
    %swap3A_815 = vector.load %arg6[%swap3A_812, %swap3A_813, %swap3A_814] : memref<1x512x1536xf32, #tpu.memory_space<vmem>>, vector<1x16x1536xf32>
    %swap3A_816 = vector.shape_cast %swap3A_815 : vector<1x16x1536xf32> to vector<16x1536xf32>
    %swap3A_817 = vector.shape_cast %add3A_811 : vector<16x1536xf32> to vector<1x16x1536xf32>
    tpu.vector_store %arg6[%swap3A_812, %swap3A_813, %swap3A_814], %swap3A_817 {strides = array<i32>} : memref<1x512x1536xf32, #tpu.memory_space<vmem>>, vector<1x16x1536xf32>,
    %slice3A_818 = vector.extract_strided_slice %sub3A_9 {offsets = [448, 0], sizes = [16, 1], strides = [1, 1]} : vector<512x1xf32> to vector<16x1xf32>
    %get3A_819 = arith.constant 0 : index
    %get3A_820 = arith.constant 13 : index
    %get3A_821 = arith.constant 0 : index
    %get3A_822 = vector.load %arg2[%get3A_819, %get3A_820, %get3A_821] : memref<1x16x1536xf32, #tpu.memory_space<vmem>>, vector<1x1x1536xf32>
    %get3A_823 = vector.shape_cast %get3A_822 : vector<1x1x1536xf32> to vector<1536xf32>
    %get3A_824 = arith.constant 0 : index
    %get3A_825 = arith.constant 14 : index
    %get3A_826 = arith.constant 0 : index
    %get3A_827 = vector.load %arg2[%get3A_824, %get3A_825, %get3A_826] : memref<1x16x1536xf32, #tpu.memory_space<vmem>>, vector<1x1x1536xf32>
    %get3A_828 = vector.shape_cast %get3A_827 : vector<1x1x1536xf32> to vector<1536xf32>
    %broadcast_in_dim3A_829 = vector.shape_cast %get3A_823 : vector<1536xf32> to vector<1x1536xf32>
    %sub3A_830 = arith.constant 1.000000e+00 : f32
    %sub3A_831 = vector.broadcast %sub3A_830 : f32 to vector<16x1xf32>
    %sub3A_832 = arith.subf %sub3A_831, %slice3A_818 : vector<16x1xf32>
    %mul3A_833 = vector.broadcast %broadcast_in_dim3A_829 : vector<1x1536xf32> to vector<16x1536xf32>
    %mul3A_834 = vector.broadcast %sub3A_832 : vector<16x1xf32> to vector<16x1536xf32>
    %mul3A_835 = arith.mulf %mul3A_833, %mul3A_834 : vector<16x1536xf32>
    %broadcast_in_dim3A_836 = vector.shape_cast %get3A_828 : vector<1536xf32> to vector<1x1536xf32>
    %mul3A_837 = vector.broadcast %broadcast_in_dim3A_836 : vector<1x1536xf32> to vector<16x1536xf32>
    %mul3A_838 = vector.broadcast %slice3A_818 : vector<16x1xf32> to vector<16x1536xf32>
    %mul3A_839 = arith.mulf %mul3A_837, %mul3A_838 : vector<16x1536xf32>
    %add3A_840 = arith.addf %mul3A_835, %mul3A_839 : vector<16x1536xf32>
    %swap3A_841 = arith.constant 0 : index
    %swap3A_842 = arith.constant 448 : index
    %swap3A_843 = arith.constant 0 : index
    %swap3A_844 = vector.load %arg6[%swap3A_841, %swap3A_842, %swap3A_843] : memref<1x512x1536xf32, #tpu.memory_space<vmem>>, vector<1x16x1536xf32>
    %swap3A_845 = vector.shape_cast %swap3A_844 : vector<1x16x1536xf32> to vector<16x1536xf32>
    %swap3A_846 = vector.shape_cast %add3A_840 : vector<16x1536xf32> to vector<1x16x1536xf32>
    tpu.vector_store %arg6[%swap3A_841, %swap3A_842, %swap3A_843], %swap3A_846 {strides = array<i32>} : memref<1x512x1536xf32, #tpu.memory_space<vmem>>, vector<1x16x1536xf32>,
    %slice3A_847 = vector.extract_strided_slice %sub3A_9 {offsets = [464, 0], sizes = [16, 1], strides = [1, 1]} : vector<512x1xf32> to vector<16x1xf32>
    %get3A_848 = arith.constant 0 : index
    %get3A_849 = arith.constant 14 : index
    %get3A_850 = arith.constant 0 : index
    %get3A_851 = vector.load %arg2[%get3A_848, %get3A_849, %get3A_850] : memref<1x16x1536xf32, #tpu.memory_space<vmem>>, vector<1x1x1536xf32>
    %get3A_852 = vector.shape_cast %get3A_851 : vector<1x1x1536xf32> to vector<1536xf32>
    %get3A_853 = arith.constant 0 : index
    %get3A_854 = arith.constant 15 : index
    %get3A_855 = arith.constant 0 : index
    %get3A_856 = vector.load %arg2[%get3A_853, %get3A_854, %get3A_855] : memref<1x16x1536xf32, #tpu.memory_space<vmem>>, vector<1x1x1536xf32>
    %get3A_857 = vector.shape_cast %get3A_856 : vector<1x1x1536xf32> to vector<1536xf32>
    %broadcast_in_dim3A_858 = vector.shape_cast %get3A_852 : vector<1536xf32> to vector<1x1536xf32>
    %sub3A_859 = arith.constant 1.000000e+00 : f32
    %sub3A_860 = vector.broadcast %sub3A_859 : f32 to vector<16x1xf32>
    %sub3A_861 = arith.subf %sub3A_860, %slice3A_847 : vector<16x1xf32>
    %mul3A_862 = vector.broadcast %broadcast_in_dim3A_858 : vector<1x1536xf32> to vector<16x1536xf32>
    %mul3A_863 = vector.broadcast %sub3A_861 : vector<16x1xf32> to vector<16x1536xf32>
    %mul3A_864 = arith.mulf %mul3A_862, %mul3A_863 : vector<16x1536xf32>
    %broadcast_in_dim3A_865 = vector.shape_cast %get3A_857 : vector<1536xf32> to vector<1x1536xf32>
    %mul3A_866 = vector.broadcast %broadcast_in_dim3A_865 : vector<1x1536xf32> to vector<16x1536xf32>
    %mul3A_867 = vector.broadcast %slice3A_847 : vector<16x1xf32> to vector<16x1536xf32>
    %mul3A_868 = arith.mulf %mul3A_866, %mul3A_867 : vector<16x1536xf32>
    %add3A_869 = arith.addf %mul3A_864, %mul3A_868 : vector<16x1536xf32>
    %swap3A_870 = arith.constant 0 : index
    %swap3A_871 = arith.constant 464 : index
    %swap3A_872 = arith.constant 0 : index
    %swap3A_873 = vector.load %arg6[%swap3A_870, %swap3A_871, %swap3A_872] : memref<1x512x1536xf32, #tpu.memory_space<vmem>>, vector<1x16x1536xf32>
    %swap3A_874 = vector.shape_cast %swap3A_873 : vector<1x16x1536xf32> to vector<16x1536xf32>
    %swap3A_875 = vector.shape_cast %add3A_869 : vector<16x1536xf32> to vector<1x16x1536xf32>
    tpu.vector_store %arg6[%swap3A_870, %swap3A_871, %swap3A_872], %swap3A_875 {strides = array<i32>} : memref<1x512x1536xf32, #tpu.memory_space<vmem>>, vector<1x16x1536xf32>,
    %slice3A_876 = vector.extract_strided_slice %sub3A_9 {offsets = [480, 0], sizes = [16, 1], strides = [1, 1]} : vector<512x1xf32> to vector<16x1xf32>
    %get3A_877 = arith.constant 0 : index
    %get3A_878 = arith.constant 14 : index
    %get3A_879 = arith.constant 0 : index
    %get3A_880 = vector.load %arg2[%get3A_877, %get3A_878, %get3A_879] : memref<1x16x1536xf32, #tpu.memory_space<vmem>>, vector<1x1x1536xf32>
    %get3A_881 = vector.shape_cast %get3A_880 : vector<1x1x1536xf32> to vector<1536xf32>
    %get3A_882 = arith.constant 0 : index
    %get3A_883 = arith.constant 15 : index
    %get3A_884 = arith.constant 0 : index
    %get3A_885 = vector.load %arg2[%get3A_882, %get3A_883, %get3A_884] : memref<1x16x1536xf32, #tpu.memory_space<vmem>>, vector<1x1x1536xf32>
    %get3A_886 = vector.shape_cast %get3A_885 : vector<1x1x1536xf32> to vector<1536xf32>
    %broadcast_in_dim3A_887 = vector.shape_cast %get3A_881 : vector<1536xf32> to vector<1x1536xf32>
    %sub3A_888 = arith.constant 1.000000e+00 : f32
    %sub3A_889 = vector.broadcast %sub3A_888 : f32 to vector<16x1xf32>
    %sub3A_890 = arith.subf %sub3A_889, %slice3A_876 : vector<16x1xf32>
    %mul3A_891 = vector.broadcast %broadcast_in_dim3A_887 : vector<1x1536xf32> to vector<16x1536xf32>
    %mul3A_892 = vector.broadcast %sub3A_890 : vector<16x1xf32> to vector<16x1536xf32>
    %mul3A_893 = arith.mulf %mul3A_891, %mul3A_892 : vector<16x1536xf32>
    %broadcast_in_dim3A_894 = vector.shape_cast %get3A_886 : vector<1536xf32> to vector<1x1536xf32>
    %mul3A_895 = vector.broadcast %broadcast_in_dim3A_894 : vector<1x1536xf32> to vector<16x1536xf32>
    %mul3A_896 = vector.broadcast %slice3A_876 : vector<16x1xf32> to vector<16x1536xf32>
    %mul3A_897 = arith.mulf %mul3A_895, %mul3A_896 : vector<16x1536xf32>
    %add3A_898 = arith.addf %mul3A_893, %mul3A_897 : vector<16x1536xf32>
    %swap3A_899 = arith.constant 0 : index
    %swap3A_900 = arith.constant 480 : index
    %swap3A_901 = arith.constant 0 : index
    %swap3A_902 = vector.load %arg6[%swap3A_899, %swap3A_900, %swap3A_901] : memref<1x512x1536xf32, #tpu.memory_space<vmem>>, vector<1x16x1536xf32>
    %swap3A_903 = vector.shape_cast %swap3A_902 : vector<1x16x1536xf32> to vector<16x1536xf32>
    %swap3A_904 = vector.shape_cast %add3A_898 : vector<16x1536xf32> to vector<1x16x1536xf32>
    tpu.vector_store %arg6[%swap3A_899, %swap3A_900, %swap3A_901], %swap3A_904 {strides = array<i32>} : memref<1x512x1536xf32, #tpu.memory_space<vmem>>, vector<1x16x1536xf32>,
    %slice3A_905 = vector.extract_strided_slice %sub3A_9 {offsets = [496, 0], sizes = [16, 1], strides = [1, 1]} : vector<512x1xf32> to vector<16x1xf32>
    %get3A_906 = arith.constant 0 : index
    %get3A_907 = arith.constant 15 : index
    %get3A_908 = arith.constant 0 : index
    %get3A_909 = vector.load %arg2[%get3A_906, %get3A_907, %get3A_908] : memref<1x16x1536xf32, #tpu.memory_space<vmem>>, vector<1x1x1536xf32>
    %get3A_910 = vector.shape_cast %get3A_909 : vector<1x1x1536xf32> to vector<1536xf32>
    %get3A_911 = arith.constant 0 : index
    %get3A_912 = arith.constant 15 : index
    %get3A_913 = arith.constant 0 : index
    %get3A_914 = vector.load %arg2[%get3A_911, %get3A_912, %get3A_913] : memref<1x16x1536xf32, #tpu.memory_space<vmem>>, vector<1x1x1536xf32>
    %get3A_915 = vector.shape_cast %get3A_914 : vector<1x1x1536xf32> to vector<1536xf32>
    %broadcast_in_dim3A_916 = vector.shape_cast %get3A_910 : vector<1536xf32> to vector<1x1536xf32>
    %sub3A_917 = arith.constant 1.000000e+00 : f32
    %sub3A_918 = vector.broadcast %sub3A_917 : f32 to vector<16x1xf32>
    %sub3A_919 = arith.subf %sub3A_918, %slice3A_905 : vector<16x1xf32>
    %mul3A_920 = vector.broadcast %broadcast_in_dim3A_916 : vector<1x1536xf32> to vector<16x1536xf32>
    %mul3A_921 = vector.broadcast %sub3A_919 : vector<16x1xf32> to vector<16x1536xf32>
    %mul3A_922 = arith.mulf %mul3A_920, %mul3A_921 : vector<16x1536xf32>
    %broadcast_in_dim3A_923 = vector.shape_cast %get3A_915 : vector<1536xf32> to vector<1x1536xf32>
    %mul3A_924 = vector.broadcast %broadcast_in_dim3A_923 : vector<1x1536xf32> to vector<16x1536xf32>
    %mul3A_925 = vector.broadcast %slice3A_905 : vector<16x1xf32> to vector<16x1536xf32>
    %mul3A_926 = arith.mulf %mul3A_924, %mul3A_925 : vector<16x1536xf32>
    %add3A_927 = arith.addf %mul3A_922, %mul3A_926 : vector<16x1536xf32>
    %swap3A_928 = arith.constant 0 : index
    %swap3A_929 = arith.constant 496 : index
    %swap3A_930 = arith.constant 0 : index
    %swap3A_931 = vector.load %arg6[%swap3A_928, %swap3A_929, %swap3A_930] : memref<1x512x1536xf32, #tpu.memory_space<vmem>>, vector<1x16x1536xf32>
    %swap3A_932 = vector.shape_cast %swap3A_931 : vector<1x16x1536xf32> to vector<16x1536xf32>
    %swap3A_933 = vector.shape_cast %add3A_927 : vector<16x1536xf32> to vector<1x16x1536xf32>
    tpu.vector_store %arg6[%swap3A_928, %swap3A_929, %swap3A_930], %swap3A_933 {strides = array<i32>} : memref<1x512x1536xf32, #tpu.memory_space<vmem>>, vector<1x16x1536xf32>,
    %get3A_934 = arith.constant 0 : index
    %get3A_935 = arith.constant 0 : index
    %get3A_936 = arith.constant 0 : index
    %get3A_937 = arith.constant 0 : index
    %get3A_938 = vector.load %arg1[%get3A_934, %get3A_935, %get3A_936, %get3A_937] : memref<1x3x512x512xf32, #tpu.memory_space<vmem>>, vector<1x1x512x512xf32>
    %get3A_939 = vector.shape_cast %get3A_938 : vector<1x1x512x512xf32> to vector<512x512xf32>
    %broadcast_in_dim3A_940 = arith.constant 0.000000e+00 : f32
    %broadcast_in_dim3A_941 = vector.broadcast %broadcast_in_dim3A_940 : f32 to vector<512x128xf32>
    %broadcast_in_dim3A_942 = arith.constant 0.000000e+00 : f32
    %broadcast_in_dim3A_943 = vector.broadcast %broadcast_in_dim3A_942 : f32 to vector<512x128xf32>
    %concatenate3A = tpu.concatenate %broadcast_in_dim3A_941, %get3A_939, %broadcast_in_dim3A_943 in 1 : vector<512x128xf32>, vector<512x512xf32>, vector<512x128xf32> -> vector<512x768xf32>
    %broadcast_in_dim3A_944 = arith.constant 0.000000e+00 : f32
    %broadcast_in_dim3A_945 = vector.broadcast %broadcast_in_dim3A_944 : f32 to vector<8x768xf32>
    %broadcast_in_dim3A_946 = arith.constant 0.000000e+00 : f32
    %broadcast_in_dim3A_947 = vector.broadcast %broadcast_in_dim3A_946 : f32 to vector<8x768xf32>
    %concatenate3A_948 = tpu.concatenate %broadcast_in_dim3A_945, %concatenate3A, %broadcast_in_dim3A_947 in 0 : vector<8x768xf32>, vector<512x768xf32>, vector<8x768xf32> -> vector<528x768xf32>
    %get3A_949 = arith.constant 0 : index
    %get3A_950 = arith.constant 1 : index
    %get3A_951 = arith.constant 0 : index
    %get3A_952 = arith.constant 0 : index
    %get3A_953 = vector.load %arg1[%get3A_949, %get3A_950, %get3A_951, %get3A_952] : memref<1x3x512x512xf32, #tpu.memory_space<vmem>>, vector<1x1x512x512xf32>
    %get3A_954 = vector.shape_cast %get3A_953 : vector<1x1x512x512xf32> to vector<512x512xf32>
    %broadcast_in_dim3A_955 = arith.constant 0.000000e+00 : f32
    %broadcast_in_dim3A_956 = vector.broadcast %broadcast_in_dim3A_955 : f32 to vector<512x128xf32>
    %broadcast_in_dim3A_957 = arith.constant 0.000000e+00 : f32
    %broadcast_in_dim3A_958 = vector.broadcast %broadcast_in_dim3A_957 : f32 to vector<512x128xf32>
    %concatenate3A_959 = tpu.concatenate %broadcast_in_dim3A_956, %get3A_954, %broadcast_in_dim3A_958 in 1 : vector<512x128xf32>, vector<512x512xf32>, vector<512x128xf32> -> vector<512x768xf32>
    %broadcast_in_dim3A_960 = arith.constant 0.000000e+00 : f32
    %broadcast_in_dim3A_961 = vector.broadcast %broadcast_in_dim3A_960 : f32 to vector<8x768xf32>
    %broadcast_in_dim3A_962 = arith.constant 0.000000e+00 : f32
    %broadcast_in_dim3A_963 = vector.broadcast %broadcast_in_dim3A_962 : f32 to vector<8x768xf32>
    %concatenate3A_964 = tpu.concatenate %broadcast_in_dim3A_961, %concatenate3A_959, %broadcast_in_dim3A_963 in 0 : vector<8x768xf32>, vector<512x768xf32>, vector<8x768xf32> -> vector<528x768xf32>
    %get3A_965 = arith.constant 0 : index
    %get3A_966 = arith.constant 2 : index
    %get3A_967 = arith.constant 0 : index
    %get3A_968 = arith.constant 0 : index
    %get3A_969 = vector.load %arg1[%get3A_965, %get3A_966, %get3A_967, %get3A_968] : memref<1x3x512x512xf32, #tpu.memory_space<vmem>>, vector<1x1x512x512xf32>
    %get3A_970 = vector.shape_cast %get3A_969 : vector<1x1x512x512xf32> to vector<512x512xf32>
    %broadcast_in_dim3A_971 = arith.constant 0.000000e+00 : f32
    %broadcast_in_dim3A_972 = vector.broadcast %broadcast_in_dim3A_971 : f32 to vector<512x128xf32>
    %broadcast_in_dim3A_973 = arith.constant 0.000000e+00 : f32
    %broadcast_in_dim3A_974 = vector.broadcast %broadcast_in_dim3A_973 : f32 to vector<512x128xf32>
    %concatenate3A_975 = tpu.concatenate %broadcast_in_dim3A_972, %get3A_970, %broadcast_in_dim3A_974 in 1 : vector<512x128xf32>, vector<512x512xf32>, vector<512x128xf32> -> vector<512x768xf32>
    %broadcast_in_dim3A_976 = arith.constant 0.000000e+00 : f32
    %broadcast_in_dim3A_977 = vector.broadcast %broadcast_in_dim3A_976 : f32 to vector<8x768xf32>
    %broadcast_in_dim3A_978 = arith.constant 0.000000e+00 : f32
    %broadcast_in_dim3A_979 = vector.broadcast %broadcast_in_dim3A_978 : f32 to vector<8x768xf32>
    %concatenate3A_980 = tpu.concatenate %broadcast_in_dim3A_977, %concatenate3A_975, %broadcast_in_dim3A_979 in 0 : vector<8x768xf32>, vector<512x768xf32>, vector<8x768xf32> -> vector<528x768xf32>
    %get3A_981 = arith.constant 0 : index
    %get3A_982 = memref.load %arg4[%get3A_981] : memref<3xf32, #tpu.memory_space<smem>>
    %broadcast_in_dim3A_983 = vector.broadcast %get3A_982 : f32 to vector<512x512xf32>
    %get3A_984 = arith.constant 0 : index
    %get3A_985 = arith.constant 0 : index
    %get3A_986 = arith.constant 0 : index
    %get3A_987 = arith.constant 0 : index
    %get3A_988 = memref.load %arg3[%get3A_984, %get3A_985, %get3A_986, %get3A_987] : memref<3x3x3x3xf32, #tpu.memory_space<smem>>
    %slice3A_989 = vector.extract_strided_slice %concatenate3A_948 {offsets = [7, 127], sizes = [512, 512], strides = [1, 1]} : vector<528x768xf32> to vector<512x512xf32>
    %mul3A_990 = vector.broadcast %get3A_988 : f32 to vector<512x512xf32>
    %mul3A_991 = arith.mulf %mul3A_990, %slice3A_989 : vector<512x512xf32>
    %add3A_992 = arith.addf %broadcast_in_dim3A_983, %mul3A_991 : vector<512x512xf32>
    %get3A_993 = arith.constant 0 : index
    %get3A_994 = arith.constant 0 : index
    %get3A_995 = arith.constant 1 : index
    %get3A_996 = arith.constant 0 : index
    %get3A_997 = memref.load %arg3[%get3A_993, %get3A_994, %get3A_995, %get3A_996] : memref<3x3x3x3xf32, #tpu.memory_space<smem>>
    %slice3A_998 = vector.extract_strided_slice %concatenate3A_964 {offsets = [7, 127], sizes = [512, 512], strides = [1, 1]} : vector<528x768xf32> to vector<512x512xf32>
    %mul3A_999 = vector.broadcast %get3A_997 : f32 to vector<512x512xf32>
    %mul3A_1000 = arith.mulf %mul3A_999, %slice3A_998 : vector<512x512xf32>
    %add3A_1001 = arith.addf %add3A_992, %mul3A_1000 : vector<512x512xf32>
    %get3A_1002 = arith.constant 0 : index
    %get3A_1003 = arith.constant 0 : index
    %get3A_1004 = arith.constant 2 : index
    %get3A_1005 = arith.constant 0 : index
    %get3A_1006 = memref.load %arg3[%get3A_1002, %get3A_1003, %get3A_1004, %get3A_1005] : memref<3x3x3x3xf32, #tpu.memory_space<smem>>
    %slice3A_1007 = vector.extract_strided_slice %concatenate3A_980 {offsets = [7, 127], sizes = [512, 512], strides = [1, 1]} : vector<528x768xf32> to vector<512x512xf32>
    %mul3A_1008 = vector.broadcast %get3A_1006 : f32 to vector<512x512xf32>
    %mul3A_1009 = arith.mulf %mul3A_1008, %slice3A_1007 : vector<512x512xf32>
    %add3A_1010 = arith.addf %add3A_1001, %mul3A_1009 : vector<512x512xf32>
    %get3A_1011 = arith.constant 0 : index
    %get3A_1012 = arith.constant 1 : index
    %get3A_1013 = arith.constant 0 : index
    %get3A_1014 = arith.constant 0 : index
    %get3A_1015 = memref.load %arg3[%get3A_1011, %get3A_1012, %get3A_1013, %get3A_1014] : memref<3x3x3x3xf32, #tpu.memory_space<smem>>
    %slice3A_1016 = vector.extract_strided_slice %concatenate3A_948 {offsets = [7, 128], sizes = [512, 512], strides = [1, 1]} : vector<528x768xf32> to vector<512x512xf32>
    %mul3A_1017 = vector.broadcast %get3A_1015 : f32 to vector<512x512xf32>
    %mul3A_1018 = arith.mulf %mul3A_1017, %slice3A_1016 : vector<512x512xf32>
    %add3A_1019 = arith.addf %add3A_1010, %mul3A_1018 : vector<512x512xf32>
    %get3A_1020 = arith.constant 0 : index
    %get3A_1021 = arith.constant 1 : index
    %get3A_1022 = arith.constant 1 : index
    %get3A_1023 = arith.constant 0 : index
    %get3A_1024 = memref.load %arg3[%get3A_1020, %get3A_1021, %get3A_1022, %get3A_1023] : memref<3x3x3x3xf32, #tpu.memory_space<smem>>
    %slice3A_1025 = vector.extract_strided_slice %concatenate3A_964 {offsets = [7, 128], sizes = [512, 512], strides = [1, 1]} : vector<528x768xf32> to vector<512x512xf32>
    %mul3A_1026 = vector.broadcast %get3A_1024 : f32 to vector<512x512xf32>
    %mul3A_1027 = arith.mulf %mul3A_1026, %slice3A_1025 : vector<512x512xf32>
    %add3A_1028 = arith.addf %add3A_1019, %mul3A_1027 : vector<512x512xf32>
    %get3A_1029 = arith.constant 0 : index
    %get3A_1030 = arith.constant 1 : index
    %get3A_1031 = arith.constant 2 : index
    %get3A_1032 = arith.constant 0 : index
    %get3A_1033 = memref.load %arg3[%get3A_1029, %get3A_1030, %get3A_1031, %get3A_1032] : memref<3x3x3x3xf32, #tpu.memory_space<smem>>
    %slice3A_1034 = vector.extract_strided_slice %concatenate3A_980 {offsets = [7, 128], sizes = [512, 512], strides = [1, 1]} : vector<528x768xf32> to vector<512x512xf32>
    %mul3A_1035 = vector.broadcast %get3A_1033 : f32 to vector<512x512xf32>
    %mul3A_1036 = arith.mulf %mul3A_1035, %slice3A_1034 : vector<512x512xf32>
    %add3A_1037 = arith.addf %add3A_1028, %mul3A_1036 : vector<512x512xf32>
    %get3A_1038 = arith.constant 0 : index
    %get3A_1039 = arith.constant 2 : index
    %get3A_1040 = arith.constant 0 : index
    %get3A_1041 = arith.constant 0 : index
    %get3A_1042 = memref.load %arg3[%get3A_1038, %get3A_1039, %get3A_1040, %get3A_1041] : memref<3x3x3x3xf32, #tpu.memory_space<smem>>
    %slice3A_1043 = vector.extract_strided_slice %concatenate3A_948 {offsets = [7, 129], sizes = [512, 512], strides = [1, 1]} : vector<528x768xf32> to vector<512x512xf32>
    %mul3A_1044 = vector.broadcast %get3A_1042 : f32 to vector<512x512xf32>
    %mul3A_1045 = arith.mulf %mul3A_1044, %slice3A_1043 : vector<512x512xf32>
    %add3A_1046 = arith.addf %add3A_1037, %mul3A_1045 : vector<512x512xf32>
    %get3A_1047 = arith.constant 0 : index
    %get3A_1048 = arith.constant 2 : index
    %get3A_1049 = arith.constant 1 : index
    %get3A_1050 = arith.constant 0 : index
    %get3A_1051 = memref.load %arg3[%get3A_1047, %get3A_1048, %get3A_1049, %get3A_1050] : memref<3x3x3x3xf32, #tpu.memory_space<smem>>
    %slice3A_1052 = vector.extract_strided_slice %concatenate3A_964 {offsets = [7, 129], sizes = [512, 512], strides = [1, 1]} : vector<528x768xf32> to vector<512x512xf32>
    %mul3A_1053 = vector.broadcast %get3A_1051 : f32 to vector<512x512xf32>
    %mul3A_1054 = arith.mulf %mul3A_1053, %slice3A_1052 : vector<512x512xf32>
    %add3A_1055 = arith.addf %add3A_1046, %mul3A_1054 : vector<512x512xf32>
    %get3A_1056 = arith.constant 0 : index
    %get3A_1057 = arith.constant 2 : index
    %get3A_1058 = arith.constant 2 : index
    %get3A_1059 = arith.constant 0 : index
    %get3A_1060 = memref.load %arg3[%get3A_1056, %get3A_1057, %get3A_1058, %get3A_1059] : memref<3x3x3x3xf32, #tpu.memory_space<smem>>
    %slice3A_1061 = vector.extract_strided_slice %concatenate3A_980 {offsets = [7, 129], sizes = [512, 512], strides = [1, 1]} : vector<528x768xf32> to vector<512x512xf32>
    %mul3A_1062 = vector.broadcast %get3A_1060 : f32 to vector<512x512xf32>
    %mul3A_1063 = arith.mulf %mul3A_1062, %slice3A_1061 : vector<512x512xf32>
    %add3A_1064 = arith.addf %add3A_1055, %mul3A_1063 : vector<512x512xf32>
    %get3A_1065 = arith.constant 1 : index
    %get3A_1066 = arith.constant 0 : index
    %get3A_1067 = arith.constant 0 : index
    %get3A_1068 = arith.constant 0 : index
    %get3A_1069 = memref.load %arg3[%get3A_1065, %get3A_1066, %get3A_1067, %get3A_1068] : memref<3x3x3x3xf32, #tpu.memory_space<smem>>
    %slice3A_1070 = vector.extract_strided_slice %concatenate3A_948 {offsets = [8, 127], sizes = [512, 512], strides = [1, 1]} : vector<528x768xf32> to vector<512x512xf32>
    %mul3A_1071 = vector.broadcast %get3A_1069 : f32 to vector<512x512xf32>
    %mul3A_1072 = arith.mulf %mul3A_1071, %slice3A_1070 : vector<512x512xf32>
    %add3A_1073 = arith.addf %add3A_1064, %mul3A_1072 : vector<512x512xf32>
    %get3A_1074 = arith.constant 1 : index
    %get3A_1075 = arith.constant 0 : index
    %get3A_1076 = arith.constant 1 : index
    %get3A_1077 = arith.constant 0 : index
    %get3A_1078 = memref.load %arg3[%get3A_1074, %get3A_1075, %get3A_1076, %get3A_1077] : memref<3x3x3x3xf32, #tpu.memory_space<smem>>
    %slice3A_1079 = vector.extract_strided_slice %concatenate3A_964 {offsets = [8, 127], sizes = [512, 512], strides = [1, 1]} : vector<528x768xf32> to vector<512x512xf32>
    %mul3A_1080 = vector.broadcast %get3A_1078 : f32 to vector<512x512xf32>
    %mul3A_1081 = arith.mulf %mul3A_1080, %slice3A_1079 : vector<512x512xf32>
    %add3A_1082 = arith.addf %add3A_1073, %mul3A_1081 : vector<512x512xf32>
    %get3A_1083 = arith.constant 1 : index
    %get3A_1084 = arith.constant 0 : index
    %get3A_1085 = arith.constant 2 : index
    %get3A_1086 = arith.constant 0 : index
    %get3A_1087 = memref.load %arg3[%get3A_1083, %get3A_1084, %get3A_1085, %get3A_1086] : memref<3x3x3x3xf32, #tpu.memory_space<smem>>
    %slice3A_1088 = vector.extract_strided_slice %concatenate3A_980 {offsets = [8, 127], sizes = [512, 512], strides = [1, 1]} : vector<528x768xf32> to vector<512x512xf32>
    %mul3A_1089 = vector.broadcast %get3A_1087 : f32 to vector<512x512xf32>
    %mul3A_1090 = arith.mulf %mul3A_1089, %slice3A_1088 : vector<512x512xf32>
    %add3A_1091 = arith.addf %add3A_1082, %mul3A_1090 : vector<512x512xf32>
    %get3A_1092 = arith.constant 1 : index
    %get3A_1093 = arith.constant 1 : index
    %get3A_1094 = arith.constant 0 : index
    %get3A_1095 = arith.constant 0 : index
    %get3A_1096 = memref.load %arg3[%get3A_1092, %get3A_1093, %get3A_1094, %get3A_1095] : memref<3x3x3x3xf32, #tpu.memory_space<smem>>
    %slice3A_1097 = vector.extract_strided_slice %concatenate3A_948 {offsets = [8, 128], sizes = [512, 512], strides = [1, 1]} : vector<528x768xf32> to vector<512x512xf32>
    %mul3A_1098 = vector.broadcast %get3A_1096 : f32 to vector<512x512xf32>
    %mul3A_1099 = arith.mulf %mul3A_1098, %slice3A_1097 : vector<512x512xf32>
    %add3A_1100 = arith.addf %add3A_1091, %mul3A_1099 : vector<512x512xf32>
    %get3A_1101 = arith.constant 1 : index
    %get3A_1102 = arith.constant 1 : index
    %get3A_1103 = arith.constant 1 : index
    %get3A_1104 = arith.constant 0 : index
    %get3A_1105 = memref.load %arg3[%get3A_1101, %get3A_1102, %get3A_1103, %get3A_1104] : memref<3x3x3x3xf32, #tpu.memory_space<smem>>
    %slice3A_1106 = vector.extract_strided_slice %concatenate3A_964 {offsets = [8, 128], sizes = [512, 512], strides = [1, 1]} : vector<528x768xf32> to vector<512x512xf32>
    %mul3A_1107 = vector.broadcast %get3A_1105 : f32 to vector<512x512xf32>
    %mul3A_1108 = arith.mulf %mul3A_1107, %slice3A_1106 : vector<512x512xf32>
    %add3A_1109 = arith.addf %add3A_1100, %mul3A_1108 : vector<512x512xf32>
    %get3A_1110 = arith.constant 1 : index
    %get3A_1111 = arith.constant 1 : index
    %get3A_1112 = arith.constant 2 : index
    %get3A_1113 = arith.constant 0 : index
    %get3A_1114 = memref.load %arg3[%get3A_1110, %get3A_1111, %get3A_1112, %get3A_1113] : memref<3x3x3x3xf32, #tpu.memory_space<smem>>
    %slice3A_1115 = vector.extract_strided_slice %concatenate3A_980 {offsets = [8, 128], sizes = [512, 512], strides = [1, 1]} : vector<528x768xf32> to vector<512x512xf32>
    %mul3A_1116 = vector.broadcast %get3A_1114 : f32 to vector<512x512xf32>
    %mul3A_1117 = arith.mulf %mul3A_1116, %slice3A_1115 : vector<512x512xf32>
    %add3A_1118 = arith.addf %add3A_1109, %mul3A_1117 : vector<512x512xf32>
    %get3A_1119 = arith.constant 1 : index
    %get3A_1120 = arith.constant 2 : index
    %get3A_1121 = arith.constant 0 : index
    %get3A_1122 = arith.constant 0 : index
    %get3A_1123 = memref.load %arg3[%get3A_1119, %get3A_1120, %get3A_1121, %get3A_1122] : memref<3x3x3x3xf32, #tpu.memory_space<smem>>
    %slice3A_1124 = vector.extract_strided_slice %concatenate3A_948 {offsets = [8, 129], sizes = [512, 512], strides = [1, 1]} : vector<528x768xf32> to vector<512x512xf32>
    %mul3A_1125 = vector.broadcast %get3A_1123 : f32 to vector<512x512xf32>
    %mul3A_1126 = arith.mulf %mul3A_1125, %slice3A_1124 : vector<512x512xf32>
    %add3A_1127 = arith.addf %add3A_1118, %mul3A_1126 : vector<512x512xf32>
    %get3A_1128 = arith.constant 1 : index
    %get3A_1129 = arith.constant 2 : index
    %get3A_1130 = arith.constant 1 : index
    %get3A_1131 = arith.constant 0 : index
    %get3A_1132 = memref.load %arg3[%get3A_1128, %get3A_1129, %get3A_1130, %get3A_1131] : memref<3x3x3x3xf32, #tpu.memory_space<smem>>
    %slice3A_1133 = vector.extract_strided_slice %concatenate3A_964 {offsets = [8, 129], sizes = [512, 512], strides = [1, 1]} : vector<528x768xf32> to vector<512x512xf32>
    %mul3A_1134 = vector.broadcast %get3A_1132 : f32 to vector<512x512xf32>
    %mul3A_1135 = arith.mulf %mul3A_1134, %slice3A_1133 : vector<512x512xf32>
    %add3A_1136 = arith.addf %add3A_1127, %mul3A_1135 : vector<512x512xf32>
    %get3A_1137 = arith.constant 1 : index
    %get3A_1138 = arith.constant 2 : index
    %get3A_1139 = arith.constant 2 : index
    %get3A_1140 = arith.constant 0 : index
    %get3A_1141 = memref.load %arg3[%get3A_1137, %get3A_1138, %get3A_1139, %get3A_1140] : memref<3x3x3x3xf32, #tpu.memory_space<smem>>
    %slice3A_1142 = vector.extract_strided_slice %concatenate3A_980 {offsets = [8, 129], sizes = [512, 512], strides = [1, 1]} : vector<528x768xf32> to vector<512x512xf32>
    %mul3A_1143 = vector.broadcast %get3A_1141 : f32 to vector<512x512xf32>
    %mul3A_1144 = arith.mulf %mul3A_1143, %slice3A_1142 : vector<512x512xf32>
    %add3A_1145 = arith.addf %add3A_1136, %mul3A_1144 : vector<512x512xf32>
    %get3A_1146 = arith.constant 2 : index
    %get3A_1147 = arith.constant 0 : index
    %get3A_1148 = arith.constant 0 : index
    %get3A_1149 = arith.constant 0 : index
    %get3A_1150 = memref.load %arg3[%get3A_1146, %get3A_1147, %get3A_1148, %get3A_1149] : memref<3x3x3x3xf32, #tpu.memory_space<smem>>
    %slice3A_1151 = vector.extract_strided_slice %concatenate3A_948 {offsets = [9, 127], sizes = [512, 512], strides = [1, 1]} : vector<528x768xf32> to vector<512x512xf32>
    %mul3A_1152 = vector.broadcast %get3A_1150 : f32 to vector<512x512xf32>
    %mul3A_1153 = arith.mulf %mul3A_1152, %slice3A_1151 : vector<512x512xf32>
    %add3A_1154 = arith.addf %add3A_1145, %mul3A_1153 : vector<512x512xf32>
    %get3A_1155 = arith.constant 2 : index
    %get3A_1156 = arith.constant 0 : index
    %get3A_1157 = arith.constant 1 : index
    %get3A_1158 = arith.constant 0 : index
    %get3A_1159 = memref.load %arg3[%get3A_1155, %get3A_1156, %get3A_1157, %get3A_1158] : memref<3x3x3x3xf32, #tpu.memory_space<smem>>
    %slice3A_1160 = vector.extract_strided_slice %concatenate3A_964 {offsets = [9, 127], sizes = [512, 512], strides = [1, 1]} : vector<528x768xf32> to vector<512x512xf32>
    %mul3A_1161 = vector.broadcast %get3A_1159 : f32 to vector<512x512xf32>
    %mul3A_1162 = arith.mulf %mul3A_1161, %slice3A_1160 : vector<512x512xf32>
    %add3A_1163 = arith.addf %add3A_1154, %mul3A_1162 : vector<512x512xf32>
    %get3A_1164 = arith.constant 2 : index
    %get3A_1165 = arith.constant 0 : index
    %get3A_1166 = arith.constant 2 : index
    %get3A_1167 = arith.constant 0 : index
    %get3A_1168 = memref.load %arg3[%get3A_1164, %get3A_1165, %get3A_1166, %get3A_1167] : memref<3x3x3x3xf32, #tpu.memory_space<smem>>
    %slice3A_1169 = vector.extract_strided_slice %concatenate3A_980 {offsets = [9, 127], sizes = [512, 512], strides = [1, 1]} : vector<528x768xf32> to vector<512x512xf32>
    %mul3A_1170 = vector.broadcast %get3A_1168 : f32 to vector<512x512xf32>
    %mul3A_1171 = arith.mulf %mul3A_1170, %slice3A_1169 : vector<512x512xf32>
    %add3A_1172 = arith.addf %add3A_1163, %mul3A_1171 : vector<512x512xf32>
    %get3A_1173 = arith.constant 2 : index
    %get3A_1174 = arith.constant 1 : index
    %get3A_1175 = arith.constant 0 : index
    %get3A_1176 = arith.constant 0 : index
    %get3A_1177 = memref.load %arg3[%get3A_1173, %get3A_1174, %get3A_1175, %get3A_1176] : memref<3x3x3x3xf32, #tpu.memory_space<smem>>
    %slice3A_1178 = vector.extract_strided_slice %concatenate3A_948 {offsets = [9, 128], sizes = [512, 512], strides = [1, 1]} : vector<528x768xf32> to vector<512x512xf32>
    %mul3A_1179 = vector.broadcast %get3A_1177 : f32 to vector<512x512xf32>
    %mul3A_1180 = arith.mulf %mul3A_1179, %slice3A_1178 : vector<512x512xf32>
    %add3A_1181 = arith.addf %add3A_1172, %mul3A_1180 : vector<512x512xf32>
    %get3A_1182 = arith.constant 2 : index
    %get3A_1183 = arith.constant 1 : index
    %get3A_1184 = arith.constant 1 : index
    %get3A_1185 = arith.constant 0 : index
    %get3A_1186 = memref.load %arg3[%get3A_1182, %get3A_1183, %get3A_1184, %get3A_1185] : memref<3x3x3x3xf32, #tpu.memory_space<smem>>
    %slice3A_1187 = vector.extract_strided_slice %concatenate3A_964 {offsets = [9, 128], sizes = [512, 512], strides = [1, 1]} : vector<528x768xf32> to vector<512x512xf32>
    %mul3A_1188 = vector.broadcast %get3A_1186 : f32 to vector<512x512xf32>
    %mul3A_1189 = arith.mulf %mul3A_1188, %slice3A_1187 : vector<512x512xf32>
    %add3A_1190 = arith.addf %add3A_1181, %mul3A_1189 : vector<512x512xf32>
    %get3A_1191 = arith.constant 2 : index
    %get3A_1192 = arith.constant 1 : index
    %get3A_1193 = arith.constant 2 : index
    %get3A_1194 = arith.constant 0 : index
    %get3A_1195 = memref.load %arg3[%get3A_1191, %get3A_1192, %get3A_1193, %get3A_1194] : memref<3x3x3x3xf32, #tpu.memory_space<smem>>
    %slice3A_1196 = vector.extract_strided_slice %concatenate3A_980 {offsets = [9, 128], sizes = [512, 512], strides = [1, 1]} : vector<528x768xf32> to vector<512x512xf32>
    %mul3A_1197 = vector.broadcast %get3A_1195 : f32 to vector<512x512xf32>
    %mul3A_1198 = arith.mulf %mul3A_1197, %slice3A_1196 : vector<512x512xf32>
    %add3A_1199 = arith.addf %add3A_1190, %mul3A_1198 : vector<512x512xf32>
    %get3A_1200 = arith.constant 2 : index
    %get3A_1201 = arith.constant 2 : index
    %get3A_1202 = arith.constant 0 : index
    %get3A_1203 = arith.constant 0 : index
    %get3A_1204 = memref.load %arg3[%get3A_1200, %get3A_1201, %get3A_1202, %get3A_1203] : memref<3x3x3x3xf32, #tpu.memory_space<smem>>
    %slice3A_1205 = vector.extract_strided_slice %concatenate3A_948 {offsets = [9, 129], sizes = [512, 512], strides = [1, 1]} : vector<528x768xf32> to vector<512x512xf32>
    %mul3A_1206 = vector.broadcast %get3A_1204 : f32 to vector<512x512xf32>
    %mul3A_1207 = arith.mulf %mul3A_1206, %slice3A_1205 : vector<512x512xf32>
    %add3A_1208 = arith.addf %add3A_1199, %mul3A_1207 : vector<512x512xf32>
    %get3A_1209 = arith.constant 2 : index
    %get3A_1210 = arith.constant 2 : index
    %get3A_1211 = arith.constant 1 : index
    %get3A_1212 = arith.constant 0 : index
    %get3A_1213 = memref.load %arg3[%get3A_1209, %get3A_1210, %get3A_1211, %get3A_1212] : memref<3x3x3x3xf32, #tpu.memory_space<smem>>
    %slice3A_1214 = vector.extract_strided_slice %concatenate3A_964 {offsets = [9, 129], sizes = [512, 512], strides = [1, 1]} : vector<528x768xf32> to vector<512x512xf32>
    %mul3A_1215 = vector.broadcast %get3A_1213 : f32 to vector<512x512xf32>
    %mul3A_1216 = arith.mulf %mul3A_1215, %slice3A_1214 : vector<512x512xf32>
    %add3A_1217 = arith.addf %add3A_1208, %mul3A_1216 : vector<512x512xf32>
    %get3A_1218 = arith.constant 2 : index
    %get3A_1219 = arith.constant 2 : index
    %get3A_1220 = arith.constant 2 : index
    %get3A_1221 = arith.constant 0 : index
    %get3A_1222 = memref.load %arg3[%get3A_1218, %get3A_1219, %get3A_1220, %get3A_1221] : memref<3x3x3x3xf32, #tpu.memory_space<smem>>
    %slice3A_1223 = vector.extract_strided_slice %concatenate3A_980 {offsets = [9, 129], sizes = [512, 512], strides = [1, 1]} : vector<528x768xf32> to vector<512x512xf32>
    %mul3A_1224 = vector.broadcast %get3A_1222 : f32 to vector<512x512xf32>
    %mul3A_1225 = arith.mulf %mul3A_1224, %slice3A_1223 : vector<512x512xf32>
    %add3A_1226 = arith.addf %add3A_1217, %mul3A_1225 : vector<512x512xf32>
    %swap3A_1227 = arith.constant 0 : index
    %swap3A_1228 = arith.constant 0 : index
    %swap3A_1229 = arith.constant 0 : index
    %swap3A_1230 = arith.constant 0 : index
    %swap3A_1231 = vector.load %arg5[%swap3A_1227, %swap3A_1228, %swap3A_1229, %swap3A_1230] : memref<1x3x512x512xf32, #tpu.memory_space<vmem>>, vector<1x1x512x512xf32>
    %swap3A_1232 = vector.shape_cast %swap3A_1231 : vector<1x1x512x512xf32> to vector<512x512xf32>
    %swap3A_1233 = vector.shape_cast %add3A_1226 : vector<512x512xf32> to vector<1x1x512x512xf32>
    tpu.vector_store %arg5[%swap3A_1227, %swap3A_1228, %swap3A_1229, %swap3A_1230], %swap3A_1233 {strides = array<i32>} : memref<1x3x512x512xf32, #tpu.memory_space<vmem>>, vector<1x1x512x512xf32>,
    %get3A_1234 = arith.constant 1 : index
    %get3A_1235 = memref.load %arg4[%get3A_1234] : memref<3xf32, #tpu.memory_space<smem>>
    %broadcast_in_dim3A_1236 = vector.broadcast %get3A_1235 : f32 to vector<512x512xf32>
    %get3A_1237 = arith.constant 0 : index
    %get3A_1238 = arith.constant 0 : index
    %get3A_1239 = arith.constant 0 : index
    %get3A_1240 = arith.constant 1 : index
    %get3A_1241 = memref.load %arg3[%get3A_1237, %get3A_1238, %get3A_1239, %get3A_1240] : memref<3x3x3x3xf32, #tpu.memory_space<smem>>
    %slice3A_1242 = vector.extract_strided_slice %concatenate3A_948 {offsets = [7, 127], sizes = [512, 512], strides = [1, 1]} : vector<528x768xf32> to vector<512x512xf32>
    %mul3A_1243 = vector.broadcast %get3A_1241 : f32 to vector<512x512xf32>
    %mul3A_1244 = arith.mulf %mul3A_1243, %slice3A_1242 : vector<512x512xf32>
    %add3A_1245 = arith.addf %broadcast_in_dim3A_1236, %mul3A_1244 : vector<512x512xf32>
    %get3A_1246 = arith.constant 0 : index
    %get3A_1247 = arith.constant 0 : index
    %get3A_1248 = arith.constant 1 : index
    %get3A_1249 = arith.constant 1 : index
    %get3A_1250 = memref.load %arg3[%get3A_1246, %get3A_1247, %get3A_1248, %get3A_1249] : memref<3x3x3x3xf32, #tpu.memory_space<smem>>
    %slice3A_1251 = vector.extract_strided_slice %concatenate3A_964 {offsets = [7, 127], sizes = [512, 512], strides = [1, 1]} : vector<528x768xf32> to vector<512x512xf32>
    %mul3A_1252 = vector.broadcast %get3A_1250 : f32 to vector<512x512xf32>
    %mul3A_1253 = arith.mulf %mul3A_1252, %slice3A_1251 : vector<512x512xf32>
    %add3A_1254 = arith.addf %add3A_1245, %mul3A_1253 : vector<512x512xf32>
    %get3A_1255 = arith.constant 0 : index
    %get3A_1256 = arith.constant 0 : index
    %get3A_1257 = arith.constant 2 : index
    %get3A_1258 = arith.constant 1 : index
    %get3A_1259 = memref.load %arg3[%get3A_1255, %get3A_1256, %get3A_1257, %get3A_1258] : memref<3x3x3x3xf32, #tpu.memory_space<smem>>
    %slice3A_1260 = vector.extract_strided_slice %concatenate3A_980 {offsets = [7, 127], sizes = [512, 512], strides = [1, 1]} : vector<528x768xf32> to vector<512x512xf32>
    %mul3A_1261 = vector.broadcast %get3A_1259 : f32 to vector<512x512xf32>
    %mul3A_1262 = arith.mulf %mul3A_1261, %slice3A_1260 : vector<512x512xf32>
    %add3A_1263 = arith.addf %add3A_1254, %mul3A_1262 : vector<512x512xf32>
    %get3A_1264 = arith.constant 0 : index
    %get3A_1265 = arith.constant 1 : index
    %get3A_1266 = arith.constant 0 : index
    %get3A_1267 = arith.constant 1 : index
    %get3A_1268 = memref.load %arg3[%get3A_1264, %get3A_1265, %get3A_1266, %get3A_1267] : memref<3x3x3x3xf32, #tpu.memory_space<smem>>
    %slice3A_1269 = vector.extract_strided_slice %concatenate3A_948 {offsets = [7, 128], sizes = [512, 512], strides = [1, 1]} : vector<528x768xf32> to vector<512x512xf32>
    %mul3A_1270 = vector.broadcast %get3A_1268 : f32 to vector<512x512xf32>
    %mul3A_1271 = arith.mulf %mul3A_1270, %slice3A_1269 : vector<512x512xf32>
    %add3A_1272 = arith.addf %add3A_1263, %mul3A_1271 : vector<512x512xf32>
    %get3A_1273 = arith.constant 0 : index
    %get3A_1274 = arith.constant 1 : index
    %get3A_1275 = arith.constant 1 : index
    %get3A_1276 = arith.constant 1 : index
    %get3A_1277 = memref.load %arg3[%get3A_1273, %get3A_1274, %get3A_1275, %get3A_1276] : memref<3x3x3x3xf32, #tpu.memory_space<smem>>
    %slice3A_1278 = vector.extract_strided_slice %concatenate3A_964 {offsets = [7, 128], sizes = [512, 512], strides = [1, 1]} : vector<528x768xf32> to vector<512x512xf32>
    %mul3A_1279 = vector.broadcast %get3A_1277 : f32 to vector<512x512xf32>
    %mul3A_1280 = arith.mulf %mul3A_1279, %slice3A_1278 : vector<512x512xf32>
    %add3A_1281 = arith.addf %add3A_1272, %mul3A_1280 : vector<512x512xf32>
    %get3A_1282 = arith.constant 0 : index
    %get3A_1283 = arith.constant 1 : index
    %get3A_1284 = arith.constant 2 : index
    %get3A_1285 = arith.constant 1 : index
    %get3A_1286 = memref.load %arg3[%get3A_1282, %get3A_1283, %get3A_1284, %get3A_1285] : memref<3x3x3x3xf32, #tpu.memory_space<smem>>
    %slice3A_1287 = vector.extract_strided_slice %concatenate3A_980 {offsets = [7, 128], sizes = [512, 512], strides = [1, 1]} : vector<528x768xf32> to vector<512x512xf32>
    %mul3A_1288 = vector.broadcast %get3A_1286 : f32 to vector<512x512xf32>
    %mul3A_1289 = arith.mulf %mul3A_1288, %slice3A_1287 : vector<512x512xf32>
    %add3A_1290 = arith.addf %add3A_1281, %mul3A_1289 : vector<512x512xf32>
    %get3A_1291 = arith.constant 0 : index
    %get3A_1292 = arith.constant 2 : index
    %get3A_1293 = arith.constant 0 : index
    %get3A_1294 = arith.constant 1 : index
    %get3A_1295 = memref.load %arg3[%get3A_1291, %get3A_1292, %get3A_1293, %get3A_1294] : memref<3x3x3x3xf32, #tpu.memory_space<smem>>
    %slice3A_1296 = vector.extract_strided_slice %concatenate3A_948 {offsets = [7, 129], sizes = [512, 512], strides = [1, 1]} : vector<528x768xf32> to vector<512x512xf32>
    %mul3A_1297 = vector.broadcast %get3A_1295 : f32 to vector<512x512xf32>
    %mul3A_1298 = arith.mulf %mul3A_1297, %slice3A_1296 : vector<512x512xf32>
    %add3A_1299 = arith.addf %add3A_1290, %mul3A_1298 : vector<512x512xf32>
    %get3A_1300 = arith.constant 0 : index
    %get3A_1301 = arith.constant 2 : index
    %get3A_1302 = arith.constant 1 : index
    %get3A_1303 = arith.constant 1 : index
    %get3A_1304 = memref.load %arg3[%get3A_1300, %get3A_1301, %get3A_1302, %get3A_1303] : memref<3x3x3x3xf32, #tpu.memory_space<smem>>
    %slice3A_1305 = vector.extract_strided_slice %concatenate3A_964 {offsets = [7, 129], sizes = [512, 512], strides = [1, 1]} : vector<528x768xf32> to vector<512x512xf32>
    %mul3A_1306 = vector.broadcast %get3A_1304 : f32 to vector<512x512xf32>
    %mul3A_1307 = arith.mulf %mul3A_1306, %slice3A_1305 : vector<512x512xf32>
    %add3A_1308 = arith.addf %add3A_1299, %mul3A_1307 : vector<512x512xf32>
    %get3A_1309 = arith.constant 0 : index
    %get3A_1310 = arith.constant 2 : index
    %get3A_1311 = arith.constant 2 : index
    %get3A_1312 = arith.constant 1 : index
    %get3A_1313 = memref.load %arg3[%get3A_1309, %get3A_1310, %get3A_1311, %get3A_1312] : memref<3x3x3x3xf32, #tpu.memory_space<smem>>
    %slice3A_1314 = vector.extract_strided_slice %concatenate3A_980 {offsets = [7, 129], sizes = [512, 512], strides = [1, 1]} : vector<528x768xf32> to vector<512x512xf32>
    %mul3A_1315 = vector.broadcast %get3A_1313 : f32 to vector<512x512xf32>
    %mul3A_1316 = arith.mulf %mul3A_1315, %slice3A_1314 : vector<512x512xf32>
    %add3A_1317 = arith.addf %add3A_1308, %mul3A_1316 : vector<512x512xf32>
    %get3A_1318 = arith.constant 1 : index
    %get3A_1319 = arith.constant 0 : index
    %get3A_1320 = arith.constant 0 : index
    %get3A_1321 = arith.constant 1 : index
    %get3A_1322 = memref.load %arg3[%get3A_1318, %get3A_1319, %get3A_1320, %get3A_1321] : memref<3x3x3x3xf32, #tpu.memory_space<smem>>
    %slice3A_1323 = vector.extract_strided_slice %concatenate3A_948 {offsets = [8, 127], sizes = [512, 512], strides = [1, 1]} : vector<528x768xf32> to vector<512x512xf32>
    %mul3A_1324 = vector.broadcast %get3A_1322 : f32 to vector<512x512xf32>
    %mul3A_1325 = arith.mulf %mul3A_1324, %slice3A_1323 : vector<512x512xf32>
    %add3A_1326 = arith.addf %add3A_1317, %mul3A_1325 : vector<512x512xf32>
    %get3A_1327 = arith.constant 1 : index
    %get3A_1328 = arith.constant 0 : index
    %get3A_1329 = arith.constant 1 : index
    %get3A_1330 = arith.constant 1 : index
    %get3A_1331 = memref.load %arg3[%get3A_1327, %get3A_1328, %get3A_1329, %get3A_1330] : memref<3x3x3x3xf32, #tpu.memory_space<smem>>
    %slice3A_1332 = vector.extract_strided_slice %concatenate3A_964 {offsets = [8, 127], sizes = [512, 512], strides = [1, 1]} : vector<528x768xf32> to vector<512x512xf32>
    %mul3A_1333 = vector.broadcast %get3A_1331 : f32 to vector<512x512xf32>
    %mul3A_1334 = arith.mulf %mul3A_1333, %slice3A_1332 : vector<512x512xf32>
    %add3A_1335 = arith.addf %add3A_1326, %mul3A_1334 : vector<512x512xf32>
    %get3A_1336 = arith.constant 1 : index
    %get3A_1337 = arith.constant 0 : index
    %get3A_1338 = arith.constant 2 : index
    %get3A_1339 = arith.constant 1 : index
    %get3A_1340 = memref.load %arg3[%get3A_1336, %get3A_1337, %get3A_1338, %get3A_1339] : memref<3x3x3x3xf32, #tpu.memory_space<smem>>
    %slice3A_1341 = vector.extract_strided_slice %concatenate3A_980 {offsets = [8, 127], sizes = [512, 512], strides = [1, 1]} : vector<528x768xf32> to vector<512x512xf32>
    %mul3A_1342 = vector.broadcast %get3A_1340 : f32 to vector<512x512xf32>
    %mul3A_1343 = arith.mulf %mul3A_1342, %slice3A_1341 : vector<512x512xf32>
    %add3A_1344 = arith.addf %add3A_1335, %mul3A_1343 : vector<512x512xf32>
    %get3A_1345 = arith.constant 1 : index
    %get3A_1346 = arith.constant 1 : index
    %get3A_1347 = arith.constant 0 : index
    %get3A_1348 = arith.constant 1 : index
    %get3A_1349 = memref.load %arg3[%get3A_1345, %get3A_1346, %get3A_1347, %get3A_1348] : memref<3x3x3x3xf32, #tpu.memory_space<smem>>
    %slice3A_1350 = vector.extract_strided_slice %concatenate3A_948 {offsets = [8, 128], sizes = [512, 512], strides = [1, 1]} : vector<528x768xf32> to vector<512x512xf32>
    %mul3A_1351 = vector.broadcast %get3A_1349 : f32 to vector<512x512xf32>
    %mul3A_1352 = arith.mulf %mul3A_1351, %slice3A_1350 : vector<512x512xf32>
    %add3A_1353 = arith.addf %add3A_1344, %mul3A_1352 : vector<512x512xf32>
    %get3A_1354 = arith.constant 1 : index
    %get3A_1355 = arith.constant 1 : index
    %get3A_1356 = arith.constant 1 : index
    %get3A_1357 = arith.constant 1 : index
    %get3A_1358 = memref.load %arg3[%get3A_1354, %get3A_1355, %get3A_1356, %get3A_1357] : memref<3x3x3x3xf32, #tpu.memory_space<smem>>
    %slice3A_1359 = vector.extract_strided_slice %concatenate3A_964 {offsets = [8, 128], sizes = [512, 512], strides = [1, 1]} : vector<528x768xf32> to vector<512x512xf32>
    %mul3A_1360 = vector.broadcast %get3A_1358 : f32 to vector<512x512xf32>
    %mul3A_1361 = arith.mulf %mul3A_1360, %slice3A_1359 : vector<512x512xf32>
    %add3A_1362 = arith.addf %add3A_1353, %mul3A_1361 : vector<512x512xf32>
    %get3A_1363 = arith.constant 1 : index
    %get3A_1364 = arith.constant 1 : index
    %get3A_1365 = arith.constant 2 : index
    %get3A_1366 = arith.constant 1 : index
    %get3A_1367 = memref.load %arg3[%get3A_1363, %get3A_1364, %get3A_1365, %get3A_1366] : memref<3x3x3x3xf32, #tpu.memory_space<smem>>
    %slice3A_1368 = vector.extract_strided_slice %concatenate3A_980 {offsets = [8, 128], sizes = [512, 512], strides = [1, 1]} : vector<528x768xf32> to vector<512x512xf32>
    %mul3A_1369 = vector.broadcast %get3A_1367 : f32 to vector<512x512xf32>
    %mul3A_1370 = arith.mulf %mul3A_1369, %slice3A_1368 : vector<512x512xf32>
    %add3A_1371 = arith.addf %add3A_1362, %mul3A_1370 : vector<512x512xf32>
    %get3A_1372 = arith.constant 1 : index
    %get3A_1373 = arith.constant 2 : index
    %get3A_1374 = arith.constant 0 : index
    %get3A_1375 = arith.constant 1 : index
    %get3A_1376 = memref.load %arg3[%get3A_1372, %get3A_1373, %get3A_1374, %get3A_1375] : memref<3x3x3x3xf32, #tpu.memory_space<smem>>
    %slice3A_1377 = vector.extract_strided_slice %concatenate3A_948 {offsets = [8, 129], sizes = [512, 512], strides = [1, 1]} : vector<528x768xf32> to vector<512x512xf32>
    %mul3A_1378 = vector.broadcast %get3A_1376 : f32 to vector<512x512xf32>
    %mul3A_1379 = arith.mulf %mul3A_1378, %slice3A_1377 : vector<512x512xf32>
    %add3A_1380 = arith.addf %add3A_1371, %mul3A_1379 : vector<512x512xf32>
    %get3A_1381 = arith.constant 1 : index
    %get3A_1382 = arith.constant 2 : index
    %get3A_1383 = arith.constant 1 : index
    %get3A_1384 = arith.constant 1 : index
    %get3A_1385 = memref.load %arg3[%get3A_1381, %get3A_1382, %get3A_1383, %get3A_1384] : memref<3x3x3x3xf32, #tpu.memory_space<smem>>
    %slice3A_1386 = vector.extract_strided_slice %concatenate3A_964 {offsets = [8, 129], sizes = [512, 512], strides = [1, 1]} : vector<528x768xf32> to vector<512x512xf32>
    %mul3A_1387 = vector.broadcast %get3A_1385 : f32 to vector<512x512xf32>
    %mul3A_1388 = arith.mulf %mul3A_1387, %slice3A_1386 : vector<512x512xf32>
    %add3A_1389 = arith.addf %add3A_1380, %mul3A_1388 : vector<512x512xf32>
    %get3A_1390 = arith.constant 1 : index
    %get3A_1391 = arith.constant 2 : index
    %get3A_1392 = arith.constant 2 : index
    %get3A_1393 = arith.constant 1 : index
    %get3A_1394 = memref.load %arg3[%get3A_1390, %get3A_1391, %get3A_1392, %get3A_1393] : memref<3x3x3x3xf32, #tpu.memory_space<smem>>
    %slice3A_1395 = vector.extract_strided_slice %concatenate3A_980 {offsets = [8, 129], sizes = [512, 512], strides = [1, 1]} : vector<528x768xf32> to vector<512x512xf32>
    %mul3A_1396 = vector.broadcast %get3A_1394 : f32 to vector<512x512xf32>
    %mul3A_1397 = arith.mulf %mul3A_1396, %slice3A_1395 : vector<512x512xf32>
    %add3A_1398 = arith.addf %add3A_1389, %mul3A_1397 : vector<512x512xf32>
    %get3A_1399 = arith.constant 2 : index
    %get3A_1400 = arith.constant 0 : index
    %get3A_1401 = arith.constant 0 : index
    %get3A_1402 = arith.constant 1 : index
    %get3A_1403 = memref.load %arg3[%get3A_1399, %get3A_1400, %get3A_1401, %get3A_1402] : memref<3x3x3x3xf32, #tpu.memory_space<smem>>
    %slice3A_1404 = vector.extract_strided_slice %concatenate3A_948 {offsets = [9, 127], sizes = [512, 512], strides = [1, 1]} : vector<528x768xf32> to vector<512x512xf32>
    %mul3A_1405 = vector.broadcast %get3A_1403 : f32 to vector<512x512xf32>
    %mul3A_1406 = arith.mulf %mul3A_1405, %slice3A_1404 : vector<512x512xf32>
    %add3A_1407 = arith.addf %add3A_1398, %mul3A_1406 : vector<512x512xf32>
    %get3A_1408 = arith.constant 2 : index
    %get3A_1409 = arith.constant 0 : index
    %get3A_1410 = arith.constant 1 : index
    %get3A_1411 = arith.constant 1 : index
    %get3A_1412 = memref.load %arg3[%get3A_1408, %get3A_1409, %get3A_1410, %get3A_1411] : memref<3x3x3x3xf32, #tpu.memory_space<smem>>
    %slice3A_1413 = vector.extract_strided_slice %concatenate3A_964 {offsets = [9, 127], sizes = [512, 512], strides = [1, 1]} : vector<528x768xf32> to vector<512x512xf32>
    %mul3A_1414 = vector.broadcast %get3A_1412 : f32 to vector<512x512xf32>
    %mul3A_1415 = arith.mulf %mul3A_1414, %slice3A_1413 : vector<512x512xf32>
    %add3A_1416 = arith.addf %add3A_1407, %mul3A_1415 : vector<512x512xf32>
    %get3A_1417 = arith.constant 2 : index
    %get3A_1418 = arith.constant 0 : index
    %get3A_1419 = arith.constant 2 : index
    %get3A_1420 = arith.constant 1 : index
    %get3A_1421 = memref.load %arg3[%get3A_1417, %get3A_1418, %get3A_1419, %get3A_1420] : memref<3x3x3x3xf32, #tpu.memory_space<smem>>
    %slice3A_1422 = vector.extract_strided_slice %concatenate3A_980 {offsets = [9, 127], sizes = [512, 512], strides = [1, 1]} : vector<528x768xf32> to vector<512x512xf32>
    %mul3A_1423 = vector.broadcast %get3A_1421 : f32 to vector<512x512xf32>
    %mul3A_1424 = arith.mulf %mul3A_1423, %slice3A_1422 : vector<512x512xf32>
    %add3A_1425 = arith.addf %add3A_1416, %mul3A_1424 : vector<512x512xf32>
    %get3A_1426 = arith.constant 2 : index
    %get3A_1427 = arith.constant 1 : index
    %get3A_1428 = arith.constant 0 : index
    %get3A_1429 = arith.constant 1 : index
    %get3A_1430 = memref.load %arg3[%get3A_1426, %get3A_1427, %get3A_1428, %get3A_1429] : memref<3x3x3x3xf32, #tpu.memory_space<smem>>
    %slice3A_1431 = vector.extract_strided_slice %concatenate3A_948 {offsets = [9, 128], sizes = [512, 512], strides = [1, 1]} : vector<528x768xf32> to vector<512x512xf32>
    %mul3A_1432 = vector.broadcast %get3A_1430 : f32 to vector<512x512xf32>
    %mul3A_1433 = arith.mulf %mul3A_1432, %slice3A_1431 : vector<512x512xf32>
    %add3A_1434 = arith.addf %add3A_1425, %mul3A_1433 : vector<512x512xf32>
    %get3A_1435 = arith.constant 2 : index
    %get3A_1436 = arith.constant 1 : index
    %get3A_1437 = arith.constant 1 : index
    %get3A_1438 = arith.constant 1 : index
    %get3A_1439 = memref.load %arg3[%get3A_1435, %get3A_1436, %get3A_1437, %get3A_1438] : memref<3x3x3x3xf32, #tpu.memory_space<smem>>
    %slice3A_1440 = vector.extract_strided_slice %concatenate3A_964 {offsets = [9, 128], sizes = [512, 512], strides = [1, 1]} : vector<528x768xf32> to vector<512x512xf32>
    %mul3A_1441 = vector.broadcast %get3A_1439 : f32 to vector<512x512xf32>
    %mul3A_1442 = arith.mulf %mul3A_1441, %slice3A_1440 : vector<512x512xf32>
    %add3A_1443 = arith.addf %add3A_1434, %mul3A_1442 : vector<512x512xf32>
    %get3A_1444 = arith.constant 2 : index
    %get3A_1445 = arith.constant 1 : index
    %get3A_1446 = arith.constant 2 : index
    %get3A_1447 = arith.constant 1 : index
    %get3A_1448 = memref.load %arg3[%get3A_1444, %get3A_1445, %get3A_1446, %get3A_1447] : memref<3x3x3x3xf32, #tpu.memory_space<smem>>
    %slice3A_1449 = vector.extract_strided_slice %concatenate3A_980 {offsets = [9, 128], sizes = [512, 512], strides = [1, 1]} : vector<528x768xf32> to vector<512x512xf32>
    %mul3A_1450 = vector.broadcast %get3A_1448 : f32 to vector<512x512xf32>
    %mul3A_1451 = arith.mulf %mul3A_1450, %slice3A_1449 : vector<512x512xf32>
    %add3A_1452 = arith.addf %add3A_1443, %mul3A_1451 : vector<512x512xf32>
    %get3A_1453 = arith.constant 2 : index
    %get3A_1454 = arith.constant 2 : index
    %get3A_1455 = arith.constant 0 : index
    %get3A_1456 = arith.constant 1 : index
    %get3A_1457 = memref.load %arg3[%get3A_1453, %get3A_1454, %get3A_1455, %get3A_1456] : memref<3x3x3x3xf32, #tpu.memory_space<smem>>
    %slice3A_1458 = vector.extract_strided_slice %concatenate3A_948 {offsets = [9, 129], sizes = [512, 512], strides = [1, 1]} : vector<528x768xf32> to vector<512x512xf32>
    %mul3A_1459 = vector.broadcast %get3A_1457 : f32 to vector<512x512xf32>
    %mul3A_1460 = arith.mulf %mul3A_1459, %slice3A_1458 : vector<512x512xf32>
    %add3A_1461 = arith.addf %add3A_1452, %mul3A_1460 : vector<512x512xf32>
    %get3A_1462 = arith.constant 2 : index
    %get3A_1463 = arith.constant 2 : index
    %get3A_1464 = arith.constant 1 : index
    %get3A_1465 = arith.constant 1 : index
    %get3A_1466 = memref.load %arg3[%get3A_1462, %get3A_1463, %get3A_1464, %get3A_1465] : memref<3x3x3x3xf32, #tpu.memory_space<smem>>
    %slice3A_1467 = vector.extract_strided_slice %concatenate3A_964 {offsets = [9, 129], sizes = [512, 512], strides = [1, 1]} : vector<528x768xf32> to vector<512x512xf32>
    %mul3A_1468 = vector.broadcast %get3A_1466 : f32 to vector<512x512xf32>
    %mul3A_1469 = arith.mulf %mul3A_1468, %slice3A_1467 : vector<512x512xf32>
    %add3A_1470 = arith.addf %add3A_1461, %mul3A_1469 : vector<512x512xf32>
    %get3A_1471 = arith.constant 2 : index
    %get3A_1472 = arith.constant 2 : index
    %get3A_1473 = arith.constant 2 : index
    %get3A_1474 = arith.constant 1 : index
    %get3A_1475 = memref.load %arg3[%get3A_1471, %get3A_1472, %get3A_1473, %get3A_1474] : memref<3x3x3x3xf32, #tpu.memory_space<smem>>
    %slice3A_1476 = vector.extract_strided_slice %concatenate3A_980 {offsets = [9, 129], sizes = [512, 512], strides = [1, 1]} : vector<528x768xf32> to vector<512x512xf32>
    %mul3A_1477 = vector.broadcast %get3A_1475 : f32 to vector<512x512xf32>
    %mul3A_1478 = arith.mulf %mul3A_1477, %slice3A_1476 : vector<512x512xf32>
    %add3A_1479 = arith.addf %add3A_1470, %mul3A_1478 : vector<512x512xf32>
    %swap3A_1480 = arith.constant 0 : index
    %swap3A_1481 = arith.constant 1 : index
    %swap3A_1482 = arith.constant 0 : index
    %swap3A_1483 = arith.constant 0 : index
    %swap3A_1484 = vector.load %arg5[%swap3A_1480, %swap3A_1481, %swap3A_1482, %swap3A_1483] : memref<1x3x512x512xf32, #tpu.memory_space<vmem>>, vector<1x1x512x512xf32>
    %swap3A_1485 = vector.shape_cast %swap3A_1484 : vector<1x1x512x512xf32> to vector<512x512xf32>
    %swap3A_1486 = vector.shape_cast %add3A_1479 : vector<512x512xf32> to vector<1x1x512x512xf32>
    tpu.vector_store %arg5[%swap3A_1480, %swap3A_1481, %swap3A_1482, %swap3A_1483], %swap3A_1486 {strides = array<i32>} : memref<1x3x512x512xf32, #tpu.memory_space<vmem>>, vector<1x1x512x512xf32>,
    %get3A_1487 = arith.constant 2 : index
    %get3A_1488 = memref.load %arg4[%get3A_1487] : memref<3xf32, #tpu.memory_space<smem>>
    %broadcast_in_dim3A_1489 = vector.broadcast %get3A_1488 : f32 to vector<512x512xf32>
    %get3A_1490 = arith.constant 0 : index
    %get3A_1491 = arith.constant 0 : index
    %get3A_1492 = arith.constant 0 : index
    %get3A_1493 = arith.constant 2 : index
    %get3A_1494 = memref.load %arg3[%get3A_1490, %get3A_1491, %get3A_1492, %get3A_1493] : memref<3x3x3x3xf32, #tpu.memory_space<smem>>
    %slice3A_1495 = vector.extract_strided_slice %concatenate3A_948 {offsets = [7, 127], sizes = [512, 512], strides = [1, 1]} : vector<528x768xf32> to vector<512x512xf32>
    %mul3A_1496 = vector.broadcast %get3A_1494 : f32 to vector<512x512xf32>
    %mul3A_1497 = arith.mulf %mul3A_1496, %slice3A_1495 : vector<512x512xf32>
    %add3A_1498 = arith.addf %broadcast_in_dim3A_1489, %mul3A_1497 : vector<512x512xf32>
    %get3A_1499 = arith.constant 0 : index
    %get3A_1500 = arith.constant 0 : index
    %get3A_1501 = arith.constant 1 : index
    %get3A_1502 = arith.constant 2 : index
    %get3A_1503 = memref.load %arg3[%get3A_1499, %get3A_1500, %get3A_1501, %get3A_1502] : memref<3x3x3x3xf32, #tpu.memory_space<smem>>
    %slice3A_1504 = vector.extract_strided_slice %concatenate3A_964 {offsets = [7, 127], sizes = [512, 512], strides = [1, 1]} : vector<528x768xf32> to vector<512x512xf32>
    %mul3A_1505 = vector.broadcast %get3A_1503 : f32 to vector<512x512xf32>
    %mul3A_1506 = arith.mulf %mul3A_1505, %slice3A_1504 : vector<512x512xf32>
    %add3A_1507 = arith.addf %add3A_1498, %mul3A_1506 : vector<512x512xf32>
    %get3A_1508 = arith.constant 0 : index
    %get3A_1509 = arith.constant 0 : index
    %get3A_1510 = arith.constant 2 : index
    %get3A_1511 = arith.constant 2 : index
    %get3A_1512 = memref.load %arg3[%get3A_1508, %get3A_1509, %get3A_1510, %get3A_1511] : memref<3x3x3x3xf32, #tpu.memory_space<smem>>
    %slice3A_1513 = vector.extract_strided_slice %concatenate3A_980 {offsets = [7, 127], sizes = [512, 512], strides = [1, 1]} : vector<528x768xf32> to vector<512x512xf32>
    %mul3A_1514 = vector.broadcast %get3A_1512 : f32 to vector<512x512xf32>
    %mul3A_1515 = arith.mulf %mul3A_1514, %slice3A_1513 : vector<512x512xf32>
    %add3A_1516 = arith.addf %add3A_1507, %mul3A_1515 : vector<512x512xf32>
    %get3A_1517 = arith.constant 0 : index
    %get3A_1518 = arith.constant 1 : index
    %get3A_1519 = arith.constant 0 : index
    %get3A_1520 = arith.constant 2 : index
    %get3A_1521 = memref.load %arg3[%get3A_1517, %get3A_1518, %get3A_1519, %get3A_1520] : memref<3x3x3x3xf32, #tpu.memory_space<smem>>
    %slice3A_1522 = vector.extract_strided_slice %concatenate3A_948 {offsets = [7, 128], sizes = [512, 512], strides = [1, 1]} : vector<528x768xf32> to vector<512x512xf32>
    %mul3A_1523 = vector.broadcast %get3A_1521 : f32 to vector<512x512xf32>
    %mul3A_1524 = arith.mulf %mul3A_1523, %slice3A_1522 : vector<512x512xf32>
    %add3A_1525 = arith.addf %add3A_1516, %mul3A_1524 : vector<512x512xf32>
    %get3A_1526 = arith.constant 0 : index
    %get3A_1527 = arith.constant 1 : index
    %get3A_1528 = arith.constant 1 : index
    %get3A_1529 = arith.constant 2 : index
    %get3A_1530 = memref.load %arg3[%get3A_1526, %get3A_1527, %get3A_1528, %get3A_1529] : memref<3x3x3x3xf32, #tpu.memory_space<smem>>
    %slice3A_1531 = vector.extract_strided_slice %concatenate3A_964 {offsets = [7, 128], sizes = [512, 512], strides = [1, 1]} : vector<528x768xf32> to vector<512x512xf32>
    %mul3A_1532 = vector.broadcast %get3A_1530 : f32 to vector<512x512xf32>
    %mul3A_1533 = arith.mulf %mul3A_1532, %slice3A_1531 : vector<512x512xf32>
    %add3A_1534 = arith.addf %add3A_1525, %mul3A_1533 : vector<512x512xf32>
    %get3A_1535 = arith.constant 0 : index
    %get3A_1536 = arith.constant 1 : index
    %get3A_1537 = arith.constant 2 : index
    %get3A_1538 = arith.constant 2 : index
    %get3A_1539 = memref.load %arg3[%get3A_1535, %get3A_1536, %get3A_1537, %get3A_1538] : memref<3x3x3x3xf32, #tpu.memory_space<smem>>
    %slice3A_1540 = vector.extract_strided_slice %concatenate3A_980 {offsets = [7, 128], sizes = [512, 512], strides = [1, 1]} : vector<528x768xf32> to vector<512x512xf32>
    %mul3A_1541 = vector.broadcast %get3A_1539 : f32 to vector<512x512xf32>
    %mul3A_1542 = arith.mulf %mul3A_1541, %slice3A_1540 : vector<512x512xf32>
    %add3A_1543 = arith.addf %add3A_1534, %mul3A_1542 : vector<512x512xf32>
    %get3A_1544 = arith.constant 0 : index
    %get3A_1545 = arith.constant 2 : index
    %get3A_1546 = arith.constant 0 : index
    %get3A_1547 = arith.constant 2 : index
    %get3A_1548 = memref.load %arg3[%get3A_1544, %get3A_1545, %get3A_1546, %get3A_1547] : memref<3x3x3x3xf32, #tpu.memory_space<smem>>
    %slice3A_1549 = vector.extract_strided_slice %concatenate3A_948 {offsets = [7, 129], sizes = [512, 512], strides = [1, 1]} : vector<528x768xf32> to vector<512x512xf32>
    %mul3A_1550 = vector.broadcast %get3A_1548 : f32 to vector<512x512xf32>
    %mul3A_1551 = arith.mulf %mul3A_1550, %slice3A_1549 : vector<512x512xf32>
    %add3A_1552 = arith.addf %add3A_1543, %mul3A_1551 : vector<512x512xf32>
    %get3A_1553 = arith.constant 0 : index
    %get3A_1554 = arith.constant 2 : index
    %get3A_1555 = arith.constant 1 : index
    %get3A_1556 = arith.constant 2 : index
    %get3A_1557 = memref.load %arg3[%get3A_1553, %get3A_1554, %get3A_1555, %get3A_1556] : memref<3x3x3x3xf32, #tpu.memory_space<smem>>
    %slice3A_1558 = vector.extract_strided_slice %concatenate3A_964 {offsets = [7, 129], sizes = [512, 512], strides = [1, 1]} : vector<528x768xf32> to vector<512x512xf32>
    %mul3A_1559 = vector.broadcast %get3A_1557 : f32 to vector<512x512xf32>
    %mul3A_1560 = arith.mulf %mul3A_1559, %slice3A_1558 : vector<512x512xf32>
    %add3A_1561 = arith.addf %add3A_1552, %mul3A_1560 : vector<512x512xf32>
    %get3A_1562 = arith.constant 0 : index
    %get3A_1563 = arith.constant 2 : index
    %get3A_1564 = arith.constant 2 : index
    %get3A_1565 = arith.constant 2 : index
    %get3A_1566 = memref.load %arg3[%get3A_1562, %get3A_1563, %get3A_1564, %get3A_1565] : memref<3x3x3x3xf32, #tpu.memory_space<smem>>
    %slice3A_1567 = vector.extract_strided_slice %concatenate3A_980 {offsets = [7, 129], sizes = [512, 512], strides = [1, 1]} : vector<528x768xf32> to vector<512x512xf32>
    %mul3A_1568 = vector.broadcast %get3A_1566 : f32 to vector<512x512xf32>
    %mul3A_1569 = arith.mulf %mul3A_1568, %slice3A_1567 : vector<512x512xf32>
    %add3A_1570 = arith.addf %add3A_1561, %mul3A_1569 : vector<512x512xf32>
    %get3A_1571 = arith.constant 1 : index
    %get3A_1572 = arith.constant 0 : index
    %get3A_1573 = arith.constant 0 : index
    %get3A_1574 = arith.constant 2 : index
    %get3A_1575 = memref.load %arg3[%get3A_1571, %get3A_1572, %get3A_1573, %get3A_1574] : memref<3x3x3x3xf32, #tpu.memory_space<smem>>
    %slice3A_1576 = vector.extract_strided_slice %concatenate3A_948 {offsets = [8, 127], sizes = [512, 512], strides = [1, 1]} : vector<528x768xf32> to vector<512x512xf32>
    %mul3A_1577 = vector.broadcast %get3A_1575 : f32 to vector<512x512xf32>
    %mul3A_1578 = arith.mulf %mul3A_1577, %slice3A_1576 : vector<512x512xf32>
    %add3A_1579 = arith.addf %add3A_1570, %mul3A_1578 : vector<512x512xf32>
    %get3A_1580 = arith.constant 1 : index
    %get3A_1581 = arith.constant 0 : index
    %get3A_1582 = arith.constant 1 : index
    %get3A_1583 = arith.constant 2 : index
    %get3A_1584 = memref.load %arg3[%get3A_1580, %get3A_1581, %get3A_1582, %get3A_1583] : memref<3x3x3x3xf32, #tpu.memory_space<smem>>
    %slice3A_1585 = vector.extract_strided_slice %concatenate3A_964 {offsets = [8, 127], sizes = [512, 512], strides = [1, 1]} : vector<528x768xf32> to vector<512x512xf32>
    %mul3A_1586 = vector.broadcast %get3A_1584 : f32 to vector<512x512xf32>
    %mul3A_1587 = arith.mulf %mul3A_1586, %slice3A_1585 : vector<512x512xf32>
    %add3A_1588 = arith.addf %add3A_1579, %mul3A_1587 : vector<512x512xf32>
    %get3A_1589 = arith.constant 1 : index
    %get3A_1590 = arith.constant 0 : index
    %get3A_1591 = arith.constant 2 : index
    %get3A_1592 = arith.constant 2 : index
    %get3A_1593 = memref.load %arg3[%get3A_1589, %get3A_1590, %get3A_1591, %get3A_1592] : memref<3x3x3x3xf32, #tpu.memory_space<smem>>
    %slice3A_1594 = vector.extract_strided_slice %concatenate3A_980 {offsets = [8, 127], sizes = [512, 512], strides = [1, 1]} : vector<528x768xf32> to vector<512x512xf32>
    %mul3A_1595 = vector.broadcast %get3A_1593 : f32 to vector<512x512xf32>
    %mul3A_1596 = arith.mulf %mul3A_1595, %slice3A_1594 : vector<512x512xf32>
    %add3A_1597 = arith.addf %add3A_1588, %mul3A_1596 : vector<512x512xf32>
    %get3A_1598 = arith.constant 1 : index
    %get3A_1599 = arith.constant 1 : index
    %get3A_1600 = arith.constant 0 : index
    %get3A_1601 = arith.constant 2 : index
    %get3A_1602 = memref.load %arg3[%get3A_1598, %get3A_1599, %get3A_1600, %get3A_1601] : memref<3x3x3x3xf32, #tpu.memory_space<smem>>
    %slice3A_1603 = vector.extract_strided_slice %concatenate3A_948 {offsets = [8, 128], sizes = [512, 512], strides = [1, 1]} : vector<528x768xf32> to vector<512x512xf32>
    %mul3A_1604 = vector.broadcast %get3A_1602 : f32 to vector<512x512xf32>
    %mul3A_1605 = arith.mulf %mul3A_1604, %slice3A_1603 : vector<512x512xf32>
    %add3A_1606 = arith.addf %add3A_1597, %mul3A_1605 : vector<512x512xf32>
    %get3A_1607 = arith.constant 1 : index
    %get3A_1608 = arith.constant 1 : index
    %get3A_1609 = arith.constant 1 : index
    %get3A_1610 = arith.constant 2 : index
    %get3A_1611 = memref.load %arg3[%get3A_1607, %get3A_1608, %get3A_1609, %get3A_1610] : memref<3x3x3x3xf32, #tpu.memory_space<smem>>
    %slice3A_1612 = vector.extract_strided_slice %concatenate3A_964 {offsets = [8, 128], sizes = [512, 512], strides = [1, 1]} : vector<528x768xf32> to vector<512x512xf32>
    %mul3A_1613 = vector.broadcast %get3A_1611 : f32 to vector<512x512xf32>
    %mul3A_1614 = arith.mulf %mul3A_1613, %slice3A_1612 : vector<512x512xf32>
    %add3A_1615 = arith.addf %add3A_1606, %mul3A_1614 : vector<512x512xf32>
    %get3A_1616 = arith.constant 1 : index
    %get3A_1617 = arith.constant 1 : index
    %get3A_1618 = arith.constant 2 : index
    %get3A_1619 = arith.constant 2 : index
    %get3A_1620 = memref.load %arg3[%get3A_1616, %get3A_1617, %get3A_1618, %get3A_1619] : memref<3x3x3x3xf32, #tpu.memory_space<smem>>
    %slice3A_1621 = vector.extract_strided_slice %concatenate3A_980 {offsets = [8, 128], sizes = [512, 512], strides = [1, 1]} : vector<528x768xf32> to vector<512x512xf32>
    %mul3A_1622 = vector.broadcast %get3A_1620 : f32 to vector<512x512xf32>
    %mul3A_1623 = arith.mulf %mul3A_1622, %slice3A_1621 : vector<512x512xf32>
    %add3A_1624 = arith.addf %add3A_1615, %mul3A_1623 : vector<512x512xf32>
    %get3A_1625 = arith.constant 1 : index
    %get3A_1626 = arith.constant 2 : index
    %get3A_1627 = arith.constant 0 : index
    %get3A_1628 = arith.constant 2 : index
    %get3A_1629 = memref.load %arg3[%get3A_1625, %get3A_1626, %get3A_1627, %get3A_1628] : memref<3x3x3x3xf32, #tpu.memory_space<smem>>
    %slice3A_1630 = vector.extract_strided_slice %concatenate3A_948 {offsets = [8, 129], sizes = [512, 512], strides = [1, 1]} : vector<528x768xf32> to vector<512x512xf32>
    %mul3A_1631 = vector.broadcast %get3A_1629 : f32 to vector<512x512xf32>
    %mul3A_1632 = arith.mulf %mul3A_1631, %slice3A_1630 : vector<512x512xf32>
    %add3A_1633 = arith.addf %add3A_1624, %mul3A_1632 : vector<512x512xf32>
    %get3A_1634 = arith.constant 1 : index
    %get3A_1635 = arith.constant 2 : index
    %get3A_1636 = arith.constant 1 : index
    %get3A_1637 = arith.constant 2 : index
    %get3A_1638 = memref.load %arg3[%get3A_1634, %get3A_1635, %get3A_1636, %get3A_1637] : memref<3x3x3x3xf32, #tpu.memory_space<smem>>
    %slice3A_1639 = vector.extract_strided_slice %concatenate3A_964 {offsets = [8, 129], sizes = [512, 512], strides = [1, 1]} : vector<528x768xf32> to vector<512x512xf32>
    %mul3A_1640 = vector.broadcast %get3A_1638 : f32 to vector<512x512xf32>
    %mul3A_1641 = arith.mulf %mul3A_1640, %slice3A_1639 : vector<512x512xf32>
    %add3A_1642 = arith.addf %add3A_1633, %mul3A_1641 : vector<512x512xf32>
    %get3A_1643 = arith.constant 1 : index
    %get3A_1644 = arith.constant 2 : index
    %get3A_1645 = arith.constant 2 : index
    %get3A_1646 = arith.constant 2 : index
    %get3A_1647 = memref.load %arg3[%get3A_1643, %get3A_1644, %get3A_1645, %get3A_1646] : memref<3x3x3x3xf32, #tpu.memory_space<smem>>
    %slice3A_1648 = vector.extract_strided_slice %concatenate3A_980 {offsets = [8, 129], sizes = [512, 512], strides = [1, 1]} : vector<528x768xf32> to vector<512x512xf32>
    %mul3A_1649 = vector.broadcast %get3A_1647 : f32 to vector<512x512xf32>
    %mul3A_1650 = arith.mulf %mul3A_1649, %slice3A_1648 : vector<512x512xf32>
    %add3A_1651 = arith.addf %add3A_1642, %mul3A_1650 : vector<512x512xf32>
    %get3A_1652 = arith.constant 2 : index
    %get3A_1653 = arith.constant 0 : index
    %get3A_1654 = arith.constant 0 : index
    %get3A_1655 = arith.constant 2 : index
    %get3A_1656 = memref.load %arg3[%get3A_1652, %get3A_1653, %get3A_1654, %get3A_1655] : memref<3x3x3x3xf32, #tpu.memory_space<smem>>
    %slice3A_1657 = vector.extract_strided_slice %concatenate3A_948 {offsets = [9, 127], sizes = [512, 512], strides = [1, 1]} : vector<528x768xf32> to vector<512x512xf32>
    %mul3A_1658 = vector.broadcast %get3A_1656 : f32 to vector<512x512xf32>
    %mul3A_1659 = arith.mulf %mul3A_1658, %slice3A_1657 : vector<512x512xf32>
    %add3A_1660 = arith.addf %add3A_1651, %mul3A_1659 : vector<512x512xf32>
    %get3A_1661 = arith.constant 2 : index
    %get3A_1662 = arith.constant 0 : index
    %get3A_1663 = arith.constant 1 : index
    %get3A_1664 = arith.constant 2 : index
    %get3A_1665 = memref.load %arg3[%get3A_1661, %get3A_1662, %get3A_1663, %get3A_1664] : memref<3x3x3x3xf32, #tpu.memory_space<smem>>
    %slice3A_1666 = vector.extract_strided_slice %concatenate3A_964 {offsets = [9, 127], sizes = [512, 512], strides = [1, 1]} : vector<528x768xf32> to vector<512x512xf32>
    %mul3A_1667 = vector.broadcast %get3A_1665 : f32 to vector<512x512xf32>
    %mul3A_1668 = arith.mulf %mul3A_1667, %slice3A_1666 : vector<512x512xf32>
    %add3A_1669 = arith.addf %add3A_1660, %mul3A_1668 : vector<512x512xf32>
    %get3A_1670 = arith.constant 2 : index
    %get3A_1671 = arith.constant 0 : index
    %get3A_1672 = arith.constant 2 : index
    %get3A_1673 = arith.constant 2 : index
    %get3A_1674 = memref.load %arg3[%get3A_1670, %get3A_1671, %get3A_1672, %get3A_1673] : memref<3x3x3x3xf32, #tpu.memory_space<smem>>
    %slice3A_1675 = vector.extract_strided_slice %concatenate3A_980 {offsets = [9, 127], sizes = [512, 512], strides = [1, 1]} : vector<528x768xf32> to vector<512x512xf32>
    %mul3A_1676 = vector.broadcast %get3A_1674 : f32 to vector<512x512xf32>
    %mul3A_1677 = arith.mulf %mul3A_1676, %slice3A_1675 : vector<512x512xf32>
    %add3A_1678 = arith.addf %add3A_1669, %mul3A_1677 : vector<512x512xf32>
    %get3A_1679 = arith.constant 2 : index
    %get3A_1680 = arith.constant 1 : index
    %get3A_1681 = arith.constant 0 : index
    %get3A_1682 = arith.constant 2 : index
    %get3A_1683 = memref.load %arg3[%get3A_1679, %get3A_1680, %get3A_1681, %get3A_1682] : memref<3x3x3x3xf32, #tpu.memory_space<smem>>
    %slice3A_1684 = vector.extract_strided_slice %concatenate3A_948 {offsets = [9, 128], sizes = [512, 512], strides = [1, 1]} : vector<528x768xf32> to vector<512x512xf32>
    %mul3A_1685 = vector.broadcast %get3A_1683 : f32 to vector<512x512xf32>
    %mul3A_1686 = arith.mulf %mul3A_1685, %slice3A_1684 : vector<512x512xf32>
    %add3A_1687 = arith.addf %add3A_1678, %mul3A_1686 : vector<512x512xf32>
    %get3A_1688 = arith.constant 2 : index
    %get3A_1689 = arith.constant 1 : index
    %get3A_1690 = arith.constant 1 : index
    %get3A_1691 = arith.constant 2 : index
    %get3A_1692 = memref.load %arg3[%get3A_1688, %get3A_1689, %get3A_1690, %get3A_1691] : memref<3x3x3x3xf32, #tpu.memory_space<smem>>
    %slice3A_1693 = vector.extract_strided_slice %concatenate3A_964 {offsets = [9, 128], sizes = [512, 512], strides = [1, 1]} : vector<528x768xf32> to vector<512x512xf32>
    %mul3A_1694 = vector.broadcast %get3A_1692 : f32 to vector<512x512xf32>
    %mul3A_1695 = arith.mulf %mul3A_1694, %slice3A_1693 : vector<512x512xf32>
    %add3A_1696 = arith.addf %add3A_1687, %mul3A_1695 : vector<512x512xf32>
    %get3A_1697 = arith.constant 2 : index
    %get3A_1698 = arith.constant 1 : index
    %get3A_1699 = arith.constant 2 : index
    %get3A_1700 = arith.constant 2 : index
    %get3A_1701 = memref.load %arg3[%get3A_1697, %get3A_1698, %get3A_1699, %get3A_1700] : memref<3x3x3x3xf32, #tpu.memory_space<smem>>
    %slice3A_1702 = vector.extract_strided_slice %concatenate3A_980 {offsets = [9, 128], sizes = [512, 512], strides = [1, 1]} : vector<528x768xf32> to vector<512x512xf32>
    %mul3A_1703 = vector.broadcast %get3A_1701 : f32 to vector<512x512xf32>
    %mul3A_1704 = arith.mulf %mul3A_1703, %slice3A_1702 : vector<512x512xf32>
    %add3A_1705 = arith.addf %add3A_1696, %mul3A_1704 : vector<512x512xf32>
    %get3A_1706 = arith.constant 2 : index
    %get3A_1707 = arith.constant 2 : index
    %get3A_1708 = arith.constant 0 : index
    %get3A_1709 = arith.constant 2 : index
    %get3A_1710 = memref.load %arg3[%get3A_1706, %get3A_1707, %get3A_1708, %get3A_1709] : memref<3x3x3x3xf32, #tpu.memory_space<smem>>
    %slice3A_1711 = vector.extract_strided_slice %concatenate3A_948 {offsets = [9, 129], sizes = [512, 512], strides = [1, 1]} : vector<528x768xf32> to vector<512x512xf32>
    %mul3A_1712 = vector.broadcast %get3A_1710 : f32 to vector<512x512xf32>
    %mul3A_1713 = arith.mulf %mul3A_1712, %slice3A_1711 : vector<512x512xf32>
    %add3A_1714 = arith.addf %add3A_1705, %mul3A_1713 : vector<512x512xf32>
    %get3A_1715 = arith.constant 2 : index
    %get3A_1716 = arith.constant 2 : index
    %get3A_1717 = arith.constant 1 : index
    %get3A_1718 = arith.constant 2 : index
    %get3A_1719 = memref.load %arg3[%get3A_1715, %get3A_1716, %get3A_1717, %get3A_1718] : memref<3x3x3x3xf32, #tpu.memory_space<smem>>
    %slice3A_1720 = vector.extract_strided_slice %concatenate3A_964 {offsets = [9, 129], sizes = [512, 512], strides = [1, 1]} : vector<528x768xf32> to vector<512x512xf32>
    %mul3A_1721 = vector.broadcast %get3A_1719 : f32 to vector<512x512xf32>
    %mul3A_1722 = arith.mulf %mul3A_1721, %slice3A_1720 : vector<512x512xf32>
    %add3A_1723 = arith.addf %add3A_1714, %mul3A_1722 : vector<512x512xf32>
    %get3A_1724 = arith.constant 2 : index
    %get3A_1725 = arith.constant 2 : index
    %get3A_1726 = arith.constant 2 : index
    %get3A_1727 = arith.constant 2 : index
    %get3A_1728 = memref.load %arg3[%get3A_1724, %get3A_1725, %get3A_1726, %get3A_1727] : memref<3x3x3x3xf32, #tpu.memory_space<smem>>
    %slice3A_1729 = vector.extract_strided_slice %concatenate3A_980 {offsets = [9, 129], sizes = [512, 512], strides = [1, 1]} : vector<528x768xf32> to vector<512x512xf32>
    %mul3A_1730 = vector.broadcast %get3A_1728 : f32 to vector<512x512xf32>
    %mul3A_1731 = arith.mulf %mul3A_1730, %slice3A_1729 : vector<512x512xf32>
    %add3A_1732 = arith.addf %add3A_1723, %mul3A_1731 : vector<512x512xf32>
    %swap3A_1733 = arith.constant 0 : index
    %swap3A_1734 = arith.constant 2 : index
    %swap3A_1735 = arith.constant 0 : index
    %swap3A_1736 = arith.constant 0 : index
    %swap3A_1737 = vector.load %arg5[%swap3A_1733, %swap3A_1734, %swap3A_1735, %swap3A_1736] : memref<1x3x512x512xf32, #tpu.memory_space<vmem>>, vector<1x1x512x512xf32>
    %swap3A_1738 = vector.shape_cast %swap3A_1737 : vector<1x1x512x512xf32> to vector<512x512xf32>
    %swap3A_1739 = vector.shape_cast %add3A_1732 : vector<512x512xf32> to vector<1x1x512x512xf32>
    tpu.vector_store %arg5[%swap3A_1733, %swap3A_1734, %swap3A_1735, %swap3A_1736], %swap3A_1739 {strides = array<i32>} : memref<1x3x512x512xf32, #tpu.memory_space<vmem>>, vector<1x1x512x512xf32>,
    return
  }
  func.func @transform_0(%arg0: i32) -> (i32, i32, i32, i32) {
    %c0_i32 = arith.constant 0 : i32
    %c0_i32_0 = arith.constant 0 : i32
    %c0_i32_1 = arith.constant 0 : i32
    %c0_i32_2 = arith.constant 0 : i32
    return %arg0, %c0_i32, %c0_i32_0, %c0_i32_1 : i32, i32, i32, i32
  }
  func.func @transform_1(%arg0: i32) -> (i32, i32, i32) {
    %c0_i32 = arith.constant 0 : i32
    %c0_i32_0 = arith.constant 0 : i32
    %c0_i32_1 = arith.constant 0 : i32
    return %arg0, %c0_i32, %c0_i32_0 : i32, i32, i32
  }
  func.func @transform_2(%arg0: i32) -> (i32, i32, i32, i32) {
    %c0_i32 = arith.constant 0 : i32
    %c0_i32_0 = arith.constant 0 : i32
    %c0_i32_1 = arith.constant 0 : i32
    %c0_i32_2 = arith.constant 0 : i32
    %c0_i32_3 = arith.constant 0 : i32
    return %c0_i32, %c0_i32_0, %c0_i32_1, %c0_i32_2 : i32, i32, i32, i32
  }
  func.func @transform_3(%arg0: i32) -> i32 {
    %c0_i32 = arith.constant 0 : i32
    %c0_i32_0 = arith.constant 0 : i32
    return %c0_i32 : i32
  }
  func.func @transform_4(%arg0: i32) -> (i32, i32, i32, i32) {
    %c0_i32 = arith.constant 0 : i32
    %c0_i32_0 = arith.constant 0 : i32
    %c0_i32_1 = arith.constant 0 : i32
    %c0_i32_2 = arith.constant 0 : i32
    return %arg0, %c0_i32, %c0_i32_0, %c0_i32_1 : i32, i32, i32, i32
  }
  func.func @transform_5(%arg0: i32) -> (i32, i32, i32) {
    %c0_i32 = arith.constant 0 : i32
    %c0_i32_0 = arith.constant 0 : i32
    %c0_i32_1 = arith.constant 0 : i32
    return %arg0, %c0_i32, %c0_i32_0 : i32, i32, i32
  }
}

</mosaic_0001>

<sc_bundles>
// kernel: kernel.4.cloned.1.call-start
scs
__scs_entry_jumppad:
0x0: {  	(pc) =	sbr.rel $0x88, $3  }
0x1: {  	(tag) =	ssettag $0x0;
	lr =	simm.s32 $0x1  }
0x2: {  	[smem:$0x3F9C] =	sst lr;
	_ =	strace $0xD0000000  }
0x3: {  	_ = 	snop  }
0x4: {  	_ = 	snop  }
0x5: {  	_ = 	snop  }
0x6: {  	_ = 	snop  }
0x7: {  	_ = 	snop  }
__scs_overlays_trampoline_lowered:
0x8: {  	[smem:$0x3FAB] =	sst s0  }
0x9: {  	[smem:$0x3FAC] =	sst s1  }
0xa: {  	[smem:$0x3FAD] =	sst s2  }
0xb: {  	[smem:$0x3FAE] =	sst s3  }
0xc: {  	[smem:$0x3FAF] =	sst s4  }
0xd: {  	[smem:$0x3FB0] =	sst s5  }
0xe: {  	[smem:$0x3FB1] =	sst s6  }
0xf: {  	[smem:$0x3FB2] =	sst s7  }
0x10: {  	[smem:$0x3FB3] =	sst s8  }
0x11: {  	[smem:$0x3FB4] =	sst s9;
	s0 =	simm.s32 @!p0 $0x0  }
0x12: {  	s1 =	sld [smem:$0x3F9A];
	s0 =	simm.s32 @p0 $0x1  }
0x13: {  	[smem:$0x3FB5] =	sst s0;
	s0 =	simm.s32 @!p1 $0x0  }
0x14: {  	s2 =	sld [smem:$0x3F99];
	s0 =	simm.s32 @p1 $0x1  }
0x15: {  	[smem:$0x3FB6] =	sst s0;
	s0 =	simm.s32 @!p2 $0x0  }
0x16: {  	s3 =	sld [smem:$0x3FDB];
	s0 =	simm.s32 @p2 $0x1  }
0x17: {  	s4 =	simm.s32 $0x1BF5;
	[smem:$0x3FB8] =	sst s0  }
0x18: {  	s0 =	sld [smem:$0x3F9B];
	_ =	swait.ge [sflag:s4], $0x0  }
0x19: {  	s7 =	sld [smem:$0x3F9C]  }
0x1a: {  	s8 =	sadd.s32 $0xFFFFE003, lr  }
0x1b: {  	s9 =	sadd.s32 $0xFFFFFEF7, lr;
	s5 =	simm.s32 $0xFFFFFFFF;
	p2 =	slt.u32 s8, $0xFFFFF086  }
0x1c: {  	p1 =	slt.u32 s9, $0xF7A;
	s5 =	simm.s32 @!p2 $0x0  }
0x1d: {  	s5 =	simm.s32 @p1 $0x1;
	p0 =	seq.s32 s7, s2  }
0x1e: {  	s7 =	smul.u32 @!p0 $0xF7A, s2;
	p2 =	seq.s32 @!p0 s5, $0x0  }
0x1f: {  	s9 =	smul.u32 $0xF7A, s1;
	s8 =	simm.s32 @!p0 $0x1BF5;
	p2 =	por !p2, p0  }
0x20: {  	[sflag:s8] =	ssyncset.s32 @!p0 $0xFFFFF086;
	s6 =	sadd.s32 @!p0 s3, s7;
	s7 =	simm.s32 @!p0 $0x108  }
0x21: {  	s3 =	sadd.s32 s3, s9;
	s6 =	sadd.s32 @!p0 $0x88, s6;
	s7 =	simm.s32 @p2 $0x1082  }
0x22: {  	[simem:s7], [sflag:s8] =	dma.local @!p0 [hbm:s6], $0xF7A  }
0x23: {  	s9 =	sor.u32 $0xD0000000, s2;
	s6 =	simm.s32 $0x108;
	_ =	swait.ge @!p0 [sflag:s8], $0x0  }
0x24: {  	s3 =	sadd.s32 $0x88, s3;
	s6 =	simm.s32 @!p1 $0x1082;
	[sflag:s4] =	ssyncset.s32 $0xFFFFF086  }
0x25: {  	[simem:s6], [sflag:s4] =	dma.local [hbm:s3], $0xF7A  }
0x26: {  	[smem:$0x3F9C] =	sst s1;
	(tag) =	ssettag s2;
	_ =	strace s9  }
0x27: {  	s1 =	sld [smem:$0x3FAC]  }
0x28: {  	s2 =	sld [smem:$0x3FAD]  }
0x29: {  	s4 =	sld [smem:$0x3FAF]  }
0x2a: {  	p0 =	seq.s32 s5, $0x0;
	s5 =	sld [smem:$0x3FB0]  }
0x2b: {  	s6 =	sld [smem:$0x3FB1]  }
0x2c: {  	s7 =	sld [smem:$0x3FB2]  }
0x2d: {  	s3 =	simm.s32 $0x108;
	s8 =	sld [smem:$0x3FB3]  }
0x2e: {  	s3 =	simm.s32 @!p0 $0x1082;
	s9 =	sld [smem:$0x3FB4]  }
0x2f: {  	lr =	sadd.s32 s0, s3;
	s0 =	sld [smem:$0x3FAB]  }
0x30: {  	s3 =	sld [smem:$0x3FAE]  }
0x31: {  	[smem:$0x3FB7] =	sst s10  }
0x32: {  	s10 =	sld [smem:$0x3FB5];
	_ =	sdelay $0x3  }
0x33: {  	p0 =	seq.s32 s10, $0x1;
	s10 =	sld [smem:$0x3FB7];
	_ =	sdelay $0x3  }
0x34: {  	[smem:$0x3FB7] =	sst s10  }
0x35: {  	s10 =	sld [smem:$0x3FB6];
	_ =	sdelay $0x3  }
0x36: {  	p1 =	seq.s32 s10, $0x1;
	s10 =	sld [smem:$0x3FB7];
	_ =	sdelay $0x3  }
0x37: {  	[smem:$0x3FB7] =	sst s10  }
0x38: {  	s10 =	sld [smem:$0x3FB8]  }
0x39: {  	_ = 	snop;
	(pc) =	sbr.ind lr, $3  }
0x3a: {  	_ = 	snop  }
0x3b: {  	_ = 	snop  }
0x3c: {  	p2 =	seq.s32 s10, $0x1;
	s10 =	sld [smem:$0x3FB7]  }
0x3d: {  	_ =	shalt  }
0x3e: {  	_ =	shalt  }
0x3f: {  	_ =	shalt  }
0x40: {  	_ =	shalt  }
0x41: {  	_ =	shalt  }
0x42: {  	_ =	shalt  }
0x43: {  	_ =	shalt  }
0x44: {  	_ =	shalt  }
0x45: {  	_ =	shalt  }
0x46: {  	_ =	shalt  }
0x47: {  	_ =	shalt  }
0x48: {  	_ =	shalt  }
0x49: {  	_ =	shalt  }
0x4a: {  	_ =	shalt  }
0x4b: {  	_ =	shalt  }
0x4c: {  	_ =	shalt  }
0x4d: {  	_ =	shalt  }
0x4e: {  	_ =	shalt  }
0x4f: {  	_ =	shalt  }
0x50: {  	_ =	shalt  }
0x51: {  	_ =	shalt  }
0x52: {  	_ =	shalt  }
0x53: {  	_ =	shalt  }
0x54: {  	_ =	shalt  }
0x55: {  	_ =	shalt  }
0x56: {  	_ =	shalt  }
0x57: {  	_ =	shalt  }
0x58: {  	_ =	shalt  }
0x59: {  	_ =	shalt  }
0x5a: {  	_ =	shalt  }
0x5b: {  	_ =	shalt  }
0x5c: {  	_ =	shalt  }
0x5d: {  	_ =	shalt  }
0x5e: {  	_ =	shalt  }
0x5f: {  	_ =	shalt  }
0x60: {  	_ =	shalt  }
0x61: {  	_ =	shalt  }
0x62: {  	_ =	shalt  }
0x63: {  	_ =	shalt  }
0x64: {  	_ =	shalt  }
0x65: {  	_ =	shalt  }
0x66: {  	_ =	shalt  }
0x67: {  	_ =	shalt  }
0x68: {  	_ =	shalt  }
0x69: {  	_ =	shalt  }
0x6a: {  	_ =	shalt  }
0x6b: {  	_ =	shalt  }
0x6c: {  	_ =	shalt  }
0x6d: {  	_ =	shalt  }
0x6e: {  	_ =	shalt  }
0x6f: {  	_ =	shalt  }
0x70: {  	_ =	shalt  }
0x71: {  	_ =	shalt  }
0x72: {  	_ =	shalt  }
0x73: {  	_ =	shalt  }
0x74: {  	_ =	shalt  }
0x75: {  	_ =	shalt  }
0x76: {  	_ =	shalt  }
0x77: {  	_ =	shalt  }
0x78: {  	_ =	shalt  }
0x79: {  	_ =	shalt  }
0x7a: {  	_ =	shalt  }
0x7b: {  	_ =	shalt  }
0x7c: {  	_ =	shalt  }
0x7d: {  	_ =	shalt  }
0x7e: {  	_ =	shalt  }
0x7f: {  	_ =	shalt  }
0x80: {  	_ =	shalt  }
0x81: {  	_ =	shalt  }
0x82: {  	_ =	shalt  }
0x83: {  	_ =	shalt  }
0x84: {  	_ =	shalt  }
0x85: {  	_ =	shalt  }
0x86: {  	_ =	shalt  }
0x87: {  	_ =	shalt  }
.Lfunc_end0:
.L_simem_size_0:
called_computation_lowered:
.L_overlay_start_0:
0x88: {  	s2 =	sld [smem:$0x3FD9]  }
0x89: {  	s3 =	sld [smem:$0x3FFE];
	_ =	sdelay $0x1  }
0x8a: {  	s1 =	srdreg.scid  }
0x8b: {  	s0 =	sand.u32 $0x1, s1  }
0x8c: {  	s17 =	sshll.u32 s0, $0xA;
	s2 =	sadd.s32 s3, s2  }
0x8d: {  	s2 =	sadd.s32 s2, s17  }
0x8e: {  	[smem:$0x3FC3] =	sst s2  }
0x8f: {  	_ = 	snop  }
0x90: {  	s2 =	sld [smem:$0x3FD0];
	(tm) =	ssettm $0x1  }
0x91: {  	s18 =	sld [smem:$0x3FFB];
	_ =	sdelay $0x3  }
0x92: {  	_ =	strace s18  }
0x93: {  	s3 =	sld [smem:$0x3FFC];
	_ =	sdelay $0x3  }
0x94: {  	_ =	strace s3  }
0x95: {  	s3 =	sld [smem:$0x3FFD];
	_ =	sdelay $0x3  }
0x96: {  	_ =	strace s3  }
0x97: {  	_ =	strace $0x8FFFFFFF  }
0x98: {  	s19 =	sld [smem:$0x3FDB];
	_ =	sdelay $0x1  }
0x99: {  	s4 =	simm.s32 $_scs_section_size  }
0x9a: {  	s5 =	simm.s32 $_size__tile_overlayer_lowered;
	s6 =	simm.s32 $_tile_overlayer_lowered  }
0x9b: {  	s22 =	simm.s32 $0x1BFF;
	s21 =	sshll.u32 s6, $0x1;
	s3 =	sadd.s32 s4, s19  }
0x9c: {  	s7 =	simm.s32 $0x0;
	s20 =	sshll.u32 s5, $0x1;
	s5 =	sadd.s32 s21, s3  }
0x9d: {  	[timem:s7], [sflag:s22] =	dma.local [hbm:s5], s20  }
0x9e: {  	_ =	swait.ge [sflag:s22], s20  }
0x9f: {  	s4 =	ssub.s32 $0x0, s20;
	[sflag:s22] =	ssyncset.done $0x0  }
0xa0: {  	[sflag:s22] =	ssyncadd.s32 s4;
	_ =	sdelay $0x1  }
0xa1: {  	s23 =	simm.s32 $0x1B8B  }
0xa2: {  	_ =	swait.ge [sflag:s23], $0x1  }
0xa3: {  	[sflag:s23] =	ssyncset.done $0x0  }
0xa4: {  	s25 =	simm.s32 $0x1B8E;
	s24 =	sld [smem:$0x3FFE];
	[sflag:s23] =	ssyncadd.s32 $0xFFFFFFFF  }
0xa5: {  	s26 =	simm.s32 $execute0_lowered;
	[smem:$0x3FD2] =	sst s25  }
0xa6: {  	s5 =	sshll.u32 s26, $0x1;
	_ =	strace $0x80000046;
	[dreg:$0x1] =	wrdreg $0xFFFFFFFF  }
0xa7: {  	s28 =	simm.s32 $_size_execute0_lowered;
	s3 =	sadd.s32 s3, s5;
	[dreg:$0x0] =	wrdreg $0x0  }
0xa8: {  	s5 =	sshll.u32 s28, $0x1;
	[dreg:$0x2] =	wrdreg s3  }
0xa9: {  	[dreg:$0x3] =	wrdreg s5  }
0xaa: {  	[dreg:$0x4] =	wrdreg $0xC0  }
0xab: {  	_ =	task [dreg:s7], $0x5FFFF  }
0xac: {  	[dreg:$0x1] =	wrdreg $0xFFFFFFFF  }
0xad: {  	[dreg:$0x0] =	wrdreg $0x60  }
0xae: {  	[dreg:$0x2] =	wrdreg s24  }
0xaf: {  	[dreg:$0x3] =	wrdreg s2  }
0xb0: {  	[dreg:$0x4] =	wrdreg $0x9  }
0xb1: {  	_ =	task.clear_ibuf [dreg:s7], $0x5FFFF;
	_ =	strace $0x90000046  }
0xb2: {  	s29 =	simm.s32 $0x9;
	_ =	strace $0x80000048  }
0xb3: {  	_ =	swait.ge [sflag:s29], $0x1  }
0xb4: {  	[sflag:s29] =	ssyncadd.s32 $0xFFFFFFFF  }
0xb5: {  	_ =	strace $0x90000048  }
0xb6: {  	_ =	sfence  }
0xb7: {  	s30 =	sld [smem:$0x0];
	_ =	sdelay $0x2  }
0xb8: {  	s31 =	sshll.u32 s1, $0xD;
	s1 =	sshrl.u32 s1, $0x2  }
0xb9: {  	s3 =	sand.u32 $0x4000, s31;
	s1 =	sadd.s32 s1, s30  }
0xba: {  	s0 =	sor.u32 s3, s0;
	s1 =	sshll.u32 s1, $0x11  }
0xbb: {  	s0 =	sor.u32 s1, s0  }
0xbc: {  	s0 =	sadd.s32 $0x8F2B, s0  }
0xbd: {  	[sflag:s0] =	ssyncadd.remote.s32 $0x1  }
0xbe: {  	_ =	sfence.sel $0xFFFF  }
0xbf: {  	[dreg:$0x0] =	wrdreg $0xFFFFFFFF;
	(pc) =	sbr.abs _section_cstart, $3  }
0xc0: {  	[dreg:$0x1] =	wrdreg $0xFFFFFFFF  }
0xc1: {  	_ =	task.clear_ibuf [dreg:s7], $0x2FFFF;
	_ =	strace $0x9FFFFFFF  }
0xc2: {  	(tm) =	ssettm $0x7FFFFFFF  }
0xc3: {  	_ =	shalt  }
tec
execute0_lowered:
.L_overlay_start_1:
0x0: {  	(tag) =	ssettag $0x1  }
0x1: {  	s2 =	stileid.u32;
	s0 =	srdreg.scid  }
0x2: {  	s5 =	rddreg [dreg:$0x0];
	s3 =	simm.s32 $0x0;
	s12 =	simm.s32 $0x1  }
0x3: {  	s19 =	simm.s32 $0x1E000;
	s1 =	sshll.u32 s2, $0x1;
	s0 =	sand.u32 $0x1, s0  }
0x4: {  	s6 =	sshrl.u32 s2, $0x2;
	s2 =	rddreg [dreg:$0x1];
	s1 =	sand.u32 $0x6, s1  }
0x5: {  	[smem:$0x7FF] =	sst s3;
	s4 =	smul.u32 $0xC0000, s6;
	s1 =	sor.u32 s0, s1  }
0x6: {  	_ =	strace $0x80000047;
	s0 =	ssub.s32 $0x2, s0;
	s7 =	smul.u32 $0x18000, s1  }
0x7: {  	s31 =	sshll.u32 s6, $0x12;
	s8 =	sshrl.u32 s0, $0x1;
	s1 =	sshll.u32 s1, $0xF  }
0x8: {  	s0 =	ssub.s32 s0, s8;
	s8 =	sshll.u32 s6, $0x13;
	s4 =	sadd.s32 s4, s7  }
0x9: {  	s9 =	sor.u32 $0x40000, s8;
	s0 =	smax.u32 s0, $0x1;
	s4 =	sshrl.u32 s4, $0x3  }
0xa: {  	s10 =	sadd.s32 $0x80000, s8;
	[dreg:$0x4] =	wrdreg s0;
	s30 =	sadd.s32 s4, s5  }
0xb: {  	s4 =	sadd.s32 $0xC00, s5;
	s5 =	sadd.s32 $0x80C00, s5;
	s7 =	sadd.s32 $0x20C00, s30  }
0xc: {  	v0 =	vlaneseq.u32;
	v1 =	vimm.s32 $0x0;
	[dreg:$0x3] =	wrdreg s7;
	s7 =	sor.u32 s31, s1;
	s1 =	simm.s32 $0x0  }
.LBB2_1:
0xd: {  	[dreg:$0x5] =	wrdreg s1  }
0xe: {  	s0 =	rddreg [dreg:$0x3]  }
0xf: {  	[tilespmem:s3], [sflag:$0x1] =	stream.linear.gather [hbm4b:s0+s3], $0x18000, $0x38;
	[tilespmem:$0x1F000] =	vst v63  }
0x10: {  	_ =	swait.ge [sflag:s12], $0x18000  }
0x11: {  	[sflag:s12] =	ssyncset.done $0x0  }
0x12: {  	s21 =	simm.s32 $0x0;
	[sflag:s12] =	ssyncadd.s32 $0xFFFE8000  }
.LBB2_2:
0x13: {  	s0 =	sshll.u32 s21, $0xC  }
0x14: {  	s0 =	sadd.s32 s7, s0  }
0x15: {  	s1 =	sshrl.u32 s0, $0x3  }
0x16: {  	s6 =	simm.s32 $0x18000;
	s1 =	sadd.s32 s4, s1  }
0x17: {  	[tilespmem:s6], [sflag:$0x1] =	stream.linear.gather [hbm4b:s1+s3], $0x1000, $0x38;
	[tilespmem:$0x1F000] =	vst v63  }
0x18: {  	s25 =	sadd.s32 s8, s0;
	_ =	swait.ge [sflag:s12], $0x1000  }
0x19: {  	s22 =	sshrl.u32 s25, $0x3;
	[sflag:s12] =	ssyncset.done $0x0  }
0x1a: {  	s26 =	simm.s32 $0x19000;
	s1 =	sadd.s32 s2, s22;
	[sflag:s12] =	ssyncadd.s32 $0xFFFFF000  }
0x1b: {  	[tilespmem:s26], [sflag:$0x1] =	stream.linear.gather [hbm4b:s1+s3], $0x1000, $0x38;
	[tilespmem:$0x1F000] =	vst v63  }
0x1c: {  	s11 =	sadd.s32 s9, s0;
	_ =	swait.ge [sflag:s12], $0x1000  }
0x1d: {  	s23 =	sshrl.u32 s11, $0x3;
	[sflag:s12] =	ssyncset.done $0x0  }
0x1e: {  	s13 =	simm.s32 $0x1A000;
	s1 =	sadd.s32 s2, s23;
	[sflag:s12] =	ssyncadd.s32 $0xFFFFF000  }
0x1f: {  	[tilespmem:s13], [sflag:$0x1] =	stream.linear.gather [hbm4b:s1+s3], $0x1000, $0x38;
	[tilespmem:$0x1F000] =	vst v63  }
0x20: {  	s0 =	sadd.s32 s10, s0;
	_ =	swait.ge [sflag:s12], $0x1000  }
0x21: {  	s24 =	sshrl.u32 s0, $0x3;
	[sflag:s12] =	ssyncset.done $0x0  }
0x22: {  	s14 =	simm.s32 $0x1B000;
	s0 =	sadd.s32 s2, s24;
	[sflag:s12] =	ssyncadd.s32 $0xFFFFF000  }
0x23: {  	[tilespmem:s14], [sflag:$0x1] =	stream.linear.gather [hbm4b:s0+s3], $0x1000, $0x38;
	[tilespmem:$0x1F000] =	vst v63  }
0x24: {  	_ =	swait.ge [sflag:s12], $0x1000  }
0x25: {  	[sflag:s12] =	ssyncset.done $0x0  }
0x26: {  	s15 =	simm.s32 $0x18010;
	[sflag:s12] =	ssyncadd.s32 $0xFFFFF000  }
0x27: {  	v2 =	vld [tilespmem:s15+$0x0];
	_ =	sdelay $0x4  }
0x28: {  	v2 =	vmax.f32 v2, $0.0e+00  }
0x29: {  	v2 =	vmin.f32 v2, $1.000000000e+00  }
0x2a: {  	v2 =	vmul.f32 $8.000000000e+00, v2;
	_ =	sdelay $0x1  }
0x2b: {  	v17 =	vadd.f32 $-5.000000000e-01, v2  }
0x2c: {  	s16 =	simm.s32 $0x1  }
0x2d: {  	s18 =	sand.u32 $0x1F, s16;
	v2 =	vtrunc.f32 v17  }
0x2e: {  	s17 =	simm.s32 $0x0;
	s25 =	sshll.u32 s21, $0x3;
	s13 =	sadd.s32 $0xFFFFFFFF, s18;
	v4 =	vcvt.f32.s32 v2;
	vm0 =	vlt.f32 v17, v2  }
0x2f: {  	s20 =	sadd.s32 $0x0, s25;
	s1 =	sand.u32 $0x1E, s17;
	s11 =	sshrl.u32 s13, $0x1;
	v5 =	vsel vm0, $0xFFFFFFFF, v1  }
0x30: {  	s26 =	smin.u32 s11, $0xE;
	s14 =	sshll.u32 s1, $0x4;
	s0 =	smul.u32 $0x600, s20;
	v18 =	vadd.s32 v4, v5  }
0x31: {  	s13 =	sshll.u32 s13, $0x2;
	v57 =	vor.u32 s14, v0;
	s14 =	sshll.u32 s26, $0x3;
	vm13 =	vgt.s32 v18, $0x0  }
0x32: {  	s14 =	sor.u32 s0, s14;
	s13 =	sor.u32 s0, s13;
	v59 =	vnsel vm13, $0x0, v18  }
0x33: {  	s14 =	sadd.s32 $0x8, s14;
	v21 =	vmov s13;
	v4 =	vmin.u32 v59, $0x7  }
0x34: {  	v22 =	vand.u32 $0x7FFFFF80, v21;
	v8 =	vor.u32 s14, v4;
	v4 =	vor.u32 s13, v4  }
0x35: {  	v31 =	vadd.s32 $0x400, v22;
	v27 =	vand.u32 $0x7F, v4  }
0x36: {  	v5 =	vadd.s32 $0x1, v18;
	v60 =	vor.u32 v31, v27  }
0x37: {  	vm14 =	vgt.s32 v5, $0x0  }
0x38: {  	s30 =	simm.s32 $0x1A010;
	v3 =	vld [tilespmem:s15+$0xFFFFFFF0];
	v5 =	vnsel vm14, $0x0, v5  }
0x39: {  	v12 =	vld [tilespmem:s30+$0x1000];
	v5 =	vmin.u32 v5, $0x7  }
0x3a: {  	v11 =	vld [tilespmem:s30+$0x0];
	v24 =	vor.u32 s14, v5  }
0x3b: {  	v33 =	vadd.s32 $0x480, v22;
	v32 =	vor.u32 s13, v5;
	v5 =	vld.idx.msk [tilespmem:v60+s3+$0x0], $0xffff  }
0x3c: {  	v16 =	vld [tilespmem:s30+$0xFFFFF000];
	v9 =	vor.u32 v33, v27  }
0x3d: {  	v29 =	vld.idx.msk [tilespmem:v8+s3+$0x0], $0xffff  }
0x3e: {  	v35 =	vld.idx.msk [tilespmem:v4+s3+$0x0], $0xffff  }
0x3f: {  	v40 =	vld.idx.msk [tilespmem:v24+s3+$0x0], $0xffff  }
0x40: {  	v41 =	vld.idx.msk [tilespmem:v32+s3+$0x0], $0xffff;
	[tilespmem:$0x1FEA0] =	vst v5  }
0x41: {  	v10 =	vmov s14;
	v36 =	vadd.s32 $0x580, v22;
	v3 =	vmax.f32 v3, $0.0e+00;
	v5 =	vld.idx.msk [tilespmem:v9+s3+$0x0], $0xffff  }
0x42: {  	v34 =	vadd.s32 $0x500, v22;
	v3 =	vmin.f32 v3, $1.000000000e+00;
	v13 =	vor.u32 v36, v27  }
0x43: {  	v37 =	vand.u32 $0x7FFFFE80, v10;
	v46 =	vadd.s32 $0x300, v22;
	v3 =	vmul.f32 $8.000000000e+00, v3  }
0x44: {  	v49 =	vadd.s32 $0x280, v22;
	v52 =	vadd.s32 $0x380, v22;
	v55 =	vadd.s32 $0x200, v22  }
0x45: {  	v39 =	vadd.s32 $0x400, v37;
	v42 =	vadd.s32 $0x480, v37;
	v6 =	vadd.f32 $-5.000000000e-01, v3  }
0x46: {  	v43 =	vadd.s32 $0x500, v37;
	v20 =	vadd.s32 $0x580, v37;
	v45 =	vadd.s32 $0x300, v37;
	[tilespmem:$0x1FE90] =	vst v5  }
0x47: {  	v3 =	vtrunc.f32 v6;
	v38 =	vand.u32 $0x7F, v8;
	v61 =	vor.u32 v34, v27;
	v63 =	vld.idx.msk [tilespmem:v13+s3+$0x0], $0xffff  }
0x48: {  	v56 =	vcvt.f32.s32 v3;
	vm12 =	vlt.f32 v6, v3;
	v14 =	vor.u32 v39, v38  }
0x49: {  	v47 =	vadd.s32 $0x280, v37;
	v58 =	vsel vm12, $0xFFFFFFFF, v1;
	v23 =	vor.u32 v42, v38  }
0x4a: {  	v3 =	vcvt.s32.f32 v57;
	v2 =	vadd.s32 v56, v58;
	v26 =	vor.u32 v43, v38  }
0x4b: {  	v54 =	vadd.s32 $0x200, v37;
	v7 =	vadd.s32 $0x1, v2;
	v62 =	vor.u32 v20, v38  }
0x4c: {  	v3 =	vadd.f32 $5.000000000e-01, v3;
	vm15 =	vgt.s32 v7, $0x0;
	v28 =	vor.u32 v45, v38;
	v10 =	vld.idx.msk [tilespmem:v61+s3+$0x0], $0xffff;
	[tilespmem:$0x1FEB0] =	vst v63  }
0x4d: {  	v56 =	vand.u32 $0x7FFFFE80, v21;
	v15 =	vnsel vm15, $0x0, v7;
	v30 =	vor.u32 v46, v27;
	v7 =	vld.idx.msk [tilespmem:v14+s3+$0x0], $0xffff  }
0x4e: {  	s6 =	sshll.u32 s18, $0x4;
	v58 =	vor.u32 $0x100, v37;
	vm1 =	vgt.s32 v2, $0x0;
	v48 =	vor.u32 v47, v38;
	v14 =	vld.idx.msk [tilespmem:v23+s3+$0x0], $0xffff  }
0x4f: {  	v51 =	vor.u32 v49, v27;
	v9 =	vmin.u32 v15, $0x7;
	v13 =	vor.u32 s6, v0;
	v15 =	vld.idx.msk [tilespmem:v26+s3+$0x0], $0xffff  }
0x50: {  	v44 =	vcvt.s32.f32 v2;
	v53 =	vor.u32 v52, v27;
	v50 =	vcvt.s32.f32 v13;
	v13 =	vld.idx.msk [tilespmem:v62+s3+$0x0], $0xffff  }
0x51: {  	v59 =	vand.u32 $0x7FFFFF00, v21;
	v21 =	vand.u32 $0x7FFFFE00, v21;
	v22 =	vor.u32 v54, v38;
	v26 =	vld.idx.msk [tilespmem:v28+s3+$0x0], $0xffff  }
0x52: {  	v3 =	vmul.f32 $3.125000000e-02, v3;
	v21 =	vor.u32 $0x180, v21;
	v57 =	vor.u32 v55, v27;
	v30 =	vld.idx.msk [tilespmem:v30+s3+$0x0], $0xffff  }
0x53: {  	v4 =	vor.u32 v58, v38;
	v32 =	vand.u32 $0x7F, v32;
	v50 =	vadd.f32 $5.000000000e-01, v50;
	v28 =	vld.idx.msk [tilespmem:v48+s3+$0x0], $0xffff  }
0x54: {  	v6 =	vsub.f32 v6, v44;
	v19 =	vadd.f32 $-5.000000000e-01, v3;
	v44 =	vor.u32 v21, v32;
	v51 =	vld.idx.msk [tilespmem:v51+s3+$0x0], $0xffff  }
0x55: {  	v33 =	vor.u32 v33, v32;
	v3 =	vmul.f32 $3.125000000e-02, v50;
	v50 =	vor.u32 $0x100, v56;
	v53 =	vld.idx.msk [tilespmem:v53+s3+$0x0], $0xffff  }
0x56: {  	s15 =	scvt.s32.f32 s11;
	v18 =	vcvt.s32.f32 v18;
	v61 =	vadd.s32 $0x80, v37;
	v60 =	vor.u32 v50, v27;
	v63 =	vld.idx.msk [tilespmem:v22+s3+$0x0], $0xffff  }
0x57: {  	v25 =	vnsel vm1, $0x0, v2;
	v59 =	vor.u32 $0x80, v59;
	v62 =	vor.u32 v61, v38;
	v57 =	vld.idx.msk [tilespmem:v57+s3+$0x0], $0xffff  }
0x58: {  	v2 =	vmov s15;
	v17 =	vsub.f32 v17, v18;
	v22 =	vor.u32 v59, v27;
	v56 =	vld.idx.msk [tilespmem:v4+s3+$0x0], $0xffff  }
0x59: {  	v31 =	vor.u32 v31, v32;
	v27 =	vor.u32 v21, v27;
	v44 =	vld.idx.msk [tilespmem:v44+s3+$0x0], $0xffff;
	v48 =	vadd.f32 $-5.000000000e-01, v3  }
0x5a: {  	v34 =	vor.u32 v34, v32;
	v36 =	vor.u32 v36, v32;
	v59 =	vor.u32 v59, v32;
	v33 =	vld.idx.msk [tilespmem:v33+s3+$0x0], $0xffff  }
0x5b: {  	v46 =	vor.u32 v46, v32;
	v5 =	vmin.u32 v25, $0x7;
	v48 =	vsub.f32 v48, v2;
	v60 =	vld.idx.msk [tilespmem:v60+s3+$0x0], $0xffff  }
0x5c: {  	v25 =	vadd.s32 $0x380, v37;
	v37 =	vadd.s32 $0x180, v37;
	v50 =	vor.u32 v50, v32;
	v62 =	vld.idx.msk [tilespmem:v62+s3+$0x0], $0xffff  }
0x5d: {  	v23 =	vor.u32 v25, v38;
	v38 =	vor.u32 v37, v38;
	v18 =	vsub.f32 $1.000000000e+00, v48;
	v3 =	vld.idx.msk [tilespmem:v22+s3+$0x0], $0xffff  }
0x5e: {  	v49 =	vor.u32 v49, v32;
	v2 =	vsub.f32 $1.000000000e+00, v17;
	v27 =	vld.idx.msk [tilespmem:v27+s3+$0x0], $0xffff;
	v22 =	vand.u32 $0x7F, v24  }
0x5f: {  	v59 =	vld.idx.msk [tilespmem:v59+s3+$0x0], $0xffff;
	v37 =	vor.u32 v37, v22;
	v21 =	vmul.f32 v17, v18;
	v17 =	vmul.f32 v17, v48  }
0x60: {  	v24 =	vmul.f32 v2, v18;
	v48 =	vmul.f32 v2, v48;
	v2 =	vld.idx.msk [tilespmem:v31+s3+$0x0], $0xffff;
	v31 =	vor.u32 v61, v22  }
0x61: {  	v52 =	vor.u32 v52, v32;
	v32 =	vor.u32 v55, v32;
	v50 =	vld.idx.msk [tilespmem:v50+s3+$0x0], $0xffff;
	v58 =	vor.u32 v58, v22  }
0x62: {  	v38 =	vld.idx.msk [tilespmem:v38+s3+$0x0], $0xffff;
	v45 =	vor.u32 v45, v22;
	v35 =	vmul.f32 v24, v35;
	v29 =	vmul.f32 v29, v48  }
0x63: {  	v34 =	vld.idx.msk [tilespmem:v34+s3+$0x0], $0xffff;
	v39 =	vor.u32 v39, v22;
	v41 =	vmul.f32 v41, v21;
	v60 =	vmul.f32 v24, v60  }
0x64: {  	v43 =	vor.u32 v43, v22;
	v3 =	vmul.f32 v24, v3;
	v59 =	vmul.f32 v59, v21;
	v37 =	vld.idx.msk [tilespmem:v37+s3+$0x0], $0xffff  }
0x65: {  	v27 =	vmul.f32 v24, v27;
	v35 =	vadd.f32 v41, v35;
	v41 =	vmul.f32 v44, v21;
	v31 =	vld.idx.msk [tilespmem:v31+s3+$0x0], $0xffff  }
0x66: {  	v25 =	vor.u32 v25, v22;
	v61 =	vmul.f32 v50, v21;
	v55 =	vld.idx.msk [tilespmem:v58+s3+$0x0], $0xffff;
	v58 =	vmul.f32 v62, v48  }
0x67: {  	v36 =	vld.idx.msk [tilespmem:v36+s3+$0x0], $0xffff;
	v3 =	vadd.f32 v59, v3;
	v59 =	vmul.f32 v38, v48;
	v27 =	vadd.f32 v41, v27  }
0x68: {  	v23 =	vld.idx.msk [tilespmem:v23+s3+$0x0], $0xffff;
	v40 =	vmul.f32 v40, v17;
	v61 =	vadd.f32 v61, v60;
	v29 =	vadd.f32 v29, v35  }
0x69: {  	v32 =	vld.idx.msk [tilespmem:v32+s3+$0x0], $0xffff;
	v56 =	vmul.f32 v56, v48;
	v3 =	vadd.f32 v58, v3;
	v27 =	vadd.f32 v59, v27  }
0x6a: {  	v39 =	vld.idx.msk [tilespmem:v39+s3+$0x0], $0xffff;
	v29 =	vadd.f32 v40, v29;
	v62 =	vmul.f32 v37, v17;
	v31 =	vmul.f32 v31, v17  }
0x6b: {  	v38 =	vld.idx.msk [tilespmem:v45+s3+$0x0], $0xffff;
	v45 =	vadd.f32 v56, v61;
	v50 =	vmul.f32 v55, v17;
	v55 =	vor.u32 v54, v22  }
0x6c: {  	v43 =	vld.idx.msk [tilespmem:v43+s3+$0x0], $0xffff;
	v16 =	vmul.f32 v16, v29;
	v27 =	vadd.f32 v62, v27;
	v3 =	vadd.f32 v31, v3  }
0x6d: {  	s1 =	sadd.s32 $0xFFFFFFFE, s1;
	v47 =	vor.u32 v47, v22;
	v42 =	vor.u32 v42, v22;
	v20 =	vor.u32 v20, v22;
	v31 =	vld.idx.msk [tilespmem:v49+s3+$0x0], $0xffff  }
0x6e: {  	s6 =	sshra.s32 s1, $0x1;
	v22 =	vld.idx.msk [tilespmem:v52+s3+$0x0], $0xffff;
	v56 =	vadd.f32 v50, v45;
	v16 =	vadd.f32 v16, v27;
	v3 =	vmul.f32 v11, v3  }
0x6f: {  	s16 =	scvt.s32.f32 s6;
	v28 =	vmul.f32 v28, v48;
	v32 =	vmul.f32 v32, v21;
	v25 =	vld.idx.msk [tilespmem:v25+s3+$0x0], $0xffff  }
0x70: {  	p0 =	sgt.s32 s6, $0x0;
	v44 =	vmul.f32 v63, v48;
	v58 =	vld.idx.msk [tilespmem:v46+s3+$0x0], $0xffff;
	v3 =	vadd.f32 v3, v16;
	v16 =	vmul.f32 v12, v56  }
0x71: {  	s6 =	simm.s32 @!p0 $0x0;
	v4 =	vmov s16;
	v61 =	vmul.f32 v24, v57;
	v27 =	vmul.f32 v24, v30;
	v30 =	vld.idx.msk [tilespmem:v55+s3+$0x0], $0xffff  }
0x72: {  	s6 =	sshll.u32 s6, $0x3;
	v60 =	vld.idx.msk [tilespmem:v47+s3+$0x0], $0xffff;
	v59 =	vmul.f32 v24, v51;
	v31 =	vmul.f32 v31, v21;
	v3 =	vadd.f32 v16, v3  }
0x73: {  	s26 =	simm.s32 $0x1D010;
	s6 =	sor.u32 s0, s6;
	v19 =	vsub.f32 v19, v4;
	v20 =	vld.idx.msk [tilespmem:v20+s3+$0x0], $0xffff;
	v22 =	vmul.f32 v22, v21;
	v16 =	vmul.f32 v24, v53  }
0x74: {  	v8 =	vmov s6;
	v37 =	vld.idx.msk [tilespmem:v42+s3+$0x0], $0xffff;
	v32 =	vadd.f32 v32, v61;
	v45 =	vadd.f32 v31, v59;
	[tilespmem:s26+$0xFFFFF000] =	vst v3  }
0x75: {  	v23 =	vmul.f32 v23, v48;
	v4 =	vmul.f32 v58, v21;
	v16 =	vadd.f32 v22, v16;
	v31 =	vld [tilespmem:s30+$0xFFFFF000]  }
0x76: {  	v30 =	vmul.f32 v30, v17;
	v22 =	vadd.f32 v44, v32;
	v3 =	vadd.f32 v28, v45;
	v28 =	vld [tilespmem:s30+$0x0]  }
0x77: {  	v18 =	vor.u32 s6, v9;
	v4 =	vadd.f32 v4, v27;
	v27 =	vmul.f32 v60, v17  }
0x78: {  	v16 =	vadd.f32 v23, v16;
	v22 =	vadd.f32 v30, v22;
	v23 =	vmul.f32 v25, v17  }
0x79: {  	v26 =	vmul.f32 v26, v48;
	v15 =	vmul.f32 v15, v48;
	v3 =	vadd.f32 v27, v3  }
0x7a: {  	v29 =	vor.u32 s6, v5;
	v30 =	vld [tilespmem:s30+$0x1000];
	v23 =	vadd.f32 v23, v16;
	v22 =	vmul.f32 v31, v22  }
0x7b: {  	v4 =	vadd.f32 v26, v4;
	v26 =	vmul.f32 v38, v17;
	v3 =	vmul.f32 v28, v3;
	v28 =	vld [tilespmem:$0x1FEA0]  }
0x7c: {  	v11 =	vand.u32 $0x7FFFFE00, v8;
	v12 =	vand.u32 $0x7F, v18;
	v22 =	vadd.f32 v22, v23  }
0x7d: {  	v4 =	vadd.f32 v26, v4;
	v46 =	vld [tilespmem:$0x1FEB0];
	v25 =	vor.u32 $0x180, v11;
	v16 =	vand.u32 $0x7F, v29  }
0x7e: {  	v31 =	vor.u32 v25, v12;
	v3 =	vadd.f32 v3, v22;
	v22 =	vor.u32 v25, v16;
	v25 =	vld [tilespmem:$0x1FE90]  }
0x7f: {  	v10 =	vmul.f32 v24, v10;
	v4 =	vmul.f32 v30, v4  }
0x80: {  	v2 =	vmul.f32 v2, v21;
	v28 =	vmul.f32 v24, v28  }
0x81: {  	v14 =	vmul.f32 v14, v48;
	v7 =	vmul.f32 v7, v48;
	v3 =	vadd.f32 v4, v3  }
0x82: {  	v4 =	vmul.f32 v24, v46;
	v2 =	vadd.f32 v2, v28;
	v28 =	vmul.f32 v36, v21  }
0x83: {  	v25 =	vmul.f32 v24, v25;
	v24 =	vmul.f32 v33, v21  }
0x84: {  	s1 =	sshll.u32 s1, $0x2;
	v13 =	vmul.f32 v13, v48;
	v48 =	vmul.f32 v39, v17;
	v62 =	vor.u32 $0x80, v11;
	[tilespmem:s26+$0x0] =	vst v3  }
0x85: {  	s0 =	sadd.s32 s0, s1;
	v21 =	vmul.f32 v34, v21;
	v4 =	vadd.f32 v28, v4;
	v47 =	vadd.f32 v24, v25;
	v24 =	vld [tilespmem:s30+$0xFFFFF000]  }
0x86: {  	s0 =	sadd.s32 $0x8, s0;
	v49 =	vmul.f32 v20, v17;
	v26 =	vor.u32 v62, v16;
	v2 =	vadd.f32 v7, v2  }
0x87: {  	v23 =	vmov s0;
	v10 =	vadd.f32 v21, v10;
	v21 =	vld [tilespmem:s30+$0x0];
	v4 =	vadd.f32 v13, v4  }
0x88: {  	v2 =	vadd.f32 v48, v2;
	v3 =	vadd.f32 v14, v47;
	v14 =	vmul.f32 v37, v17  }
0x89: {  	v51 =	vand.u32 $0xFFFFFF80, v23;
	v50 =	vadd.f32 v15, v10;
	v10 =	vld [tilespmem:s30+$0x1000];
	v17 =	vmul.f32 v43, v17  }
0x8a: {  	v23 =	vld [tilespmem:s30+$0xFFFFFFF0];
	v3 =	vadd.f32 v14, v3;
	v14 =	vadd.f32 v49, v4;
	v2 =	vmul.f32 v24, v2  }
0x8b: {  	v27 =	vor.u32 v62, v12;
	v13 =	vld.idx.msk [tilespmem:v18+s3+$0x0], $0xffff;
	v18 =	vor.u32 s0, v5  }
0x8c: {  	v26 =	vld.idx.msk [tilespmem:v26+s3+$0x0], $0xffff;
	v5 =	vadd.f32 v17, v50;
	v3 =	vmul.f32 v21, v3;
	v2 =	vadd.f32 v2, v14  }
0x8d: {  	v9 =	vor.u32 s0, v9;
	v20 =	vsub.f32 $1.000000000e+00, v19;
	v22 =	vld.idx.msk [tilespmem:v22+s3+$0x0], $0xffff  }
0x8e: {  	v25 =	vld [tilespmem:s30+$0xFFFFEFF0];
	v24 =	vor.u32 $0x100, v11;
	v10 =	vmul.f32 v10, v5;
	v2 =	vadd.f32 v3, v2  }
0x8f: {  	v30 =	vsub.f32 $1.000000000e+00, v6;
	v52 =	vand.u32 $0x7F, v18;
	v15 =	vld.idx.msk [tilespmem:v29+s3+$0x0], $0xffff;
	v17 =	vor.u32 v24, v12  }
0x90: {  	v18 =	vld.idx.msk [tilespmem:v18+s3+$0x0], $0xffff;
	v21 =	vadd.s32 $0x80, v51;
	v24 =	vor.u32 v24, v16;
	v2 =	vadd.f32 v10, v2  }
0x91: {  	v53 =	vmul.f32 v6, v20;
	v28 =	vadd.s32 $0x180, v51;
	v14 =	vld.idx.msk [tilespmem:v27+s3+$0x0], $0xffff;
	v29 =	vor.u32 v21, v52  }
0x92: {  	v57 =	vadd.s32 $0x280, v8;
	v27 =	vld.idx.msk [tilespmem:v31+s3+$0x0], $0xffff;
	v31 =	vor.u32 v28, v52;
	v5 =	vmul.f32 v30, v20;
	[tilespmem:$0x1FFC0] =	vst v2  }
0x93: {  	v8 =	vadd.s32 $0x480, v8;
	v60 =	vadd.s32 $0x300, v11;
	v42 =	vadd.s32 $0x400, v11;
	v20 =	vld [tilespmem:s30+$0xFF0]  }
0x94: {  	v35 =	vor.u32 v60, v16;
	v13 =	vmul.f32 v13, v53;
	v15 =	vmul.f32 v5, v15;
	v17 =	vld.idx.msk [tilespmem:v17+s3+$0x0], $0xffff  }
0x95: {  	v8 =	vand.u32 $0x7FFFFE80, v8;
	v44 =	vor.u32 v42, v12;
	v24 =	vld.idx.msk [tilespmem:v24+s3+$0x0], $0xffff  }
0x96: {  	v55 =	vadd.s32 $0x200, v11;
	v45 =	vor.u32 v8, v12;
	v13 =	vadd.f32 v13, v15;
	v15 =	vld.idx.msk [tilespmem:v29+s3+$0x0], $0xffff  }
0x97: {  	v8 =	vor.u32 v8, v16;
	v6 =	vmul.f32 v6, v19;
	v54 =	vadd.s32 $0x100, v51;
	v29 =	vld.idx.msk [tilespmem:v31+s3+$0x0], $0xffff  }
0x98: {  	v10 =	vmul.f32 v30, v19;
	v30 =	vand.u32 $0x7F, v9;
	v19 =	vor.u32 v55, v16;
	v9 =	vld.idx.msk [tilespmem:v9+s3+$0x0], $0xffff  }
0x99: {  	v59 =	vadd.s32 $0x200, v51;
	v62 =	vadd.s32 $0x280, v51;
	v21 =	vor.u32 v21, v30;
	v35 =	vld.idx.msk [tilespmem:v35+s3+$0x0], $0xffff  }
0x9a: {  	v26 =	vmul.f32 v5, v26;
	v22 =	vmul.f32 v5, v22;
	v28 =	vor.u32 v28, v30;
	v36 =	vld.idx.msk [tilespmem:v44+s3+$0x0], $0xffff  }
0x9b: {  	v14 =	vmul.f32 v14, v53;
	v27 =	vmul.f32 v27, v53;
	v2 =	vor.u32 v54, v30;
	v37 =	vld.idx.msk [tilespmem:v45+s3+$0x0], $0xffff  }
0x9c: {  	v56 =	vor.u32 v54, v52;
	v18 =	vmul.f32 v18, v10;
	v31 =	vor.u32 v55, v12;
	v8 =	vld.idx.msk [tilespmem:v8+s3+$0x0], $0xffff  }
0x9d: {  	v14 =	vadd.f32 v14, v26;
	v22 =	vadd.f32 v27, v22;
	v26 =	vand.u32 $0x7FFFFE80, v57;
	v19 =	vld.idx.msk [tilespmem:v19+s3+$0x0], $0xffff  }
0x9e: {  	v27 =	vadd.s32 $0x380, v11;
	v32 =	vor.u32 v26, v12;
	v26 =	vor.u32 v26, v16;
	v21 =	vld.idx.msk [tilespmem:v21+s3+$0x0], $0xffff  }
0x9f: {  	v63 =	vadd.s32 $0x380, v51;
	v58 =	vor.u32 v27, v12;
	v27 =	vor.u32 v27, v16;
	v28 =	vld.idx.msk [tilespmem:v28+s3+$0x0], $0xffff  }
0xa0: {  	v13 =	vadd.f32 v18, v13;
	v2 =	vld.idx.msk [tilespmem:v2+s3+$0x0], $0xffff;
	v17 =	vmul.f32 v17, v53;
	v18 =	vmul.f32 v5, v24  }
0xa1: {  	v40 =	vor.u32 v62, v52;
	v24 =	vld.idx.msk [tilespmem:v56+s3+$0x0], $0xffff;
	v15 =	vmul.f32 v15, v10;
	v9 =	vmul.f32 v9, v6  }
0xa2: {  	v17 =	vadd.f32 v17, v18;
	v18 =	vmul.f32 v29, v10;
	v29 =	vld.idx.msk [tilespmem:v31+s3+$0x0], $0xffff;
	v31 =	vor.u32 v59, v52  }
0xa3: {  	v47 =	vadd.s32 $0x480, v51;
	v61 =	vor.u32 v59, v30;
	v41 =	vor.u32 v63, v30;
	v26 =	vld.idx.msk [tilespmem:v26+s3+$0x0], $0xffff  }
0xa4: {  	v49 =	vor.u32 v47, v30;
	v27 =	vld.idx.msk [tilespmem:v27+s3+$0x0], $0xffff;
	v14 =	vadd.f32 v15, v14;
	v9 =	vadd.f32 v9, v13  }
0xa5: {  	v13 =	vmul.f32 v21, v6;
	v21 =	vld.idx.msk [tilespmem:v58+s3+$0x0], $0xffff;
	v15 =	vadd.f32 v18, v22;
	v22 =	vor.u32 v60, v12  }
0xa6: {  	v28 =	vmul.f32 v28, v6;
	v18 =	vld.idx.msk [tilespmem:v32+s3+$0x0], $0xffff;
	v9 =	vmul.f32 v25, v9;
	v25 =	vor.u32 v63, v52  }
0xa7: {  	v19 =	vmul.f32 v5, v19;
	v24 =	vmul.f32 v24, v10;
	v13 =	vadd.f32 v13, v14;
	v14 =	vld.idx.msk [tilespmem:v31+s3+$0x0], $0xffff  }
0xa8: {  	v2 =	vmul.f32 v2, v6;
	v15 =	vadd.f32 v28, v15;
	v28 =	vor.u32 v62, v30;
	v31 =	vld.idx.msk [tilespmem:v61+s3+$0x0], $0xffff  }
0xa9: {  	v17 =	vadd.f32 v24, v17;
	v24 =	vadd.s32 $0x300, v51;
	v13 =	vmul.f32 v23, v13;
	v23 =	vld.idx.msk [tilespmem:v40+s3+$0x0], $0xffff  }
0xaa: {  	v29 =	vmul.f32 v29, v53;
	v43 =	vor.u32 v24, v52;
	v9 =	vadd.f32 v9, v15;
	v22 =	vld.idx.msk [tilespmem:v22+s3+$0x0], $0xffff  }
0xab: {  	v15 =	vadd.s32 $0x500, v11;
	v11 =	vadd.s32 $0x580, v11;
	v24 =	vor.u32 v24, v30;
	v25 =	vld.idx.msk [tilespmem:v25+s3+$0x0], $0xffff  }
0xac: {  	v2 =	vadd.f32 v2, v17;
	v17 =	vor.u32 v15, v12;
	v19 =	vadd.f32 v29, v19;
	v29 =	vld.idx.msk [tilespmem:v49+s3+$0x0], $0xffff  }
0xad: {  	v7 =	vadd.s32 $0x580, v51;
	v12 =	vor.u32 v11, v12;
	v9 =	vadd.f32 v13, v9;
	v13 =	vld.idx.msk [tilespmem:v41+s3+$0x0], $0xffff  }
0xae: {  	v33 =	vor.u32 v42, v16;
	v15 =	vor.u32 v15, v16;
	v28 =	vld.idx.msk [tilespmem:v28+s3+$0x0], $0xffff;
	v2 =	vmul.f32 v20, v2  }
0xaf: {  	v35 =	vmul.f32 v5, v35;
	v55 =	vmul.f32 v5, v8;
	v11 =	vor.u32 v11, v16;
	v46 =	vld.idx.msk [tilespmem:v43+s3+$0x0], $0xffff  }
0xb0: {  	v20 =	vadd.s32 $0x400, v51;
	v2 =	vadd.f32 v2, v9;
	v9 =	vadd.s32 $0x500, v51;
	v24 =	vld.idx.msk [tilespmem:v24+s3+$0x0], $0xffff  }
0xb1: {  	v21 =	vmul.f32 v21, v53;
	v48 =	vor.u32 v20, v30;
	v50 =	vor.u32 v9, v30;
	v17 =	vld.idx.msk [tilespmem:v17+s3+$0x0], $0xffff  }
0xb2: {  	v16 =	vor.u32 v20, v52;
	v20 =	vor.u32 v47, v52;
	v30 =	vor.u32 v7, v30;
	v12 =	vld.idx.msk [tilespmem:v12+s3+$0x0], $0xffff  }
0xb3: {  	v9 =	vor.u32 v9, v52;
	v7 =	vor.u32 v7, v52;
	v52 =	vmul.f32 v5, v27;
	v15 =	vld.idx.msk [tilespmem:v15+s3+$0x0], $0xffff  }
0xb4: {  	v26 =	vmul.f32 v5, v26;
	v18 =	vmul.f32 v18, v53;
	v11 =	vld.idx.msk [tilespmem:v11+s3+$0x0], $0xffff  }
0xb5: {  	v14 =	vmul.f32 v14, v10;
	v4 =	vadd.f32 v21, v52;
	v21 =	vmul.f32 v23, v10;
	v23 =	vld.idx.msk [tilespmem:v33+s3+$0x0], $0xffff  }
0xb6: {  	v18 =	vadd.f32 v18, v26;
	v31 =	vmul.f32 v31, v6;
	v22 =	vmul.f32 v22, v53;
	v27 =	vld.idx.msk [tilespmem:v50+s3+$0x0], $0xffff  }
0xb7: {  	s17 =	simm.s32 $0x18030;
	v14 =	vadd.f32 v14, v19;
	v25 =	vmul.f32 v25, v10;
	v29 =	vmul.f32 v29, v6;
	v19 =	vld.idx.msk [tilespmem:v30+s3+$0x0], $0xffff  }
0xb8: {  	v13 =	vmul.f32 v13, v6;
	v26 =	vmul.f32 v28, v6;
	v28 =	vld [tilespmem:s17+$0x0];
	v18 =	vadd.f32 v21, v18  }
0xb9: {  	v51 =	vld.idx.msk [tilespmem:v48+s3+$0x0], $0xffff;
	v4 =	vadd.f32 v25, v4;
	v21 =	vmul.f32 v36, v53;
	v25 =	vmul.f32 v46, v10  }
0xba: {  	v22 =	vadd.f32 v22, v35;
	v16 =	vld.idx.msk [tilespmem:v16+s3+$0x0], $0xffff;
	v12 =	vmul.f32 v12, v53;
	v17 =	vmul.f32 v17, v53  }
0xbb: {  	v20 =	vld.idx.msk [tilespmem:v20+s3+$0x0], $0xffff;
	v18 =	vadd.f32 v26, v18;
	v26 =	vmul.f32 v37, v53;
	v53 =	vmul.f32 v27, v6  }
0xbc: {  	v14 =	vadd.f32 v31, v14;
	v30 =	vld [tilespmem:s17+$0xFFFFFFF0];
	v15 =	vmul.f32 v5, v15;
	v54 =	vmul.f32 v19, v6  }
0xbd: {  	v24 =	vmul.f32 v24, v6;
	v22 =	vadd.f32 v25, v22;
	v25 =	vadd.f32 v13, v4;
	[tilespmem:$0x1FF30] =	vst v53  }
0xbe: {  	v23 =	vmul.f32 v5, v23;
	v5 =	vmul.f32 v5, v11;
	v58 =	vadd.f32 v17, v15;
	[tilespmem:$0x1FEE0] =	vst v54  }
0xbf: {  	v13 =	vmul.f32 v51, v6;
	v22 =	vadd.f32 v24, v22;
	v8 =	vld.idx.msk [tilespmem:v9+s3+$0x0], $0xffff;
	v9 =	vmax.f32 v28, $0.0e+00  }
0xc0: {  	s18 =	simm.s32 $0x3;
	v59 =	vmul.f32 v16, v10;
	v19 =	vadd.f32 v21, v23;
	v21 =	vld.idx.msk [tilespmem:v7+s3+$0x0], $0xffff;
	[tilespmem:s26+$0xFFFFEFF0] =	vst v2;
	v56 =	vmin.f32 v9, $1.000000000e+00  }
0xc1: {  	s20 =	sand.u32 $0x1F, s18;
	v60 =	vadd.f32 v12, v5;
	v15 =	vmax.f32 v30, $0.0e+00;
	[tilespmem:$0x1FF10] =	vst v58;
	v57 =	vmul.f32 $8.000000000e+00, v56  }
0xc2: {  	s1 =	sshll.u32 s20, $0x4;
	v16 =	vmul.f32 v20, v10;
	v15 =	vmin.f32 v15, $1.000000000e+00;
	v61 =	vadd.f32 v59, v19;
	v11 =	vld [tilespmem:s30+$0xFFFFEFF0]  }
0xc3: {  	s6 =	sadd.s32 $0xFFFFFFFF, s20;
	v5 =	vor.u32 s1, v0;
	v15 =	vmul.f32 $8.000000000e+00, v15;
	[tilespmem:$0x1FED0] =	vst v60;
	v27 =	vadd.f32 $-5.000000000e-01, v57  }
0xc4: {  	s14 =	sshrl.u32 s6, $0x1;
	v34 =	vcvt.s32.f32 v5;
	v9 =	vadd.f32 v26, v55;
	v2 =	vadd.f32 v13, v61;
	v12 =	vld [tilespmem:s30+$0xFFFFFFF0]  }
0xc5: {  	s16 =	scvt.s32.f32 s14;
	v15 =	vadd.f32 $-5.000000000e-01, v15;
	v62 =	vmul.f32 v8, v10;
	v8 =	vtrunc.f32 v27  }
0xc6: {  	v16 =	vadd.f32 v16, v9;
	v13 =	vcvt.f32.s32 v8;
	vm4 =	vlt.f32 v27, v8  }
0xc7: {  	s13 =	sadd.s32 $0x0, s25;
	v58 =	vmov s16;
	v17 =	vld [tilespmem:s30+$0xFF0];
	v8 =	vmul.f32 v11, v14;
	v11 =	vsel vm4, $0xFFFFFFFF, v1  }
0xc8: {  	s15 =	smin.u32 s14, $0xE;
	s0 =	smul.u32 $0x600, s13;
	v49 =	vmul.f32 v21, v10;
	v63 =	vadd.f32 v29, v16;
	v28 =	vadd.s32 v13, v11  }
0xc9: {  	s11 =	sshll.u32 s6, $0x2;
	s13 =	sshll.u32 s15, $0x3;
	v16 =	vtrunc.f32 v15;
	v13 =	vmul.f32 v12, v18;
	vm5 =	vgt.s32 v28, $0x0  }
0xca: {  	s13 =	sor.u32 s0, s13;
	s11 =	sor.u32 s0, s11;
	v14 =	vadd.f32 v8, v25;
	v12 =	vadd.s32 $0x1, v28;
	v8 =	vnsel vm5, $0x0, v28  }
0xcb: {  	s13 =	sadd.s32 $0x8, s13;
	v29 =	vmov s11;
	vm6 =	vgt.s32 v12, $0x0;
	v8 =	vmin.u32 v8, $0x7  }
0xcc: {  	v11 =	vmul.f32 v17, v22;
	v12 =	vnsel vm6, $0x0, v12;
	v17 =	vor.u32 s13, v8  }
0xcd: {  	v30 =	vand.u32 $0x7FFFFF80, v29;
	v18 =	vmin.u32 v12, $0x7;
	v8 =	vor.u32 s11, v8  }
0xce: {  	[tilespmem:$0x1FFF0] =	vst v2;
	v43 =	vadd.s32 $0x400, v30;
	v41 =	vand.u32 $0x7F, v8;
	v35 =	vor.u32 s11, v18  }
0xcf: {  	v21 =	vmov s13;
	[tilespmem:$0x1FF20] =	vst v62;
	v44 =	vadd.s32 $0x480, v30;
	v12 =	vor.u32 v43, v41  }
0xd0: {  	v19 =	vcvt.f32.s32 v16;
	[tilespmem:$0x1FEC0] =	vst v63;
	v45 =	vadd.s32 $0x500, v30;
	v20 =	vor.u32 v44, v41  }
0xd1: {  	v48 =	vand.u32 $0x7FFFFE80, v21;
	v47 =	vadd.s32 $0x580, v30;
	v22 =	vor.u32 v45, v41;
	v46 =	vld.idx.msk [tilespmem:v17+s3+$0x0], $0xffff  }
0xd2: {  	v39 =	vadd.s32 $0x400, v48;
	v50 =	vand.u32 $0x7F, v17;
	v23 =	vor.u32 v47, v41;
	v10 =	vld.idx.msk [tilespmem:v8+s3+$0x0], $0xffff  }
0xd3: {  	vm7 =	vlt.f32 v15, v16;
	v36 =	vadd.s32 $0x480, v48;
	v24 =	vor.u32 v39, v50;
	v51 =	vld.idx.msk [tilespmem:v35+s3+$0x0], $0xffff  }
0xd4: {  	v16 =	vsel vm7, $0xFFFFFFFF, v1;
	v53 =	vadd.s32 $0x300, v48;
	v26 =	vor.u32 v36, v50;
	v12 =	vld.idx.msk [tilespmem:v12+s3+$0x0], $0xffff  }
0xd5: {  	v57 =	vadd.s32 $0x380, v30;
	v38 =	vadd.s32 v19, v16;
	v2 =	vor.u32 v53, v50;
	v16 =	vld.idx.msk [tilespmem:v20+s3+$0x0], $0xffff  }
0xd6: {  	v6 =	vand.u32 $0x7FFFFE80, v29;
	v25 =	vadd.s32 $0x500, v48;
	v59 =	vor.u32 v57, v41;
	v19 =	vld.idx.msk [tilespmem:v22+s3+$0x0], $0xffff  }
0xd7: {  	v21 =	vadd.s32 $0x580, v48;
	v54 =	vadd.s32 $0x300, v30;
	v20 =	vor.u32 v25, v50;
	v17 =	vld.idx.msk [tilespmem:v23+s3+$0x0], $0xffff  }
0xd8: {  	v42 =	vadd.s32 $0x200, v48;
	v52 =	vor.u32 s13, v18;
	v31 =	vor.u32 v21, v50;
	v18 =	vld.idx.msk [tilespmem:v24+s3+$0x0], $0xffff  }
0xd9: {  	v55 =	vadd.s32 $0x280, v30;
	v60 =	vor.u32 v42, v50;
	v23 =	vadd.s32 $0x280, v48;
	v22 =	vld.idx.msk [tilespmem:v26+s3+$0x0], $0xffff  }
0xda: {  	v61 =	vor.u32 $0x100, v6;
	v9 =	vadd.s32 $0x200, v30;
	v32 =	vld.idx.msk [tilespmem:v2+s3+$0x0], $0xffff;
	v4 =	vor.u32 v23, v50  }
0xdb: {  	v37 =	vor.u32 $0x100, v48;
	vm9 =	vgt.s32 v38, $0x0;
	v63 =	vor.u32 v61, v41;
	v59 =	vld.idx.msk [tilespmem:v59+s3+$0x0], $0xffff  }
0xdc: {  	v28 =	vcvt.s32.f32 v28;
	v3 =	vor.u32 v54, v41;
	v24 =	vadd.s32 $0x380, v48;
	v26 =	vld.idx.msk [tilespmem:v20+s3+$0x0], $0xffff  }
0xdd: {  	v35 =	vand.u32 $0x7F, v35;
	v40 =	vor.u32 v24, v50;
	v20 =	vld.idx.msk [tilespmem:v31+s3+$0x0], $0xffff;
	v31 =	vadd.f32 $5.000000000e-01, v34  }
0xde: {  	v27 =	vsub.f32 v27, v28;
	v56 =	vor.u32 v55, v41;
	v60 =	vld.idx.msk [tilespmem:v60+s3+$0x0], $0xffff;
	v45 =	vor.u32 v45, v35  }
0xdf: {  	v33 =	vld.idx.msk [tilespmem:v4+s3+$0x0], $0xffff;
	v4 =	vadd.s32 $0x80, v48;
	v48 =	vadd.s32 $0x180, v48;
	v7 =	vmul.f32 $3.125000000e-02, v31  }
0xe0: {  	v63 =	vld.idx.msk [tilespmem:v63+s3+$0x0], $0xffff;
	v31 =	vand.u32 $0x7FFFFF00, v29;
	v29 =	vand.u32 $0x7FFFFE00, v29;
	v6 =	vor.u32 v4, v50  }
0xe1: {  	v34 =	vld.idx.msk [tilespmem:v3+s3+$0x0], $0xffff;
	v5 =	vor.u32 v48, v50;
	v3 =	vor.u32 $0x80, v31;
	v62 =	vadd.f32 $-5.000000000e-01, v7  }
0xe2: {  	v2 =	vcvt.s32.f32 v38;
	v31 =	vld.idx.msk [tilespmem:v40+s3+$0x0], $0xffff;
	v29 =	vor.u32 $0x180, v29;
	v7 =	vor.u32 v3, v41  }
0xe3: {  	v61 =	vor.u32 v61, v35;
	v40 =	vld.idx.msk [tilespmem:v56+s3+$0x0], $0xffff;
	v56 =	vor.u32 v29, v41;
	v58 =	vsub.f32 v62, v58  }
0xe4: {  	v43 =	vor.u32 v43, v35;
	v44 =	vor.u32 v44, v35;
	v45 =	vld.idx.msk [tilespmem:v45+s3+$0x0], $0xffff;
	v8 =	vor.u32 v29, v35  }
0xe5: {  	s17 =	simm.s32 $0x2;
	v47 =	vor.u32 v47, v35;
	v54 =	vor.u32 v54, v35;
	v6 =	vld.idx.msk [tilespmem:v6+s3+$0x0], $0xffff;
	v29 =	vsub.f32 $1.000000000e+00, v58  }
0xe6: {  	s1 =	sand.u32 $0x1E, s17;
	v55 =	vor.u32 v55, v35;
	v62 =	vor.u32 v3, v35;
	v3 =	vsub.f32 $1.000000000e+00, v27;
	v5 =	vld.idx.msk [tilespmem:v5+s3+$0x0], $0xffff  }
0xe7: {  	s18 =	sshll.u32 s1, $0x4;
	v57 =	vor.u32 v57, v35;
	v15 =	vsub.f32 v15, v2;
	v7 =	vld.idx.msk [tilespmem:v7+s3+$0x0], $0xffff;
	v28 =	vmul.f32 v27, v29  }
0xe8: {  	v2 =	vor.u32 s18, v0;
	v56 =	vld.idx.msk [tilespmem:v56+s3+$0x0], $0xffff;
	v27 =	vmul.f32 v27, v58;
	v30 =	vmul.f32 v3, v29  }
0xe9: {  	v8 =	vld.idx.msk [tilespmem:v8+s3+$0x0], $0xffff;
	v29 =	vmul.f32 v3, v58;
	v3 =	vor.u32 v9, v41;
	v41 =	vor.u32 v37, v50  }
0xea: {  	v50 =	vld.idx.msk [tilespmem:v52+s3+$0x0], $0xffff;
	v52 =	vand.u32 $0x7F, v52;
	v10 =	vmul.f32 v30, v10;
	v51 =	vmul.f32 v51, v28  }
0xeb: {  	v9 =	vor.u32 v9, v35;
	v62 =	vld.idx.msk [tilespmem:v62+s3+$0x0], $0xffff;
	v6 =	vmul.f32 v6, v29;
	v5 =	vmul.f32 v5, v29  }
0xec: {  	v58 =	vld.idx.msk [tilespmem:v61+s3+$0x0], $0xffff;
	v4 =	vor.u32 v4, v52;
	v33 =	vmul.f32 v33, v29;
	v31 =	vmul.f32 v31, v29  }
0xed: {  	s28 =	simm.s32 $0x1A030;
	v55 =	vld.idx.msk [tilespmem:v55+s3+$0x0], $0xffff;
	v48 =	vor.u32 v48, v52;
	v26 =	vmul.f32 v26, v29;
	v19 =	vmul.f32 v30, v19  }
0xee: {  	v12 =	vmul.f32 v30, v12;
	v7 =	vmul.f32 v30, v7;
	v10 =	vadd.f32 v51, v10;
	v51 =	vld [tilespmem:s28+$0x0]  }
0xef: {  	v37 =	vor.u32 v37, v52;
	v56 =	vmul.f32 v30, v56;
	v8 =	vmul.f32 v8, v28;
	v3 =	vld.idx.msk [tilespmem:v3+s3+$0x0], $0xffff  }
0xf0: {  	v36 =	vor.u32 v36, v52;
	v35 =	vld.idx.msk [tilespmem:v41+s3+$0x0], $0xffff;
	v61 =	vmul.f32 v62, v28;
	v62 =	vmul.f32 v30, v63  }
0xf1: {  	v41 =	vld.idx.msk [tilespmem:v43+s3+$0x0], $0xffff;
	v8 =	vadd.f32 v8, v56;
	v63 =	vmul.f32 v58, v28;
	v56 =	vcvt.s32.f32 v2  }
0xf2: {  	v4 =	vld.idx.msk [tilespmem:v4+s3+$0x0], $0xffff;
	v2 =	vnsel vm9, $0x0, v38;
	v7 =	vadd.f32 v61, v7;
	v61 =	vmul.f32 v46, v29  }
0xf3: {  	v9 =	vld.idx.msk [tilespmem:v9+s3+$0x0], $0xffff;
	v43 =	vadd.f32 v63, v62;
	v5 =	vadd.f32 v5, v8;
	v8 =	vadd.s32 $0x1, v38  }
0xf4: {  	v48 =	vld.idx.msk [tilespmem:v48+s3+$0x0], $0xffff;
	v46 =	vadd.f32 $5.000000000e-01, v56;
	v62 =	vor.u32 v53, v52;
	vm8 =	vgt.s32 v8, $0x0  }
0xf5: {  	v37 =	vld.idx.msk [tilespmem:v37+s3+$0x0], $0xffff;
	v10 =	vadd.f32 v61, v10;
	v6 =	vadd.f32 v6, v7;
	v61 =	vmul.f32 v50, v27  }
0xf6: {  	v53 =	vld [tilespmem:s28+$0xFFFFF000];
	v63 =	vmul.f32 $3.125000000e-02, v46;
	v8 =	vnsel vm8, $0x0, v8;
	v3 =	vmul.f32 v30, v3  }
0xf7: {  	v58 =	vld [tilespmem:s28+$0x1000];
	v4 =	vmul.f32 v4, v27;
	v7 =	vadd.f32 v61, v10;
	v61 =	vor.u32 v25, v52  }
0xf8: {  	v38 =	vmin.u32 v8, $0x7;
	v8 =	vmin.u32 v2, $0x7;
	v10 =	vor.u32 v39, v52;
	v39 =	vld.idx.msk [tilespmem:v44+s3+$0x0], $0xffff  }
0xf9: {  	v2 =	vor.u32 v42, v52;
	v25 =	vmul.f32 v35, v29;
	v46 =	vld.idx.msk [tilespmem:v62+s3+$0x0], $0xffff;
	v62 =	vmul.f32 v48, v27  }
0xfa: {  	v44 =	vadd.f32 $-5.000000000e-01, v63;
	v35 =	vld.idx.msk [tilespmem:v47+s3+$0x0], $0xffff;
	v63 =	vmul.f32 v37, v27;
	v4 =	vadd.f32 v4, v6  }
0xfb: {  	v48 =	vld.idx.msk [tilespmem:v36+s3+$0x0], $0xffff;
	v43 =	vadd.f32 v25, v43;
	v7 =	vmul.f32 v53, v7;
	v5 =	vadd.f32 v62, v5  }
0xfc: {  	v62 =	vor.u32 v24, v52;
	v4 =	vmul.f32 v51, v4;
	v42 =	vld.idx.msk [tilespmem:v61+s3+$0x0], $0xffff;
	v61 =	vor.u32 v23, v52  }
0xfd: {  	s1 =	sadd.s32 $0xFFFFFFFE, s1;
	v52 =	vor.u32 v21, v52;
	v21 =	vadd.f32 v63, v43;
	v43 =	vld.idx.msk [tilespmem:v57+s3+$0x0], $0xffff;
	v5 =	vadd.f32 v7, v5  }
0xfe: {  	s6 =	sshra.s32 s1, $0x1;
	v9 =	vmul.f32 v9, v28;
	v63 =	vld.idx.msk [tilespmem:v54+s3+$0x0], $0xffff;
	v7 =	vmul.f32 v32, v29  }
0xff: {  	s20 =	scvt.s32.f32 s6;
	v32 =	vmul.f32 v30, v34;
	v34 =	vld.idx.msk [tilespmem:v2+s3+$0x0], $0xffff;
	v4 =	vadd.f32 v4, v5;
	v54 =	vmul.f32 v58, v21  }
0x100: {  	v18 =	vmul.f32 v18, v29;
	v37 =	vmul.f32 v30, v40;
	v3 =	vadd.f32 v9, v3;
	v10 =	vld.idx.msk [tilespmem:v10+s3+$0x0], $0xffff  }
0x101: {  	v9 =	vmul.f32 v60, v29;
	v6 =	vmov s20;
	v58 =	vld.idx.msk [tilespmem:v62+s3+$0x0], $0xffff;
	v4 =	vadd.f32 v54, v4  }
0x102: {  	s29 =	simm.s32 $0x1D030;
	p0 =	sgt.s32 s6, $0x0;
	v36 =	vsub.f32 v44, v6;
	v62 =	vmul.f32 v55, v28;
	v57 =	vld.idx.msk [tilespmem:v61+s3+$0x0], $0xffff;
	v61 =	vmul.f32 v30, v59  }
0x103: {  	s6 =	simm.s32 @!p0 $0x0;
	v52 =	vld.idx.msk [tilespmem:v52+s3+$0x0], $0xffff;
	v43 =	vmul.f32 v43, v28;
	v63 =	vmul.f32 v63, v28;
	[tilespmem:s29+$0xFFFFF000] =	vst v4  }
0x104: {  	s6 =	sshll.u32 s6, $0x3;
	v3 =	vadd.f32 v9, v3;
	v53 =	vadd.f32 v62, v37;
	v9 =	vmul.f32 v34, v27;
	v54 =	vld [tilespmem:s28+$0xFFFFF000]  }
0x105: {  	s6 =	sor.u32 s0, s6;
	v20 =	vmul.f32 v20, v29;
	v5 =	vadd.f32 v43, v61;
	v4 =	vadd.f32 v63, v32  }
0x106: {  	v47 =	vor.u32 s6, v38;
	v6 =	vadd.f32 v33, v53;
	v56 =	vld [tilespmem:s28+$0x0];
	v3 =	vadd.f32 v9, v3  }
0x107: {  	s1 =	sshll.u32 s1, $0x2;
	v9 =	vmul.f32 v58, v27;
	v5 =	vadd.f32 v31, v5;
	v55 =	vmul.f32 v57, v27  }
0x108: {  	s0 =	sadd.s32 s0, s1;
	v25 =	vmov s6;
	v58 =	vld [tilespmem:s28+$0x1000];
	v4 =	vadd.f32 v7, v4;
	v57 =	vmul.f32 v46, v27  }
0x109: {  	s0 =	sadd.s32 $0x8, s0;
	v5 =	vadd.f32 v9, v5;
	v6 =	vadd.f32 v55, v6;
	v3 =	vmul.f32 v54, v3  }
0x10a: {  	v50 =	vor.u32 s6, v8;
	v60 =	vmov s0;
	v24 =	vand.u32 $0x7FFFFE00, v25  }
0x10b: {  	v4 =	vadd.f32 v57, v4;
	v3 =	vadd.f32 v3, v5;
	v61 =	vmul.f32 v56, v6  }
0x10c: {  	v8 =	vor.u32 s0, v8;
	v51 =	vor.u32 $0x80, v24;
	v23 =	vand.u32 $0x7F, v47  }
0x10d: {  	v33 =	vmul.f32 v30, v16;
	v4 =	vmul.f32 v58, v4;
	v3 =	vadd.f32 v61, v3  }
0x10e: {  	v21 =	vand.u32 $0x7F, v50;
	v16 =	vmul.f32 v22, v29;
	v22 =	vmul.f32 v41, v28  }
0x10f: {  	v34 =	vmul.f32 v30, v17;
	v17 =	vsub.f32 $1.000000000e+00, v15;
	v3 =	vadd.f32 v4, v3  }
0x110: {  	v30 =	vmul.f32 v39, v28;
	v31 =	vor.u32 $0x180, v24;
	v12 =	vadd.f32 v22, v12  }
0x111: {  	v59 =	vor.u32 v31, v23;
	v63 =	vor.u32 v31, v21;
	v31 =	vmul.f32 v35, v28;
	[tilespmem:s29+$0x0] =	vst v3  }
0x112: {  	v10 =	vmul.f32 v10, v27;
	v39 =	vmul.f32 v45, v28;
	v12 =	vadd.f32 v18, v12;
	v22 =	vld [tilespmem:s28+$0xFFFFF000]  }
0x113: {  	v62 =	vor.u32 v51, v21;
	v5 =	vadd.f32 v30, v33;
	v4 =	vadd.f32 v31, v34  }
0x114: {  	v10 =	vadd.f32 v10, v12;
	v12 =	vmul.f32 v52, v27;
	v3 =	vadd.f32 v39, v19;
	v18 =	vld [tilespmem:s28+$0x0]  }
0x115: {  	v5 =	vadd.f32 v16, v5;
	v16 =	vmul.f32 v48, v27;
	v4 =	vadd.f32 v20, v4  }
0x116: {  	v41 =	vor.u32 s0, v38;
	v3 =	vadd.f32 v26, v3;
	v26 =	vmul.f32 v42, v27;
	v27 =	vld [tilespmem:s28+$0x1000]  }
0x117: {  	v5 =	vadd.f32 v16, v5;
	v4 =	vadd.f32 v12, v4;
	v10 =	vmul.f32 v22, v10  }
0x118: {  	v53 =	vadd.s32 $0x300, v24;
	v28 =	vand.u32 $0xFFFFFF80, v60;
	v9 =	vor.u32 v51, v23  }
0x119: {  	v3 =	vadd.f32 v26, v3;
	v5 =	vmul.f32 v18, v5;
	v4 =	vadd.f32 v10, v4  }
0x11a: {  	v29 =	vadd.s32 $0x80, v28;
	v44 =	vadd.s32 $0x100, v28;
	v55 =	vadd.s32 $0x380, v28;
	v6 =	vld.idx.msk [tilespmem:v62+s3+$0x0], $0xffff  }
0x11b: {  	v32 =	vld.idx.msk [tilespmem:v59+s3+$0x0], $0xffff;
	v12 =	vor.u32 $0x100, v24;
	v3 =	vmul.f32 v27, v3;
	v4 =	vadd.f32 v5, v4  }
0x11c: {  	v30 =	vadd.s32 $0x180, v28;
	v7 =	vld.idx.msk [tilespmem:v63+s3+$0x0], $0xffff;
	v19 =	vand.u32 $0x7F, v8;
	v10 =	vor.u32 v12, v23  }
0x11d: {  	v56 =	vor.u32 v53, v23;
	v9 =	vld.idx.msk [tilespmem:v9+s3+$0x0], $0xffff;
	v40 =	vor.u32 v29, v19;
	v42 =	vadd.f32 v3, v4  }
0x11e: {  	v58 =	vadd.s32 $0x300, v28;
	v20 =	vsub.f32 $1.000000000e+00, v36;
	v26 =	vld.idx.msk [tilespmem:v50+s3+$0x0], $0xffff;
	v27 =	vor.u32 v30, v19  }
0x11f: {  	v63 =	vadd.s32 $0x500, v24;
	v48 =	vadd.s32 $0x200, v28;
	v61 =	vadd.s32 $0x400, v24;
	v22 =	vld.idx.msk [tilespmem:v47+s3+$0x0], $0xffff;
	[tilespmem:$0x1FFD0] =	vst v42  }
0x120: {  	v37 =	vor.u32 v63, v21;
	v45 =	vor.u32 v44, v19;
	v16 =	vmul.f32 v17, v20;
	v43 =	vld.idx.msk [tilespmem:v8+s3+$0x0], $0xffff  }
0x121: {  	v17 =	vmul.f32 v17, v36;
	v31 =	vor.u32 v12, v21;
	v18 =	vmul.f32 v15, v20;
	v10 =	vld.idx.msk [tilespmem:v10+s3+$0x0], $0xffff  }
0x122: {  	v59 =	vor.u32 v55, v19;
	v6 =	vmul.f32 v16, v6;
	v7 =	vmul.f32 v16, v7;
	v5 =	vld.idx.msk [tilespmem:v40+s3+$0x0], $0xffff  }
0x123: {  	v62 =	vor.u32 v58, v19;
	v15 =	vmul.f32 v15, v36;
	v9 =	vmul.f32 v9, v18;
	v27 =	vld.idx.msk [tilespmem:v27+s3+$0x0], $0xffff  }
0x124: {  	v20 =	vmul.f32 v16, v26;
	v26 =	vadd.s32 $0x200, v24;
	v8 =	vand.u32 $0x7F, v41;
	v33 =	vld.idx.msk [tilespmem:v41+s3+$0x0], $0xffff  }
0x125: {  	v47 =	vor.u32 v26, v23;
	v22 =	vmul.f32 v22, v18;
	v34 =	vld.idx.msk [tilespmem:v45+s3+$0x0], $0xffff;
	v29 =	vor.u32 v29, v8  }
0x126: {  	v26 =	vor.u32 v26, v21;
	v6 =	vadd.f32 v9, v6;
	v31 =	vld.idx.msk [tilespmem:v31+s3+$0x0], $0xffff;
	v30 =	vor.u32 v30, v8  }
0x127: {  	v20 =	vadd.f32 v22, v20;
	v22 =	vmul.f32 v32, v18;
	v4 =	vor.u32 v44, v8  }
0x128: {  	v9 =	vadd.s32 $0x280, v25;
	v46 =	vld [tilespmem:s28+$0xFFFFEFF0];
	v3 =	vmul.f32 v43, v17;
	v10 =	vmul.f32 v10, v18  }
0x129: {  	v9 =	vand.u32 $0x7FFFFE80, v9;
	v52 =	vld [tilespmem:s28+$0xFF0];
	v5 =	vmul.f32 v5, v17;
	v27 =	vmul.f32 v27, v17  }
0x12a: {  	v7 =	vadd.f32 v22, v7;
	v51 =	vmul.f32 v33, v15;
	v34 =	vmul.f32 v34, v17;
	v22 =	vld.idx.msk [tilespmem:v29+s3+$0x0], $0xffff  }
0x12b: {  	v29 =	vmul.f32 v16, v31;
	v30 =	vld.idx.msk [tilespmem:v30+s3+$0x0], $0xffff;
	v31 =	vor.u32 v9, v23;
	v9 =	vor.u32 v9, v21  }
0x12c: {  	v4 =	vld.idx.msk [tilespmem:v4+s3+$0x0], $0xffff;
	v3 =	vadd.f32 v3, v20;
	v20 =	vadd.s32 $0x380, v24;
	v5 =	vadd.f32 v5, v6  }
0x12d: {  	v26 =	vld.idx.msk [tilespmem:v26+s3+$0x0], $0xffff;
	v7 =	vadd.f32 v27, v7;
	v27 =	vor.u32 v48, v19;
	v10 =	vadd.f32 v10, v29  }
0x12e: {  	v32 =	vld.idx.msk [tilespmem:v47+s3+$0x0], $0xffff;
	v24 =	vadd.s32 $0x580, v24;
	v50 =	vor.u32 v20, v23;
	v20 =	vor.u32 v20, v21  }
0x12f: {  	v36 =	vld.idx.msk [tilespmem:v59+s3+$0x0], $0xffff;
	v3 =	vadd.f32 v51, v3;
	v51 =	vor.u32 v61, v23;
	v10 =	vadd.f32 v34, v10  }
0x130: {  	v33 =	vld.idx.msk [tilespmem:v62+s3+$0x0], $0xffff;
	v54 =	vmul.f32 v22, v15;
	v22 =	vadd.s32 $0x280, v28;
	v30 =	vmul.f32 v30, v15  }
0x131: {  	v29 =	vld [tilespmem:s28+$0xFFFFFFF0];
	v3 =	vmul.f32 v46, v3;
	v4 =	vmul.f32 v4, v15;
	v57 =	vor.u32 v22, v19  }
0x132: {  	v31 =	vld.idx.msk [tilespmem:v31+s3+$0x0], $0xffff;
	v60 =	vor.u32 v22, v8;
	v22 =	vmul.f32 v16, v26;
	v5 =	vadd.f32 v54, v5  }
0x133: {  	v9 =	vld.idx.msk [tilespmem:v9+s3+$0x0], $0xffff;
	v7 =	vadd.f32 v30, v7;
	v30 =	vor.u32 v48, v8;
	v4 =	vadd.f32 v4, v10  }
0x134: {  	v27 =	vld.idx.msk [tilespmem:v27+s3+$0x0], $0xffff;
	v10 =	vadd.s32 $0x480, v25;
	v25 =	vmul.f32 v32, v18;
	v54 =	vadd.s32 $0x480, v28  }
0x135: {  	v35 =	vld.idx.msk [tilespmem:v50+s3+$0x0], $0xffff;
	v32 =	vor.u32 v61, v21;
	v10 =	vand.u32 $0x7FFFFE80, v10;
	v62 =	vor.u32 v54, v19  }
0x136: {  	v20 =	vld.idx.msk [tilespmem:v20+s3+$0x0], $0xffff;
	v5 =	vmul.f32 v29, v5;
	v29 =	vor.u32 v53, v21;
	v3 =	vadd.f32 v3, v7  }
0x137: {  	v4 =	vmul.f32 v52, v4;
	v7 =	vor.u32 v58, v8;
	v58 =	vor.u32 v54, v8;
	v54 =	vld [tilespmem:$0x1FF10]  }
0x138: {  	v52 =	vadd.s32 $0x400, v28;
	v53 =	vor.u32 v10, v23;
	v3 =	vadd.f32 v5, v3;
	v5 =	vld.idx.msk [tilespmem:v56+s3+$0x0], $0xffff  }
0x139: {  	v50 =	vld.idx.msk [tilespmem:v57+s3+$0x0], $0xffff;
	v56 =	vor.u32 v63, v23;
	v23 =	vor.u32 v24, v23;
	v57 =	vor.u32 v52, v8  }
0x13a: {  	v6 =	vld.idx.msk [tilespmem:v60+s3+$0x0], $0xffff;
	v60 =	vor.u32 v10, v21;
	v21 =	vor.u32 v24, v21;
	v24 =	vor.u32 v52, v19  }
0x13b: {  	v26 =	vld.idx.msk [tilespmem:v30+s3+$0x0], $0xffff;
	v30 =	vor.u32 v55, v8;
	v55 =	vadd.s32 $0x500, v28;
	v28 =	vadd.s32 $0x580, v28  }
0x13c: {  	v48 =	vadd.f32 v4, v3;
	v59 =	vor.u32 v55, v8;
	v8 =	vor.u32 v28, v8;
	v4 =	vld.idx.msk [tilespmem:v51+s3+$0x0], $0xffff  }
0x13d: {  	v63 =	vor.u32 v55, v19;
	v19 =	vor.u32 v28, v19;
	v28 =	vmul.f32 v35, v18;
	v35 =	vld [tilespmem:$0x1FED0]  }
0x13e: {  	v51 =	vld [tilespmem:$0x1FEE0]  }
0x13f: {  	v55 =	vld [tilespmem:$0x1FF20]  }
0x140: {  	v29 =	vld.idx.msk [tilespmem:v29+s3+$0x0], $0xffff  }
0x141: {  	v61 =	vld.idx.msk [tilespmem:v53+s3+$0x0], $0xffff  }
0x142: {  	v7 =	vld.idx.msk [tilespmem:v7+s3+$0x0], $0xffff  }
0x143: {  	v13 =	vadd.f32 v13, v14;
	v10 =	vadd.f32 v25, v22;
	v22 =	vld.idx.msk [tilespmem:v56+s3+$0x0], $0xffff  }
0x144: {  	v9 =	vmul.f32 v16, v9;
	v25 =	vmul.f32 v31, v18;
	v23 =	vld.idx.msk [tilespmem:v23+s3+$0x0], $0xffff  }
0x145: {  	v42 =	vadd.f32 v11, v13;
	v14 =	vmul.f32 v16, v20;
	v31 =	vld.idx.msk [tilespmem:v57+s3+$0x0], $0xffff  }
0x146: {  	v41 =	vmul.f32 v36, v17;
	v20 =	vmul.f32 v27, v17;
	v9 =	vadd.f32 v25, v9;
	v56 =	vld [tilespmem:$0x1FF30]  }
0x147: {  	v14 =	vadd.f32 v28, v14;
	v5 =	vmul.f32 v5, v18;
	v3 =	vmul.f32 v50, v17;
	v30 =	vld.idx.msk [tilespmem:v30+s3+$0x0], $0xffff  }
0x148: {  	v20 =	vadd.f32 v20, v10;
	v6 =	vmul.f32 v6, v15;
	v25 =	vmul.f32 v26, v15;
	v28 =	vld.idx.msk [tilespmem:v59+s3+$0x0], $0xffff  }
0x149: {  	v11 =	vadd.f32 v41, v14;
	v26 =	vmul.f32 v16, v29;
	v29 =	vld.idx.msk [tilespmem:v58+s3+$0x0], $0xffff;
	[tilespmem:$0x1FFB0] =	vst v42  }
0x14a: {  	s13 =	simm.s32 $0x18050;
	v14 =	vmul.f32 v33, v17;
	v27 =	vadd.f32 v49, v35;
	v3 =	vadd.f32 v3, v9;
	v8 =	vld.idx.msk [tilespmem:v8+s3+$0x0], $0xffff  }
0x14b: {  	v20 =	vadd.f32 v25, v20;
	v44 =	vmul.f32 v7, v15;
	v25 =	vld [tilespmem:s13+$0x0];
	v5 =	vadd.f32 v5, v26  }
0x14c: {  	v46 =	vmul.f32 v61, v18;
	v9 =	vld.idx.msk [tilespmem:v32+s3+$0x0], $0xffff;
	v43 =	vadd.f32 v6, v3;
	v2 =	vadd.f32 v51, v27  }
0x14d: {  	v45 =	vld.idx.msk [tilespmem:v37+s3+$0x0], $0xffff;
	v26 =	vmul.f32 v4, v18;
	v23 =	vmul.f32 v23, v18;
	v5 =	vadd.f32 v14, v5  }
0x14e: {  	v3 =	vadd.f32 v55, v54;
	v18 =	vmul.f32 v22, v18;
	v13 =	vmul.f32 v30, v15;
	v30 =	vld.idx.msk [tilespmem:v60+s3+$0x0], $0xffff  }
0x14f: {  	v14 =	vld.idx.msk [tilespmem:v21+s3+$0x0], $0xffff;
	v21 =	vmul.f32 v31, v15;
	[tilespmem:$0x1FEF0] =	vst v2;
	v52 =	vadd.f32 v44, v5  }
0x150: {  	v53 =	vmul.f32 v28, v15;
	v2 =	vadd.f32 v56, v3;
	v22 =	vld.idx.msk [tilespmem:v24+s3+$0x0], $0xffff;
	v25 =	vmax.f32 v25, $0.0e+00  }
0x151: {  	v24 =	vmul.f32 v29, v15;
	v4 =	vmul.f32 v8, v15;
	v15 =	vmin.f32 v25, $1.000000000e+00;
	[tilespmem:$0x1FF70] =	vst v52  }
0x152: {  	v15 =	vmul.f32 $8.000000000e+00, v15;
	v27 =	vld.idx.msk [tilespmem:v62+s3+$0x0], $0xffff;
	[tilespmem:$0x1FF00] =	vst v53  }
0x153: {  	v8 =	vmul.f32 v16, v9;
	v6 =	vmul.f32 v16, v45;
	v9 =	vld [tilespmem:s13+$0xFFFFFFF0];
	[tilespmem:$0x1FF40] =	vst v2  }
0x154: {  	v25 =	vmul.f32 v16, v30;
	v16 =	vmul.f32 v16, v14;
	v31 =	vadd.f32 $-5.000000000e-01, v15;
	v28 =	vld.idx.msk [tilespmem:v63+s3+$0x0], $0xffff  }
0x155: {  	s14 =	simm.s32 $0x5;
	v8 =	vadd.f32 v26, v8;
	v22 =	vmul.f32 v22, v17;
	v19 =	vld.idx.msk [tilespmem:v19+s3+$0x0], $0xffff;
	[tilespmem:s29+$0xFFFFEFF0] =	vst v48  }
0x156: {  	s15 =	sand.u32 $0x1F, s14;
	v3 =	vadd.f32 v18, v6;
	v57 =	vadd.f32 v23, v16;
	v18 =	vld [tilespmem:s28+$0xFFFFEFF0];
	v15 =	vtrunc.f32 v31  }
0x157: {  	s16 =	sadd.s32 $0xFFFFFFFF, s15;
	v8 =	vadd.f32 v22, v8;
	v23 =	vcvt.f32.s32 v15;
	vm10 =	vlt.f32 v31, v15  }
0x158: {  	s17 =	sadd.s32 $0x0, s25;
	s18 =	sshrl.u32 s16, $0x1;
	v7 =	vadd.f32 v46, v25;
	v25 =	vsel vm10, $0xFFFFFFFF, v1  }
0x159: {  	s20 =	smin.u32 s18, $0xE;
	s0 =	smul.u32 $0x600, s17;
	v59 =	vadd.f32 v21, v8;
	v8 =	vadd.s32 v23, v25  }
0x15a: {  	s11 =	sshll.u32 s16, $0x2;
	s13 =	sshll.u32 s20, $0x3;
	v58 =	vmul.f32 v27, v17;
	vm11 =	vgt.s32 v8, $0x0  }
0x15b: {  	s11 =	sor.u32 s0, s11;
	s13 =	sor.u32 s0, s13;
	v6 =	vmul.f32 v19, v17;
	v19 =	vmul.f32 v18, v20;
	v20 =	vnsel vm11, $0x0, v8  }
0x15c: {  	s13 =	sadd.s32 $0x8, s13;
	v23 =	vmov s11;
	v7 =	vadd.f32 v58, v7;
	v20 =	vmin.u32 v20, $0x7  }
0x15d: {  	v49 =	vand.u32 $0x7FFFFF80, v23;
	v21 =	vor.u32 s13, v20;
	v20 =	vor.u32 s11, v20  }
0x15e: {  	v51 =	vadd.s32 $0x400, v49;
	v50 =	vand.u32 $0x7F, v20  }
0x15f: {  	v60 =	vadd.f32 v24, v7;
	v24 =	vor.u32 v51, v50  }
0x160: {  	v9 =	vmax.f32 v9, $0.0e+00  }
0x161: {  	[tilespmem:$0x1FFE0] =	vst v57;
	v9 =	vmin.f32 v9, $1.000000000e+00  }
0x162: {  	v47 =	vadd.f32 v13, v11;
	v22 =	vld [tilespmem:s28+$0xFFFFFFF0];
	[tilespmem:$0x1FF50] =	vst v59;
	v9 =	vmul.f32 $8.000000000e+00, v9  }
0x163: {  	[tilespmem:$0x1FF60] =	vst v60  }
0x164: {  	v30 =	vadd.f32 $-5.000000000e-01, v9;
	v7 =	vadd.f32 v19, v47;
	v47 =	vadd.s32 $0x480, v49;
	v9 =	vld.idx.msk [tilespmem:v24+s3+$0x0], $0xffff  }
0x165: {  	v25 =	vor.u32 v47, v50;
	_ =	sdelay $0x2  }
0x166: {  	v52 =	vld.idx.msk [tilespmem:v21+s3+$0x0], $0xffff  }
0x167: {  	v54 =	vld.idx.msk [tilespmem:v20+s3+$0x0], $0xffff;
	[tilespmem:$0x1FF90] =	vst v9  }
0x168: {  	v26 =	vmov s13;
	v45 =	vadd.s32 $0x580, v49;
	v9 =	vld.idx.msk [tilespmem:v25+s3+$0x0], $0xffff  }
0x169: {  	v32 =	vand.u32 $0x7FFFFE80, v26;
	v26 =	vor.u32 v45, v50  }
0x16a: {  	v39 =	vadd.s32 $0x480, v32;
	v37 =	vadd.s32 $0x500, v32  }
0x16b: {  	v55 =	vadd.s32 $0x300, v32;
	v38 =	vadd.s32 $0x280, v32;
	v40 =	vadd.s32 $0x380, v32  }
0x16c: {  	v5 =	vmul.f32 v28, v17;
	v35 =	vand.u32 $0x7FFFFE80, v23;
	v46 =	vadd.s32 $0x500, v49  }
0x16d: {  	v2 =	vmul.f32 v22, v43;
	v43 =	vadd.s32 $0x400, v32;
	v53 =	vand.u32 $0x7F, v21;
	[tilespmem:$0x1FF80] =	vst v9  }
0x16e: {  	v22 =	vtrunc.f32 v30;
	v27 =	vor.u32 v46, v50;
	v28 =	vor.u32 v43, v53;
	v9 =	vld.idx.msk [tilespmem:v26+s3+$0x0], $0xffff  }
0x16f: {  	v34 =	vcvt.f32.s32 v22;
	vm12 =	vlt.f32 v30, v22;
	v22 =	vadd.s32 $0x1, v8  }
0x170: {  	v56 =	vadd.s32 $0x280, v49;
	v29 =	vor.u32 v39, v53;
	vm13 =	vgt.s32 v22, $0x0  }
0x171: {  	v61 =	vor.u32 v37, v53;
	v63 =	vnsel vm13, $0x0, v22;
	v24 =	vadd.s32 $0x580, v32  }
0x172: {  	v58 =	vor.u32 v56, v50;
	v36 =	vmin.u32 v63, $0x7;
	v62 =	vor.u32 v24, v53  }
0x173: {  	v63 =	vor.u32 $0x100, v35;
	v35 =	vand.u32 $0x7FFFFF00, v23;
	v23 =	vand.u32 $0x7FFFFE00, v23;
	v25 =	vld.idx.msk [tilespmem:v27+s3+$0x0], $0xffff;
	[tilespmem:$0x1FFA0] =	vst v9  }
0x174: {  	v12 =	vadd.s32 $0x80, v32;
	v60 =	vor.u32 s11, v36;
	v23 =	vor.u32 $0x180, v23;
	v22 =	vld.idx.msk [tilespmem:v28+s3+$0x0], $0xffff  }
0x175: {  	s6 =	sshll.u32 s15, $0x4;
	v10 =	vcvt.s32.f32 v8;
	v48 =	vadd.s32 $0x300, v49;
	v13 =	vor.u32 v23, v50;
	v27 =	vld.idx.msk [tilespmem:v29+s3+$0x0], $0xffff  }
0x176: {  	v59 =	vadd.s32 $0x380, v49;
	v36 =	vor.u32 s13, v36;
	v26 =	vor.u32 s6, v0;
	v29 =	vld.idx.msk [tilespmem:v61+s3+$0x0], $0xffff  }
0x177: {  	v10 =	vsub.f32 v31, v10;
	v41 =	vor.u32 v55, v53;
	v28 =	vcvt.s32.f32 v26;
	v26 =	vld.idx.msk [tilespmem:v62+s3+$0x0], $0xffff  }
0x178: {  	v42 =	vor.u32 v48, v50;
	v44 =	vor.u32 v38, v53;
	v8 =	vsel vm12, $0xFFFFFFFF, v1;
	v58 =	vld.idx.msk [tilespmem:v58+s3+$0x0], $0xffff  }
0x179: {  	s1 =	scvt.s32.f32 s18;
	v57 =	vor.u32 v40, v53;
	v1 =	vadd.s32 $0x180, v32;
	v18 =	vadd.s32 v34, v8;
	v20 =	vld.idx.msk [tilespmem:v60+s3+$0x0], $0xffff  }
0x17a: {  	v15 =	vor.u32 v1, v53;
	vm15 =	vgt.s32 v18, $0x0;
	v19 =	vld.idx.msk [tilespmem:v13+s3+$0x0], $0xffff;
	v33 =	vadd.f32 $5.000000000e-01, v28  }
0x17b: {  	v9 =	vmov s1;
	v61 =	vor.u32 v59, v50;
	v21 =	vld.idx.msk [tilespmem:v36+s3+$0x0], $0xffff;
	v13 =	vor.u32 v12, v53  }
0x17c: {  	v60 =	vand.u32 $0x7F, v60;
	v36 =	vand.u32 $0x7F, v36;
	v28 =	vld.idx.msk [tilespmem:v41+s3+$0x0], $0xffff;
	v62 =	vmul.f32 $3.125000000e-02, v33  }
0x17d: {  	v23 =	vor.u32 v23, v60;
	v31 =	vor.u32 v63, v60;
	v33 =	vld.idx.msk [tilespmem:v44+s3+$0x0], $0xffff;
	v44 =	vor.u32 $0x80, v35  }
0x17e: {  	v51 =	vor.u32 v51, v60;
	v41 =	vld.idx.msk [tilespmem:v42+s3+$0x0], $0xffff;
	v34 =	vor.u32 v44, v60;
	v62 =	vadd.f32 $-5.000000000e-01, v62  }
0x17f: {  	v39 =	vor.u32 v39, v36;
	v37 =	vor.u32 v37, v36;
	v35 =	vld.idx.msk [tilespmem:v57+s3+$0x0], $0xffff;
	v57 =	vor.u32 v44, v50  }
0x180: {  	v38 =	vor.u32 v38, v36;
	v40 =	vor.u32 v40, v36;
	v13 =	vld.idx.msk [tilespmem:v13+s3+$0x0], $0xffff;
	v11 =	vsub.f32 v62, v9  }
0x181: {  	v24 =	vor.u32 v24, v36;
	v42 =	vor.u32 v63, v50;
	v61 =	vld.idx.msk [tilespmem:v61+s3+$0x0], $0xffff;
	v9 =	vsub.f32 $1.000000000e+00, v10  }
0x182: {  	v63 =	vor.u32 v1, v36;
	v16 =	vld.idx.msk [tilespmem:v31+s3+$0x0], $0xffff;
	v62 =	vor.u32 $0x100, v32;
	v8 =	vsub.f32 $1.000000000e+00, v11  }
0x183: {  	v14 =	vor.u32 v62, v53;
	v17 =	vld.idx.msk [tilespmem:v34+s3+$0x0], $0xffff;
	v34 =	vmul.f32 v9, v11;
	v31 =	vmul.f32 v10, v11  }
0x184: {  	v44 =	vld.idx.msk [tilespmem:v57+s3+$0x0], $0xffff;
	v57 =	vadd.s32 $0x200, v32;
	v32 =	vmul.f32 v10, v8;
	v8 =	vmul.f32 v9, v8  }
0x185: {  	v23 =	vld.idx.msk [tilespmem:v23+s3+$0x0], $0xffff;
	v11 =	vor.u32 v12, v36;
	v9 =	vcvt.s32.f32 v18;
	v13 =	vmul.f32 v13, v34  }
0x186: {  	v42 =	vld.idx.msk [tilespmem:v42+s3+$0x0], $0xffff;
	v53 =	vor.u32 v57, v53;
	v33 =	vmul.f32 v33, v34;
	v35 =	vmul.f32 v35, v34  }
0x187: {  	v10 =	vld.idx.msk [tilespmem:v15+s3+$0x0], $0xffff;
	v15 =	vadd.s32 $0x200, v49;
	v28 =	vmul.f32 v28, v34;
	v29 =	vmul.f32 v29, v34  }
0x188: {  	v40 =	vld.idx.msk [tilespmem:v40+s3+$0x0], $0xffff;
	v22 =	vmul.f32 v22, v34;
	v49 =	vor.u32 v15, v50;
	v15 =	vor.u32 v15, v60  }
0x189: {  	v1 =	vld.idx.msk [tilespmem:v63+s3+$0x0], $0xffff;
	v54 =	vmul.f32 v8, v54;
	v20 =	vmul.f32 v20, v32;
	v9 =	vsub.f32 v30, v9  }
0x18a: {  	v14 =	vld.idx.msk [tilespmem:v14+s3+$0x0], $0xffff;
	v30 =	vor.u32 v62, v36;
	v19 =	vmul.f32 v8, v19;
	v23 =	vmul.f32 v23, v32  }
0x18b: {  	v42 =	vmul.f32 v8, v42;
	v16 =	vmul.f32 v16, v32;
	v62 =	vor.u32 v56, v60;
	v56 =	vld.idx.msk [tilespmem:v38+s3+$0x0], $0xffff  }
0x18c: {  	v63 =	vor.u32 v59, v60;
	v41 =	vmul.f32 v8, v41;
	v25 =	vmul.f32 v8, v25;
	v11 =	vld.idx.msk [tilespmem:v11+s3+$0x0], $0xffff  }
0x18d: {  	s31 =	simm.s32 $0x1A050;
	v44 =	vmul.f32 v8, v44;
	v12 =	vadd.f32 v20, v54;
	v20 =	vmul.f32 v52, v34;
	v52 =	vld.idx.msk [tilespmem:v53+s3+$0x0], $0xffff  }
0x18e: {  	v17 =	vmul.f32 v17, v32;
	v19 =	vadd.f32 v23, v19;
	v16 =	vadd.f32 v16, v42;
	v23 =	vld [tilespmem:s31+$0xFFFFF000]  }
0x18f: {  	v53 =	vmul.f32 v1, v31;
	v54 =	vor.u32 v48, v60;
	v1 =	vor.u32 v57, v36;
	v42 =	vld.idx.msk [tilespmem:v49+s3+$0x0], $0xffff  }
0x190: {  	v57 =	vmul.f32 v8, v61;
	v17 =	vadd.f32 v17, v44;
	v10 =	vmul.f32 v10, v34;
	v15 =	vld.idx.msk [tilespmem:v15+s3+$0x0], $0xffff  }
0x191: {  	v12 =	vadd.f32 v20, v12;
	v20 =	vor.u32 v47, v60;
	v47 =	vld.idx.msk [tilespmem:v63+s3+$0x0], $0xffff;
	v63 =	vmul.f32 v40, v31  }
0x192: {  	v10 =	vadd.f32 v10, v19;
	v19 =	vmul.f32 v21, v31;
	v21 =	vld.idx.msk [tilespmem:v30+s3+$0x0], $0xffff;
	v30 =	vor.u32 v46, v60  }
0x193: {  	v14 =	vmul.f32 v14, v34;
	v13 =	vadd.f32 v13, v17;
	v17 =	vor.u32 v45, v60;
	v45 =	vld.idx.msk [tilespmem:v62+s3+$0x0], $0xffff  }
0x194: {  	v44 =	vld.idx.msk [tilespmem:v37+s3+$0x0], $0xffff;
	v37 =	vmul.f32 v56, v31;
	v11 =	vmul.f32 v11, v31;
	v12 =	vadd.f32 v19, v12  }
0x195: {  	s1 =	simm.s32 $0x4;
	v14 =	vadd.f32 v14, v16;
	v10 =	vadd.f32 v53, v10;
	v16 =	vor.u32 v55, v36;
	v19 =	vld [tilespmem:s31+$0x0]  }
0x196: {  	s15 =	sand.u32 $0x1E, s1;
	v53 =	vld.idx.msk [tilespmem:v54+s3+$0x0], $0xffff;
	v11 =	vadd.f32 v11, v13;
	v12 =	vmul.f32 v23, v12;
	v54 =	vmul.f32 v8, v42  }
0x197: {  	s16 =	sadd.s32 $0xFFFFFFFE, s15;
	v46 =	vld.idx.msk [tilespmem:v51+s3+$0x0], $0xffff;
	v23 =	vor.u32 v43, v36;
	v15 =	vmul.f32 v15, v32;
	v47 =	vmul.f32 v47, v32  }
0x198: {  	s13 =	sshra.s32 s16, $0x1;
	v55 =	vld [tilespmem:s31+$0x1000];
	v21 =	vmul.f32 v21, v31;
	v45 =	vmul.f32 v45, v32;
	v10 =	vadd.f32 v12, v10  }
0x199: {  	s6 =	sshll.u32 s15, $0x4;
	p0 =	sgt.s32 s13, $0x0;
	v24 =	vld.idx.msk [tilespmem:v24+s3+$0x0], $0xffff;
	v12 =	vadd.s32 $0x1, v18;
	v18 =	vnsel vm15, $0x0, v18;
	v15 =	vadd.f32 v15, v54  }
0x19a: {  	s17 =	scvt.s32.f32 s13;
	s13 =	simm.s32 @!p0 $0x0;
	v60 =	vld [tilespmem:s28+$0xFF0];
	v14 =	vadd.f32 v21, v14;
	v21 =	vor.u32 s6, v0;
	v11 =	vmul.f32 v19, v11  }
0x19b: {  	s18 =	sshll.u32 s13, $0x3;
	v36 =	vld.idx.msk [tilespmem:v39+s3+$0x0], $0xffff;
	vm14 =	vgt.s32 v12, $0x0;
	v18 =	vmin.u32 v18, $0x7;
	v39 =	vmul.f32 v53, v32  }
0x19c: {  	s20 =	sshll.u32 s16, $0x2;
	v13 =	vld.idx.msk [tilespmem:v30+s3+$0x0], $0xffff;
	s6 =	sor.u32 s0, s18;
	v53 =	vmul.f32 v46, v32;
	v21 =	vcvt.s32.f32 v21;
	v12 =	vnsel vm14, $0x0, v12  }
0x19d: {  	v20 =	vld.idx.msk [tilespmem:v20+s3+$0x0], $0xffff;
	s0 =	sadd.s32 s0, s20;
	v43 =	vor.u32 s6, v18;
	v10 =	vadd.f32 v11, v10;
	v14 =	vmul.f32 v55, v14  }
0x19e: {  	v17 =	vld.idx.msk [tilespmem:v17+s3+$0x0], $0xffff;
	s0 =	sadd.s32 $0x8, s0;
	v12 =	vmin.u32 v12, $0x7;
	v55 =	vmul.f32 v8, v58;
	v58 =	vmul.f32 v52, v34  }
0x19f: {  	v59 =	vmov s0;
	v18 =	vor.u32 s0, v18;
	v10 =	vadd.f32 v14, v10;
	v14 =	vld.idx.msk [tilespmem:v1+s3+$0x0], $0xffff  }
0x1a0: {  	v16 =	vld.idx.msk [tilespmem:v16+s3+$0x0], $0xffff;
	v11 =	vor.u32 s6, v12;
	v12 =	vor.u32 s0, v12;
	s0 =	simm.s32 $0x1D050;
	v21 =	vadd.f32 $5.000000000e-01, v21  }
0x1a1: {  	v19 =	vmov s17;
	v23 =	vld.idx.msk [tilespmem:v23+s3+$0x0], $0xffff;
	v39 =	vadd.f32 v39, v41;
	v13 =	vmul.f32 v13, v32;
	[tilespmem:s0+$0xFFFFF000] =	vst v10  }
0x1a2: {  	v42 =	vadd.f32 v45, v55;
	v15 =	vadd.f32 v58, v15;
	v21 =	vmul.f32 $3.125000000e-02, v21;
	v61 =	vld [tilespmem:s31+$0xFFFFF000]  }
0x1a3: {  	v30 =	vmov s6;
	v13 =	vadd.f32 v13, v25;
	v10 =	vadd.f32 v47, v57;
	v62 =	vld [tilespmem:s31+$0x0]  }
0x1a4: {  	v33 =	vadd.f32 v33, v42;
	v40 =	vld [tilespmem:$0x1FF70];
	v21 =	vadd.f32 $-5.000000000e-01, v21;
	v14 =	vmul.f32 v14, v31  }
0x1a5: {  	v17 =	vmul.f32 v17, v32;
	v47 =	vld [tilespmem:s31+$0x1000];
	v13 =	vadd.f32 v29, v13;
	v10 =	vadd.f32 v35, v10  }
0x1a6: {  	v16 =	vmul.f32 v16, v31;
	v49 =	vld [tilespmem:$0x1FF80];
	v33 =	vadd.f32 v37, v33;
	v14 =	vadd.f32 v14, v15  }
0x1a7: {  	v51 =	vld [tilespmem:$0x1FF90];
	v37 =	vand.u32 $0x7FFFFE00, v30;
	v35 =	vand.u32 $0x7F, v11;
	v19 =	vsub.f32 v21, v19  }
0x1a8: {  	v54 =	vld [tilespmem:$0x1FFA0];
	v10 =	vadd.f32 v63, v10;
	v15 =	vadd.f32 v28, v39;
	v14 =	vmul.f32 v61, v14  }
0x1a9: {  	v21 =	vor.u32 $0x180, v37;
	v28 =	vmul.f32 v60, v40;
	v60 =	vadd.s32 $0x200, v37  }
0x1aa: {  	v15 =	vadd.f32 v16, v15;
	v10 =	vadd.f32 v14, v10;
	v14 =	vmul.f32 v62, v33  }
0x1ab: {  	v48 =	vor.u32 v21, v35;
	v50 =	vmul.f32 v8, v49;
	v0 =	vor.u32 v60, v35  }
0x1ac: {  	v52 =	vmul.f32 v8, v51;
	v15 =	vmul.f32 v47, v15;
	v10 =	vadd.f32 v14, v10  }
0x1ad: {  	v8 =	vmul.f32 v8, v54;
	v16 =	vor.u32 $0x80, v37;
	v33 =	vand.u32 $0x7F, v43  }
0x1ae: {  	v29 =	vld.idx.msk [tilespmem:v43+s3+$0x0], $0xffff;
	v10 =	vadd.f32 v15, v10;
	v15 =	vor.u32 v21, v33;
	v21 =	vadd.f32 v53, v52  }
0x1af: {  	v20 =	vmul.f32 v20, v32;
	v11 =	vld.idx.msk [tilespmem:v11+s3+$0x0], $0xffff;
	v8 =	vadd.f32 v17, v8;
	v14 =	vor.u32 v16, v35  }
0x1b0: {  	[tilespmem:s0+$0x0] =	vst v10;
	v17 =	vadd.f32 v22, v21;
	v22 =	vmul.f32 v36, v31;
	v36 =	vld.idx.msk [tilespmem:v0+s3+$0x0], $0xffff  }
0x1b1: {  	v10 =	vadd.f32 v20, v50;
	v20 =	vmul.f32 v26, v34;
	v26 =	vld [tilespmem:s31+$0xFFFFF000]  }
0x1b2: {  	v27 =	vmul.f32 v27, v34;
	v21 =	vmul.f32 v23, v31;
	v23 =	vld [tilespmem:s31+$0x0]  }
0x1b3: {  	v56 =	vsub.f32 $1.000000000e+00, v9;
	v55 =	vld [tilespmem:$0x1FFB0]  }
0x1b4: {  	v38 =	vand.u32 $0x7F, v12;
	v54 =	vadd.s32 $0x500, v37;
	v25 =	vld [tilespmem:s31+$0x1000];
	v10 =	vadd.f32 v27, v10  }
0x1b5: {  	v16 =	vor.u32 v16, v33;
	v14 =	vld.idx.msk [tilespmem:v14+s3+$0x0], $0xffff;
	v8 =	vadd.f32 v20, v8;
	v20 =	vmul.f32 v24, v31  }
0x1b6: {  	v17 =	vadd.f32 v21, v17;
	v21 =	vmul.f32 v44, v31;
	v31 =	vld.idx.msk [tilespmem:v48+s3+$0x0], $0xffff;
	v10 =	vadd.f32 v22, v10  }
0x1b7: {  	v27 =	vand.u32 $0x7F, v18;
	v18 =	vld.idx.msk [tilespmem:v18+s3+$0x0], $0xffff;
	v8 =	vadd.f32 v20, v8;
	v20 =	vsub.f32 $1.000000000e+00, v19  }
0x1b8: {  	v15 =	vld.idx.msk [tilespmem:v15+s3+$0x0], $0xffff;
	v22 =	vor.u32 $0x100, v37;
	v13 =	vadd.f32 v21, v13;
	[tilespmem:s26+$0xFFFFFFF0] =	vst v55;
	v17 =	vmul.f32 v26, v17  }
0x1b9: {  	v26 =	vand.u32 $0xFFFFFF80, v59;
	v10 =	vmul.f32 v23, v10;
	v21 =	vmul.f32 v56, v20;
	v24 =	vld [tilespmem:s30+$0xFFFFEFF0]  }
0x1ba: {  	v57 =	vadd.s32 $0x180, v26;
	v52 =	vld [tilespmem:s30+$0xFFFFFFF0];
	v8 =	vadd.f32 v17, v8;
	v17 =	vor.u32 v22, v35  }
0x1bb: {  	v23 =	vadd.s32 $0x80, v26;
	v59 =	vadd.s32 $0x100, v26;
	v53 =	vld [tilespmem:s30+$0xFF0];
	v58 =	vor.u32 v57, v27  }
0x1bc: {  	v0 =	vld [tilespmem:$0x1FFC0];
	v61 =	vor.u32 v59, v27;
	v62 =	vor.u32 v23, v38;
	v34 =	vor.u32 v57, v38  }
0x1bd: {  	v8 =	vadd.f32 v10, v8;
	v10 =	vmul.f32 v25, v13;
	v13 =	vld.idx.msk [tilespmem:v16+s3+$0x0], $0xffff;
	v16 =	vor.u32 v22, v33  }
0x1be: {  	v22 =	vor.u32 v23, v27;
	v25 =	vmul.f32 v9, v20;
	v23 =	vmul.f32 v9, v19;
	v9 =	vld.idx.msk [tilespmem:v12+s3+$0x0], $0xffff  }
0x1bf: {  	v44 =	vor.u32 v54, v33;
	v48 =	vadd.s32 $0x200, v26;
	v45 =	vadd.s32 $0x380, v26;
	v17 =	vld.idx.msk [tilespmem:v17+s3+$0x0], $0xffff  }
0x1c0: {  	v55 =	vadd.s32 $0x400, v26;
	v29 =	vmul.f32 v21, v29;
	v15 =	vmul.f32 v21, v15;
	v63 =	vld.idx.msk [tilespmem:v58+s3+$0x0], $0xffff  }
0x1c1: {  	v50 =	vor.u32 v48, v27;
	v57 =	vadd.s32 $0x280, v26;
	v12 =	vor.u32 v60, v33;
	v34 =	vld.idx.msk [tilespmem:v34+s3+$0x0], $0xffff  }
0x1c2: {  	v20 =	vmul.f32 v56, v19;
	v56 =	vadd.s32 $0x300, v37;
	v60 =	vor.u32 v57, v27;
	[tilespmem:s26+$0x1000] =	vst v0;
	v40 =	vld.idx.msk [tilespmem:v61+s3+$0x0], $0xffff  }
0x1c3: {  	v8 =	vadd.f32 v10, v8;
	v11 =	vmul.f32 v11, v25;
	v14 =	vmul.f32 v14, v25;
	v0 =	vld [tilespmem:$0x1FFD0]  }
0x1c4: {  	v18 =	vmul.f32 v18, v20;
	v58 =	vor.u32 v48, v38;
	v61 =	vor.u32 v45, v27;
	v16 =	vld.idx.msk [tilespmem:v16+s3+$0x0], $0xffff  }
0x1c5: {  	v11 =	vadd.f32 v11, v29;
	v29 =	vmul.f32 v31, v25;
	v22 =	vld.idx.msk [tilespmem:v22+s3+$0x0], $0xffff;
	v13 =	vmul.f32 v21, v13  }
0x1c6: {  	v19 =	vadd.s32 $0x280, v30;
	v31 =	vor.u32 v59, v38;
	v59 =	vor.u32 v56, v33;
	[tilespmem:s0+$0x1000] =	vst v8;
	v12 =	vld.idx.msk [tilespmem:v12+s3+$0x0], $0xffff  }
0x1c7: {  	v9 =	vmul.f32 v9, v23;
	v8 =	vld.idx.msk [tilespmem:v60+s3+$0x0], $0xffff;
	v18 =	vadd.f32 v18, v11;
	v13 =	vadd.f32 v14, v13  }
0x1c8: {  	v14 =	vadd.f32 v29, v15;
	v29 =	vld.idx.msk [tilespmem:v62+s3+$0x0], $0xffff;
	v62 =	vor.u32 v57, v38;
	v17 =	vmul.f32 v17, v25  }
0x1c9: {  	v15 =	vld [tilespmem:s31+$0xFFFFEFF0];
	v9 =	vadd.f32 v9, v18;
	v34 =	vmul.f32 v34, v23;
	v40 =	vmul.f32 v40, v20  }
0x1ca: {  	v42 =	vld.idx.msk [tilespmem:v61+s3+$0x0], $0xffff;
	v61 =	vor.u32 v54, v35;
	v11 =	vmul.f32 v21, v16;
	v16 =	vand.u32 $0x7FFFFE80, v19  }
0x1cb: {  	[tilespmem:s29+$0x1000] =	vst v0;
	v31 =	vld.idx.msk [tilespmem:v31+s3+$0x0], $0xffff;
	v19 =	vadd.s32 $0x380, v37;
	v22 =	vmul.f32 v22, v20;
	v1 =	vor.u32 v16, v35  }
0x1cc: {  	v0 =	vld [tilespmem:$0x1FFE0];
	v12 =	vmul.f32 v21, v12;
	v49 =	vor.u32 v19, v35;
	v19 =	vor.u32 v19, v33  }
0x1cd: {  	v17 =	vadd.f32 v17, v11;
	v11 =	vmul.f32 v63, v20;
	v13 =	vadd.f32 v22, v13;
	v22 =	vld [tilespmem:s31+$0xFFFFFFF0]  }
0x1ce: {  	v8 =	vmul.f32 v8, v20;
	v16 =	vor.u32 v16, v33;
	v18 =	vmul.f32 v29, v23;
	v29 =	vld [tilespmem:s31+$0xFF0]  }
0x1cf: {  	v9 =	vmul.f32 v15, v9;
	v15 =	vor.u32 v56, v35;
	v32 =	vld.idx.msk [tilespmem:v62+s3+$0x0], $0xffff;
	v14 =	vadd.f32 v11, v14  }
0x1d0: {  	v13 =	vadd.f32 v18, v13;
	v18 =	vmul.f32 v31, v23;
	v17 =	vadd.f32 v40, v17;
	v31 =	vld.idx.msk [tilespmem:v1+s3+$0x0], $0xffff  }
0x1d1: {  	v63 =	vor.u32 v45, v38;
	v56 =	vadd.s32 $0x480, v26;
	v62 =	vor.u32 v55, v38;
	v39 =	vld.idx.msk [tilespmem:v49+s3+$0x0], $0xffff  }
0x1d2: {  	v14 =	vadd.f32 v34, v14;
	v17 =	vadd.f32 v18, v17;
	v18 =	vld.idx.msk [tilespmem:v19+s3+$0x0], $0xffff;
	v19 =	vadd.s32 $0x480, v30  }
0x1d3: {  	v55 =	vor.u32 v55, v27;
	v30 =	vmul.f32 v36, v25;
	v34 =	vld.idx.msk [tilespmem:v58+s3+$0x0], $0xffff;
	v19 =	vand.u32 $0x7FFFFE80, v19  }
0x1d4: {  	v13 =	vmul.f32 v22, v13;
	v15 =	vld.idx.msk [tilespmem:v15+s3+$0x0], $0xffff;
	v9 =	vadd.f32 v9, v14;
	v60 =	vor.u32 v19, v35  }
0x1d5: {  	v14 =	vld.idx.msk [tilespmem:v16+s3+$0x0], $0xffff;
	v16 =	vadd.s32 $0x300, v26;
	v17 =	vmul.f32 v29, v17;
	v51 =	vor.u32 v19, v33  }
0x1d6: {  	v43 =	vld.idx.msk [tilespmem:v63+s3+$0x0], $0xffff;
	v29 =	vadd.s32 $0x400, v37;
	v36 =	vor.u32 v16, v27;
	v9 =	vadd.f32 v13, v9  }
0x1d7: {  	v40 =	vor.u32 v56, v27;
	v58 =	vadd.s32 $0x500, v26;
	v57 =	vor.u32 v29, v35;
	v13 =	vld.idx.msk [tilespmem:v50+s3+$0x0], $0xffff  }
0x1d8: {  	v19 =	vor.u32 v56, v38;
	v12 =	vadd.f32 v30, v12;
	v22 =	vadd.f32 v17, v9;
	v9 =	vld.idx.msk [tilespmem:v59+s3+$0x0], $0xffff  }
0x1d9: {  	v30 =	vor.u32 v58, v38;
	v16 =	vor.u32 v16, v38;
	v50 =	vor.u32 v29, v33;
	v56 =	vld.idx.msk [tilespmem:v60+s3+$0x0], $0xffff  }
0x1da: {  	v31 =	vmul.f32 v31, v25;
	v18 =	vmul.f32 v21, v18;
	v17 =	vadd.s32 $0x580, v37;
	v37 =	vld.idx.msk [tilespmem:v51+s3+$0x0], $0xffff  }
0x1db: {  	v59 =	vadd.s32 $0x580, v26;
	v35 =	vor.u32 v17, v35;
	v17 =	vor.u32 v17, v33;
	v33 =	vld.idx.msk [tilespmem:v36+s3+$0x0], $0xffff  }
0x1dc: {  	v26 =	vor.u32 v58, v27;
	v58 =	vadd.f32 v2, v7;
	v15 =	vmul.f32 v15, v25;
	v54 =	vld.idx.msk [tilespmem:v57+s3+$0x0], $0xffff  }
0x1dd: {  	v63 =	vor.u32 v59, v38;
	v29 =	vor.u32 v59, v27;
	v27 =	vmul.f32 v39, v25;
	v57 =	vld.idx.msk [tilespmem:v61+s3+$0x0], $0xffff  }
0x1de: {  	v14 =	vmul.f32 v21, v14;
	v61 =	vld.idx.msk [tilespmem:v19+s3+$0x0], $0xffff;
	v13 =	vmul.f32 v13, v20  }
0x1df: {  	v28 =	vadd.f32 v28, v58;
	v19 =	vmul.f32 v43, v23;
	v18 =	vadd.f32 v27, v18;
	v27 =	vld.idx.msk [tilespmem:v16+s3+$0x0], $0xffff  }
0x1e0: {  	v14 =	vadd.f32 v31, v14;
	v16 =	vmul.f32 v34, v23;
	v12 =	vadd.f32 v13, v12;
	v13 =	vld.idx.msk [tilespmem:v62+s3+$0x0], $0xffff  }
0x1e1: {  	v31 =	vmul.f32 v42, v20;
	v9 =	vmul.f32 v21, v9;
	v60 =	vld.idx.msk [tilespmem:v35+s3+$0x0], $0xffff  }
0x1e2: {  	[tilespmem:s29+$0xFFFFFFF0] =	vst v28;
	v8 =	vadd.f32 v8, v14;
	v14 =	vmul.f32 v32, v23;
	v62 =	vld.idx.msk [tilespmem:v63+s3+$0x0], $0xffff  }
0x1e3: {  	v34 =	vmul.f32 v56, v25;
	v63 =	vld [tilespmem:$0x1FFF0];
	v9 =	vadd.f32 v15, v9;
	v16 =	vadd.f32 v16, v12  }
0x1e4: {  	v15 =	vld.idx.msk [tilespmem:v30+s3+$0x0], $0xffff;
	v12 =	vadd.f32 v31, v18;
	v18 =	vadd.f32 v14, v8;
	v8 =	vmul.f32 v33, v20  }
0x1e5: {  	v59 =	vadd.f32 v6, v0;
	v39 =	vld.idx.msk [tilespmem:v55+s3+$0x0], $0xffff;
	v33 =	vmul.f32 v54, v25;
	v32 =	vmul.f32 v57, v25  }
0x1e6: {  	v36 =	vld.idx.msk [tilespmem:v50+s3+$0x0], $0xffff;
	v19 =	vadd.f32 v19, v12;
	v12 =	vmul.f32 v27, v23;
	v8 =	vadd.f32 v8, v9  }
0x1e7: {  	v28 =	vadd.f32 v4, v59;
	v38 =	vld.idx.msk [tilespmem:v17+s3+$0x0], $0xffff;
	v17 =	vmul.f32 v13, v23;
	v30 =	vmul.f32 v60, v25  }
0x1e8: {  	v35 =	vld.idx.msk [tilespmem:v44+s3+$0x0], $0xffff;
	v9 =	vmul.f32 v24, v63;
	v27 =	vadd.f32 v12, v8;
	v25 =	vmul.f32 v61, v23  }
0x1e9: {  	s30 =	simm.s32 $0x18070;
	v14 =	vld.idx.msk [tilespmem:v40+s3+$0x0], $0xffff;
	v12 =	vadd.f32 v5, v3;
	v31 =	vmul.f32 v15, v23;
	v15 =	vmul.f32 v62, v23  }
.LBB2_3:
0x1ea: {  	v0 =	vld [tilespmem:$0x1FEF0]  }
0x1eb: {  	v45 =	vld [tilespmem:$0x1FEC0]  }
0x1ec: {  	v6 =	vld [tilespmem:s30+$0xFFFFFFF0]  }
0x1ed: {  	v47 =	vld [tilespmem:$0x1FF40]  }
0x1ee: {  	v48 =	vld [tilespmem:$0x1FF00]  }
0x1ef: {  	v24 =	vld.idx.msk [tilespmem:v26+s3+$0x0], $0xffff;
	_ =	sdelay $0x1  }
0x1f0: {  	v63 =	vimm.s32 $0x0;
	[tilespmem:$0x1FE40] =	vst v15;
	v15 =	vmul.f32 v21, v36;
	v23 =	vmul.f32 v21, v37  }
0x1f1: {  	v13 =	vld [tilespmem:s30+$0x0];
	s6 =	sadd.s32 $0x3, s1;
	s1 =	sadd.s32 $0x2, s1;
	v5 =	vmul.f32 v21, v35;
	v4 =	vadd.f32 v9, v0;
	v10 =	vmul.f32 v52, v45  }
0x1f2: {  	v46 =	vld [tilespmem:$0x1FF50];
	s11 =	sand.u32 $0x1E, s1;
	v11 =	vmul.f32 v53, v47;
	v3 =	vadd.f32 v48, v12;
	v7 =	vadd.f32 v33, v15  }
0x1f3: {  	v49 =	vld [tilespmem:$0x1FF60];
	s17 =	sshrl.u32 s1, $0x5;
	s15 =	sshll.u32 s11, $0x4;
	s11 =	sadd.s32 $0xFFFFFFFE, s11;
	v15 =	vmul.f32 v21, v38;
	v6 =	vmax.f32 v6, $0.0e+00;
	v54 =	vmul.f32 v24, v20  }
0x1f4: {  	s13 =	sand.u32 $0x1F, s6;
	s6 =	sadd.s32 s25, s17;
	s16 =	sshra.s32 s11, $0x1;
	v0 =	vlaneseq.u32;
	v21 =	vadd.f32 v34, v23;
	v23 =	vld.idx.msk [tilespmem:v29+s3+$0x0], $0xffff;
	[tilespmem:s0+$0xFFFFEFF0] =	vst v22;
	v10 =	vadd.f32 v10, v4  }
0x1f5: {  	s6 =	smul.u32 $0x600, s6;
	p0 =	sgt.s32 s16, $0x0;
	v50 =	vadd.f32 v32, v5;
	v22 =	vmul.f32 v39, v20;
	v6 =	vmin.f32 v6, $1.000000000e+00;
	v26 =	vld [tilespmem:s31+$0xFFFFEFF0]  }
0x1f6: {  	v2 =	vmovc v28;
	s17 =	sshll.u32 s11, $0x2;
	s11 =	scvt.s32.f32 s16;
	s16 =	simm.s32 @!p0 $0x0;
	v28 =	vld [tilespmem:s31+$0xFFFFFFF0];
	v29 =	vmul.f32 $8.000000000e+00, v6;
	v10 =	vadd.f32 v11, v10;
	v11 =	vmax.f32 v13, $0.0e+00  }
0x1f7: {  	s20 =	sadd.s32 $0xFFFFFFFF, s13;
	s16 =	sshll.u32 s16, $0x3;
	v7 =	vadd.f32 v22, v7;
	v22 =	vld [tilespmem:s31+$0xFF0];
	v13 =	vmul.f32 v14, v20;
	v11 =	vmin.f32 v11, $1.000000000e+00  }
0x1f8: {  	s14 =	sshrl.u32 s20, $0x1;
	v1 =	vmovc v46;
	v52 =	vadd.f32 v30, v15;
	s16 =	sor.u32 s6, s16;
	v35 =	vadd.f32 $-5.000000000e-01, v29;
	v11 =	vmul.f32 $8.000000000e+00, v11  }
0x1f9: {  	s20 =	sshll.u32 s20, $0x2;
	s18 =	smin.u32 s14, $0xE;
	v33 =	vmov s16;
	v55 =	vadd.f32 v17, v7;
	v21 =	vadd.f32 v13, v21  }
0x1fa: {  	v57 =	vmul.f32 v23, v20;
	v23 =	vor.u32 s15, v0;
	s15 =	sshll.u32 s18, $0x3;
	s18 =	sor.u32 s6, s20;
	v24 =	vadd.f32 $-5.000000000e-01, v11  }
0x1fb: {  	[tilespmem:$0x1FE50] =	vst v1;
	v1 =	vmovc v49;
	v16 =	vmul.f32 v26, v16;
	v60 =	vmul.f32 v28, v18;
	v49 =	vmov s18  }
0x1fc: {  	v59 =	vadd.f32 v25, v21;
	v62 =	vmul.f32 v22, v27;
	v20 =	vtrunc.f32 v24  }
0x1fd: {  	v21 =	vtrunc.f32 v35;
	v22 =	vcvt.f32.s32 v20;
	vm0 =	vlt.f32 v24, v20  }
0x1fe: {  	vm1 =	vlt.f32 v35, v21;
	v20 =	vcvt.f32.s32 v21;
	v21 =	vsel vm0, $0xFFFFFFFF, v63  }
0x1ff: {  	v18 =	vmov s11;
	v39 =	vand.u32 $0x7FFFFF80, v49;
	v37 =	vadd.s32 v22, v21  }
0x200: {  	[tilespmem:s26+$0xFF0] =	vst v10;
	v25 =	vsel vm1, $0xFFFFFFFF, v63;
	v21 =	vcvt.s32.f32 v23;
	vm12 =	vgt.s32 v37, $0x0  }
0x201: {  	v53 =	vld [tilespmem:s28+$0xFFFFEFF0];
	s15 =	sor.u32 s6, s15;
	v20 =	vadd.s32 v20, v25;
	v25 =	vadd.s32 $0x1, v37;
	v23 =	vnsel vm12, $0x0, v37  }
0x202: {  	s15 =	sadd.s32 $0x8, s15;
	v61 =	vadd.f32 v16, v19;
	vm13 =	vgt.s32 v25, $0x0;
	v23 =	vmin.u32 v23, $0x7  }
0x203: {  	v56 =	vld [tilespmem:s28+$0xFFFFFFF0];
	[tilespmem:$0x1FDF0] =	vst v60;
	v60 =	vadd.s32 $0x400, v39;
	v25 =	vnsel vm13, $0x0, v25;
	v27 =	vor.u32 s15, v23  }
0x204: {  	[tilespmem:$0x1FE10] =	vst v52;
	v58 =	vld [tilespmem:s28+$0xFF0];
	s28 =	smov.u32 s31;
	s31 =	sadd.s32 $0x20, s31;
	v42 =	vadd.s32 $0x480, v39;
	v25 =	vmin.u32 v25, $0x7;
	v28 =	vor.u32 s18, v23  }
0x205: {  	[tilespmem:$0x1FE20] =	vst v57;
	v26 =	vld [tilespmem:s31+$0xFFFFF000];
	v43 =	vadd.s32 $0x500, v39;
	v21 =	vadd.f32 $5.000000000e-01, v21;
	v41 =	vor.u32 s15, v25  }
0x206: {  	v51 =	vmovc v31;
	v31 =	vmov s15;
	[tilespmem:$0x1FE60] =	vst v53;
	v23 =	vld [tilespmem:s31+$0x1000];
	v52 =	vand.u32 $0x7F, v28;
	v53 =	vor.u32 s18, v25  }
0x207: {  	v16 =	vadd.s32 $0x300, v39;
	[tilespmem:$0x1FF60] =	vst v59;
	v29 =	vmul.f32 $3.125000000e-02, v21;
	v25 =	vld [tilespmem:s31+$0x0];
	v21 =	vor.u32 v60, v52  }
0x208: {  	v57 =	vand.u32 $0x7FFFFE80, v31;
	[tilespmem:$0x1FE00] =	vst v61;
	v61 =	vadd.s32 $0x580, v39;
	v30 =	vor.u32 v42, v52;
	v48 =	vld.idx.msk [tilespmem:v27+s3+$0x0], $0xffff  }
0x209: {  	[tilespmem:$0x1FE30] =	vst v62;
	v59 =	vadd.s32 $0x400, v57;
	v62 =	vand.u32 $0x7F, v27;
	v31 =	vor.u32 v61, v52;
	v45 =	vld.idx.msk [tilespmem:v28+s3+$0x0], $0xffff  }
0x20a: {  	[tilespmem:$0x1FF00] =	vst v51;
	v13 =	vadd.s32 $0x280, v39;
	v63 =	vadd.s32 $0x500, v57;
	v4 =	vor.u32 v59, v62;
	v51 =	vld.idx.msk [tilespmem:v41+s3+$0x0], $0xffff  }
0x20b: {  	[tilespmem:$0x1FF50] =	vst v55;
	v15 =	vadd.s32 $0x300, v57;
	vm15 =	vgt.s32 v20, $0x0;
	v44 =	vor.u32 v63, v62;
	v55 =	vld.idx.msk [tilespmem:v53+s3+$0x0], $0xffff  }
0x20c: {  	v40 =	vadd.s32 $0x380, v57;
	v5 =	vnsel vm15, $0x0, v20;
	v47 =	vor.u32 v15, v62;
	v6 =	vld.idx.msk [tilespmem:v21+s3+$0x0], $0xffff  }
0x20d: {  	[tilespmem:$0x1FE70] =	vst v50;
	v12 =	vadd.s32 $0x380, v39;
	v32 =	vmin.u32 v5, $0x7;
	v5 =	vor.u32 v40, v62;
	v50 =	vld.idx.msk [tilespmem:v30+s3+$0x0], $0xffff  }
0x20e: {  	[tilespmem:$0x1FE80] =	vst v54;
	v38 =	vadd.s32 $0x580, v57;
	v39 =	vadd.s32 $0x200, v39;
	v8 =	vor.u32 v12, v52;
	v54 =	vld.idx.msk [tilespmem:v31+s3+$0x0], $0xffff  }
0x20f: {  	v14 =	vadd.s32 $0x280, v57;
	[tilespmem:$0x1FDA0] =	vst v56;
	v22 =	vadd.s32 $0x1, v20;
	v9 =	vor.u32 v39, v52;
	v56 =	vld.idx.msk [tilespmem:v4+s3+$0x0], $0xffff  }
0x210: {  	[tilespmem:$0x1FD90] =	vst v58;
	v58 =	vadd.s32 $0x480, v57;
	vm14 =	vgt.s32 v22, $0x0;
	v46 =	vor.u32 v38, v62;
	v34 =	vld.idx.msk [tilespmem:v44+s3+$0x0], $0xffff  }
0x211: {  	s13 =	sshll.u32 s13, $0x4;
	v22 =	vnsel vm14, $0x0, v22;
	v7 =	vor.u32 v58, v62;
	v28 =	vor.u32 v43, v52;
	v44 =	vld.idx.msk [tilespmem:v47+s3+$0x0], $0xffff  }
0x212: {  	v53 =	vand.u32 $0x7F, v53;
	v30 =	vmin.u32 v22, $0x7;
	v31 =	vor.u32 s13, v0;
	v27 =	vld.idx.msk [tilespmem:v5+s3+$0x0], $0xffff  }
0x213: {  	[tilespmem:$0x1FEF0] =	vst v2;
	v0 =	vand.u32 $0x7FFFFE80, v49;
	v4 =	vadd.s32 $0x80, v57;
	v22 =	vld.idx.msk [tilespmem:v8+s3+$0x0], $0xffff;
	v60 =	vor.u32 v60, v53  }
0x214: {  	[tilespmem:$0x1FF40] =	vst v3;
	v17 =	vcvt.s32.f32 v20;
	v20 =	vld.idx.msk [tilespmem:v9+s3+$0x0], $0xffff;
	v2 =	vor.u32 $0x100, v0;
	v5 =	vor.u32 v4, v62  }
0x215: {  	[tilespmem:$0x1FEC0] =	vst v1;
	v37 =	vcvt.s32.f32 v37;
	v3 =	vcvt.s32.f32 v31;
	v31 =	vld.idx.msk [tilespmem:v46+s3+$0x0], $0xffff;
	v1 =	vor.u32 v2, v52  }
0x216: {  	v19 =	vsub.f32 v35, v17;
	v36 =	vadd.f32 $-5.000000000e-01, v29;
	v29 =	vld.idx.msk [tilespmem:v28+s3+$0x0], $0xffff;
	[tilespmem:$0x1FDB0] =	vst v50;
	v50 =	vor.u32 v16, v52  }
0x217: {  	v10 =	vor.u32 $0x100, v57;
	v24 =	vsub.f32 v24, v37;
	v28 =	vld.idx.msk [tilespmem:v7+s3+$0x0], $0xffff;
	[tilespmem:$0x1FDD0] =	vst v54;
	v54 =	vor.u32 v14, v62  }
0x218: {  	v0 =	vand.u32 $0x7FFFFF00, v49;
	v2 =	vor.u32 v2, v53;
	[tilespmem:$0x1FDC0] =	vst v6;
	v6 =	vadd.f32 $5.000000000e-01, v3;
	v60 =	vld.idx.msk [tilespmem:v60+s3+$0x0], $0xffff  }
0x219: {  	v17 =	vor.u32 s16, v32;
	s18 =	scvt.s32.f32 s14;
	v0 =	vor.u32 $0x80, v0;
	v7 =	vor.u32 v13, v52;
	v8 =	vld.idx.msk [tilespmem:v5+s3+$0x0], $0xffff  }
0x21a: {  	[tilespmem:$0x1FDE0] =	vst v56;
	v56 =	vadd.s32 $0x200, v57;
	v3 =	vor.u32 v0, v53;
	v6 =	vmul.f32 $3.125000000e-02, v6;
	v9 =	vld.idx.msk [tilespmem:v1+s3+$0x0], $0xffff  }
0x21b: {  	v11 =	vmov s18;
	v42 =	vor.u32 v42, v53;
	v47 =	vld.idx.msk [tilespmem:v50+s3+$0x0], $0xffff;
	v50 =	vor.u32 v56, v62  }
0x21c: {  	v57 =	vadd.s32 $0x180, v57;
	v6 =	vadd.f32 $-5.000000000e-01, v6;
	v46 =	vld.idx.msk [tilespmem:v54+s3+$0x0], $0xffff;
	v54 =	vor.u32 v10, v62  }
0x21d: {  	v61 =	vor.u32 v61, v53;
	v49 =	vand.u32 $0x7FFFFE00, v49;
	v2 =	vld.idx.msk [tilespmem:v2+s3+$0x0], $0xffff;
	v62 =	vor.u32 v57, v62  }
0x21e: {  	v49 =	vor.u32 $0x180, v49;
	v21 =	vld.idx.msk [tilespmem:v7+s3+$0x0], $0xffff;
	v11 =	vsub.f32 v6, v11;
	v6 =	vor.u32 v0, v52  }
0x21f: {  	v12 =	vor.u32 v12, v53;
	v39 =	vor.u32 v39, v53;
	v3 =	vld.idx.msk [tilespmem:v3+s3+$0x0], $0xffff;
	v52 =	vor.u32 v49, v52  }
0x220: {  	v49 =	vor.u32 v49, v53;
	v0 =	vand.u32 $0x7F, v41;
	v1 =	vsub.f32 $1.000000000e+00, v11;
	v50 =	vld.idx.msk [tilespmem:v50+s3+$0x0], $0xffff  }
0x221: {  	v13 =	vor.u32 v13, v53;
	v16 =	vor.u32 v16, v53;
	v4 =	vor.u32 v4, v0;
	v7 =	vld.idx.msk [tilespmem:v54+s3+$0x0], $0xffff  }
0x222: {  	v35 =	vmul.f32 v24, v11;
	v62 =	vld.idx.msk [tilespmem:v62+s3+$0x0], $0xffff;
	v37 =	vmul.f32 v24, v1;
	v24 =	vsub.f32 $1.000000000e+00, v24  }
0x223: {  	v5 =	vor.u32 v43, v53;
	v57 =	vor.u32 v57, v0;
	v10 =	vor.u32 v10, v0;
	v6 =	vld.idx.msk [tilespmem:v6+s3+$0x0], $0xffff  }
0x224: {  	v59 =	vor.u32 v59, v0;
	v51 =	vmul.f32 v51, v35;
	v52 =	vld.idx.msk [tilespmem:v52+s3+$0x0], $0xffff;
	v43 =	vmul.f32 v24, v1  }
0x225: {  	v1 =	vld.idx.msk [tilespmem:v49+s3+$0x0], $0xffff;
	v41 =	vmul.f32 v24, v11;
	v24 =	vor.u32 v63, v0;
	v63 =	vmul.f32 v55, v37  }
0x226: {  	v11 =	vor.u32 v14, v0;
	v4 =	vld.idx.msk [tilespmem:v4+s3+$0x0], $0xffff;
	v3 =	vmul.f32 v3, v37;
	v2 =	vmul.f32 v2, v37  }
0x227: {  	v14 =	vor.u32 v58, v0;
	v49 =	vmul.f32 v43, v45;
	v45 =	vld.idx.msk [tilespmem:v42+s3+$0x0], $0xffff;
	v42 =	vmul.f32 v48, v41  }
0x228: {  	v15 =	vor.u32 v15, v0;
	v10 =	vld.idx.msk [tilespmem:v10+s3+$0x0], $0xffff;
	v9 =	vmul.f32 v43, v9;
	v7 =	vmul.f32 v7, v41  }
0x229: {  	v54 =	vor.u32 s16, v30;
	v57 =	vld.idx.msk [tilespmem:v57+s3+$0x0], $0xffff;
	v6 =	vmul.f32 v43, v6;
	v52 =	vmul.f32 v43, v52  }
0x22a: {  	v58 =	vld.idx.msk [tilespmem:v61+s3+$0x0], $0xffff;
	v49 =	vadd.f32 v63, v49;
	v63 =	vmul.f32 v8, v41;
	v8 =	vmul.f32 v62, v41  }
0x22b: {  	v55 =	vld.idx.msk [tilespmem:v59+s3+$0x0], $0xffff;
	v2 =	vadd.f32 v2, v9;
	v1 =	vmul.f32 v1, v37;
	v4 =	vmul.f32 v4, v35  }
0x22c: {  	v59 =	vld.idx.msk [tilespmem:v14+s3+$0x0], $0xffff;
	v14 =	vmul.f32 v43, v20;
	v3 =	vadd.f32 v3, v6;
	v61 =	vadd.f32 v42, v49  }
0x22d: {  	v15 =	vld.idx.msk [tilespmem:v15+s3+$0x0], $0xffff;
	v2 =	vadd.f32 v7, v2;
	v42 =	vmul.f32 v10, v35;
	v1 =	vadd.f32 v1, v52  }
0x22e: {  	v10 =	vld.idx.msk [tilespmem:v12+s3+$0x0], $0xffff;
	v12 =	vmul.f32 v43, v47;
	v47 =	vmul.f32 v27, v41;
	v3 =	vadd.f32 v63, v3  }
0x22f: {  	v9 =	vld.idx.msk [tilespmem:v39+s3+$0x0], $0xffff;
	v62 =	vadd.f32 v51, v61;
	v63 =	vmul.f32 v57, v35;
	v1 =	vadd.f32 v8, v1  }
0x230: {  	v11 =	vld.idx.msk [tilespmem:v11+s3+$0x0], $0xffff;
	v57 =	vor.u32 v40, v0;
	v2 =	vadd.f32 v42, v2;
	v40 =	vsub.f32 v36, v18  }
0x231: {  	v20 =	vld [tilespmem:$0x1FDE0];
	v3 =	vadd.f32 v4, v3;
	v49 =	vmul.f32 v26, v62;
	v1 =	vadd.f32 v63, v1  }
0x232: {  	v61 =	vld.idx.msk [tilespmem:v16+s3+$0x0], $0xffff;
	v16 =	vmul.f32 v43, v22;
	v8 =	vor.u32 v56, v0;
	v0 =	vor.u32 v38, v0  }
0x233: {  	v56 =	vld.idx.msk [tilespmem:v13+s3+$0x0], $0xffff;
	v13 =	vmul.f32 v46, v41;
	v3 =	vmul.f32 v25, v3;
	v1 =	vadd.f32 v49, v1  }
0x234: {  	v48 =	vld.idx.msk [tilespmem:v5+s3+$0x0], $0xffff;
	v9 =	vmul.f32 v9, v37;
	v26 =	vand.u32 $0x7FFFFE00, v33;
	v62 =	vmul.f32 v44, v41  }
0x235: {  	v51 =	vld.idx.msk [tilespmem:v24+s3+$0x0], $0xffff;
	v2 =	vmul.f32 v23, v2;
	v23 =	vand.u32 $0x7F, v17;
	v1 =	vadd.f32 v3, v1  }
0x236: {  	v11 =	vmul.f32 v11, v35;
	v9 =	vadd.f32 v9, v14;
	v14 =	vmul.f32 v50, v41;
	v6 =	vld.idx.msk [tilespmem:v57+s3+$0x0], $0xffff  }
0x237: {  	v20 =	vmul.f32 v20, v41;
	v10 =	vmul.f32 v10, v37;
	v8 =	vld.idx.msk [tilespmem:v8+s3+$0x0], $0xffff;
	v1 =	vadd.f32 v2, v1  }
0x238: {  	s26 =	smov.u32 s29;
	s29 =	smov.u32 s0;
	s0 =	sadd.s32 $0x20, s0;
	v63 =	vmul.f32 v43, v21;
	v46 =	vmul.f32 v61, v37;
	v9 =	vadd.f32 v14, v9;
	v14 =	vld [tilespmem:$0x1FDC0]  }
0x239: {  	v42 =	vor.u32 $0x80, v26;
	v10 =	vadd.f32 v10, v16;
	v5 =	vmul.f32 v56, v37;
	v0 =	vld.idx.msk [tilespmem:v0+s3+$0x0], $0xffff;
	[tilespmem:s0+$0xFFFFF000] =	vst v1  }
0x23a: {  	v50 =	vmul.f32 v15, v35;
	v15 =	vmul.f32 v60, v37;
	v3 =	vadd.f32 v46, v12;
	v49 =	vld [tilespmem:s31+$0xFFFFF000]  }
0x23b: {  	v25 =	vand.u32 $0x7F, v54;
	v4 =	vadd.f32 v47, v10;
	v44 =	vadd.f32 v5, v63;
	v10 =	vld [tilespmem:s31+$0x1000]  }
0x23c: {  	s17 =	sadd.s32 s6, s17;
	v16 =	vld [tilespmem:$0x1FDD0];
	v56 =	vor.u32 v42, v25;
	v3 =	vadd.f32 v62, v3;
	v8 =	vmul.f32 v8, v35  }
0x23d: {  	s17 =	sadd.s32 $0x8, s17;
	v46 =	vadd.s32 $0x280, v33;
	v6 =	vmul.f32 v6, v35;
	v1 =	vadd.f32 v13, v44;
	v12 =	vld [tilespmem:s31+$0x0]  }
0x23e: {  	v63 =	vor.u32 s17, v32;
	v3 =	vadd.f32 v50, v3;
	v8 =	vadd.f32 v8, v9  }
0x23f: {  	v32 =	vsub.f32 $1.000000000e+00, v19;
	v62 =	vmul.f32 v34, v41;
	v4 =	vadd.f32 v6, v4  }
0x240: {  	v1 =	vadd.f32 v11, v1;
	v5 =	vmul.f32 v49, v8;
	v3 =	vmul.f32 v10, v3;
	v10 =	vld [tilespmem:$0x1FDB0]  }
0x241: {  	v2 =	vor.u32 v42, v23;
	v14 =	vmul.f32 v43, v14;
	v16 =	vmul.f32 v43, v16  }
0x242: {  	v13 =	vld.idx.msk [tilespmem:v17+s3+$0x0], $0xffff;
	v17 =	vmul.f32 v45, v37;
	v1 =	vmul.f32 v12, v1;
	v4 =	vadd.f32 v5, v4  }
0x243: {  	v14 =	vadd.f32 v15, v14;
	v15 =	vmul.f32 v58, v37;
	v9 =	vor.u32 $0x180, v26  }
0x244: {  	v0 =	vmul.f32 v0, v35;
	v61 =	vor.u32 v9, v23;
	v1 =	vadd.f32 v1, v4  }
0x245: {  	v53 =	vld [tilespmem:$0x1FD90];
	v15 =	vadd.f32 v15, v16;
	v14 =	vadd.f32 v20, v14;
	v10 =	vmul.f32 v43, v10  }
0x246: {  	v52 =	vld [tilespmem:$0x1FDA0];
	v16 =	vmul.f32 v55, v35;
	v8 =	vor.u32 v9, v25;
	v1 =	vadd.f32 v3, v1  }
0x247: {  	v36 =	vld [tilespmem:s31+$0xFFFFEFF0];
	v9 =	vmul.f32 v43, v29;
	v34 =	vadd.f32 v17, v10;
	v10 =	vmul.f32 v48, v37  }
0x248: {  	v18 =	vld.idx.msk [tilespmem:v54+s3+$0x0], $0xffff;
	v11 =	vmov s17;
	v14 =	vadd.f32 v16, v14;
	v12 =	vmul.f32 v28, v41;
	[tilespmem:s0+$0x0] =	vst v1  }
0x249: {  	v20 =	vmul.f32 v32, v40;
	v16 =	vsub.f32 $1.000000000e+00, v40;
	v21 =	vld [tilespmem:s31+$0xFFFFF000];
	v9 =	vadd.f32 v10, v9  }
0x24a: {  	v6 =	vld.idx.msk [tilespmem:v56+s3+$0x0], $0xffff;
	v29 =	vand.u32 $0xFFFFFF80, v11;
	v17 =	vmul.f32 v31, v41;
	v1 =	vadd.f32 v12, v34  }
0x24b: {  	v10 =	vmul.f32 v59, v35;
	v12 =	vld [tilespmem:s31+$0x0];
	v7 =	vadd.f32 v62, v9;
	v9 =	vmul.f32 v51, v35  }
0x24c: {  	v54 =	vld [tilespmem:s31+$0xFFFFFFF0];
	v28 =	vand.u32 $0x7F, v63;
	v27 =	vmul.f32 v19, v16;
	v15 =	vadd.f32 v17, v15  }
0x24d: {  	v57 =	vld [tilespmem:s31+$0xFF0];
	v1 =	vadd.f32 v10, v1;
	v35 =	vadd.f32 v9, v7;
	v9 =	vadd.s32 $0x80, v29  }
0x24e: {  	v8 =	vld.idx.msk [tilespmem:v8+s3+$0x0], $0xffff;
	v10 =	vmul.f32 v21, v14;
	v14 =	vor.u32 $0x100, v26;
	v42 =	vor.u32 v9, v28  }
0x24f: {  	v22 =	vld.idx.msk [tilespmem:v63+s3+$0x0], $0xffff;
	v6 =	vmul.f32 v6, v27;
	v0 =	vadd.f32 v0, v15;
	v37 =	vor.u32 v14, v25  }
0x250: {  	v2 =	vld.idx.msk [tilespmem:v2+s3+$0x0], $0xffff;
	v43 =	vadd.s32 $0x100, v29;
	v1 =	vmul.f32 v12, v1;
	v11 =	vor.u32 v14, v23  }
0x251: {  	v5 =	vld.idx.msk [tilespmem:v61+s3+$0x0], $0xffff;
	v14 =	vor.u32 s17, v30;
	v0 =	vadd.f32 v10, v0;
	v10 =	vadd.s32 $0x180, v29  }
0x252: {  	v17 =	vld [tilespmem:s31+$0x1000];
	v21 =	vmul.f32 v32, v16;
	v30 =	vand.u32 $0x7F, v14;
	v12 =	vor.u32 v10, v28  }
0x253: {  	v8 =	vmul.f32 v8, v27;
	v15 =	vmul.f32 v18, v27;
	v9 =	vor.u32 v9, v30;
	v4 =	vld.idx.msk [tilespmem:v42+s3+$0x0], $0xffff  }
0x254: {  	v44 =	vmul.f32 v21, v13;
	v13 =	vadd.s32 $0x200, v26;
	v10 =	vor.u32 v10, v30;
	v7 =	vld.idx.msk [tilespmem:v37+s3+$0x0], $0xffff  }
0x255: {  	v2 =	vmul.f32 v21, v2;
	v0 =	vadd.f32 v1, v0;
	v1 =	vor.u32 v43, v30;
	v45 =	vld.idx.msk [tilespmem:v11+s3+$0x0], $0xffff  }
0x256: {  	v5 =	vmul.f32 v21, v5;
	v3 =	vadd.f32 v15, v44;
	v15 =	vor.u32 v13, v25;
	v14 =	vld.idx.msk [tilespmem:v14+s3+$0x0], $0xffff  }
0x257: {  	v16 =	vmul.f32 v22, v20;
	v13 =	vor.u32 v13, v23;
	v2 =	vadd.f32 v6, v2;
	v12 =	vld.idx.msk [tilespmem:v12+s3+$0x0], $0xffff  }
0x258: {  	v5 =	vadd.f32 v8, v5;
	v6 =	vand.u32 $0x7FFFFE80, v46;
	v11 =	vor.u32 v43, v28;
	v8 =	vld.idx.msk [tilespmem:v9+s3+$0x0], $0xffff  }
0x259: {  	v3 =	vadd.f32 v16, v3;
	v16 =	vor.u32 v6, v25;
	v6 =	vor.u32 v6, v23;
	v10 =	vld.idx.msk [tilespmem:v10+s3+$0x0], $0xffff  }
0x25a: {  	v41 =	vmul.f32 v17, v35;
	v1 =	vld.idx.msk [tilespmem:v1+s3+$0x0], $0xffff  }
0x25b: {  	v24 =	vmul.f32 v19, v40;
	v55 =	vadd.s32 $0x480, v33;
	v9 =	vadd.s32 $0x380, v26;
	v15 =	vld.idx.msk [tilespmem:v15+s3+$0x0], $0xffff  }
0x25c: {  	v18 =	vadd.s32 $0x380, v29;
	v0 =	vadd.f32 v41, v0;
	v47 =	vor.u32 v9, v25;
	v13 =	vld.idx.msk [tilespmem:v13+s3+$0x0], $0xffff  }
0x25d: {  	v9 =	vor.u32 v9, v23;
	v4 =	vmul.f32 v4, v20;
	v7 =	vmul.f32 v7, v27;
	v11 =	vld.idx.msk [tilespmem:v11+s3+$0x0], $0xffff  }
0x25e: {  	[tilespmem:s0+$0x1000] =	vst v0;
	v0 =	vmul.f32 v21, v45;
	v48 =	vmul.f32 v14, v24;
	v14 =	vadd.s32 $0x300, v26;
	v50 =	vld.idx.msk [tilespmem:v6+s3+$0x0], $0xffff  }
0x25f: {  	v2 =	vadd.f32 v4, v2;
	v51 =	vor.u32 v14, v25;
	v49 =	vmul.f32 v8, v24;
	v8 =	vld.idx.msk [tilespmem:v16+s3+$0x0], $0xffff  }
0x260: {  	v12 =	vmul.f32 v12, v20;
	v3 =	vadd.f32 v48, v3;
	v16 =	vadd.s32 $0x280, v29;
	v48 =	vld [tilespmem:$0x1FE00]  }
0x261: {  	v0 =	vadd.f32 v7, v0;
	v7 =	vld.idx.msk [tilespmem:v47+s3+$0x0], $0xffff;
	v56 =	vmul.f32 v21, v13;
	v13 =	vor.u32 v16, v30  }
0x262: {  	v17 =	vadd.s32 $0x200, v29;
	v10 =	vmul.f32 v10, v24;
	v9 =	vld.idx.msk [tilespmem:v9+s3+$0x0], $0xffff;
	v5 =	vadd.f32 v12, v5  }
0x263: {  	v12 =	vor.u32 v17, v28;
	v2 =	vadd.f32 v49, v2;
	v49 =	vld [tilespmem:$0x1FE10];
	v11 =	vmul.f32 v11, v20  }
0x264: {  	v4 =	vmul.f32 v21, v50;
	v50 =	vld [tilespmem:$0x1FE20];
	v5 =	vadd.f32 v10, v5;
	v10 =	vor.u32 v17, v30  }
0x265: {  	v17 =	vor.u32 v18, v28;
	v6 =	vld.idx.msk [tilespmem:v51+s3+$0x0], $0xffff;
	v18 =	vor.u32 v18, v30;
	v0 =	vadd.f32 v11, v0  }
0x266: {  	v11 =	vor.u32 v14, v23;
	v14 =	vor.u32 v16, v28;
	v16 =	vadd.s32 $0x400, v26;
	v13 =	vld.idx.msk [tilespmem:v13+s3+$0x0], $0xffff  }
0x267: {  	v60 =	vadd.s32 $0x500, v29;
	v59 =	vor.u32 v16, v25;
	v45 =	vor.u32 v16, v23;
	v16 =	vld [tilespmem:$0x1FDF0]  }
0x268: {  	v3 =	vmul.f32 v36, v3;
	v2 =	vmul.f32 v54, v2;
	v54 =	vadd.s32 $0x300, v29;
	v12 =	vld.idx.msk [tilespmem:v12+s3+$0x0], $0xffff  }
0x269: {  	v31 =	vadd.s32 $0x500, v26;
	v1 =	vmul.f32 v1, v24;
	v19 =	vor.u32 v54, v28;
	v10 =	vld.idx.msk [tilespmem:v10+s3+$0x0], $0xffff  }
0x26a: {  	v62 =	vor.u32 v31, v25;
	v31 =	vor.u32 v31, v23;
	v3 =	vadd.f32 v3, v5;
	v17 =	vld.idx.msk [tilespmem:v17+s3+$0x0], $0xffff  }
0x26b: {  	v46 =	vor.u32 v60, v30;
	v0 =	vadd.f32 v1, v0;
	v1 =	vand.u32 $0x7FFFFE80, v55;
	v18 =	vld.idx.msk [tilespmem:v18+s3+$0x0], $0xffff  }
0x26c: {  	v5 =	vor.u32 v54, v30;
	v2 =	vadd.f32 v2, v3;
	v61 =	vor.u32 v1, v25;
	v11 =	vld.idx.msk [tilespmem:v11+s3+$0x0], $0xffff  }
0x26d: {  	v1 =	vor.u32 v1, v23;
	v0 =	vmul.f32 v57, v0;
	v57 =	vadd.s32 $0x580, v26;
	v58 =	vld.idx.msk [tilespmem:v14+s3+$0x0], $0xffff  }
0x26e: {  	v26 =	vadd.s32 $0x480, v29;
	v14 =	vadd.s32 $0x400, v29;
	v29 =	vadd.s32 $0x580, v29;
	v19 =	vld.idx.msk [tilespmem:v19+s3+$0x0], $0xffff  }
0x26f: {  	v44 =	vor.u32 v26, v30;
	v47 =	vor.u32 v26, v28;
	v26 =	vor.u32 v60, v28;
	v60 =	vld [tilespmem:$0x1FE50]  }
0x270: {  	v22 =	vadd.f32 v0, v2;
	v63 =	vor.u32 v14, v30;
	v0 =	vor.u32 v57, v23;
	v23 =	vld.idx.msk [tilespmem:v59+s3+$0x0], $0xffff  }
0x271: {  	v30 =	vor.u32 v29, v30;
	v14 =	vor.u32 v14, v28;
	v29 =	vor.u32 v29, v28;
	v28 =	vld.idx.msk [tilespmem:v62+s3+$0x0], $0xffff  }
0x272: {  	v5 =	vld.idx.msk [tilespmem:v5+s3+$0x0], $0xffff  }
0x273: {  	v36 =	vld.idx.msk [tilespmem:v45+s3+$0x0], $0xffff  }
0x274: {  	v15 =	vmul.f32 v15, v27;
	v8 =	vmul.f32 v8, v27;
	v25 =	vor.u32 v57, v25;
	v59 =	vld [tilespmem:$0x1FE40]  }
0x275: {  	v62 =	vld [tilespmem:$0x1FE70]  }
0x276: {  	v4 =	vadd.f32 v8, v4;
	v3 =	vadd.f32 v15, v56;
	v15 =	vld.idx.msk [tilespmem:v61+s3+$0x0], $0xffff;
	v8 =	vmul.f32 v10, v24  }
0x277: {  	v10 =	vmul.f32 v21, v11;
	v11 =	vmul.f32 v17, v20;
	v17 =	vld [tilespmem:$0x1FE30]  }
0x278: {  	v12 =	vmul.f32 v12, v20;
	v61 =	vld [tilespmem:$0x1FE60]  }
0x279: {  	v7 =	vmul.f32 v7, v27;
	v9 =	vmul.f32 v21, v9;
	v51 =	vadd.f32 v50, v49;
	v25 =	vld.idx.msk [tilespmem:v25+s3+$0x0], $0xffff  }
0x27a: {  	v6 =	vmul.f32 v6, v27;
	v16 =	vadd.f32 v16, v48;
	v3 =	vadd.f32 v12, v3;
	v12 =	vld.idx.msk [tilespmem:v44+s3+$0x0], $0xffff  }
0x27b: {  	v7 =	vadd.f32 v7, v9;
	v54 =	vmul.f32 v13, v24;
	v2 =	vmul.f32 v58, v20;
	v9 =	vld.idx.msk [tilespmem:v63+s3+$0x0], $0xffff  }
0x27c: {  	v56 =	vmul.f32 v18, v24;
	v63 =	vld [tilespmem:$0x1FE80];
	v6 =	vadd.f32 v6, v10;
	v17 =	vadd.f32 v17, v16  }
0x27d: {  	v33 =	vmul.f32 v23, v27;
	v2 =	vadd.f32 v2, v4;
	v55 =	vadd.f32 v11, v7;
	v10 =	vld.idx.msk [tilespmem:v30+s3+$0x0], $0xffff  }
0x27e: {  	p0 =	slt.u32 s1, $0xFE;
	v11 =	vmul.f32 v19, v20;
	v16 =	vadd.f32 v8, v3;
	v8 =	vld.idx.msk [tilespmem:v46+s3+$0x0], $0xffff;
	[tilespmem:s29+$0xFFFFFFF0] =	vst v17  }
.Ltmp0:
0x27f: {  	v57 =	vmul.f32 v5, v24;
	v32 =	vmul.f32 v28, v27;
	v28 =	vadd.f32 v59, v51;
	v37 =	vld.idx.msk [tilespmem:v1+s3+$0x0], $0xffff;
	(pc) =	sbr.rel @p0 .LBB2_3-.Ltmp0, $4  }
0x280: {  	v34 =	vmul.f32 v15, v27;
	v18 =	vadd.f32 v54, v2;
	v58 =	vadd.f32 v11, v6;
	v35 =	vld.idx.msk [tilespmem:v31+s3+$0x0], $0xffff  }
0x281: {  	v19 =	vadd.f32 v56, v55;
	v30 =	vmul.f32 v25, v27;
	v25 =	vmul.f32 v12, v24;
	v38 =	vld.idx.msk [tilespmem:v0+s3+$0x0], $0xffff  }
0x282: {  	v27 =	vadd.f32 v57, v58;
	v17 =	vmul.f32 v9, v24;
	v9 =	vmul.f32 v61, v60;
	v39 =	vld.idx.msk [tilespmem:v14+s3+$0x0], $0xffff  }
0x283: {  	s30 =	sadd.s32 $0x20, s30;
	v12 =	vadd.f32 v63, v62;
	v15 =	vmul.f32 v10, v24;
	v14 =	vld.idx.msk [tilespmem:v47+s3+$0x0], $0xffff;
	v31 =	vmul.f32 v8, v24  }
0x284: {  	_ =	sdelay $0x3  }
0x285: {  	v0 =	vld.idx.msk [tilespmem:v26+s3+$0x0], $0xffff  }
0x286: {  	v1 =	vld.idx.msk [tilespmem:v29+s3+$0x0], $0xffff;
	[tilespmem:s0+$0xFFFFEFF0] =	vst v22  }
0x287: {  	v2 =	vld [tilespmem:s31+$0xFFFFEFF0];
	_ =	sdelay $0x1  }
0x288: {  	v3 =	vld [tilespmem:s31+$0xFFFFFFF0];
	_ =	sdelay $0x1  }
0x289: {  	v4 =	vld [tilespmem:s31+$0xFF0]  }
0x28a: {  	v2 =	vmul.f32 v2, v16;
	_ =	sdelay $0x1  }
0x28b: {  	v3 =	vmul.f32 v3, v18;
	v2 =	vadd.f32 v2, v19;
	_ =	sdelay $0x1  }
0x28c: {  	v4 =	vmul.f32 v4, v27;
	v2 =	vadd.f32 v3, v2  }
0x28d: {  	v54 =	vld [tilespmem:s28+$0xFFFFEFF0]  }
0x28e: {  	v55 =	vld [tilespmem:s28+$0xFFFFFFF0];
	v2 =	vadd.f32 v4, v2  }
0x28f: {  	v6 =	vld [tilespmem:$0x1FF00]  }
0x290: {  	v5 =	vmul.f32 v21, v37;
	v51 =	vld [tilespmem:$0x1FEF0];
	[tilespmem:s0+$0xFFFFFFF0] =	vst v2  }
0x291: {  	v7 =	vmul.f32 v21, v38;
	v3 =	vmul.f32 v21, v36;
	v11 =	vld [tilespmem:s31+$0xFFFFEFF0]  }
0x292: {  	v5 =	vadd.f32 v34, v5;
	v8 =	vmul.f32 v39, v20;
	v10 =	vmul.f32 v14, v20;
	v56 =	vld [tilespmem:$0x1FEC0]  }
0x293: {  	v7 =	vadd.f32 v30, v7;
	v1 =	vmul.f32 v1, v20;
	v3 =	vadd.f32 v33, v3;
	v59 =	vld [tilespmem:$0x1FF50]  }
0x294: {  	v6 =	vadd.f32 v6, v12;
	v5 =	vadd.f32 v10, v5;
	v2 =	vmul.f32 v21, v35;
	v58 =	vld [tilespmem:$0x1FF40]  }
0x295: {  	v1 =	vadd.f32 v1, v7;
	v3 =	vadd.f32 v8, v3;
	v62 =	vld [tilespmem:$0x1FF60]  }
0x296: {  	v0 =	vmul.f32 v0, v20;
	v5 =	vadd.f32 v25, v5;
	v57 =	vld [tilespmem:s31+$0xFFFFFFF0];
	v2 =	vadd.f32 v32, v2  }
0x297: {  	v13 =	vld [tilespmem:s28+$0xFF0];
	v4 =	vadd.f32 v9, v51;
	v3 =	vadd.f32 v17, v3  }
0x298: {  	v60 =	vld [tilespmem:s31+$0xFF0];
	v0 =	vadd.f32 v0, v2;
	v12 =	vmul.f32 v52, v56;
	v9 =	vmul.f32 v54, v59  }
0x299: {  	v1 =	vadd.f32 v15, v1;
	v7 =	vmul.f32 v53, v58;
	v2 =	vmul.f32 v11, v3  }
0x29a: {  	v8 =	vmul.f32 v55, v62;
	v0 =	vadd.f32 v31, v0;
	v61 =	vadd.f32 v9, v28  }
0x29b: {  	v3 =	vadd.f32 v12, v4;
	v1 =	vadd.f32 v2, v1;
	v2 =	vmul.f32 v57, v5  }
0x29c: {  	v63 =	vmul.f32 v13, v6;
	v4 =	vadd.f32 v8, v61  }
0x29d: {  	v0 =	vmul.f32 v60, v0;
	v3 =	vadd.f32 v7, v3;
	v1 =	vadd.f32 v2, v1  }
0x29e: {  	v2 =	vadd.f32 v63, v4  }
0x29f: {  	[tilespmem:s26+$0xFF0] =	vst v3;
	v0 =	vadd.f32 v0, v1  }
0x2a0: {  	[tilespmem:s29+$0xFF0] =	vst v2  }
0x2a1: {  	s28 =	sadd.s32 s5, s22;
	s1 =	simm.s32 $0x1C000;
	[tilespmem:s0+$0xFF0] =	vst v0  }
0x2a2: {  	[hbm4b:s28+s3] =	stream.linear.scatter [tilespmem:s1], [sflag:$0x1], $0x1000, $0x38;
	[tilespmem:$0x1F000] =	vst v63  }
0x2a3: {  	_ =	swait.ge [sflag:s12], $0x1000  }
0x2a4: {  	[sflag:s12] =	ssyncset.done $0x0  }
0x2a5: {  	s30 =	simm.s32 $0x1D000;
	s29 =	sadd.s32 s5, s23;
	[sflag:s12] =	ssyncadd.s32 $0xFFFFF000  }
0x2a6: {  	[hbm4b:s29+s3] =	stream.linear.scatter [tilespmem:s30], [sflag:$0x1], $0x1000, $0x38;
	[tilespmem:$0x1F000] =	vst v63  }
0x2a7: {  	s21 =	sadd.s32 $0x1, s21;
	_ =	swait.ge [sflag:s12], $0x1000  }
0x2a8: {  	p0 =	sne.s32 s21, $0x8;
	[sflag:s12] =	ssyncset.done $0x0  }
.Ltmp1:
0x2a9: {  	s31 =	sadd.s32 s5, s24;
	[sflag:s12] =	ssyncadd.s32 $0xFFFFF000;
	(pc) =	sbr.rel @p0 .LBB2_2-.Ltmp1, $4  }
0x2aa: {  	[hbm4b:s31+s3] =	stream.linear.scatter [tilespmem:s19], [sflag:$0x1], $0x1000, $0x38;
	[tilespmem:$0x1F000] =	vst v63  }
0x2ab: {  	_ =	swait.ge [sflag:s12], $0x1000  }
0x2ac: {  	[sflag:s12] =	ssyncset.done $0x0  }
0x2ad: {  	v1 =	vimm.s32 $0x0;
	v0 =	vlaneseq.u32;
	[sflag:s12] =	ssyncadd.s32 $0xFFFFF000  }
0x2ae: {  	s1 =	rddreg [dreg:$0x5]  }
0x2af: {  	s0 =	rddreg [dreg:$0x4];
	s1 =	sadd.s32 $0x1, s1  }
0x2b0: {  	p0 =	sne.s32 s1, s0  }
.Ltmp2:
0x2b1: {  	_ = 	snop;
	(pc) =	sbr.rel @p0 .LBB2_1-.Ltmp2, $1  }
0x2b2: {  	_ =	sdelay $0x3  }
0x2b3: {  	_ =	sfence.sel $0x180000  }
0x2b4: {  	[bflag:$0x0] =	sbarrier.arrive $0xFFFF  }
0x2b5: {  	_ =	strace $0x90000047  }
0x2b6: {  	s0 =	stileid.u32;
	[bflag:$0x2] =	sbarrier.arrive $0xFFFF  }
0x2b7: {  	p0 =	sne.s32 s0, $0x0;
	s0 =	rddreg [dreg:$0x2]  }
0x2b8: {  	s0 =	sadd.s32 @!p0 $0x100000, s0  }
0x2b9: {  	[sflag:s0] =	ssyncadd.tile.s32 @!p0 $0x1;
	_ =	shalt  }
.Lfunc_end2:
_tile_overlayer_lowered:
.L_overlay_start_2:
0x2ba: {  	(tag) =	ssettag $0x2  }
0x2bb: {  	s0 =	rddreg [dreg:$0x0];
	s2 =	stileid.u32  }
0x2bc: {  	s1 =	rddreg [dreg:$0x1];
	p0 =	sne.s32 s2, $0x0  }
0x2bd: {  	s3 =	rddreg [dreg:$0x2];
	[bflag:$0x3] =	sbarrier.arrive $0xFFFF;
	s2 =	simm.s32 @!p0 $0x1C01  }
0x2be: {  	[timem:s3], [sflag:s2] =	dma.local @!p0 [hbm:s0], s1  }
0x2bf: {  	s0 =	simm.s32 @!p0 $0x1  }
0x2c0: {  	_ =	swait.ge @!p0 [sflag:s0], s1  }
0x2c1: {  	s1 =	ssub.s32 @!p0 $0x0, s1;
	[sflag:s0] =	ssyncset.done @!p0 $0x0  }
0x2c2: {  	[sflag:s0] =	ssyncadd.s32 @!p0 s1  }
0x2c3: {  	[bflag:$0x3] =	sbarrier.arrive $0xFFFF  }
0x2c4: {  	_ =	shalt  }

</sc_bundles>
